<compile_context>
chip_gen: v7x
topology: tpu7x:2x2x1
jax: 0.10.2.dev20260603
libtpu: 0.0.44.dev20260713+nightly
codegen_flags: <defaults>
</compile_context>

<pallas_src>
import functools

import jax
import jax.numpy as jnp
from jax import lax
from jax.experimental import pallas as pl
from jax.experimental.pallas import tpu as pltpu
from jax.experimental.pallas import tpu_sc as plsc

NC = 2
NS = 16
NW = NC * NS

GRP = 128
GB = 4
GW = GB * 8 * GRP


def _sc_scatter(x1, sidx, ridx, zeros):
    d = 16
    n = zeros.shape[0]
    n_groups = sidx.shape[0]
    half_words = x1.shape[0] // 2
    groups_per_tile = -(-n_groups // NW)
    groups_per_tile = -(-groups_per_tile // (2 * GB)) * (2 * GB)
    batches = groups_per_tile // GB
    rblk = 1000
    nblk = n // rblk
    blk_iters = (nblk + NS - 1) // NS

    mesh = plsc.VectorSubcoreMesh(
        core_axis_name="c", subcore_axis_name="s", num_cores=NC, num_subcores=NS
    )

    @functools.partial(
        pl.kernel,
        mesh=mesh,
        out_type=jax.ShapeDtypeStruct((NC * n, d), jnp.float32),
        scratch_types=[
            pltpu.VMEM((2 * 2 * GW,), jnp.float32),
            pltpu.VMEM((GB * GRP, d), jnp.float32),
            pltpu.VMEM((2, GB, GRP), jnp.int32),
            pltpu.VMEM((2, GB, GRP), jnp.int32),
            pltpu.VMEM_SHARED((n, d), jnp.float32),
            pltpu.SemaphoreType.DMA,
        ] + [pltpu.SemaphoreType.DMA] * GB,
        compiler_params=pltpu.CompilerParams(
            use_tc_tiling_on_sc=False, needs_layout_passes=False
        ),
    )
    def run(x_hbm, sidx_hbm, ridx_hbm, zeros_hbm, out_hbm, fbuf, ebuf, sbuf, rbuf,
            acc, fetch_sem, *ssems):
        c = lax.axis_index("c")
        s = lax.axis_index("s")
        wid = c * NS + s
        gstart = wid * groups_per_tile

        def zero_body(i, carry):
            blk = s + NS * i

            @pl.when(blk < nblk)
            def _():
                pltpu.sync_copy(
                    zeros_hbm.at[pl.ds(blk * rblk, rblk)],
                    acc.at[pl.ds(blk * rblk, rblk)],
                )

            return carry

        lax.fori_loop(0, blk_iters, zero_body, None)
        plsc.subcore_barrier()

        fiota = lax.iota(jnp.int32, 16)
        pvec = (fiota // 8) * GW + (fiota % 8) * GRP
        diags = [(fiota + k) % 16 for k in range(16)]
        gdiag = [pvec + dk for dk in diags]

        def fetch_ops(b, pb):
            g0 = gstart + b * GB
            return [
                (x_hbm.at[pl.ds(g0 * (8 * GRP), GW)],
                 fbuf.at[pl.ds(pb * (2 * GW), GW)]),
                (x_hbm.at[pl.ds(half_words + g0 * (8 * GRP), GW)],
                 fbuf.at[pl.ds(pb * (2 * GW) + GW, GW)]),
                (sidx_hbm.at[pl.ds(g0, GB)], sbuf.at[pb]),
                (ridx_hbm.at[pl.ds(g0, GB)], rbuf.at[pb]),
            ]

        def fetch_now(b, pb):
            descs = [
                pltpu.async_copy(src, dst, fetch_sem)
                for src, dst in fetch_ops(b, pb)
            ]
            for dsc in descs:
                dsc.wait()

        def drain(slot):
            sem = ssems[slot]
            other = ((slot + 1) % GB) * GRP
            pltpu.make_async_copy(
                zeros_hbm.at[pl.ds(0, GRP)], ebuf.at[pl.ds(other, GRP)], sem
            ).wait()
            pltpu.make_async_copy(
                zeros_hbm.at[pl.ds(0, GRP)], ebuf.at[pl.ds(other, GRP)], sem
            ).wait()

        def super_body(bb, carry):
            for pb in range(2):
                b = 2 * bb + pb
                g0 = gstart + b * GB

                @pl.when(g0 < n_groups)
                def _(pb=pb, b=b, g0=g0):
                    fetch_now(b, pb)
                    base = pb * (2 * GW)
                    for j in range(GB):
                        @pl.when(g0 + j < n_groups)
                        def _(pb=pb, b=b, j=j):
                            @pl.when(b > 0)
                            def _():
                                drain(j)
                            src0 = base + j * (8 * GRP)
                            dst0 = j * GRP

                            def tbody(cc, carry2):
                                c0 = cc * 16
                                for k in range(16):
                                    val = plsc.load_gather(
                                        fbuf, [gdiag[k] + (src0 + c0)]
                                    )
                                    plsc.store_scatter(
                                        ebuf,
                                        [diags[k] + (dst0 + c0), fiota],
                                        val,
                                    )
                                return carry2

                            lax.fori_loop(0, GRP // 16, tbody, None)
                            src_rows = ebuf.at[pl.ds(j * GRP, GRP)]
                            pltpu.async_copy(
                                src_rows, acc.at[sbuf.at[pb, j]], ssems[j],
                                add=True,
                            )
                            pltpu.async_copy(
                                src_rows, acc.at[rbuf.at[pb, j]], ssems[j],
                                add=True,
                            )

            return carry

        lax.fori_loop(0, batches // 2, super_body, None)
        for k in range(GB):
            drain(k)

        plsc.subcore_barrier()

        def out_body(i, carry):
            blk = s + NS * i

            @pl.when(blk < nblk)
            def _():
                pltpu.sync_copy(
                    acc.at[pl.ds(blk * rblk, rblk)],
                    out_hbm.at[pl.ds(c * n + blk * rblk, rblk)],
                )

            return carry

        lax.fori_loop(0, blk_iters, out_body, None)

    return run(x1, sidx, ridx, zeros)


def _tc_combine(p3):
    rows = p3.shape[1]

    def body(a_ref, b_ref, o_ref):
        o_ref[...] = a_ref[0] + b_ref[0]

    return pl.pallas_call(
        body,
        out_shape=jax.ShapeDtypeStruct((rows, 128), jnp.float32),
        grid=(1,),
        in_specs=[
            pl.BlockSpec((1, rows, 128), lambda i: (0, 0, 0)),
            pl.BlockSpec((1, rows, 128), lambda i: (1, 0, 0)),
        ],
        out_specs=pl.BlockSpec((rows, 128), lambda i: (0, 0)),
    )(p3, p3)


def kernel(nodes, edges, senders, receivers):
    n, d = nodes.shape
    e = edges.shape[0]
    x1 = (
        edges.T.reshape(2, 8, e // GRP, GRP)
        .transpose(0, 2, 1, 3)
        .reshape(e * d)
    )
    sidx = senders.reshape(e // GRP, GRP)
    ridx = receivers.reshape(e // GRP, GRP)
    zeros = jnp.zeros((n, d), dtype=jnp.float32)
    partials = _sc_scatter(x1, sidx, ridx, zeros)
    out = _tc_combine(partials.reshape(NC, n * d // 128, 128))
    return out.reshape(n, d)

# --- scband reference (transcript-rebuilt; emitter-appended) ---
"""Pipeline reference for scband-edges-to-nodes-aggregator-65249143161002 (READ-ONLY COPY).

The authoritative reference and input builder live on the scoring server;
editing this copy changes nothing except your own understanding.
"""

import jax, jax.numpy as jnp
import numpy as np

N_NODES = 100000
N_EDGES = 3200000
D_EDGE = 16


def setup_inputs(seed: int = 0) -> dict:
    key = jax.random.key(seed)
    k1, k2, k3, k4 = jax.random.split(key, 4)
    nodes = jax.random.normal(k1, (N_NODES, D_EDGE), dtype=jnp.float32)
    edges = jax.random.normal(k2, (N_EDGES, D_EDGE), dtype=jnp.float32)
    senders = jax.random.randint(k3, (N_EDGES,), 0, N_NODES, dtype=jnp.int32)
    receivers = jax.random.randint(k4, (N_EDGES,), 0, N_NODES, dtype=jnp.int32)
    return {"nodes": nodes, "edges": edges, "senders": senders, "receivers": receivers}


def reference(nodes, edges, senders, receivers):
    # EdgesToNodesAggregator.forward: for each node, sum all incident edge
    # features, counting the edge once via its sender endpoint and once via
    # its receiver endpoint (two scatter-adds, then elementwise sum).
    num_nodes = nodes.shape[0]
    num_edge_features = edges.shape[-1]
    agg_senders = jnp.zeros((num_nodes, num_edge_features), dtype=edges.dtype).at[senders].add(edges)
    agg_receivers = jnp.zeros((num_nodes, num_edge_features), dtype=edges.dtype).at[receivers].add(edges)
    return agg_senders + agg_receivers

if __name__ == "__main__":
    import jax
    _d = setup_inputs()
    print(jax.jit(kernel)(*tuple(_d.values())))

</pallas_src>

<mosaic_0001>
#map = affine_map<(d0, d1) -> (0)>
#map1 = affine_map<(d0, d1) -> (0, 0)>
module attributes {stable_mosaic.version = 14 : i64} {
  func.func @run(%arg0: i32, %arg1: i32, %arg2: memref<51200000xf32, #tpu.memory_space<hbm>>, %arg3: memref<25000x128xi32, #tpu.memory_space<hbm>>, %arg4: memref<25000x128xi32, #tpu.memory_space<hbm>>, %arg5: memref<100000x16xf32, #tpu.memory_space<hbm>>, %arg6: memref<200000x16xf32, #tpu.memory_space<hbm>>, %arg7: memref<16384xf32, #tpu.memory_space<vmem>>, %arg8: memref<512x16xf32, #tpu.memory_space<vmem>>, %arg9: memref<2x4x128xi32, #tpu.memory_space<vmem>>, %arg10: memref<2x4x128xi32, #tpu.memory_space<vmem>>, %arg11: memref<100000x16xf32, #tpu.memory_space<vmem_shared>>, %arg12: memref<!tpu.dma_semaphore, #tpu.memory_space<semaphore_mem>>, %arg13: memref<!tpu.dma_semaphore, #tpu.memory_space<semaphore_mem>>, %arg14: memref<!tpu.dma_semaphore, #tpu.memory_space<semaphore_mem>>, %arg15: memref<!tpu.dma_semaphore, #tpu.memory_space<semaphore_mem>>, %arg16: memref<!tpu.dma_semaphore, #tpu.memory_space<semaphore_mem>>) attributes {dimension_semantics = [#tpu.dimension_semantics<core_parallel>, #tpu.dimension_semantics<subcore_parallel>], iteration_bounds = array<i64: 2, 16>, scalar_prefetch = 0 : i64, scratch_operands = 10 : i64, tpu.core_type = #tpu.core_type<sc_vector_subcore>, window_params = [{transform_indices = #map}, {transform_indices = #map1}, {transform_indices = #map1}, {transform_indices = #map1}, {transform_indices = #map1}]} {
    %mul3A = arith.constant 16 : i32
    %mul3A_0 = arith.muli %arg0, %mul3A : i32
    %add3A = arith.addi %mul3A_0, %arg1 : i32
    %mul3A_1 = arith.constant 784 : i32
    %mul3A_2 = arith.muli %add3A, %mul3A_1 : i32
    %scan3A = arith.constant 0 : i32
    %scan3A_3 = arith.constant 7 : i32
    %scan3A_4 = arith.addi %scan3A, %scan3A_3 : i32
    %scan3A_5 = arith.constant 1 : i32
    scf.for %scan3A_579 = %scan3A to %scan3A_4 step %scan3A_5  : i32 {
      %mul3A_580 = arith.constant 16 : i32
      %mul3A_581 = arith.muli %mul3A_580, %scan3A_579 : i32
      %add3A_582 = arith.addi %arg1, %mul3A_581 : i32
      %lt3A_583 = arith.constant 100 : i32
      %lt3A_584 = arith.cmpi slt, %add3A_582, %lt3A_583 : i32
      %convert_element_type3A = arith.extui %lt3A_584 : i1 to i32
      %cond3A = arith.constant 0 : i32
      %cond3A_585 = arith.cmpi ne, %convert_element_type3A, %cond3A : i32
      scf.if %cond3A_585 {
        %mul3A_586 = arith.constant 1000 : i32
        %mul3A_587 = arith.muli %add3A_582, %mul3A_586 : i32
        %mul3A_588 = arith.constant 1000 : i32
        %mul3A_589 = arith.muli %add3A_582, %mul3A_588 : i32
        "tpu.region"() ({
          %run_scoped3A = tpu.sem_alloc : memref<!tpu.dma_semaphore, #tpu.memory_space<semaphore_mem>>
          %dma_start3A = arith.constant 0 : i32
          %dma_start3A_590 = tpu.memref_slice %arg11[%mul3A_589, %dma_start3A] : memref<100000x16xf32, #tpu.memory_space<vmem_shared>> -> memref<1000x16xf32, #tpu.memory_space<vmem_shared>>
          %dma_start3A_591 = arith.constant 0 : i32
          %dma_start3A_592 = tpu.memref_slice %arg5[%mul3A_587, %dma_start3A_591] : memref<100000x16xf32, #tpu.memory_space<hbm>> -> memref<1000x16xf32, #tpu.memory_space<hbm>>
          tpu.enqueue_dma source(%dma_start3A_592 : memref<1000x16xf32, #tpu.memory_space<hbm>>) target(%dma_start3A_590 : memref<1000x16xf32, #tpu.memory_space<vmem_shared>>) target_semaphore(%run_scoped3A : memref<!tpu.dma_semaphore, #tpu.memory_space<semaphore_mem>>)
          %dma_wait3A_593 = arith.constant 0 : i32
          %dma_wait3A_594 = tpu.memref_slice %arg11[%mul3A_589, %dma_wait3A_593] : memref<100000x16xf32, #tpu.memory_space<vmem_shared>> -> memref<1000x16xf32, #tpu.memory_space<vmem_shared>>
          %dma_wait3A_595 = arith.constant 0 : i32
          %dma_wait3A_596 = tpu.memref_slice %arg5[%mul3A_587, %dma_wait3A_595] : memref<100000x16xf32, #tpu.memory_space<hbm>> -> memref<1000x16xf32, #tpu.memory_space<hbm>>
          tpu.wait_dma2 semaphore(%run_scoped3A : memref<!tpu.dma_semaphore, #tpu.memory_space<semaphore_mem>>) src(%dma_wait3A_596 : memref<1000x16xf32, #tpu.memory_space<hbm>>) dst(%dma_wait3A_594 : memref<1000x16xf32, #tpu.memory_space<vmem_shared>>)
          tpu.yield
        }) : () -> ()
      } else {
      }
    }
    %scan3A_6 = arith.constant 7 : i32
    %barrier3A = arith.constant 0 : index
    tpu.barrier barrier_id(%barrier3A)
    %iota3A = tpu.iota {dimensions = array<i32: 0>} : vector<16xi32>
    %jit3A = arith.constant 8 : i32
    %div3A = vector.broadcast %jit3A : i32 to vector<16xi32>
    %div3A_7 = arith.divsi %iota3A, %div3A : vector<16xi32>
    %sign3A = arith.constant 0 : i32
    %sign3A_8 = vector.broadcast %sign3A : i32 to vector<16xi32>
    %sign3A_9 = arith.cmpi sgt, %iota3A, %sign3A_8 : vector<16xi32>
    %sign3A_10 = arith.extui %sign3A_9 : vector<16xi1> to vector<16xi32>
    %sign3A_11 = arith.constant 0 : i32
    %sign3A_12 = vector.broadcast %sign3A_11 : i32 to vector<16xi32>
    %sign3A_13 = arith.cmpi slt, %iota3A, %sign3A_12 : vector<16xi32>
    %sign3A_14 = arith.extui %sign3A_13 : vector<16xi1> to vector<16xi32>
    %sign3A_15 = arith.subi %sign3A_10, %sign3A_14 : vector<16xi32>
    %sign3A_16 = arith.constant 0 : i32
    %sign3A_17 = arith.cmpi sgt, %jit3A, %sign3A_16 : i32
    %sign3A_18 = arith.extui %sign3A_17 : i1 to i32
    %sign3A_19 = arith.constant 0 : i32
    %sign3A_20 = arith.cmpi slt, %jit3A, %sign3A_19 : i32
    %sign3A_21 = arith.extui %sign3A_20 : i1 to i32
    %sign3A_22 = arith.subi %sign3A_18, %sign3A_21 : i32
    %ne3A = vector.broadcast %sign3A_22 : i32 to vector<16xi32>
    %ne3A_23 = arith.cmpi ne, %sign3A_15, %ne3A : vector<16xi32>
    %rem3A = vector.broadcast %jit3A : i32 to vector<16xi32>
    %rem3A_24 = arith.remsi %iota3A, %rem3A : vector<16xi32>
    %ne3A_25 = arith.constant 0 : i32
    %ne3A_26 = vector.broadcast %ne3A_25 : i32 to vector<16xi32>
    %ne3A_27 = arith.cmpi ne, %rem3A_24, %ne3A_26 : vector<16xi32>
    %and3A = arith.andi %ne3A_23, %ne3A_27 : vector<16xi1>
    %sub3A = arith.constant 1 : i32
    %sub3A_28 = vector.broadcast %sub3A : i32 to vector<16xi32>
    %sub3A_29 = arith.subi %div3A_7, %sub3A_28 : vector<16xi32>
    %select_n3A = arith.select %and3A, %sub3A_29, %div3A_7 : vector<16xi1>, vector<16xi32>
    %mul3A_30 = arith.constant 4096 : i32
    %mul3A_31 = vector.broadcast %mul3A_30 : i32 to vector<16xi32>
    %mul3A_32 = arith.muli %select_n3A, %mul3A_31 : vector<16xi32>
    %jit3A_33 = arith.constant 8 : i32
    %eq3A = arith.constant 0 : i32
    %eq3A_34 = arith.cmpi eq, %jit3A_33, %eq3A : i32
    %jit3A_35 = arith.constant 1 : i32
    %select_n3A_36 = arith.select %eq3A_34, %jit3A_35, %jit3A_33 : i32
    %rem3A_37 = vector.broadcast %select_n3A_36 : i32 to vector<16xi32>
    %rem3A_38 = arith.remsi %iota3A, %rem3A_37 : vector<16xi32>
    %ne3A_39 = arith.constant 0 : i32
    %ne3A_40 = vector.broadcast %ne3A_39 : i32 to vector<16xi32>
    %ne3A_41 = arith.cmpi ne, %rem3A_38, %ne3A_40 : vector<16xi32>
    %lt3A = arith.constant 0 : i32
    %lt3A_42 = vector.broadcast %lt3A : i32 to vector<16xi32>
    %lt3A_43 = arith.cmpi slt, %rem3A_38, %lt3A_42 : vector<16xi32>
    %lt3A_44 = arith.constant 0 : i32
    %lt3A_45 = arith.cmpi slt, %select_n3A_36, %lt3A_44 : i32
    %ne3A_46 = vector.broadcast %lt3A_45 : i1 to vector<16xi1>
    %ne3A_47 = vector.broadcast %ne3A_46 : vector<16xi1> to vector<16xi1>
    %ne3A_48 = arith.xori %lt3A_43, %ne3A_47 : vector<16xi1>
    %and3A_49 = arith.andi %ne3A_48, %ne3A_41 : vector<16xi1>
    %add3A_50 = vector.broadcast %select_n3A_36 : i32 to vector<16xi32>
    %add3A_51 = arith.addi %rem3A_38, %add3A_50 : vector<16xi32>
    %select_n3A_52 = arith.select %and3A_49, %add3A_51, %rem3A_38 : vector<16xi1>, vector<16xi32>
    %mul3A_53 = arith.constant 128 : i32
    %mul3A_54 = vector.broadcast %mul3A_53 : i32 to vector<16xi32>
    %mul3A_55 = arith.muli %select_n3A_52, %mul3A_54 : vector<16xi32>
    %add3A_56 = arith.addi %mul3A_32, %mul3A_55 : vector<16xi32>
    %add3A_57 = arith.constant 0 : i32
    %add3A_58 = vector.broadcast %add3A_57 : i32 to vector<16xi32>
    %add3A_59 = arith.addi %iota3A, %add3A_58 : vector<16xi32>
    %jit3A_60 = arith.constant 16 : i32
    %eq3A_61 = arith.constant 0 : i32
    %eq3A_62 = arith.cmpi eq, %jit3A_60, %eq3A_61 : i32
    %jit3A_63 = arith.constant 1 : i32
    %select_n3A_64 = arith.select %eq3A_62, %jit3A_63, %jit3A_60 : i32
    %rem3A_65 = vector.broadcast %select_n3A_64 : i32 to vector<16xi32>
    %rem3A_66 = arith.remsi %add3A_59, %rem3A_65 : vector<16xi32>
    %ne3A_67 = arith.constant 0 : i32
    %ne3A_68 = vector.broadcast %ne3A_67 : i32 to vector<16xi32>
    %ne3A_69 = arith.cmpi ne, %rem3A_66, %ne3A_68 : vector<16xi32>
    %lt3A_70 = arith.constant 0 : i32
    %lt3A_71 = vector.broadcast %lt3A_70 : i32 to vector<16xi32>
    %lt3A_72 = arith.cmpi slt, %rem3A_66, %lt3A_71 : vector<16xi32>
    %lt3A_73 = arith.constant 0 : i32
    %lt3A_74 = arith.cmpi slt, %select_n3A_64, %lt3A_73 : i32
    %ne3A_75 = vector.broadcast %lt3A_74 : i1 to vector<16xi1>
    %ne3A_76 = vector.broadcast %ne3A_75 : vector<16xi1> to vector<16xi1>
    %ne3A_77 = arith.xori %lt3A_72, %ne3A_76 : vector<16xi1>
    %and3A_78 = arith.andi %ne3A_77, %ne3A_69 : vector<16xi1>
    %add3A_79 = vector.broadcast %select_n3A_64 : i32 to vector<16xi32>
    %add3A_80 = arith.addi %rem3A_66, %add3A_79 : vector<16xi32>
    %select_n3A_81 = arith.select %and3A_78, %add3A_80, %rem3A_66 : vector<16xi1>, vector<16xi32>
    %add3A_82 = arith.constant 1 : i32
    %add3A_83 = vector.broadcast %add3A_82 : i32 to vector<16xi32>
    %add3A_84 = arith.addi %iota3A, %add3A_83 : vector<16xi32>
    %jit3A_85 = arith.constant 16 : i32
    %eq3A_86 = arith.constant 0 : i32
    %eq3A_87 = arith.cmpi eq, %jit3A_85, %eq3A_86 : i32
    %jit3A_88 = arith.constant 1 : i32
    %select_n3A_89 = arith.select %eq3A_87, %jit3A_88, %jit3A_85 : i32
    %rem3A_90 = vector.broadcast %select_n3A_89 : i32 to vector<16xi32>
    %rem3A_91 = arith.remsi %add3A_84, %rem3A_90 : vector<16xi32>
    %ne3A_92 = arith.constant 0 : i32
    %ne3A_93 = vector.broadcast %ne3A_92 : i32 to vector<16xi32>
    %ne3A_94 = arith.cmpi ne, %rem3A_91, %ne3A_93 : vector<16xi32>
    %lt3A_95 = arith.constant 0 : i32
    %lt3A_96 = vector.broadcast %lt3A_95 : i32 to vector<16xi32>
    %lt3A_97 = arith.cmpi slt, %rem3A_91, %lt3A_96 : vector<16xi32>
    %lt3A_98 = arith.constant 0 : i32
    %lt3A_99 = arith.cmpi slt, %select_n3A_89, %lt3A_98 : i32
    %ne3A_100 = vector.broadcast %lt3A_99 : i1 to vector<16xi1>
    %ne3A_101 = vector.broadcast %ne3A_100 : vector<16xi1> to vector<16xi1>
    %ne3A_102 = arith.xori %lt3A_97, %ne3A_101 : vector<16xi1>
    %and3A_103 = arith.andi %ne3A_102, %ne3A_94 : vector<16xi1>
    %add3A_104 = vector.broadcast %select_n3A_89 : i32 to vector<16xi32>
    %add3A_105 = arith.addi %rem3A_91, %add3A_104 : vector<16xi32>
    %select_n3A_106 = arith.select %and3A_103, %add3A_105, %rem3A_91 : vector<16xi1>, vector<16xi32>
    %add3A_107 = arith.constant 2 : i32
    %add3A_108 = vector.broadcast %add3A_107 : i32 to vector<16xi32>
    %add3A_109 = arith.addi %iota3A, %add3A_108 : vector<16xi32>
    %jit3A_110 = arith.constant 16 : i32
    %eq3A_111 = arith.constant 0 : i32
    %eq3A_112 = arith.cmpi eq, %jit3A_110, %eq3A_111 : i32
    %jit3A_113 = arith.constant 1 : i32
    %select_n3A_114 = arith.select %eq3A_112, %jit3A_113, %jit3A_110 : i32
    %rem3A_115 = vector.broadcast %select_n3A_114 : i32 to vector<16xi32>
    %rem3A_116 = arith.remsi %add3A_109, %rem3A_115 : vector<16xi32>
    %ne3A_117 = arith.constant 0 : i32
    %ne3A_118 = vector.broadcast %ne3A_117 : i32 to vector<16xi32>
    %ne3A_119 = arith.cmpi ne, %rem3A_116, %ne3A_118 : vector<16xi32>
    %lt3A_120 = arith.constant 0 : i32
    %lt3A_121 = vector.broadcast %lt3A_120 : i32 to vector<16xi32>
    %lt3A_122 = arith.cmpi slt, %rem3A_116, %lt3A_121 : vector<16xi32>
    %lt3A_123 = arith.constant 0 : i32
    %lt3A_124 = arith.cmpi slt, %select_n3A_114, %lt3A_123 : i32
    %ne3A_125 = vector.broadcast %lt3A_124 : i1 to vector<16xi1>
    %ne3A_126 = vector.broadcast %ne3A_125 : vector<16xi1> to vector<16xi1>
    %ne3A_127 = arith.xori %lt3A_122, %ne3A_126 : vector<16xi1>
    %and3A_128 = arith.andi %ne3A_127, %ne3A_119 : vector<16xi1>
    %add3A_129 = vector.broadcast %select_n3A_114 : i32 to vector<16xi32>
    %add3A_130 = arith.addi %rem3A_116, %add3A_129 : vector<16xi32>
    %select_n3A_131 = arith.select %and3A_128, %add3A_130, %rem3A_116 : vector<16xi1>, vector<16xi32>
    %add3A_132 = arith.constant 3 : i32
    %add3A_133 = vector.broadcast %add3A_132 : i32 to vector<16xi32>
    %add3A_134 = arith.addi %iota3A, %add3A_133 : vector<16xi32>
    %jit3A_135 = arith.constant 16 : i32
    %eq3A_136 = arith.constant 0 : i32
    %eq3A_137 = arith.cmpi eq, %jit3A_135, %eq3A_136 : i32
    %jit3A_138 = arith.constant 1 : i32
    %select_n3A_139 = arith.select %eq3A_137, %jit3A_138, %jit3A_135 : i32
    %rem3A_140 = vector.broadcast %select_n3A_139 : i32 to vector<16xi32>
    %rem3A_141 = arith.remsi %add3A_134, %rem3A_140 : vector<16xi32>
    %ne3A_142 = arith.constant 0 : i32
    %ne3A_143 = vector.broadcast %ne3A_142 : i32 to vector<16xi32>
    %ne3A_144 = arith.cmpi ne, %rem3A_141, %ne3A_143 : vector<16xi32>
    %lt3A_145 = arith.constant 0 : i32
    %lt3A_146 = vector.broadcast %lt3A_145 : i32 to vector<16xi32>
    %lt3A_147 = arith.cmpi slt, %rem3A_141, %lt3A_146 : vector<16xi32>
    %lt3A_148 = arith.constant 0 : i32
    %lt3A_149 = arith.cmpi slt, %select_n3A_139, %lt3A_148 : i32
    %ne3A_150 = vector.broadcast %lt3A_149 : i1 to vector<16xi1>
    %ne3A_151 = vector.broadcast %ne3A_150 : vector<16xi1> to vector<16xi1>
    %ne3A_152 = arith.xori %lt3A_147, %ne3A_151 : vector<16xi1>
    %and3A_153 = arith.andi %ne3A_152, %ne3A_144 : vector<16xi1>
    %add3A_154 = vector.broadcast %select_n3A_139 : i32 to vector<16xi32>
    %add3A_155 = arith.addi %rem3A_141, %add3A_154 : vector<16xi32>
    %select_n3A_156 = arith.select %and3A_153, %add3A_155, %rem3A_141 : vector<16xi1>, vector<16xi32>
    %add3A_157 = arith.constant 4 : i32
    %add3A_158 = vector.broadcast %add3A_157 : i32 to vector<16xi32>
    %add3A_159 = arith.addi %iota3A, %add3A_158 : vector<16xi32>
    %jit3A_160 = arith.constant 16 : i32
    %eq3A_161 = arith.constant 0 : i32
    %eq3A_162 = arith.cmpi eq, %jit3A_160, %eq3A_161 : i32
    %jit3A_163 = arith.constant 1 : i32
    %select_n3A_164 = arith.select %eq3A_162, %jit3A_163, %jit3A_160 : i32
    %rem3A_165 = vector.broadcast %select_n3A_164 : i32 to vector<16xi32>
    %rem3A_166 = arith.remsi %add3A_159, %rem3A_165 : vector<16xi32>
    %ne3A_167 = arith.constant 0 : i32
    %ne3A_168 = vector.broadcast %ne3A_167 : i32 to vector<16xi32>
    %ne3A_169 = arith.cmpi ne, %rem3A_166, %ne3A_168 : vector<16xi32>
    %lt3A_170 = arith.constant 0 : i32
    %lt3A_171 = vector.broadcast %lt3A_170 : i32 to vector<16xi32>
    %lt3A_172 = arith.cmpi slt, %rem3A_166, %lt3A_171 : vector<16xi32>
    %lt3A_173 = arith.constant 0 : i32
    %lt3A_174 = arith.cmpi slt, %select_n3A_164, %lt3A_173 : i32
    %ne3A_175 = vector.broadcast %lt3A_174 : i1 to vector<16xi1>
    %ne3A_176 = vector.broadcast %ne3A_175 : vector<16xi1> to vector<16xi1>
    %ne3A_177 = arith.xori %lt3A_172, %ne3A_176 : vector<16xi1>
    %and3A_178 = arith.andi %ne3A_177, %ne3A_169 : vector<16xi1>
    %add3A_179 = vector.broadcast %select_n3A_164 : i32 to vector<16xi32>
    %add3A_180 = arith.addi %rem3A_166, %add3A_179 : vector<16xi32>
    %select_n3A_181 = arith.select %and3A_178, %add3A_180, %rem3A_166 : vector<16xi1>, vector<16xi32>
    %add3A_182 = arith.constant 5 : i32
    %add3A_183 = vector.broadcast %add3A_182 : i32 to vector<16xi32>
    %add3A_184 = arith.addi %iota3A, %add3A_183 : vector<16xi32>
    %jit3A_185 = arith.constant 16 : i32
    %eq3A_186 = arith.constant 0 : i32
    %eq3A_187 = arith.cmpi eq, %jit3A_185, %eq3A_186 : i32
    %jit3A_188 = arith.constant 1 : i32
    %select_n3A_189 = arith.select %eq3A_187, %jit3A_188, %jit3A_185 : i32
    %rem3A_190 = vector.broadcast %select_n3A_189 : i32 to vector<16xi32>
    %rem3A_191 = arith.remsi %add3A_184, %rem3A_190 : vector<16xi32>
    %ne3A_192 = arith.constant 0 : i32
    %ne3A_193 = vector.broadcast %ne3A_192 : i32 to vector<16xi32>
    %ne3A_194 = arith.cmpi ne, %rem3A_191, %ne3A_193 : vector<16xi32>
    %lt3A_195 = arith.constant 0 : i32
    %lt3A_196 = vector.broadcast %lt3A_195 : i32 to vector<16xi32>
    %lt3A_197 = arith.cmpi slt, %rem3A_191, %lt3A_196 : vector<16xi32>
    %lt3A_198 = arith.constant 0 : i32
    %lt3A_199 = arith.cmpi slt, %select_n3A_189, %lt3A_198 : i32
    %ne3A_200 = vector.broadcast %lt3A_199 : i1 to vector<16xi1>
    %ne3A_201 = vector.broadcast %ne3A_200 : vector<16xi1> to vector<16xi1>
    %ne3A_202 = arith.xori %lt3A_197, %ne3A_201 : vector<16xi1>
    %and3A_203 = arith.andi %ne3A_202, %ne3A_194 : vector<16xi1>
    %add3A_204 = vector.broadcast %select_n3A_189 : i32 to vector<16xi32>
    %add3A_205 = arith.addi %rem3A_191, %add3A_204 : vector<16xi32>
    %select_n3A_206 = arith.select %and3A_203, %add3A_205, %rem3A_191 : vector<16xi1>, vector<16xi32>
    %add3A_207 = arith.constant 6 : i32
    %add3A_208 = vector.broadcast %add3A_207 : i32 to vector<16xi32>
    %add3A_209 = arith.addi %iota3A, %add3A_208 : vector<16xi32>
    %jit3A_210 = arith.constant 16 : i32
    %eq3A_211 = arith.constant 0 : i32
    %eq3A_212 = arith.cmpi eq, %jit3A_210, %eq3A_211 : i32
    %jit3A_213 = arith.constant 1 : i32
    %select_n3A_214 = arith.select %eq3A_212, %jit3A_213, %jit3A_210 : i32
    %rem3A_215 = vector.broadcast %select_n3A_214 : i32 to vector<16xi32>
    %rem3A_216 = arith.remsi %add3A_209, %rem3A_215 : vector<16xi32>
    %ne3A_217 = arith.constant 0 : i32
    %ne3A_218 = vector.broadcast %ne3A_217 : i32 to vector<16xi32>
    %ne3A_219 = arith.cmpi ne, %rem3A_216, %ne3A_218 : vector<16xi32>
    %lt3A_220 = arith.constant 0 : i32
    %lt3A_221 = vector.broadcast %lt3A_220 : i32 to vector<16xi32>
    %lt3A_222 = arith.cmpi slt, %rem3A_216, %lt3A_221 : vector<16xi32>
    %lt3A_223 = arith.constant 0 : i32
    %lt3A_224 = arith.cmpi slt, %select_n3A_214, %lt3A_223 : i32
    %ne3A_225 = vector.broadcast %lt3A_224 : i1 to vector<16xi1>
    %ne3A_226 = vector.broadcast %ne3A_225 : vector<16xi1> to vector<16xi1>
    %ne3A_227 = arith.xori %lt3A_222, %ne3A_226 : vector<16xi1>
    %and3A_228 = arith.andi %ne3A_227, %ne3A_219 : vector<16xi1>
    %add3A_229 = vector.broadcast %select_n3A_214 : i32 to vector<16xi32>
    %add3A_230 = arith.addi %rem3A_216, %add3A_229 : vector<16xi32>
    %select_n3A_231 = arith.select %and3A_228, %add3A_230, %rem3A_216 : vector<16xi1>, vector<16xi32>
    %add3A_232 = arith.constant 7 : i32
    %add3A_233 = vector.broadcast %add3A_232 : i32 to vector<16xi32>
    %add3A_234 = arith.addi %iota3A, %add3A_233 : vector<16xi32>
    %jit3A_235 = arith.constant 16 : i32
    %eq3A_236 = arith.constant 0 : i32
    %eq3A_237 = arith.cmpi eq, %jit3A_235, %eq3A_236 : i32
    %jit3A_238 = arith.constant 1 : i32
    %select_n3A_239 = arith.select %eq3A_237, %jit3A_238, %jit3A_235 : i32
    %rem3A_240 = vector.broadcast %select_n3A_239 : i32 to vector<16xi32>
    %rem3A_241 = arith.remsi %add3A_234, %rem3A_240 : vector<16xi32>
    %ne3A_242 = arith.constant 0 : i32
    %ne3A_243 = vector.broadcast %ne3A_242 : i32 to vector<16xi32>
    %ne3A_244 = arith.cmpi ne, %rem3A_241, %ne3A_243 : vector<16xi32>
    %lt3A_245 = arith.constant 0 : i32
    %lt3A_246 = vector.broadcast %lt3A_245 : i32 to vector<16xi32>
    %lt3A_247 = arith.cmpi slt, %rem3A_241, %lt3A_246 : vector<16xi32>
    %lt3A_248 = arith.constant 0 : i32
    %lt3A_249 = arith.cmpi slt, %select_n3A_239, %lt3A_248 : i32
    %ne3A_250 = vector.broadcast %lt3A_249 : i1 to vector<16xi1>
    %ne3A_251 = vector.broadcast %ne3A_250 : vector<16xi1> to vector<16xi1>
    %ne3A_252 = arith.xori %lt3A_247, %ne3A_251 : vector<16xi1>
    %and3A_253 = arith.andi %ne3A_252, %ne3A_244 : vector<16xi1>
    %add3A_254 = vector.broadcast %select_n3A_239 : i32 to vector<16xi32>
    %add3A_255 = arith.addi %rem3A_241, %add3A_254 : vector<16xi32>
    %select_n3A_256 = arith.select %and3A_253, %add3A_255, %rem3A_241 : vector<16xi1>, vector<16xi32>
    %add3A_257 = arith.constant 8 : i32
    %add3A_258 = vector.broadcast %add3A_257 : i32 to vector<16xi32>
    %add3A_259 = arith.addi %iota3A, %add3A_258 : vector<16xi32>
    %jit3A_260 = arith.constant 16 : i32
    %eq3A_261 = arith.constant 0 : i32
    %eq3A_262 = arith.cmpi eq, %jit3A_260, %eq3A_261 : i32
    %jit3A_263 = arith.constant 1 : i32
    %select_n3A_264 = arith.select %eq3A_262, %jit3A_263, %jit3A_260 : i32
    %rem3A_265 = vector.broadcast %select_n3A_264 : i32 to vector<16xi32>
    %rem3A_266 = arith.remsi %add3A_259, %rem3A_265 : vector<16xi32>
    %ne3A_267 = arith.constant 0 : i32
    %ne3A_268 = vector.broadcast %ne3A_267 : i32 to vector<16xi32>
    %ne3A_269 = arith.cmpi ne, %rem3A_266, %ne3A_268 : vector<16xi32>
    %lt3A_270 = arith.constant 0 : i32
    %lt3A_271 = vector.broadcast %lt3A_270 : i32 to vector<16xi32>
    %lt3A_272 = arith.cmpi slt, %rem3A_266, %lt3A_271 : vector<16xi32>
    %lt3A_273 = arith.constant 0 : i32
    %lt3A_274 = arith.cmpi slt, %select_n3A_264, %lt3A_273 : i32
    %ne3A_275 = vector.broadcast %lt3A_274 : i1 to vector<16xi1>
    %ne3A_276 = vector.broadcast %ne3A_275 : vector<16xi1> to vector<16xi1>
    %ne3A_277 = arith.xori %lt3A_272, %ne3A_276 : vector<16xi1>
    %and3A_278 = arith.andi %ne3A_277, %ne3A_269 : vector<16xi1>
    %add3A_279 = vector.broadcast %select_n3A_264 : i32 to vector<16xi32>
    %add3A_280 = arith.addi %rem3A_266, %add3A_279 : vector<16xi32>
    %select_n3A_281 = arith.select %and3A_278, %add3A_280, %rem3A_266 : vector<16xi1>, vector<16xi32>
    %add3A_282 = arith.constant 9 : i32
    %add3A_283 = vector.broadcast %add3A_282 : i32 to vector<16xi32>
    %add3A_284 = arith.addi %iota3A, %add3A_283 : vector<16xi32>
    %jit3A_285 = arith.constant 16 : i32
    %eq3A_286 = arith.constant 0 : i32
    %eq3A_287 = arith.cmpi eq, %jit3A_285, %eq3A_286 : i32
    %jit3A_288 = arith.constant 1 : i32
    %select_n3A_289 = arith.select %eq3A_287, %jit3A_288, %jit3A_285 : i32
    %rem3A_290 = vector.broadcast %select_n3A_289 : i32 to vector<16xi32>
    %rem3A_291 = arith.remsi %add3A_284, %rem3A_290 : vector<16xi32>
    %ne3A_292 = arith.constant 0 : i32
    %ne3A_293 = vector.broadcast %ne3A_292 : i32 to vector<16xi32>
    %ne3A_294 = arith.cmpi ne, %rem3A_291, %ne3A_293 : vector<16xi32>
    %lt3A_295 = arith.constant 0 : i32
    %lt3A_296 = vector.broadcast %lt3A_295 : i32 to vector<16xi32>
    %lt3A_297 = arith.cmpi slt, %rem3A_291, %lt3A_296 : vector<16xi32>
    %lt3A_298 = arith.constant 0 : i32
    %lt3A_299 = arith.cmpi slt, %select_n3A_289, %lt3A_298 : i32
    %ne3A_300 = vector.broadcast %lt3A_299 : i1 to vector<16xi1>
    %ne3A_301 = vector.broadcast %ne3A_300 : vector<16xi1> to vector<16xi1>
    %ne3A_302 = arith.xori %lt3A_297, %ne3A_301 : vector<16xi1>
    %and3A_303 = arith.andi %ne3A_302, %ne3A_294 : vector<16xi1>
    %add3A_304 = vector.broadcast %select_n3A_289 : i32 to vector<16xi32>
    %add3A_305 = arith.addi %rem3A_291, %add3A_304 : vector<16xi32>
    %select_n3A_306 = arith.select %and3A_303, %add3A_305, %rem3A_291 : vector<16xi1>, vector<16xi32>
    %add3A_307 = arith.constant 10 : i32
    %add3A_308 = vector.broadcast %add3A_307 : i32 to vector<16xi32>
    %add3A_309 = arith.addi %iota3A, %add3A_308 : vector<16xi32>
    %jit3A_310 = arith.constant 16 : i32
    %eq3A_311 = arith.constant 0 : i32
    %eq3A_312 = arith.cmpi eq, %jit3A_310, %eq3A_311 : i32
    %jit3A_313 = arith.constant 1 : i32
    %select_n3A_314 = arith.select %eq3A_312, %jit3A_313, %jit3A_310 : i32
    %rem3A_315 = vector.broadcast %select_n3A_314 : i32 to vector<16xi32>
    %rem3A_316 = arith.remsi %add3A_309, %rem3A_315 : vector<16xi32>
    %ne3A_317 = arith.constant 0 : i32
    %ne3A_318 = vector.broadcast %ne3A_317 : i32 to vector<16xi32>
    %ne3A_319 = arith.cmpi ne, %rem3A_316, %ne3A_318 : vector<16xi32>
    %lt3A_320 = arith.constant 0 : i32
    %lt3A_321 = vector.broadcast %lt3A_320 : i32 to vector<16xi32>
    %lt3A_322 = arith.cmpi slt, %rem3A_316, %lt3A_321 : vector<16xi32>
    %lt3A_323 = arith.constant 0 : i32
    %lt3A_324 = arith.cmpi slt, %select_n3A_314, %lt3A_323 : i32
    %ne3A_325 = vector.broadcast %lt3A_324 : i1 to vector<16xi1>
    %ne3A_326 = vector.broadcast %ne3A_325 : vector<16xi1> to vector<16xi1>
    %ne3A_327 = arith.xori %lt3A_322, %ne3A_326 : vector<16xi1>
    %and3A_328 = arith.andi %ne3A_327, %ne3A_319 : vector<16xi1>
    %add3A_329 = vector.broadcast %select_n3A_314 : i32 to vector<16xi32>
    %add3A_330 = arith.addi %rem3A_316, %add3A_329 : vector<16xi32>
    %select_n3A_331 = arith.select %and3A_328, %add3A_330, %rem3A_316 : vector<16xi1>, vector<16xi32>
    %add3A_332 = arith.constant 11 : i32
    %add3A_333 = vector.broadcast %add3A_332 : i32 to vector<16xi32>
    %add3A_334 = arith.addi %iota3A, %add3A_333 : vector<16xi32>
    %jit3A_335 = arith.constant 16 : i32
    %eq3A_336 = arith.constant 0 : i32
    %eq3A_337 = arith.cmpi eq, %jit3A_335, %eq3A_336 : i32
    %jit3A_338 = arith.constant 1 : i32
    %select_n3A_339 = arith.select %eq3A_337, %jit3A_338, %jit3A_335 : i32
    %rem3A_340 = vector.broadcast %select_n3A_339 : i32 to vector<16xi32>
    %rem3A_341 = arith.remsi %add3A_334, %rem3A_340 : vector<16xi32>
    %ne3A_342 = arith.constant 0 : i32
    %ne3A_343 = vector.broadcast %ne3A_342 : i32 to vector<16xi32>
    %ne3A_344 = arith.cmpi ne, %rem3A_341, %ne3A_343 : vector<16xi32>
    %lt3A_345 = arith.constant 0 : i32
    %lt3A_346 = vector.broadcast %lt3A_345 : i32 to vector<16xi32>
    %lt3A_347 = arith.cmpi slt, %rem3A_341, %lt3A_346 : vector<16xi32>
    %lt3A_348 = arith.constant 0 : i32
    %lt3A_349 = arith.cmpi slt, %select_n3A_339, %lt3A_348 : i32
    %ne3A_350 = vector.broadcast %lt3A_349 : i1 to vector<16xi1>
    %ne3A_351 = vector.broadcast %ne3A_350 : vector<16xi1> to vector<16xi1>
    %ne3A_352 = arith.xori %lt3A_347, %ne3A_351 : vector<16xi1>
    %and3A_353 = arith.andi %ne3A_352, %ne3A_344 : vector<16xi1>
    %add3A_354 = vector.broadcast %select_n3A_339 : i32 to vector<16xi32>
    %add3A_355 = arith.addi %rem3A_341, %add3A_354 : vector<16xi32>
    %select_n3A_356 = arith.select %and3A_353, %add3A_355, %rem3A_341 : vector<16xi1>, vector<16xi32>
    %add3A_357 = arith.constant 12 : i32
    %add3A_358 = vector.broadcast %add3A_357 : i32 to vector<16xi32>
    %add3A_359 = arith.addi %iota3A, %add3A_358 : vector<16xi32>
    %jit3A_360 = arith.constant 16 : i32
    %eq3A_361 = arith.constant 0 : i32
    %eq3A_362 = arith.cmpi eq, %jit3A_360, %eq3A_361 : i32
    %jit3A_363 = arith.constant 1 : i32
    %select_n3A_364 = arith.select %eq3A_362, %jit3A_363, %jit3A_360 : i32
    %rem3A_365 = vector.broadcast %select_n3A_364 : i32 to vector<16xi32>
    %rem3A_366 = arith.remsi %add3A_359, %rem3A_365 : vector<16xi32>
    %ne3A_367 = arith.constant 0 : i32
    %ne3A_368 = vector.broadcast %ne3A_367 : i32 to vector<16xi32>
    %ne3A_369 = arith.cmpi ne, %rem3A_366, %ne3A_368 : vector<16xi32>
    %lt3A_370 = arith.constant 0 : i32
    %lt3A_371 = vector.broadcast %lt3A_370 : i32 to vector<16xi32>
    %lt3A_372 = arith.cmpi slt, %rem3A_366, %lt3A_371 : vector<16xi32>
    %lt3A_373 = arith.constant 0 : i32
    %lt3A_374 = arith.cmpi slt, %select_n3A_364, %lt3A_373 : i32
    %ne3A_375 = vector.broadcast %lt3A_374 : i1 to vector<16xi1>
    %ne3A_376 = vector.broadcast %ne3A_375 : vector<16xi1> to vector<16xi1>
    %ne3A_377 = arith.xori %lt3A_372, %ne3A_376 : vector<16xi1>
    %and3A_378 = arith.andi %ne3A_377, %ne3A_369 : vector<16xi1>
    %add3A_379 = vector.broadcast %select_n3A_364 : i32 to vector<16xi32>
    %add3A_380 = arith.addi %rem3A_366, %add3A_379 : vector<16xi32>
    %select_n3A_381 = arith.select %and3A_378, %add3A_380, %rem3A_366 : vector<16xi1>, vector<16xi32>
    %add3A_382 = arith.constant 13 : i32
    %add3A_383 = vector.broadcast %add3A_382 : i32 to vector<16xi32>
    %add3A_384 = arith.addi %iota3A, %add3A_383 : vector<16xi32>
    %jit3A_385 = arith.constant 16 : i32
    %eq3A_386 = arith.constant 0 : i32
    %eq3A_387 = arith.cmpi eq, %jit3A_385, %eq3A_386 : i32
    %jit3A_388 = arith.constant 1 : i32
    %select_n3A_389 = arith.select %eq3A_387, %jit3A_388, %jit3A_385 : i32
    %rem3A_390 = vector.broadcast %select_n3A_389 : i32 to vector<16xi32>
    %rem3A_391 = arith.remsi %add3A_384, %rem3A_390 : vector<16xi32>
    %ne3A_392 = arith.constant 0 : i32
    %ne3A_393 = vector.broadcast %ne3A_392 : i32 to vector<16xi32>
    %ne3A_394 = arith.cmpi ne, %rem3A_391, %ne3A_393 : vector<16xi32>
    %lt3A_395 = arith.constant 0 : i32
    %lt3A_396 = vector.broadcast %lt3A_395 : i32 to vector<16xi32>
    %lt3A_397 = arith.cmpi slt, %rem3A_391, %lt3A_396 : vector<16xi32>
    %lt3A_398 = arith.constant 0 : i32
    %lt3A_399 = arith.cmpi slt, %select_n3A_389, %lt3A_398 : i32
    %ne3A_400 = vector.broadcast %lt3A_399 : i1 to vector<16xi1>
    %ne3A_401 = vector.broadcast %ne3A_400 : vector<16xi1> to vector<16xi1>
    %ne3A_402 = arith.xori %lt3A_397, %ne3A_401 : vector<16xi1>
    %and3A_403 = arith.andi %ne3A_402, %ne3A_394 : vector<16xi1>
    %add3A_404 = vector.broadcast %select_n3A_389 : i32 to vector<16xi32>
    %add3A_405 = arith.addi %rem3A_391, %add3A_404 : vector<16xi32>
    %select_n3A_406 = arith.select %and3A_403, %add3A_405, %rem3A_391 : vector<16xi1>, vector<16xi32>
    %add3A_407 = arith.constant 14 : i32
    %add3A_408 = vector.broadcast %add3A_407 : i32 to vector<16xi32>
    %add3A_409 = arith.addi %iota3A, %add3A_408 : vector<16xi32>
    %jit3A_410 = arith.constant 16 : i32
    %eq3A_411 = arith.constant 0 : i32
    %eq3A_412 = arith.cmpi eq, %jit3A_410, %eq3A_411 : i32
    %jit3A_413 = arith.constant 1 : i32
    %select_n3A_414 = arith.select %eq3A_412, %jit3A_413, %jit3A_410 : i32
    %rem3A_415 = vector.broadcast %select_n3A_414 : i32 to vector<16xi32>
    %rem3A_416 = arith.remsi %add3A_409, %rem3A_415 : vector<16xi32>
    %ne3A_417 = arith.constant 0 : i32
    %ne3A_418 = vector.broadcast %ne3A_417 : i32 to vector<16xi32>
    %ne3A_419 = arith.cmpi ne, %rem3A_416, %ne3A_418 : vector<16xi32>
    %lt3A_420 = arith.constant 0 : i32
    %lt3A_421 = vector.broadcast %lt3A_420 : i32 to vector<16xi32>
    %lt3A_422 = arith.cmpi slt, %rem3A_416, %lt3A_421 : vector<16xi32>
    %lt3A_423 = arith.constant 0 : i32
    %lt3A_424 = arith.cmpi slt, %select_n3A_414, %lt3A_423 : i32
    %ne3A_425 = vector.broadcast %lt3A_424 : i1 to vector<16xi1>
    %ne3A_426 = vector.broadcast %ne3A_425 : vector<16xi1> to vector<16xi1>
    %ne3A_427 = arith.xori %lt3A_422, %ne3A_426 : vector<16xi1>
    %and3A_428 = arith.andi %ne3A_427, %ne3A_419 : vector<16xi1>
    %add3A_429 = vector.broadcast %select_n3A_414 : i32 to vector<16xi32>
    %add3A_430 = arith.addi %rem3A_416, %add3A_429 : vector<16xi32>
    %select_n3A_431 = arith.select %and3A_428, %add3A_430, %rem3A_416 : vector<16xi1>, vector<16xi32>
    %add3A_432 = arith.constant 15 : i32
    %add3A_433 = vector.broadcast %add3A_432 : i32 to vector<16xi32>
    %add3A_434 = arith.addi %iota3A, %add3A_433 : vector<16xi32>
    %jit3A_435 = arith.constant 16 : i32
    %eq3A_436 = arith.constant 0 : i32
    %eq3A_437 = arith.cmpi eq, %jit3A_435, %eq3A_436 : i32
    %jit3A_438 = arith.constant 1 : i32
    %select_n3A_439 = arith.select %eq3A_437, %jit3A_438, %jit3A_435 : i32
    %rem3A_440 = vector.broadcast %select_n3A_439 : i32 to vector<16xi32>
    %rem3A_441 = arith.remsi %add3A_434, %rem3A_440 : vector<16xi32>
    %ne3A_442 = arith.constant 0 : i32
    %ne3A_443 = vector.broadcast %ne3A_442 : i32 to vector<16xi32>
    %ne3A_444 = arith.cmpi ne, %rem3A_441, %ne3A_443 : vector<16xi32>
    %lt3A_445 = arith.constant 0 : i32
    %lt3A_446 = vector.broadcast %lt3A_445 : i32 to vector<16xi32>
    %lt3A_447 = arith.cmpi slt, %rem3A_441, %lt3A_446 : vector<16xi32>
    %lt3A_448 = arith.constant 0 : i32
    %lt3A_449 = arith.cmpi slt, %select_n3A_439, %lt3A_448 : i32
    %ne3A_450 = vector.broadcast %lt3A_449 : i1 to vector<16xi1>
    %ne3A_451 = vector.broadcast %ne3A_450 : vector<16xi1> to vector<16xi1>
    %ne3A_452 = arith.xori %lt3A_447, %ne3A_451 : vector<16xi1>
    %and3A_453 = arith.andi %ne3A_452, %ne3A_444 : vector<16xi1>
    %add3A_454 = vector.broadcast %select_n3A_439 : i32 to vector<16xi32>
    %add3A_455 = arith.addi %rem3A_441, %add3A_454 : vector<16xi32>
    %select_n3A_456 = arith.select %and3A_453, %add3A_455, %rem3A_441 : vector<16xi1>, vector<16xi32>
    %add3A_457 = arith.addi %add3A_56, %select_n3A_81 : vector<16xi32>
    %add3A_458 = arith.addi %add3A_56, %select_n3A_106 : vector<16xi32>
    %add3A_459 = arith.addi %add3A_56, %select_n3A_131 : vector<16xi32>
    %add3A_460 = arith.addi %add3A_56, %select_n3A_156 : vector<16xi32>
    %add3A_461 = arith.addi %add3A_56, %select_n3A_181 : vector<16xi32>
    %add3A_462 = arith.addi %add3A_56, %select_n3A_206 : vector<16xi32>
    %add3A_463 = arith.addi %add3A_56, %select_n3A_231 : vector<16xi32>
    %add3A_464 = arith.addi %add3A_56, %select_n3A_256 : vector<16xi32>
    %add3A_465 = arith.addi %add3A_56, %select_n3A_281 : vector<16xi32>
    %add3A_466 = arith.addi %add3A_56, %select_n3A_306 : vector<16xi32>
    %add3A_467 = arith.addi %add3A_56, %select_n3A_331 : vector<16xi32>
    %add3A_468 = arith.addi %add3A_56, %select_n3A_356 : vector<16xi32>
    %add3A_469 = arith.addi %add3A_56, %select_n3A_381 : vector<16xi32>
    %add3A_470 = arith.addi %add3A_56, %select_n3A_406 : vector<16xi32>
    %add3A_471 = arith.addi %add3A_56, %select_n3A_431 : vector<16xi32>
    %add3A_472 = arith.addi %add3A_56, %select_n3A_456 : vector<16xi32>
    %scan3A_473 = arith.constant 0 : i32
    %scan3A_474 = arith.constant 98 : i32
    %scan3A_475 = arith.addi %scan3A_473, %scan3A_474 : i32
    %scan3A_476 = arith.constant 1 : i32
    scf.for %scan3A_579 = %scan3A_473 to %scan3A_475 step %scan3A_476  : i32 {
      %mul3A_580 = arith.constant 2 : i32
      %mul3A_581 = arith.muli %mul3A_580, %scan3A_579 : i32
      %add3A_582 = arith.constant 0 : i32
      %add3A_583 = arith.addi %mul3A_581, %add3A_582 : i32
      %mul3A_584 = arith.constant 4 : i32
      %mul3A_585 = arith.muli %add3A_583, %mul3A_584 : i32
      %add3A_586 = arith.addi %mul3A_2, %mul3A_585 : i32
      %lt3A_587 = arith.constant 25000 : i32
      %lt3A_588 = arith.cmpi slt, %add3A_586, %lt3A_587 : i32
      %convert_element_type3A = arith.extui %lt3A_588 : i1 to i32
      %cond3A = arith.constant 0 : i32
      %cond3A_589 = arith.cmpi ne, %convert_element_type3A, %cond3A : i32
      scf.if %cond3A_589 {
        %mul3A_602 = arith.constant 4 : i32
        %mul3A_603 = arith.muli %add3A_583, %mul3A_602 : i32
        %add3A_604 = arith.addi %mul3A_2, %mul3A_603 : i32
        %mul3A_605 = arith.constant 1024 : i32
        %mul3A_606 = arith.muli %add3A_604, %mul3A_605 : i32
        %mul3A_607 = arith.constant 1024 : i32
        %mul3A_608 = arith.muli %add3A_604, %mul3A_607 : i32
        %add3A_609 = arith.constant 25600000 : i32
        %add3A_610 = arith.addi %add3A_609, %mul3A_608 : i32
        %dma_start3A = arith.constant 0 : i32
        %dma_start3A_611 = tpu.memref_slice %arg7[%dma_start3A] : memref<16384xf32, #tpu.memory_space<vmem>> -> memref<4096xf32, #tpu.memory_space<vmem>>
        %dma_start3A_612 = tpu.memref_slice %arg2[%mul3A_606] : memref<51200000xf32, #tpu.memory_space<hbm>> -> memref<4096xf32, #tpu.memory_space<hbm>>
        %dma_start3A_613 = arith.constant 0 : i32
        %dma_start3A_614 = tpu.memref_slice %arg7[%dma_start3A_613] : memref<16384xf32, #tpu.memory_space<vmem>> -> memref<4096xf32, #tpu.memory_space<vmem>>
        %dma_start3A_615 = tpu.memref_slice %arg2[%mul3A_606] : memref<51200000xf32, #tpu.memory_space<hbm>> -> memref<4096xf32, #tpu.memory_space<hbm>>
        tpu.enqueue_dma source(%dma_start3A_615 : memref<4096xf32, #tpu.memory_space<hbm>>) target(%dma_start3A_614 : memref<4096xf32, #tpu.memory_space<vmem>>) target_semaphore(%arg12 : memref<!tpu.dma_semaphore, #tpu.memory_space<semaphore_mem>>)
        %dma_start3A_616 = arith.constant 4096 : i32
        %dma_start3A_617 = tpu.memref_slice %arg7[%dma_start3A_616] : memref<16384xf32, #tpu.memory_space<vmem>> -> memref<4096xf32, #tpu.memory_space<vmem>>
        %dma_start3A_618 = tpu.memref_slice %arg2[%add3A_610] : memref<51200000xf32, #tpu.memory_space<hbm>> -> memref<4096xf32, #tpu.memory_space<hbm>>
        %dma_start3A_619 = arith.constant 4096 : i32
        %dma_start3A_620 = tpu.memref_slice %arg7[%dma_start3A_619] : memref<16384xf32, #tpu.memory_space<vmem>> -> memref<4096xf32, #tpu.memory_space<vmem>>
        %dma_start3A_621 = tpu.memref_slice %arg2[%add3A_610] : memref<51200000xf32, #tpu.memory_space<hbm>> -> memref<4096xf32, #tpu.memory_space<hbm>>
        tpu.enqueue_dma source(%dma_start3A_621 : memref<4096xf32, #tpu.memory_space<hbm>>) target(%dma_start3A_620 : memref<4096xf32, #tpu.memory_space<vmem>>) target_semaphore(%arg12 : memref<!tpu.dma_semaphore, #tpu.memory_space<semaphore_mem>>)
        %dma_start3A_622 = arith.constant 0 : i32
        %dma_start3A_623 = arith.constant 0 : i32
        %dma_start3A_624 = arith.constant 0 : i32
        %dma_start3A_625 = tpu.memref_slice %arg9[%dma_start3A_622, %dma_start3A_623, %dma_start3A_624] : memref<2x4x128xi32, #tpu.memory_space<vmem>> -> memref<1x4x128xi32, #tpu.memory_space<vmem>>
        %dma_start3A_626 = tpu.memref_squeeze %dma_start3A_625 : memref<1x4x128xi32, #tpu.memory_space<vmem>> -> memref<4x128xi32, #tpu.memory_space<vmem>>
        %dma_start3A_627 = arith.constant 0 : i32
        %dma_start3A_628 = tpu.memref_slice %arg3[%add3A_604, %dma_start3A_627] : memref<25000x128xi32, #tpu.memory_space<hbm>> -> memref<4x128xi32, #tpu.memory_space<hbm>>
        %dma_start3A_629 = arith.constant 0 : i32
        %dma_start3A_630 = arith.constant 0 : i32
        %dma_start3A_631 = tpu.memref_slice %arg9[%dma_start3A_622, %dma_start3A_629, %dma_start3A_630] : memref<2x4x128xi32, #tpu.memory_space<vmem>> -> memref<1x4x128xi32, #tpu.memory_space<vmem>>
        %dma_start3A_632 = tpu.memref_squeeze %dma_start3A_631 : memref<1x4x128xi32, #tpu.memory_space<vmem>> -> memref<4x128xi32, #tpu.memory_space<vmem>>
        %dma_start3A_633 = arith.constant 0 : i32
        %dma_start3A_634 = tpu.memref_slice %arg3[%add3A_604, %dma_start3A_633] : memref<25000x128xi32, #tpu.memory_space<hbm>> -> memref<4x128xi32, #tpu.memory_space<hbm>>
        tpu.enqueue_dma source(%dma_start3A_634 : memref<4x128xi32, #tpu.memory_space<hbm>>) target(%dma_start3A_632 : memref<4x128xi32, #tpu.memory_space<vmem>>) target_semaphore(%arg12 : memref<!tpu.dma_semaphore, #tpu.memory_space<semaphore_mem>>)
        %dma_start3A_635 = arith.constant 0 : i32
        %dma_start3A_636 = arith.constant 0 : i32
        %dma_start3A_637 = arith.constant 0 : i32
        %dma_start3A_638 = tpu.memref_slice %arg10[%dma_start3A_635, %dma_start3A_636, %dma_start3A_637] : memref<2x4x128xi32, #tpu.memory_space<vmem>> -> memref<1x4x128xi32, #tpu.memory_space<vmem>>
        %dma_start3A_639 = tpu.memref_squeeze %dma_start3A_638 : memref<1x4x128xi32, #tpu.memory_space<vmem>> -> memref<4x128xi32, #tpu.memory_space<vmem>>
        %dma_start3A_640 = arith.constant 0 : i32
        %dma_start3A_641 = tpu.memref_slice %arg4[%add3A_604, %dma_start3A_640] : memref<25000x128xi32, #tpu.memory_space<hbm>> -> memref<4x128xi32, #tpu.memory_space<hbm>>
        %dma_start3A_642 = arith.constant 0 : i32
        %dma_start3A_643 = arith.constant 0 : i32
        %dma_start3A_644 = tpu.memref_slice %arg10[%dma_start3A_635, %dma_start3A_642, %dma_start3A_643] : memref<2x4x128xi32, #tpu.memory_space<vmem>> -> memref<1x4x128xi32, #tpu.memory_space<vmem>>
        %dma_start3A_645 = tpu.memref_squeeze %dma_start3A_644 : memref<1x4x128xi32, #tpu.memory_space<vmem>> -> memref<4x128xi32, #tpu.memory_space<vmem>>
        %dma_start3A_646 = arith.constant 0 : i32
        %dma_start3A_647 = tpu.memref_slice %arg4[%add3A_604, %dma_start3A_646] : memref<25000x128xi32, #tpu.memory_space<hbm>> -> memref<4x128xi32, #tpu.memory_space<hbm>>
        tpu.enqueue_dma source(%dma_start3A_647 : memref<4x128xi32, #tpu.memory_space<hbm>>) target(%dma_start3A_645 : memref<4x128xi32, #tpu.memory_space<vmem>>) target_semaphore(%arg12 : memref<!tpu.dma_semaphore, #tpu.memory_space<semaphore_mem>>)
        %dma_wait3A_648 = arith.constant 0 : i32
        %dma_wait3A_649 = tpu.memref_slice %arg7[%dma_wait3A_648] : memref<16384xf32, #tpu.memory_space<vmem>> -> memref<4096xf32, #tpu.memory_space<vmem>>
        %dma_wait3A_650 = tpu.memref_slice %arg2[%mul3A_606] : memref<51200000xf32, #tpu.memory_space<hbm>> -> memref<4096xf32, #tpu.memory_space<hbm>>
        %dma_wait3A_651 = arith.constant 0 : i32
        %dma_wait3A_652 = tpu.memref_slice %arg7[%dma_wait3A_651] : memref<16384xf32, #tpu.memory_space<vmem>> -> memref<4096xf32, #tpu.memory_space<vmem>>
        %dma_wait3A_653 = tpu.memref_slice %arg2[%mul3A_606] : memref<51200000xf32, #tpu.memory_space<hbm>> -> memref<4096xf32, #tpu.memory_space<hbm>>
        tpu.wait_dma2 semaphore(%arg12 : memref<!tpu.dma_semaphore, #tpu.memory_space<semaphore_mem>>) src(%dma_wait3A_653 : memref<4096xf32, #tpu.memory_space<hbm>>) dst(%dma_wait3A_652 : memref<4096xf32, #tpu.memory_space<vmem>>)
        %dma_wait3A_654 = arith.constant 4096 : i32
        %dma_wait3A_655 = tpu.memref_slice %arg7[%dma_wait3A_654] : memref<16384xf32, #tpu.memory_space<vmem>> -> memref<4096xf32, #tpu.memory_space<vmem>>
        %dma_wait3A_656 = tpu.memref_slice %arg2[%add3A_610] : memref<51200000xf32, #tpu.memory_space<hbm>> -> memref<4096xf32, #tpu.memory_space<hbm>>
        %dma_wait3A_657 = arith.constant 4096 : i32
        %dma_wait3A_658 = tpu.memref_slice %arg7[%dma_wait3A_657] : memref<16384xf32, #tpu.memory_space<vmem>> -> memref<4096xf32, #tpu.memory_space<vmem>>
        %dma_wait3A_659 = tpu.memref_slice %arg2[%add3A_610] : memref<51200000xf32, #tpu.memory_space<hbm>> -> memref<4096xf32, #tpu.memory_space<hbm>>
        tpu.wait_dma2 semaphore(%arg12 : memref<!tpu.dma_semaphore, #tpu.memory_space<semaphore_mem>>) src(%dma_wait3A_659 : memref<4096xf32, #tpu.memory_space<hbm>>) dst(%dma_wait3A_658 : memref<4096xf32, #tpu.memory_space<vmem>>)
        %dma_wait3A_660 = arith.constant 0 : i32
        %dma_wait3A_661 = arith.constant 0 : i32
        %dma_wait3A_662 = arith.constant 0 : i32
        %dma_wait3A_663 = tpu.memref_slice %arg9[%dma_wait3A_660, %dma_wait3A_661, %dma_wait3A_662] : memref<2x4x128xi32, #tpu.memory_space<vmem>> -> memref<1x4x128xi32, #tpu.memory_space<vmem>>
        %dma_wait3A_664 = tpu.memref_squeeze %dma_wait3A_663 : memref<1x4x128xi32, #tpu.memory_space<vmem>> -> memref<4x128xi32, #tpu.memory_space<vmem>>
        %dma_wait3A_665 = arith.constant 0 : i32
        %dma_wait3A_666 = tpu.memref_slice %arg3[%add3A_604, %dma_wait3A_665] : memref<25000x128xi32, #tpu.memory_space<hbm>> -> memref<4x128xi32, #tpu.memory_space<hbm>>
        %dma_wait3A_667 = arith.constant 0 : i32
        %dma_wait3A_668 = arith.constant 0 : i32
        %dma_wait3A_669 = tpu.memref_slice %arg9[%dma_wait3A_660, %dma_wait3A_667, %dma_wait3A_668] : memref<2x4x128xi32, #tpu.memory_space<vmem>> -> memref<1x4x128xi32, #tpu.memory_space<vmem>>
        %dma_wait3A_670 = tpu.memref_squeeze %dma_wait3A_669 : memref<1x4x128xi32, #tpu.memory_space<vmem>> -> memref<4x128xi32, #tpu.memory_space<vmem>>
        %dma_wait3A_671 = arith.constant 0 : i32
        %dma_wait3A_672 = tpu.memref_slice %arg3[%add3A_604, %dma_wait3A_671] : memref<25000x128xi32, #tpu.memory_space<hbm>> -> memref<4x128xi32, #tpu.memory_space<hbm>>
        tpu.wait_dma2 semaphore(%arg12 : memref<!tpu.dma_semaphore, #tpu.memory_space<semaphore_mem>>) src(%dma_wait3A_672 : memref<4x128xi32, #tpu.memory_space<hbm>>) dst(%dma_wait3A_670 : memref<4x128xi32, #tpu.memory_space<vmem>>)
        %dma_wait3A_673 = arith.constant 0 : i32
        %dma_wait3A_674 = arith.constant 0 : i32
        %dma_wait3A_675 = arith.constant 0 : i32
        %dma_wait3A_676 = tpu.memref_slice %arg10[%dma_wait3A_673, %dma_wait3A_674, %dma_wait3A_675] : memref<2x4x128xi32, #tpu.memory_space<vmem>> -> memref<1x4x128xi32, #tpu.memory_space<vmem>>
        %dma_wait3A_677 = tpu.memref_squeeze %dma_wait3A_676 : memref<1x4x128xi32, #tpu.memory_space<vmem>> -> memref<4x128xi32, #tpu.memory_space<vmem>>
        %dma_wait3A_678 = arith.constant 0 : i32
        %dma_wait3A_679 = tpu.memref_slice %arg4[%add3A_604, %dma_wait3A_678] : memref<25000x128xi32, #tpu.memory_space<hbm>> -> memref<4x128xi32, #tpu.memory_space<hbm>>
        %dma_wait3A_680 = arith.constant 0 : i32
        %dma_wait3A_681 = arith.constant 0 : i32
        %dma_wait3A_682 = tpu.memref_slice %arg10[%dma_wait3A_673, %dma_wait3A_680, %dma_wait3A_681] : memref<2x4x128xi32, #tpu.memory_space<vmem>> -> memref<1x4x128xi32, #tpu.memory_space<vmem>>
        %dma_wait3A_683 = tpu.memref_squeeze %dma_wait3A_682 : memref<1x4x128xi32, #tpu.memory_space<vmem>> -> memref<4x128xi32, #tpu.memory_space<vmem>>
        %dma_wait3A_684 = arith.constant 0 : i32
        %dma_wait3A_685 = tpu.memref_slice %arg4[%add3A_604, %dma_wait3A_684] : memref<25000x128xi32, #tpu.memory_space<hbm>> -> memref<4x128xi32, #tpu.memory_space<hbm>>
        tpu.wait_dma2 semaphore(%arg12 : memref<!tpu.dma_semaphore, #tpu.memory_space<semaphore_mem>>) src(%dma_wait3A_685 : memref<4x128xi32, #tpu.memory_space<hbm>>) dst(%dma_wait3A_683 : memref<4x128xi32, #tpu.memory_space<vmem>>)
        %add3A_686 = arith.constant 0 : i32
        %add3A_687 = arith.addi %add3A_586, %add3A_686 : i32
        %lt3A_688 = arith.constant 25000 : i32
        %lt3A_689 = arith.cmpi slt, %add3A_687, %lt3A_688 : i32
        %convert_element_type3A_690 = arith.extui %lt3A_689 : i1 to i32
        %cond3A_691 = arith.constant 0 : i32
        %cond3A_692 = arith.cmpi ne, %convert_element_type3A_690, %cond3A_691 : i32
        scf.if %cond3A_692 {
          %gt3A = arith.constant 0 : i32
          %gt3A_714 = arith.cmpi sgt, %add3A_583, %gt3A : i32
          %convert_element_type3A_715 = arith.extui %gt3A_714 : i1 to i32
          %cond3A_716 = arith.constant 0 : i32
          %cond3A_717 = arith.cmpi ne, %convert_element_type3A_715, %cond3A_716 : i32
          scf.if %cond3A_717 {
            %dma_wait3A_745 = arith.constant 128 : i32
            %dma_wait3A_746 = arith.constant 0 : i32
            %dma_wait3A_747 = tpu.memref_slice %arg8[%dma_wait3A_745, %dma_wait3A_746] : memref<512x16xf32, #tpu.memory_space<vmem>> -> memref<128x16xf32, #tpu.memory_space<vmem>>
            %dma_wait3A_748 = arith.constant 0 : i32
            %dma_wait3A_749 = arith.constant 0 : i32
            %dma_wait3A_750 = tpu.memref_slice %arg5[%dma_wait3A_748, %dma_wait3A_749] : memref<100000x16xf32, #tpu.memory_space<hbm>> -> memref<128x16xf32, #tpu.memory_space<hbm>>
            %dma_wait3A_751 = arith.constant 128 : i32
            %dma_wait3A_752 = arith.constant 0 : i32
            %dma_wait3A_753 = tpu.memref_slice %arg8[%dma_wait3A_751, %dma_wait3A_752] : memref<512x16xf32, #tpu.memory_space<vmem>> -> memref<128x16xf32, #tpu.memory_space<vmem>>
            %dma_wait3A_754 = arith.constant 0 : i32
            %dma_wait3A_755 = arith.constant 0 : i32
            %dma_wait3A_756 = tpu.memref_slice %arg5[%dma_wait3A_754, %dma_wait3A_755] : memref<100000x16xf32, #tpu.memory_space<hbm>> -> memref<128x16xf32, #tpu.memory_space<hbm>>
            tpu.wait_dma2 semaphore(%arg13 : memref<!tpu.dma_semaphore, #tpu.memory_space<semaphore_mem>>) src(%dma_wait3A_756 : memref<128x16xf32, #tpu.memory_space<hbm>>) dst(%dma_wait3A_753 : memref<128x16xf32, #tpu.memory_space<vmem>>)
            %dma_wait3A_757 = arith.constant 128 : i32
            %dma_wait3A_758 = arith.constant 0 : i32
            %dma_wait3A_759 = tpu.memref_slice %arg8[%dma_wait3A_757, %dma_wait3A_758] : memref<512x16xf32, #tpu.memory_space<vmem>> -> memref<128x16xf32, #tpu.memory_space<vmem>>
            %dma_wait3A_760 = arith.constant 0 : i32
            %dma_wait3A_761 = arith.constant 0 : i32
            %dma_wait3A_762 = tpu.memref_slice %arg5[%dma_wait3A_760, %dma_wait3A_761] : memref<100000x16xf32, #tpu.memory_space<hbm>> -> memref<128x16xf32, #tpu.memory_space<hbm>>
            %dma_wait3A_763 = arith.constant 128 : i32
            %dma_wait3A_764 = arith.constant 0 : i32
            %dma_wait3A_765 = tpu.memref_slice %arg8[%dma_wait3A_763, %dma_wait3A_764] : memref<512x16xf32, #tpu.memory_space<vmem>> -> memref<128x16xf32, #tpu.memory_space<vmem>>
            %dma_wait3A_766 = arith.constant 0 : i32
            %dma_wait3A_767 = arith.constant 0 : i32
            %dma_wait3A_768 = tpu.memref_slice %arg5[%dma_wait3A_766, %dma_wait3A_767] : memref<100000x16xf32, #tpu.memory_space<hbm>> -> memref<128x16xf32, #tpu.memory_space<hbm>>
            tpu.wait_dma2 semaphore(%arg13 : memref<!tpu.dma_semaphore, #tpu.memory_space<semaphore_mem>>) src(%dma_wait3A_768 : memref<128x16xf32, #tpu.memory_space<hbm>>) dst(%dma_wait3A_765 : memref<128x16xf32, #tpu.memory_space<vmem>>)
          } else {
          }
          %scan3A_718 = arith.constant 0 : i32
          %scan3A_719 = arith.constant 8 : i32
          %scan3A_720 = arith.addi %scan3A_718, %scan3A_719 : i32
          %scan3A_721 = arith.constant 1 : i32
          scf.for %scan3A_745 = %scan3A_718 to %scan3A_720 step %scan3A_721  : i32 {
            %mul3A_746 = arith.constant 16 : i32
            %mul3A_747 = arith.muli %scan3A_745, %mul3A_746 : i32
            %add3A_748 = arith.constant 0 : i32
            %add3A_749 = arith.addi %add3A_748, %mul3A_747 : i32
            %add3A_750 = vector.broadcast %add3A_749 : i32 to vector<16xi32>
            %add3A_751 = arith.addi %add3A_457, %add3A_750 : vector<16xi32>
            %gather3A = tpu.vector_load_idx %arg7[%add3A_751] : memref<16384xf32, #tpu.memory_space<vmem>>[vector<16xi32>], vector<16xf32>,
            %add3A_752 = arith.constant 0 : i32
            %add3A_753 = arith.addi %add3A_752, %mul3A_747 : i32
            %add3A_754 = vector.broadcast %add3A_753 : i32 to vector<16xi32>
            %add3A_755 = arith.addi %select_n3A_81, %add3A_754 : vector<16xi32>
            tpu.vector_store_idx %arg8[%add3A_755, %iota3A], %gather3A : memref<512x16xf32, #tpu.memory_space<vmem>>[vector<16xi32>, vector<16xi32>], vector<16xf32>,
            %add3A_756 = arith.constant 0 : i32
            %add3A_757 = arith.addi %add3A_756, %mul3A_747 : i32
            %add3A_758 = vector.broadcast %add3A_757 : i32 to vector<16xi32>
            %add3A_759 = arith.addi %add3A_458, %add3A_758 : vector<16xi32>
            %gather3A_760 = tpu.vector_load_idx %arg7[%add3A_759] : memref<16384xf32, #tpu.memory_space<vmem>>[vector<16xi32>], vector<16xf32>,
            %add3A_761 = arith.constant 0 : i32
            %add3A_762 = arith.addi %add3A_761, %mul3A_747 : i32
            %add3A_763 = vector.broadcast %add3A_762 : i32 to vector<16xi32>
            %add3A_764 = arith.addi %select_n3A_106, %add3A_763 : vector<16xi32>
            tpu.vector_store_idx %arg8[%add3A_764, %iota3A], %gather3A_760 : memref<512x16xf32, #tpu.memory_space<vmem>>[vector<16xi32>, vector<16xi32>], vector<16xf32>,
            %add3A_765 = arith.constant 0 : i32
            %add3A_766 = arith.addi %add3A_765, %mul3A_747 : i32
            %add3A_767 = vector.broadcast %add3A_766 : i32 to vector<16xi32>
            %add3A_768 = arith.addi %add3A_459, %add3A_767 : vector<16xi32>
            %gather3A_769 = tpu.vector_load_idx %arg7[%add3A_768] : memref<16384xf32, #tpu.memory_space<vmem>>[vector<16xi32>], vector<16xf32>,
            %add3A_770 = arith.constant 0 : i32
            %add3A_771 = arith.addi %add3A_770, %mul3A_747 : i32
            %add3A_772 = vector.broadcast %add3A_771 : i32 to vector<16xi32>
            %add3A_773 = arith.addi %select_n3A_131, %add3A_772 : vector<16xi32>
            tpu.vector_store_idx %arg8[%add3A_773, %iota3A], %gather3A_769 : memref<512x16xf32, #tpu.memory_space<vmem>>[vector<16xi32>, vector<16xi32>], vector<16xf32>,
            %add3A_774 = arith.constant 0 : i32
            %add3A_775 = arith.addi %add3A_774, %mul3A_747 : i32
            %add3A_776 = vector.broadcast %add3A_775 : i32 to vector<16xi32>
            %add3A_777 = arith.addi %add3A_460, %add3A_776 : vector<16xi32>
            %gather3A_778 = tpu.vector_load_idx %arg7[%add3A_777] : memref<16384xf32, #tpu.memory_space<vmem>>[vector<16xi32>], vector<16xf32>,
            %add3A_779 = arith.constant 0 : i32
            %add3A_780 = arith.addi %add3A_779, %mul3A_747 : i32
            %add3A_781 = vector.broadcast %add3A_780 : i32 to vector<16xi32>
            %add3A_782 = arith.addi %select_n3A_156, %add3A_781 : vector<16xi32>
            tpu.vector_store_idx %arg8[%add3A_782, %iota3A], %gather3A_778 : memref<512x16xf32, #tpu.memory_space<vmem>>[vector<16xi32>, vector<16xi32>], vector<16xf32>,
            %add3A_783 = arith.constant 0 : i32
            %add3A_784 = arith.addi %add3A_783, %mul3A_747 : i32
            %add3A_785 = vector.broadcast %add3A_784 : i32 to vector<16xi32>
            %add3A_786 = arith.addi %add3A_461, %add3A_785 : vector<16xi32>
            %gather3A_787 = tpu.vector_load_idx %arg7[%add3A_786] : memref<16384xf32, #tpu.memory_space<vmem>>[vector<16xi32>], vector<16xf32>,
            %add3A_788 = arith.constant 0 : i32
            %add3A_789 = arith.addi %add3A_788, %mul3A_747 : i32
            %add3A_790 = vector.broadcast %add3A_789 : i32 to vector<16xi32>
            %add3A_791 = arith.addi %select_n3A_181, %add3A_790 : vector<16xi32>
            tpu.vector_store_idx %arg8[%add3A_791, %iota3A], %gather3A_787 : memref<512x16xf32, #tpu.memory_space<vmem>>[vector<16xi32>, vector<16xi32>], vector<16xf32>,
            %add3A_792 = arith.constant 0 : i32
            %add3A_793 = arith.addi %add3A_792, %mul3A_747 : i32
            %add3A_794 = vector.broadcast %add3A_793 : i32 to vector<16xi32>
            %add3A_795 = arith.addi %add3A_462, %add3A_794 : vector<16xi32>
            %gather3A_796 = tpu.vector_load_idx %arg7[%add3A_795] : memref<16384xf32, #tpu.memory_space<vmem>>[vector<16xi32>], vector<16xf32>,
            %add3A_797 = arith.constant 0 : i32
            %add3A_798 = arith.addi %add3A_797, %mul3A_747 : i32
            %add3A_799 = vector.broadcast %add3A_798 : i32 to vector<16xi32>
            %add3A_800 = arith.addi %select_n3A_206, %add3A_799 : vector<16xi32>
            tpu.vector_store_idx %arg8[%add3A_800, %iota3A], %gather3A_796 : memref<512x16xf32, #tpu.memory_space<vmem>>[vector<16xi32>, vector<16xi32>], vector<16xf32>,
            %add3A_801 = arith.constant 0 : i32
            %add3A_802 = arith.addi %add3A_801, %mul3A_747 : i32
            %add3A_803 = vector.broadcast %add3A_802 : i32 to vector<16xi32>
            %add3A_804 = arith.addi %add3A_463, %add3A_803 : vector<16xi32>
            %gather3A_805 = tpu.vector_load_idx %arg7[%add3A_804] : memref<16384xf32, #tpu.memory_space<vmem>>[vector<16xi32>], vector<16xf32>,
            %add3A_806 = arith.constant 0 : i32
            %add3A_807 = arith.addi %add3A_806, %mul3A_747 : i32
            %add3A_808 = vector.broadcast %add3A_807 : i32 to vector<16xi32>
            %add3A_809 = arith.addi %select_n3A_231, %add3A_808 : vector<16xi32>
            tpu.vector_store_idx %arg8[%add3A_809, %iota3A], %gather3A_805 : memref<512x16xf32, #tpu.memory_space<vmem>>[vector<16xi32>, vector<16xi32>], vector<16xf32>,
            %add3A_810 = arith.constant 0 : i32
            %add3A_811 = arith.addi %add3A_810, %mul3A_747 : i32
            %add3A_812 = vector.broadcast %add3A_811 : i32 to vector<16xi32>
            %add3A_813 = arith.addi %add3A_464, %add3A_812 : vector<16xi32>
            %gather3A_814 = tpu.vector_load_idx %arg7[%add3A_813] : memref<16384xf32, #tpu.memory_space<vmem>>[vector<16xi32>], vector<16xf32>,
            %add3A_815 = arith.constant 0 : i32
            %add3A_816 = arith.addi %add3A_815, %mul3A_747 : i32
            %add3A_817 = vector.broadcast %add3A_816 : i32 to vector<16xi32>
            %add3A_818 = arith.addi %select_n3A_256, %add3A_817 : vector<16xi32>
            tpu.vector_store_idx %arg8[%add3A_818, %iota3A], %gather3A_814 : memref<512x16xf32, #tpu.memory_space<vmem>>[vector<16xi32>, vector<16xi32>], vector<16xf32>,
            %add3A_819 = arith.constant 0 : i32
            %add3A_820 = arith.addi %add3A_819, %mul3A_747 : i32
            %add3A_821 = vector.broadcast %add3A_820 : i32 to vector<16xi32>
            %add3A_822 = arith.addi %add3A_465, %add3A_821 : vector<16xi32>
            %gather3A_823 = tpu.vector_load_idx %arg7[%add3A_822] : memref<16384xf32, #tpu.memory_space<vmem>>[vector<16xi32>], vector<16xf32>,
            %add3A_824 = arith.constant 0 : i32
            %add3A_825 = arith.addi %add3A_824, %mul3A_747 : i32
            %add3A_826 = vector.broadcast %add3A_825 : i32 to vector<16xi32>
            %add3A_827 = arith.addi %select_n3A_281, %add3A_826 : vector<16xi32>
            tpu.vector_store_idx %arg8[%add3A_827, %iota3A], %gather3A_823 : memref<512x16xf32, #tpu.memory_space<vmem>>[vector<16xi32>, vector<16xi32>], vector<16xf32>,
            %add3A_828 = arith.constant 0 : i32
            %add3A_829 = arith.addi %add3A_828, %mul3A_747 : i32
            %add3A_830 = vector.broadcast %add3A_829 : i32 to vector<16xi32>
            %add3A_831 = arith.addi %add3A_466, %add3A_830 : vector<16xi32>
            %gather3A_832 = tpu.vector_load_idx %arg7[%add3A_831] : memref<16384xf32, #tpu.memory_space<vmem>>[vector<16xi32>], vector<16xf32>,
            %add3A_833 = arith.constant 0 : i32
            %add3A_834 = arith.addi %add3A_833, %mul3A_747 : i32
            %add3A_835 = vector.broadcast %add3A_834 : i32 to vector<16xi32>
            %add3A_836 = arith.addi %select_n3A_306, %add3A_835 : vector<16xi32>
            tpu.vector_store_idx %arg8[%add3A_836, %iota3A], %gather3A_832 : memref<512x16xf32, #tpu.memory_space<vmem>>[vector<16xi32>, vector<16xi32>], vector<16xf32>,
            %add3A_837 = arith.constant 0 : i32
            %add3A_838 = arith.addi %add3A_837, %mul3A_747 : i32
            %add3A_839 = vector.broadcast %add3A_838 : i32 to vector<16xi32>
            %add3A_840 = arith.addi %add3A_467, %add3A_839 : vector<16xi32>
            %gather3A_841 = tpu.vector_load_idx %arg7[%add3A_840] : memref<16384xf32, #tpu.memory_space<vmem>>[vector<16xi32>], vector<16xf32>,
            %add3A_842 = arith.constant 0 : i32
            %add3A_843 = arith.addi %add3A_842, %mul3A_747 : i32
            %add3A_844 = vector.broadcast %add3A_843 : i32 to vector<16xi32>
            %add3A_845 = arith.addi %select_n3A_331, %add3A_844 : vector<16xi32>
            tpu.vector_store_idx %arg8[%add3A_845, %iota3A], %gather3A_841 : memref<512x16xf32, #tpu.memory_space<vmem>>[vector<16xi32>, vector<16xi32>], vector<16xf32>,
            %add3A_846 = arith.constant 0 : i32
            %add3A_847 = arith.addi %add3A_846, %mul3A_747 : i32
            %add3A_848 = vector.broadcast %add3A_847 : i32 to vector<16xi32>
            %add3A_849 = arith.addi %add3A_468, %add3A_848 : vector<16xi32>
            %gather3A_850 = tpu.vector_load_idx %arg7[%add3A_849] : memref<16384xf32, #tpu.memory_space<vmem>>[vector<16xi32>], vector<16xf32>,
            %add3A_851 = arith.constant 0 : i32
            %add3A_852 = arith.addi %add3A_851, %mul3A_747 : i32
            %add3A_853 = vector.broadcast %add3A_852 : i32 to vector<16xi32>
            %add3A_854 = arith.addi %select_n3A_356, %add3A_853 : vector<16xi32>
            tpu.vector_store_idx %arg8[%add3A_854, %iota3A], %gather3A_850 : memref<512x16xf32, #tpu.memory_space<vmem>>[vector<16xi32>, vector<16xi32>], vector<16xf32>,
            %add3A_855 = arith.constant 0 : i32
            %add3A_856 = arith.addi %add3A_855, %mul3A_747 : i32
            %add3A_857 = vector.broadcast %add3A_856 : i32 to vector<16xi32>
            %add3A_858 = arith.addi %add3A_469, %add3A_857 : vector<16xi32>
            %gather3A_859 = tpu.vector_load_idx %arg7[%add3A_858] : memref<16384xf32, #tpu.memory_space<vmem>>[vector<16xi32>], vector<16xf32>,
            %add3A_860 = arith.constant 0 : i32
            %add3A_861 = arith.addi %add3A_860, %mul3A_747 : i32
            %add3A_862 = vector.broadcast %add3A_861 : i32 to vector<16xi32>
            %add3A_863 = arith.addi %select_n3A_381, %add3A_862 : vector<16xi32>
            tpu.vector_store_idx %arg8[%add3A_863, %iota3A], %gather3A_859 : memref<512x16xf32, #tpu.memory_space<vmem>>[vector<16xi32>, vector<16xi32>], vector<16xf32>,
            %add3A_864 = arith.constant 0 : i32
            %add3A_865 = arith.addi %add3A_864, %mul3A_747 : i32
            %add3A_866 = vector.broadcast %add3A_865 : i32 to vector<16xi32>
            %add3A_867 = arith.addi %add3A_470, %add3A_866 : vector<16xi32>
            %gather3A_868 = tpu.vector_load_idx %arg7[%add3A_867] : memref<16384xf32, #tpu.memory_space<vmem>>[vector<16xi32>], vector<16xf32>,
            %add3A_869 = arith.constant 0 : i32
            %add3A_870 = arith.addi %add3A_869, %mul3A_747 : i32
            %add3A_871 = vector.broadcast %add3A_870 : i32 to vector<16xi32>
            %add3A_872 = arith.addi %select_n3A_406, %add3A_871 : vector<16xi32>
            tpu.vector_store_idx %arg8[%add3A_872, %iota3A], %gather3A_868 : memref<512x16xf32, #tpu.memory_space<vmem>>[vector<16xi32>, vector<16xi32>], vector<16xf32>,
            %add3A_873 = arith.constant 0 : i32
            %add3A_874 = arith.addi %add3A_873, %mul3A_747 : i32
            %add3A_875 = vector.broadcast %add3A_874 : i32 to vector<16xi32>
            %add3A_876 = arith.addi %add3A_471, %add3A_875 : vector<16xi32>
            %gather3A_877 = tpu.vector_load_idx %arg7[%add3A_876] : memref<16384xf32, #tpu.memory_space<vmem>>[vector<16xi32>], vector<16xf32>,
            %add3A_878 = arith.constant 0 : i32
            %add3A_879 = arith.addi %add3A_878, %mul3A_747 : i32
            %add3A_880 = vector.broadcast %add3A_879 : i32 to vector<16xi32>
            %add3A_881 = arith.addi %select_n3A_431, %add3A_880 : vector<16xi32>
            tpu.vector_store_idx %arg8[%add3A_881, %iota3A], %gather3A_877 : memref<512x16xf32, #tpu.memory_space<vmem>>[vector<16xi32>, vector<16xi32>], vector<16xf32>,
            %add3A_882 = arith.constant 0 : i32
            %add3A_883 = arith.addi %add3A_882, %mul3A_747 : i32
            %add3A_884 = vector.broadcast %add3A_883 : i32 to vector<16xi32>
            %add3A_885 = arith.addi %add3A_472, %add3A_884 : vector<16xi32>
            %gather3A_886 = tpu.vector_load_idx %arg7[%add3A_885] : memref<16384xf32, #tpu.memory_space<vmem>>[vector<16xi32>], vector<16xf32>,
            %add3A_887 = arith.constant 0 : i32
            %add3A_888 = arith.addi %add3A_887, %mul3A_747 : i32
            %add3A_889 = vector.broadcast %add3A_888 : i32 to vector<16xi32>
            %add3A_890 = arith.addi %select_n3A_456, %add3A_889 : vector<16xi32>
            tpu.vector_store_idx %arg8[%add3A_890, %iota3A], %gather3A_886 : memref<512x16xf32, #tpu.memory_space<vmem>>[vector<16xi32>, vector<16xi32>], vector<16xf32>,
          }
          %scan3A_722 = arith.constant 8 : i32
          %dma_start3A_723 = arith.constant 0 : i32
          %dma_start3A_724 = arith.constant 0 : i32
          %dma_start3A_725 = arith.constant 0 : i32
          %dma_start3A_726 = arith.constant 0 : i32
          %dma_start3A_727 = tpu.memref_slice %arg8[%dma_start3A_725, %dma_start3A_726] : memref<512x16xf32, #tpu.memory_space<vmem>> -> memref<128x16xf32, #tpu.memory_space<vmem>>
          %dma_start3A_728 = arith.constant 0 : i32
          %dma_start3A_729 = tpu.memref_slice %arg9[%dma_start3A_723, %dma_start3A_724, %dma_start3A_728] : memref<2x4x128xi32, #tpu.memory_space<vmem>> -> memref<1x1x128xi32, #tpu.memory_space<vmem>>
          %dma_start3A_730 = tpu.memref_squeeze %dma_start3A_729 : memref<1x1x128xi32, #tpu.memory_space<vmem>> -> memref<128xi32, #tpu.memory_space<vmem>>
          %dma_start3A_731 = arith.constant 0 : i32
          %dma_start3A_732 = arith.constant 0 : i32
          %dma_start3A_733 = tpu.memref_slice %arg11[%dma_start3A_731, %dma_start3A_732] : memref<100000x16xf32, #tpu.memory_space<vmem_shared>> -> memref<100000x16xf32, #tpu.memory_space<vmem_shared>>
          tpu.enqueue_indirect_dma source(%dma_start3A_727 : memref<128x16xf32, #tpu.memory_space<vmem>>) target(%dma_start3A_733 : memref<100000x16xf32, #tpu.memory_space<vmem_shared>>) offsets(%dma_start3A_730 : memref<128xi32, #tpu.memory_space<vmem>>) semaphore(%arg13 : memref<!tpu.dma_semaphore, #tpu.memory_space<semaphore_mem>>) {add = true}
          %dma_start3A_734 = arith.constant 0 : i32
          %dma_start3A_735 = arith.constant 0 : i32
          %dma_start3A_736 = arith.constant 0 : i32
          %dma_start3A_737 = arith.constant 0 : i32
          %dma_start3A_738 = tpu.memref_slice %arg8[%dma_start3A_736, %dma_start3A_737] : memref<512x16xf32, #tpu.memory_space<vmem>> -> memref<128x16xf32, #tpu.memory_space<vmem>>
          %dma_start3A_739 = arith.constant 0 : i32
          %dma_start3A_740 = tpu.memref_slice %arg10[%dma_start3A_734, %dma_start3A_735, %dma_start3A_739] : memref<2x4x128xi32, #tpu.memory_space<vmem>> -> memref<1x1x128xi32, #tpu.memory_space<vmem>>
          %dma_start3A_741 = tpu.memref_squeeze %dma_start3A_740 : memref<1x1x128xi32, #tpu.memory_space<vmem>> -> memref<128xi32, #tpu.memory_space<vmem>>
          %dma_start3A_742 = arith.constant 0 : i32
          %dma_start3A_743 = arith.constant 0 : i32
          %dma_start3A_744 = tpu.memref_slice %arg11[%dma_start3A_742, %dma_start3A_743] : memref<100000x16xf32, #tpu.memory_space<vmem_shared>> -> memref<100000x16xf32, #tpu.memory_space<vmem_shared>>
          tpu.enqueue_indirect_dma source(%dma_start3A_738 : memref<128x16xf32, #tpu.memory_space<vmem>>) target(%dma_start3A_744 : memref<100000x16xf32, #tpu.memory_space<vmem_shared>>) offsets(%dma_start3A_741 : memref<128xi32, #tpu.memory_space<vmem>>) semaphore(%arg13 : memref<!tpu.dma_semaphore, #tpu.memory_space<semaphore_mem>>) {add = true}
        } else {
        }
        %add3A_693 = arith.constant 1 : i32
        %add3A_694 = arith.addi %add3A_586, %add3A_693 : i32
        %lt3A_695 = arith.constant 25000 : i32
        %lt3A_696 = arith.cmpi slt, %add3A_694, %lt3A_695 : i32
        %convert_element_type3A_697 = arith.extui %lt3A_696 : i1 to i32
        %cond3A_698 = arith.constant 0 : i32
        %cond3A_699 = arith.cmpi ne, %convert_element_type3A_697, %cond3A_698 : i32
        scf.if %cond3A_699 {
          %gt3A = arith.constant 0 : i32
          %gt3A_714 = arith.cmpi sgt, %add3A_583, %gt3A : i32
          %convert_element_type3A_715 = arith.extui %gt3A_714 : i1 to i32
          %cond3A_716 = arith.constant 0 : i32
          %cond3A_717 = arith.cmpi ne, %convert_element_type3A_715, %cond3A_716 : i32
          scf.if %cond3A_717 {
            %dma_wait3A_745 = arith.constant 256 : i32
            %dma_wait3A_746 = arith.constant 0 : i32
            %dma_wait3A_747 = tpu.memref_slice %arg8[%dma_wait3A_745, %dma_wait3A_746] : memref<512x16xf32, #tpu.memory_space<vmem>> -> memref<128x16xf32, #tpu.memory_space<vmem>>
            %dma_wait3A_748 = arith.constant 0 : i32
            %dma_wait3A_749 = arith.constant 0 : i32
            %dma_wait3A_750 = tpu.memref_slice %arg5[%dma_wait3A_748, %dma_wait3A_749] : memref<100000x16xf32, #tpu.memory_space<hbm>> -> memref<128x16xf32, #tpu.memory_space<hbm>>
            %dma_wait3A_751 = arith.constant 256 : i32
            %dma_wait3A_752 = arith.constant 0 : i32
            %dma_wait3A_753 = tpu.memref_slice %arg8[%dma_wait3A_751, %dma_wait3A_752] : memref<512x16xf32, #tpu.memory_space<vmem>> -> memref<128x16xf32, #tpu.memory_space<vmem>>
            %dma_wait3A_754 = arith.constant 0 : i32
            %dma_wait3A_755 = arith.constant 0 : i32
            %dma_wait3A_756 = tpu.memref_slice %arg5[%dma_wait3A_754, %dma_wait3A_755] : memref<100000x16xf32, #tpu.memory_space<hbm>> -> memref<128x16xf32, #tpu.memory_space<hbm>>
            tpu.wait_dma2 semaphore(%arg14 : memref<!tpu.dma_semaphore, #tpu.memory_space<semaphore_mem>>) src(%dma_wait3A_756 : memref<128x16xf32, #tpu.memory_space<hbm>>) dst(%dma_wait3A_753 : memref<128x16xf32, #tpu.memory_space<vmem>>)
            %dma_wait3A_757 = arith.constant 256 : i32
            %dma_wait3A_758 = arith.constant 0 : i32
            %dma_wait3A_759 = tpu.memref_slice %arg8[%dma_wait3A_757, %dma_wait3A_758] : memref<512x16xf32, #tpu.memory_space<vmem>> -> memref<128x16xf32, #tpu.memory_space<vmem>>
            %dma_wait3A_760 = arith.constant 0 : i32
            %dma_wait3A_761 = arith.constant 0 : i32
            %dma_wait3A_762 = tpu.memref_slice %arg5[%dma_wait3A_760, %dma_wait3A_761] : memref<100000x16xf32, #tpu.memory_space<hbm>> -> memref<128x16xf32, #tpu.memory_space<hbm>>
            %dma_wait3A_763 = arith.constant 256 : i32
            %dma_wait3A_764 = arith.constant 0 : i32
            %dma_wait3A_765 = tpu.memref_slice %arg8[%dma_wait3A_763, %dma_wait3A_764] : memref<512x16xf32, #tpu.memory_space<vmem>> -> memref<128x16xf32, #tpu.memory_space<vmem>>
            %dma_wait3A_766 = arith.constant 0 : i32
            %dma_wait3A_767 = arith.constant 0 : i32
            %dma_wait3A_768 = tpu.memref_slice %arg5[%dma_wait3A_766, %dma_wait3A_767] : memref<100000x16xf32, #tpu.memory_space<hbm>> -> memref<128x16xf32, #tpu.memory_space<hbm>>
            tpu.wait_dma2 semaphore(%arg14 : memref<!tpu.dma_semaphore, #tpu.memory_space<semaphore_mem>>) src(%dma_wait3A_768 : memref<128x16xf32, #tpu.memory_space<hbm>>) dst(%dma_wait3A_765 : memref<128x16xf32, #tpu.memory_space<vmem>>)
          } else {
          }
          %scan3A_718 = arith.constant 0 : i32
          %scan3A_719 = arith.constant 8 : i32
          %scan3A_720 = arith.addi %scan3A_718, %scan3A_719 : i32
          %scan3A_721 = arith.constant 1 : i32
          scf.for %scan3A_745 = %scan3A_718 to %scan3A_720 step %scan3A_721  : i32 {
            %mul3A_746 = arith.constant 16 : i32
            %mul3A_747 = arith.muli %scan3A_745, %mul3A_746 : i32
            %add3A_748 = arith.constant 1024 : i32
            %add3A_749 = arith.addi %add3A_748, %mul3A_747 : i32
            %add3A_750 = vector.broadcast %add3A_749 : i32 to vector<16xi32>
            %add3A_751 = arith.addi %add3A_457, %add3A_750 : vector<16xi32>
            %gather3A = tpu.vector_load_idx %arg7[%add3A_751] : memref<16384xf32, #tpu.memory_space<vmem>>[vector<16xi32>], vector<16xf32>,
            %add3A_752 = arith.constant 128 : i32
            %add3A_753 = arith.addi %add3A_752, %mul3A_747 : i32
            %add3A_754 = vector.broadcast %add3A_753 : i32 to vector<16xi32>
            %add3A_755 = arith.addi %select_n3A_81, %add3A_754 : vector<16xi32>
            tpu.vector_store_idx %arg8[%add3A_755, %iota3A], %gather3A : memref<512x16xf32, #tpu.memory_space<vmem>>[vector<16xi32>, vector<16xi32>], vector<16xf32>,
            %add3A_756 = arith.constant 1024 : i32
            %add3A_757 = arith.addi %add3A_756, %mul3A_747 : i32
            %add3A_758 = vector.broadcast %add3A_757 : i32 to vector<16xi32>
            %add3A_759 = arith.addi %add3A_458, %add3A_758 : vector<16xi32>
            %gather3A_760 = tpu.vector_load_idx %arg7[%add3A_759] : memref<16384xf32, #tpu.memory_space<vmem>>[vector<16xi32>], vector<16xf32>,
            %add3A_761 = arith.constant 128 : i32
            %add3A_762 = arith.addi %add3A_761, %mul3A_747 : i32
            %add3A_763 = vector.broadcast %add3A_762 : i32 to vector<16xi32>
            %add3A_764 = arith.addi %select_n3A_106, %add3A_763 : vector<16xi32>
            tpu.vector_store_idx %arg8[%add3A_764, %iota3A], %gather3A_760 : memref<512x16xf32, #tpu.memory_space<vmem>>[vector<16xi32>, vector<16xi32>], vector<16xf32>,
            %add3A_765 = arith.constant 1024 : i32
            %add3A_766 = arith.addi %add3A_765, %mul3A_747 : i32
            %add3A_767 = vector.broadcast %add3A_766 : i32 to vector<16xi32>
            %add3A_768 = arith.addi %add3A_459, %add3A_767 : vector<16xi32>
            %gather3A_769 = tpu.vector_load_idx %arg7[%add3A_768] : memref<16384xf32, #tpu.memory_space<vmem>>[vector<16xi32>], vector<16xf32>,
            %add3A_770 = arith.constant 128 : i32
            %add3A_771 = arith.addi %add3A_770, %mul3A_747 : i32
            %add3A_772 = vector.broadcast %add3A_771 : i32 to vector<16xi32>
            %add3A_773 = arith.addi %select_n3A_131, %add3A_772 : vector<16xi32>
            tpu.vector_store_idx %arg8[%add3A_773, %iota3A], %gather3A_769 : memref<512x16xf32, #tpu.memory_space<vmem>>[vector<16xi32>, vector<16xi32>], vector<16xf32>,
            %add3A_774 = arith.constant 1024 : i32
            %add3A_775 = arith.addi %add3A_774, %mul3A_747 : i32
            %add3A_776 = vector.broadcast %add3A_775 : i32 to vector<16xi32>
            %add3A_777 = arith.addi %add3A_460, %add3A_776 : vector<16xi32>
            %gather3A_778 = tpu.vector_load_idx %arg7[%add3A_777] : memref<16384xf32, #tpu.memory_space<vmem>>[vector<16xi32>], vector<16xf32>,
            %add3A_779 = arith.constant 128 : i32
            %add3A_780 = arith.addi %add3A_779, %mul3A_747 : i32
            %add3A_781 = vector.broadcast %add3A_780 : i32 to vector<16xi32>
            %add3A_782 = arith.addi %select_n3A_156, %add3A_781 : vector<16xi32>
            tpu.vector_store_idx %arg8[%add3A_782, %iota3A], %gather3A_778 : memref<512x16xf32, #tpu.memory_space<vmem>>[vector<16xi32>, vector<16xi32>], vector<16xf32>,
            %add3A_783 = arith.constant 1024 : i32
            %add3A_784 = arith.addi %add3A_783, %mul3A_747 : i32
            %add3A_785 = vector.broadcast %add3A_784 : i32 to vector<16xi32>
            %add3A_786 = arith.addi %add3A_461, %add3A_785 : vector<16xi32>
            %gather3A_787 = tpu.vector_load_idx %arg7[%add3A_786] : memref<16384xf32, #tpu.memory_space<vmem>>[vector<16xi32>], vector<16xf32>,
            %add3A_788 = arith.constant 128 : i32
            %add3A_789 = arith.addi %add3A_788, %mul3A_747 : i32
            %add3A_790 = vector.broadcast %add3A_789 : i32 to vector<16xi32>
            %add3A_791 = arith.addi %select_n3A_181, %add3A_790 : vector<16xi32>
            tpu.vector_store_idx %arg8[%add3A_791, %iota3A], %gather3A_787 : memref<512x16xf32, #tpu.memory_space<vmem>>[vector<16xi32>, vector<16xi32>], vector<16xf32>,
            %add3A_792 = arith.constant 1024 : i32
            %add3A_793 = arith.addi %add3A_792, %mul3A_747 : i32
            %add3A_794 = vector.broadcast %add3A_793 : i32 to vector<16xi32>
            %add3A_795 = arith.addi %add3A_462, %add3A_794 : vector<16xi32>
            %gather3A_796 = tpu.vector_load_idx %arg7[%add3A_795] : memref<16384xf32, #tpu.memory_space<vmem>>[vector<16xi32>], vector<16xf32>,
            %add3A_797 = arith.constant 128 : i32
            %add3A_798 = arith.addi %add3A_797, %mul3A_747 : i32
            %add3A_799 = vector.broadcast %add3A_798 : i32 to vector<16xi32>
            %add3A_800 = arith.addi %select_n3A_206, %add3A_799 : vector<16xi32>
            tpu.vector_store_idx %arg8[%add3A_800, %iota3A], %gather3A_796 : memref<512x16xf32, #tpu.memory_space<vmem>>[vector<16xi32>, vector<16xi32>], vector<16xf32>,
            %add3A_801 = arith.constant 1024 : i32
            %add3A_802 = arith.addi %add3A_801, %mul3A_747 : i32
            %add3A_803 = vector.broadcast %add3A_802 : i32 to vector<16xi32>
            %add3A_804 = arith.addi %add3A_463, %add3A_803 : vector<16xi32>
            %gather3A_805 = tpu.vector_load_idx %arg7[%add3A_804] : memref<16384xf32, #tpu.memory_space<vmem>>[vector<16xi32>], vector<16xf32>,
            %add3A_806 = arith.constant 128 : i32
            %add3A_807 = arith.addi %add3A_806, %mul3A_747 : i32
            %add3A_808 = vector.broadcast %add3A_807 : i32 to vector<16xi32>
            %add3A_809 = arith.addi %select_n3A_231, %add3A_808 : vector<16xi32>
            tpu.vector_store_idx %arg8[%add3A_809, %iota3A], %gather3A_805 : memref<512x16xf32, #tpu.memory_space<vmem>>[vector<16xi32>, vector<16xi32>], vector<16xf32>,
            %add3A_810 = arith.constant 1024 : i32
            %add3A_811 = arith.addi %add3A_810, %mul3A_747 : i32
            %add3A_812 = vector.broadcast %add3A_811 : i32 to vector<16xi32>
            %add3A_813 = arith.addi %add3A_464, %add3A_812 : vector<16xi32>
            %gather3A_814 = tpu.vector_load_idx %arg7[%add3A_813] : memref<16384xf32, #tpu.memory_space<vmem>>[vector<16xi32>], vector<16xf32>,
            %add3A_815 = arith.constant 128 : i32
            %add3A_816 = arith.addi %add3A_815, %mul3A_747 : i32
            %add3A_817 = vector.broadcast %add3A_816 : i32 to vector<16xi32>
            %add3A_818 = arith.addi %select_n3A_256, %add3A_817 : vector<16xi32>
            tpu.vector_store_idx %arg8[%add3A_818, %iota3A], %gather3A_814 : memref<512x16xf32, #tpu.memory_space<vmem>>[vector<16xi32>, vector<16xi32>], vector<16xf32>,
            %add3A_819 = arith.constant 1024 : i32
            %add3A_820 = arith.addi %add3A_819, %mul3A_747 : i32
            %add3A_821 = vector.broadcast %add3A_820 : i32 to vector<16xi32>
            %add3A_822 = arith.addi %add3A_465, %add3A_821 : vector<16xi32>
            %gather3A_823 = tpu.vector_load_idx %arg7[%add3A_822] : memref<16384xf32, #tpu.memory_space<vmem>>[vector<16xi32>], vector<16xf32>,
            %add3A_824 = arith.constant 128 : i32
            %add3A_825 = arith.addi %add3A_824, %mul3A_747 : i32
            %add3A_826 = vector.broadcast %add3A_825 : i32 to vector<16xi32>
            %add3A_827 = arith.addi %select_n3A_281, %add3A_826 : vector<16xi32>
            tpu.vector_store_idx %arg8[%add3A_827, %iota3A], %gather3A_823 : memref<512x16xf32, #tpu.memory_space<vmem>>[vector<16xi32>, vector<16xi32>], vector<16xf32>,
            %add3A_828 = arith.constant 1024 : i32
            %add3A_829 = arith.addi %add3A_828, %mul3A_747 : i32
            %add3A_830 = vector.broadcast %add3A_829 : i32 to vector<16xi32>
            %add3A_831 = arith.addi %add3A_466, %add3A_830 : vector<16xi32>
            %gather3A_832 = tpu.vector_load_idx %arg7[%add3A_831] : memref<16384xf32, #tpu.memory_space<vmem>>[vector<16xi32>], vector<16xf32>,
            %add3A_833 = arith.constant 128 : i32
            %add3A_834 = arith.addi %add3A_833, %mul3A_747 : i32
            %add3A_835 = vector.broadcast %add3A_834 : i32 to vector<16xi32>
            %add3A_836 = arith.addi %select_n3A_306, %add3A_835 : vector<16xi32>
            tpu.vector_store_idx %arg8[%add3A_836, %iota3A], %gather3A_832 : memref<512x16xf32, #tpu.memory_space<vmem>>[vector<16xi32>, vector<16xi32>], vector<16xf32>,
            %add3A_837 = arith.constant 1024 : i32
            %add3A_838 = arith.addi %add3A_837, %mul3A_747 : i32
            %add3A_839 = vector.broadcast %add3A_838 : i32 to vector<16xi32>
            %add3A_840 = arith.addi %add3A_467, %add3A_839 : vector<16xi32>
            %gather3A_841 = tpu.vector_load_idx %arg7[%add3A_840] : memref<16384xf32, #tpu.memory_space<vmem>>[vector<16xi32>], vector<16xf32>,
            %add3A_842 = arith.constant 128 : i32
            %add3A_843 = arith.addi %add3A_842, %mul3A_747 : i32
            %add3A_844 = vector.broadcast %add3A_843 : i32 to vector<16xi32>
            %add3A_845 = arith.addi %select_n3A_331, %add3A_844 : vector<16xi32>
            tpu.vector_store_idx %arg8[%add3A_845, %iota3A], %gather3A_841 : memref<512x16xf32, #tpu.memory_space<vmem>>[vector<16xi32>, vector<16xi32>], vector<16xf32>,
            %add3A_846 = arith.constant 1024 : i32
            %add3A_847 = arith.addi %add3A_846, %mul3A_747 : i32
            %add3A_848 = vector.broadcast %add3A_847 : i32 to vector<16xi32>
            %add3A_849 = arith.addi %add3A_468, %add3A_848 : vector<16xi32>
            %gather3A_850 = tpu.vector_load_idx %arg7[%add3A_849] : memref<16384xf32, #tpu.memory_space<vmem>>[vector<16xi32>], vector<16xf32>,
            %add3A_851 = arith.constant 128 : i32
            %add3A_852 = arith.addi %add3A_851, %mul3A_747 : i32
            %add3A_853 = vector.broadcast %add3A_852 : i32 to vector<16xi32>
            %add3A_854 = arith.addi %select_n3A_356, %add3A_853 : vector<16xi32>
            tpu.vector_store_idx %arg8[%add3A_854, %iota3A], %gather3A_850 : memref<512x16xf32, #tpu.memory_space<vmem>>[vector<16xi32>, vector<16xi32>], vector<16xf32>,
            %add3A_855 = arith.constant 1024 : i32
            %add3A_856 = arith.addi %add3A_855, %mul3A_747 : i32
            %add3A_857 = vector.broadcast %add3A_856 : i32 to vector<16xi32>
            %add3A_858 = arith.addi %add3A_469, %add3A_857 : vector<16xi32>
            %gather3A_859 = tpu.vector_load_idx %arg7[%add3A_858] : memref<16384xf32, #tpu.memory_space<vmem>>[vector<16xi32>], vector<16xf32>,
            %add3A_860 = arith.constant 128 : i32
            %add3A_861 = arith.addi %add3A_860, %mul3A_747 : i32
            %add3A_862 = vector.broadcast %add3A_861 : i32 to vector<16xi32>
            %add3A_863 = arith.addi %select_n3A_381, %add3A_862 : vector<16xi32>
            tpu.vector_store_idx %arg8[%add3A_863, %iota3A], %gather3A_859 : memref<512x16xf32, #tpu.memory_space<vmem>>[vector<16xi32>, vector<16xi32>], vector<16xf32>,
            %add3A_864 = arith.constant 1024 : i32
            %add3A_865 = arith.addi %add3A_864, %mul3A_747 : i32
            %add3A_866 = vector.broadcast %add3A_865 : i32 to vector<16xi32>
            %add3A_867 = arith.addi %add3A_470, %add3A_866 : vector<16xi32>
            %gather3A_868 = tpu.vector_load_idx %arg7[%add3A_867] : memref<16384xf32, #tpu.memory_space<vmem>>[vector<16xi32>], vector<16xf32>,
            %add3A_869 = arith.constant 128 : i32
            %add3A_870 = arith.addi %add3A_869, %mul3A_747 : i32
            %add3A_871 = vector.broadcast %add3A_870 : i32 to vector<16xi32>
            %add3A_872 = arith.addi %select_n3A_406, %add3A_871 : vector<16xi32>
            tpu.vector_store_idx %arg8[%add3A_872, %iota3A], %gather3A_868 : memref<512x16xf32, #tpu.memory_space<vmem>>[vector<16xi32>, vector<16xi32>], vector<16xf32>,
            %add3A_873 = arith.constant 1024 : i32
            %add3A_874 = arith.addi %add3A_873, %mul3A_747 : i32
            %add3A_875 = vector.broadcast %add3A_874 : i32 to vector<16xi32>
            %add3A_876 = arith.addi %add3A_471, %add3A_875 : vector<16xi32>
            %gather3A_877 = tpu.vector_load_idx %arg7[%add3A_876] : memref<16384xf32, #tpu.memory_space<vmem>>[vector<16xi32>], vector<16xf32>,
            %add3A_878 = arith.constant 128 : i32
            %add3A_879 = arith.addi %add3A_878, %mul3A_747 : i32
            %add3A_880 = vector.broadcast %add3A_879 : i32 to vector<16xi32>
            %add3A_881 = arith.addi %select_n3A_431, %add3A_880 : vector<16xi32>
            tpu.vector_store_idx %arg8[%add3A_881, %iota3A], %gather3A_877 : memref<512x16xf32, #tpu.memory_space<vmem>>[vector<16xi32>, vector<16xi32>], vector<16xf32>,
            %add3A_882 = arith.constant 1024 : i32
            %add3A_883 = arith.addi %add3A_882, %mul3A_747 : i32
            %add3A_884 = vector.broadcast %add3A_883 : i32 to vector<16xi32>
            %add3A_885 = arith.addi %add3A_472, %add3A_884 : vector<16xi32>
            %gather3A_886 = tpu.vector_load_idx %arg7[%add3A_885] : memref<16384xf32, #tpu.memory_space<vmem>>[vector<16xi32>], vector<16xf32>,
            %add3A_887 = arith.constant 128 : i32
            %add3A_888 = arith.addi %add3A_887, %mul3A_747 : i32
            %add3A_889 = vector.broadcast %add3A_888 : i32 to vector<16xi32>
            %add3A_890 = arith.addi %select_n3A_456, %add3A_889 : vector<16xi32>
            tpu.vector_store_idx %arg8[%add3A_890, %iota3A], %gather3A_886 : memref<512x16xf32, #tpu.memory_space<vmem>>[vector<16xi32>, vector<16xi32>], vector<16xf32>,
          }
          %scan3A_722 = arith.constant 8 : i32
          %dma_start3A_723 = arith.constant 0 : i32
          %dma_start3A_724 = arith.constant 1 : i32
          %dma_start3A_725 = arith.constant 128 : i32
          %dma_start3A_726 = arith.constant 0 : i32
          %dma_start3A_727 = tpu.memref_slice %arg8[%dma_start3A_725, %dma_start3A_726] : memref<512x16xf32, #tpu.memory_space<vmem>> -> memref<128x16xf32, #tpu.memory_space<vmem>>
          %dma_start3A_728 = arith.constant 0 : i32
          %dma_start3A_729 = tpu.memref_slice %arg9[%dma_start3A_723, %dma_start3A_724, %dma_start3A_728] : memref<2x4x128xi32, #tpu.memory_space<vmem>> -> memref<1x1x128xi32, #tpu.memory_space<vmem>>
          %dma_start3A_730 = tpu.memref_squeeze %dma_start3A_729 : memref<1x1x128xi32, #tpu.memory_space<vmem>> -> memref<128xi32, #tpu.memory_space<vmem>>
          %dma_start3A_731 = arith.constant 0 : i32
          %dma_start3A_732 = arith.constant 0 : i32
          %dma_start3A_733 = tpu.memref_slice %arg11[%dma_start3A_731, %dma_start3A_732] : memref<100000x16xf32, #tpu.memory_space<vmem_shared>> -> memref<100000x16xf32, #tpu.memory_space<vmem_shared>>
          tpu.enqueue_indirect_dma source(%dma_start3A_727 : memref<128x16xf32, #tpu.memory_space<vmem>>) target(%dma_start3A_733 : memref<100000x16xf32, #tpu.memory_space<vmem_shared>>) offsets(%dma_start3A_730 : memref<128xi32, #tpu.memory_space<vmem>>) semaphore(%arg14 : memref<!tpu.dma_semaphore, #tpu.memory_space<semaphore_mem>>) {add = true}
          %dma_start3A_734 = arith.constant 0 : i32
          %dma_start3A_735 = arith.constant 1 : i32
          %dma_start3A_736 = arith.constant 128 : i32
          %dma_start3A_737 = arith.constant 0 : i32
          %dma_start3A_738 = tpu.memref_slice %arg8[%dma_start3A_736, %dma_start3A_737] : memref<512x16xf32, #tpu.memory_space<vmem>> -> memref<128x16xf32, #tpu.memory_space<vmem>>
          %dma_start3A_739 = arith.constant 0 : i32
          %dma_start3A_740 = tpu.memref_slice %arg10[%dma_start3A_734, %dma_start3A_735, %dma_start3A_739] : memref<2x4x128xi32, #tpu.memory_space<vmem>> -> memref<1x1x128xi32, #tpu.memory_space<vmem>>
          %dma_start3A_741 = tpu.memref_squeeze %dma_start3A_740 : memref<1x1x128xi32, #tpu.memory_space<vmem>> -> memref<128xi32, #tpu.memory_space<vmem>>
          %dma_start3A_742 = arith.constant 0 : i32
          %dma_start3A_743 = arith.constant 0 : i32
          %dma_start3A_744 = tpu.memref_slice %arg11[%dma_start3A_742, %dma_start3A_743] : memref<100000x16xf32, #tpu.memory_space<vmem_shared>> -> memref<100000x16xf32, #tpu.memory_space<vmem_shared>>
          tpu.enqueue_indirect_dma source(%dma_start3A_738 : memref<128x16xf32, #tpu.memory_space<vmem>>) target(%dma_start3A_744 : memref<100000x16xf32, #tpu.memory_space<vmem_shared>>) offsets(%dma_start3A_741 : memref<128xi32, #tpu.memory_space<vmem>>) semaphore(%arg14 : memref<!tpu.dma_semaphore, #tpu.memory_space<semaphore_mem>>) {add = true}
        } else {
        }
        %add3A_700 = arith.constant 2 : i32
        %add3A_701 = arith.addi %add3A_586, %add3A_700 : i32
        %lt3A_702 = arith.constant 25000 : i32
        %lt3A_703 = arith.cmpi slt, %add3A_701, %lt3A_702 : i32
        %convert_element_type3A_704 = arith.extui %lt3A_703 : i1 to i32
        %cond3A_705 = arith.constant 0 : i32
        %cond3A_706 = arith.cmpi ne, %convert_element_type3A_704, %cond3A_705 : i32
        scf.if %cond3A_706 {
          %gt3A = arith.constant 0 : i32
          %gt3A_714 = arith.cmpi sgt, %add3A_583, %gt3A : i32
          %convert_element_type3A_715 = arith.extui %gt3A_714 : i1 to i32
          %cond3A_716 = arith.constant 0 : i32
          %cond3A_717 = arith.cmpi ne, %convert_element_type3A_715, %cond3A_716 : i32
          scf.if %cond3A_717 {
            %dma_wait3A_745 = arith.constant 384 : i32
            %dma_wait3A_746 = arith.constant 0 : i32
            %dma_wait3A_747 = tpu.memref_slice %arg8[%dma_wait3A_745, %dma_wait3A_746] : memref<512x16xf32, #tpu.memory_space<vmem>> -> memref<128x16xf32, #tpu.memory_space<vmem>>
            %dma_wait3A_748 = arith.constant 0 : i32
            %dma_wait3A_749 = arith.constant 0 : i32
            %dma_wait3A_750 = tpu.memref_slice %arg5[%dma_wait3A_748, %dma_wait3A_749] : memref<100000x16xf32, #tpu.memory_space<hbm>> -> memref<128x16xf32, #tpu.memory_space<hbm>>
            %dma_wait3A_751 = arith.constant 384 : i32
            %dma_wait3A_752 = arith.constant 0 : i32
            %dma_wait3A_753 = tpu.memref_slice %arg8[%dma_wait3A_751, %dma_wait3A_752] : memref<512x16xf32, #tpu.memory_space<vmem>> -> memref<128x16xf32, #tpu.memory_space<vmem>>
            %dma_wait3A_754 = arith.constant 0 : i32
            %dma_wait3A_755 = arith.constant 0 : i32
            %dma_wait3A_756 = tpu.memref_slice %arg5[%dma_wait3A_754, %dma_wait3A_755] : memref<100000x16xf32, #tpu.memory_space<hbm>> -> memref<128x16xf32, #tpu.memory_space<hbm>>
            tpu.wait_dma2 semaphore(%arg15 : memref<!tpu.dma_semaphore, #tpu.memory_space<semaphore_mem>>) src(%dma_wait3A_756 : memref<128x16xf32, #tpu.memory_space<hbm>>) dst(%dma_wait3A_753 : memref<128x16xf32, #tpu.memory_space<vmem>>)
            %dma_wait3A_757 = arith.constant 384 : i32
            %dma_wait3A_758 = arith.constant 0 : i32
            %dma_wait3A_759 = tpu.memref_slice %arg8[%dma_wait3A_757, %dma_wait3A_758] : memref<512x16xf32, #tpu.memory_space<vmem>> -> memref<128x16xf32, #tpu.memory_space<vmem>>
            %dma_wait3A_760 = arith.constant 0 : i32
            %dma_wait3A_761 = arith.constant 0 : i32
            %dma_wait3A_762 = tpu.memref_slice %arg5[%dma_wait3A_760, %dma_wait3A_761] : memref<100000x16xf32, #tpu.memory_space<hbm>> -> memref<128x16xf32, #tpu.memory_space<hbm>>
            %dma_wait3A_763 = arith.constant 384 : i32
            %dma_wait3A_764 = arith.constant 0 : i32
            %dma_wait3A_765 = tpu.memref_slice %arg8[%dma_wait3A_763, %dma_wait3A_764] : memref<512x16xf32, #tpu.memory_space<vmem>> -> memref<128x16xf32, #tpu.memory_space<vmem>>
            %dma_wait3A_766 = arith.constant 0 : i32
            %dma_wait3A_767 = arith.constant 0 : i32
            %dma_wait3A_768 = tpu.memref_slice %arg5[%dma_wait3A_766, %dma_wait3A_767] : memref<100000x16xf32, #tpu.memory_space<hbm>> -> memref<128x16xf32, #tpu.memory_space<hbm>>
            tpu.wait_dma2 semaphore(%arg15 : memref<!tpu.dma_semaphore, #tpu.memory_space<semaphore_mem>>) src(%dma_wait3A_768 : memref<128x16xf32, #tpu.memory_space<hbm>>) dst(%dma_wait3A_765 : memref<128x16xf32, #tpu.memory_space<vmem>>)
          } else {
          }
          %scan3A_718 = arith.constant 0 : i32
          %scan3A_719 = arith.constant 8 : i32
          %scan3A_720 = arith.addi %scan3A_718, %scan3A_719 : i32
          %scan3A_721 = arith.constant 1 : i32
          scf.for %scan3A_745 = %scan3A_718 to %scan3A_720 step %scan3A_721  : i32 {
            %mul3A_746 = arith.constant 16 : i32
            %mul3A_747 = arith.muli %scan3A_745, %mul3A_746 : i32
            %add3A_748 = arith.constant 2048 : i32
            %add3A_749 = arith.addi %add3A_748, %mul3A_747 : i32
            %add3A_750 = vector.broadcast %add3A_749 : i32 to vector<16xi32>
            %add3A_751 = arith.addi %add3A_457, %add3A_750 : vector<16xi32>
            %gather3A = tpu.vector_load_idx %arg7[%add3A_751] : memref<16384xf32, #tpu.memory_space<vmem>>[vector<16xi32>], vector<16xf32>,
            %add3A_752 = arith.constant 256 : i32
            %add3A_753 = arith.addi %add3A_752, %mul3A_747 : i32
            %add3A_754 = vector.broadcast %add3A_753 : i32 to vector<16xi32>
            %add3A_755 = arith.addi %select_n3A_81, %add3A_754 : vector<16xi32>
            tpu.vector_store_idx %arg8[%add3A_755, %iota3A], %gather3A : memref<512x16xf32, #tpu.memory_space<vmem>>[vector<16xi32>, vector<16xi32>], vector<16xf32>,
            %add3A_756 = arith.constant 2048 : i32
            %add3A_757 = arith.addi %add3A_756, %mul3A_747 : i32
            %add3A_758 = vector.broadcast %add3A_757 : i32 to vector<16xi32>
            %add3A_759 = arith.addi %add3A_458, %add3A_758 : vector<16xi32>
            %gather3A_760 = tpu.vector_load_idx %arg7[%add3A_759] : memref<16384xf32, #tpu.memory_space<vmem>>[vector<16xi32>], vector<16xf32>,
            %add3A_761 = arith.constant 256 : i32
            %add3A_762 = arith.addi %add3A_761, %mul3A_747 : i32
            %add3A_763 = vector.broadcast %add3A_762 : i32 to vector<16xi32>
            %add3A_764 = arith.addi %select_n3A_106, %add3A_763 : vector<16xi32>
            tpu.vector_store_idx %arg8[%add3A_764, %iota3A], %gather3A_760 : memref<512x16xf32, #tpu.memory_space<vmem>>[vector<16xi32>, vector<16xi32>], vector<16xf32>,
            %add3A_765 = arith.constant 2048 : i32
            %add3A_766 = arith.addi %add3A_765, %mul3A_747 : i32
            %add3A_767 = vector.broadcast %add3A_766 : i32 to vector<16xi32>
            %add3A_768 = arith.addi %add3A_459, %add3A_767 : vector<16xi32>
            %gather3A_769 = tpu.vector_load_idx %arg7[%add3A_768] : memref<16384xf32, #tpu.memory_space<vmem>>[vector<16xi32>], vector<16xf32>,
            %add3A_770 = arith.constant 256 : i32
            %add3A_771 = arith.addi %add3A_770, %mul3A_747 : i32
            %add3A_772 = vector.broadcast %add3A_771 : i32 to vector<16xi32>
            %add3A_773 = arith.addi %select_n3A_131, %add3A_772 : vector<16xi32>
            tpu.vector_store_idx %arg8[%add3A_773, %iota3A], %gather3A_769 : memref<512x16xf32, #tpu.memory_space<vmem>>[vector<16xi32>, vector<16xi32>], vector<16xf32>,
            %add3A_774 = arith.constant 2048 : i32
            %add3A_775 = arith.addi %add3A_774, %mul3A_747 : i32
            %add3A_776 = vector.broadcast %add3A_775 : i32 to vector<16xi32>
            %add3A_777 = arith.addi %add3A_460, %add3A_776 : vector<16xi32>
            %gather3A_778 = tpu.vector_load_idx %arg7[%add3A_777] : memref<16384xf32, #tpu.memory_space<vmem>>[vector<16xi32>], vector<16xf32>,
            %add3A_779 = arith.constant 256 : i32
            %add3A_780 = arith.addi %add3A_779, %mul3A_747 : i32
            %add3A_781 = vector.broadcast %add3A_780 : i32 to vector<16xi32>
            %add3A_782 = arith.addi %select_n3A_156, %add3A_781 : vector<16xi32>
            tpu.vector_store_idx %arg8[%add3A_782, %iota3A], %gather3A_778 : memref<512x16xf32, #tpu.memory_space<vmem>>[vector<16xi32>, vector<16xi32>], vector<16xf32>,
            %add3A_783 = arith.constant 2048 : i32
            %add3A_784 = arith.addi %add3A_783, %mul3A_747 : i32
            %add3A_785 = vector.broadcast %add3A_784 : i32 to vector<16xi32>
            %add3A_786 = arith.addi %add3A_461, %add3A_785 : vector<16xi32>
            %gather3A_787 = tpu.vector_load_idx %arg7[%add3A_786] : memref<16384xf32, #tpu.memory_space<vmem>>[vector<16xi32>], vector<16xf32>,
            %add3A_788 = arith.constant 256 : i32
            %add3A_789 = arith.addi %add3A_788, %mul3A_747 : i32
            %add3A_790 = vector.broadcast %add3A_789 : i32 to vector<16xi32>
            %add3A_791 = arith.addi %select_n3A_181, %add3A_790 : vector<16xi32>
            tpu.vector_store_idx %arg8[%add3A_791, %iota3A], %gather3A_787 : memref<512x16xf32, #tpu.memory_space<vmem>>[vector<16xi32>, vector<16xi32>], vector<16xf32>,
            %add3A_792 = arith.constant 2048 : i32
            %add3A_793 = arith.addi %add3A_792, %mul3A_747 : i32
            %add3A_794 = vector.broadcast %add3A_793 : i32 to vector<16xi32>
            %add3A_795 = arith.addi %add3A_462, %add3A_794 : vector<16xi32>
            %gather3A_796 = tpu.vector_load_idx %arg7[%add3A_795] : memref<16384xf32, #tpu.memory_space<vmem>>[vector<16xi32>], vector<16xf32>,
            %add3A_797 = arith.constant 256 : i32
            %add3A_798 = arith.addi %add3A_797, %mul3A_747 : i32
            %add3A_799 = vector.broadcast %add3A_798 : i32 to vector<16xi32>
            %add3A_800 = arith.addi %select_n3A_206, %add3A_799 : vector<16xi32>
            tpu.vector_store_idx %arg8[%add3A_800, %iota3A], %gather3A_796 : memref<512x16xf32, #tpu.memory_space<vmem>>[vector<16xi32>, vector<16xi32>], vector<16xf32>,
            %add3A_801 = arith.constant 2048 : i32
            %add3A_802 = arith.addi %add3A_801, %mul3A_747 : i32
            %add3A_803 = vector.broadcast %add3A_802 : i32 to vector<16xi32>
            %add3A_804 = arith.addi %add3A_463, %add3A_803 : vector<16xi32>
            %gather3A_805 = tpu.vector_load_idx %arg7[%add3A_804] : memref<16384xf32, #tpu.memory_space<vmem>>[vector<16xi32>], vector<16xf32>,
            %add3A_806 = arith.constant 256 : i32
            %add3A_807 = arith.addi %add3A_806, %mul3A_747 : i32
            %add3A_808 = vector.broadcast %add3A_807 : i32 to vector<16xi32>
            %add3A_809 = arith.addi %select_n3A_231, %add3A_808 : vector<16xi32>
            tpu.vector_store_idx %arg8[%add3A_809, %iota3A], %gather3A_805 : memref<512x16xf32, #tpu.memory_space<vmem>>[vector<16xi32>, vector<16xi32>], vector<16xf32>,
            %add3A_810 = arith.constant 2048 : i32
            %add3A_811 = arith.addi %add3A_810, %mul3A_747 : i32
            %add3A_812 = vector.broadcast %add3A_811 : i32 to vector<16xi32>
            %add3A_813 = arith.addi %add3A_464, %add3A_812 : vector<16xi32>
            %gather3A_814 = tpu.vector_load_idx %arg7[%add3A_813] : memref<16384xf32, #tpu.memory_space<vmem>>[vector<16xi32>], vector<16xf32>,
            %add3A_815 = arith.constant 256 : i32
            %add3A_816 = arith.addi %add3A_815, %mul3A_747 : i32
            %add3A_817 = vector.broadcast %add3A_816 : i32 to vector<16xi32>
            %add3A_818 = arith.addi %select_n3A_256, %add3A_817 : vector<16xi32>
            tpu.vector_store_idx %arg8[%add3A_818, %iota3A], %gather3A_814 : memref<512x16xf32, #tpu.memory_space<vmem>>[vector<16xi32>, vector<16xi32>], vector<16xf32>,
            %add3A_819 = arith.constant 2048 : i32
            %add3A_820 = arith.addi %add3A_819, %mul3A_747 : i32
            %add3A_821 = vector.broadcast %add3A_820 : i32 to vector<16xi32>
            %add3A_822 = arith.addi %add3A_465, %add3A_821 : vector<16xi32>
            %gather3A_823 = tpu.vector_load_idx %arg7[%add3A_822] : memref<16384xf32, #tpu.memory_space<vmem>>[vector<16xi32>], vector<16xf32>,
            %add3A_824 = arith.constant 256 : i32
            %add3A_825 = arith.addi %add3A_824, %mul3A_747 : i32
            %add3A_826 = vector.broadcast %add3A_825 : i32 to vector<16xi32>
            %add3A_827 = arith.addi %select_n3A_281, %add3A_826 : vector<16xi32>
            tpu.vector_store_idx %arg8[%add3A_827, %iota3A], %gather3A_823 : memref<512x16xf32, #tpu.memory_space<vmem>>[vector<16xi32>, vector<16xi32>], vector<16xf32>,
            %add3A_828 = arith.constant 2048 : i32
            %add3A_829 = arith.addi %add3A_828, %mul3A_747 : i32
            %add3A_830 = vector.broadcast %add3A_829 : i32 to vector<16xi32>
            %add3A_831 = arith.addi %add3A_466, %add3A_830 : vector<16xi32>
            %gather3A_832 = tpu.vector_load_idx %arg7[%add3A_831] : memref<16384xf32, #tpu.memory_space<vmem>>[vector<16xi32>], vector<16xf32>,
            %add3A_833 = arith.constant 256 : i32
            %add3A_834 = arith.addi %add3A_833, %mul3A_747 : i32
            %add3A_835 = vector.broadcast %add3A_834 : i32 to vector<16xi32>
            %add3A_836 = arith.addi %select_n3A_306, %add3A_835 : vector<16xi32>
            tpu.vector_store_idx %arg8[%add3A_836, %iota3A], %gather3A_832 : memref<512x16xf32, #tpu.memory_space<vmem>>[vector<16xi32>, vector<16xi32>], vector<16xf32>,
            %add3A_837 = arith.constant 2048 : i32
            %add3A_838 = arith.addi %add3A_837, %mul3A_747 : i32
            %add3A_839 = vector.broadcast %add3A_838 : i32 to vector<16xi32>
            %add3A_840 = arith.addi %add3A_467, %add3A_839 : vector<16xi32>
            %gather3A_841 = tpu.vector_load_idx %arg7[%add3A_840] : memref<16384xf32, #tpu.memory_space<vmem>>[vector<16xi32>], vector<16xf32>,
            %add3A_842 = arith.constant 256 : i32
            %add3A_843 = arith.addi %add3A_842, %mul3A_747 : i32
            %add3A_844 = vector.broadcast %add3A_843 : i32 to vector<16xi32>
            %add3A_845 = arith.addi %select_n3A_331, %add3A_844 : vector<16xi32>
            tpu.vector_store_idx %arg8[%add3A_845, %iota3A], %gather3A_841 : memref<512x16xf32, #tpu.memory_space<vmem>>[vector<16xi32>, vector<16xi32>], vector<16xf32>,
            %add3A_846 = arith.constant 2048 : i32
            %add3A_847 = arith.addi %add3A_846, %mul3A_747 : i32
            %add3A_848 = vector.broadcast %add3A_847 : i32 to vector<16xi32>
            %add3A_849 = arith.addi %add3A_468, %add3A_848 : vector<16xi32>
            %gather3A_850 = tpu.vector_load_idx %arg7[%add3A_849] : memref<16384xf32, #tpu.memory_space<vmem>>[vector<16xi32>], vector<16xf32>,
            %add3A_851 = arith.constant 256 : i32
            %add3A_852 = arith.addi %add3A_851, %mul3A_747 : i32
            %add3A_853 = vector.broadcast %add3A_852 : i32 to vector<16xi32>
            %add3A_854 = arith.addi %select_n3A_356, %add3A_853 : vector<16xi32>
            tpu.vector_store_idx %arg8[%add3A_854, %iota3A], %gather3A_850 : memref<512x16xf32, #tpu.memory_space<vmem>>[vector<16xi32>, vector<16xi32>], vector<16xf32>,
            %add3A_855 = arith.constant 2048 : i32
            %add3A_856 = arith.addi %add3A_855, %mul3A_747 : i32
            %add3A_857 = vector.broadcast %add3A_856 : i32 to vector<16xi32>
            %add3A_858 = arith.addi %add3A_469, %add3A_857 : vector<16xi32>
            %gather3A_859 = tpu.vector_load_idx %arg7[%add3A_858] : memref<16384xf32, #tpu.memory_space<vmem>>[vector<16xi32>], vector<16xf32>,
            %add3A_860 = arith.constant 256 : i32
            %add3A_861 = arith.addi %add3A_860, %mul3A_747 : i32
            %add3A_862 = vector.broadcast %add3A_861 : i32 to vector<16xi32>
            %add3A_863 = arith.addi %select_n3A_381, %add3A_862 : vector<16xi32>
            tpu.vector_store_idx %arg8[%add3A_863, %iota3A], %gather3A_859 : memref<512x16xf32, #tpu.memory_space<vmem>>[vector<16xi32>, vector<16xi32>], vector<16xf32>,
            %add3A_864 = arith.constant 2048 : i32
            %add3A_865 = arith.addi %add3A_864, %mul3A_747 : i32
            %add3A_866 = vector.broadcast %add3A_865 : i32 to vector<16xi32>
            %add3A_867 = arith.addi %add3A_470, %add3A_866 : vector<16xi32>
            %gather3A_868 = tpu.vector_load_idx %arg7[%add3A_867] : memref<16384xf32, #tpu.memory_space<vmem>>[vector<16xi32>], vector<16xf32>,
            %add3A_869 = arith.constant 256 : i32
            %add3A_870 = arith.addi %add3A_869, %mul3A_747 : i32
            %add3A_871 = vector.broadcast %add3A_870 : i32 to vector<16xi32>
            %add3A_872 = arith.addi %select_n3A_406, %add3A_871 : vector<16xi32>
            tpu.vector_store_idx %arg8[%add3A_872, %iota3A], %gather3A_868 : memref<512x16xf32, #tpu.memory_space<vmem>>[vector<16xi32>, vector<16xi32>], vector<16xf32>,
            %add3A_873 = arith.constant 2048 : i32
            %add3A_874 = arith.addi %add3A_873, %mul3A_747 : i32
            %add3A_875 = vector.broadcast %add3A_874 : i32 to vector<16xi32>
            %add3A_876 = arith.addi %add3A_471, %add3A_875 : vector<16xi32>
            %gather3A_877 = tpu.vector_load_idx %arg7[%add3A_876] : memref<16384xf32, #tpu.memory_space<vmem>>[vector<16xi32>], vector<16xf32>,
            %add3A_878 = arith.constant 256 : i32
            %add3A_879 = arith.addi %add3A_878, %mul3A_747 : i32
            %add3A_880 = vector.broadcast %add3A_879 : i32 to vector<16xi32>
            %add3A_881 = arith.addi %select_n3A_431, %add3A_880 : vector<16xi32>
            tpu.vector_store_idx %arg8[%add3A_881, %iota3A], %gather3A_877 : memref<512x16xf32, #tpu.memory_space<vmem>>[vector<16xi32>, vector<16xi32>], vector<16xf32>,
            %add3A_882 = arith.constant 2048 : i32
            %add3A_883 = arith.addi %add3A_882, %mul3A_747 : i32
            %add3A_884 = vector.broadcast %add3A_883 : i32 to vector<16xi32>
            %add3A_885 = arith.addi %add3A_472, %add3A_884 : vector<16xi32>
            %gather3A_886 = tpu.vector_load_idx %arg7[%add3A_885] : memref<16384xf32, #tpu.memory_space<vmem>>[vector<16xi32>], vector<16xf32>,
            %add3A_887 = arith.constant 256 : i32
            %add3A_888 = arith.addi %add3A_887, %mul3A_747 : i32
            %add3A_889 = vector.broadcast %add3A_888 : i32 to vector<16xi32>
            %add3A_890 = arith.addi %select_n3A_456, %add3A_889 : vector<16xi32>
            tpu.vector_store_idx %arg8[%add3A_890, %iota3A], %gather3A_886 : memref<512x16xf32, #tpu.memory_space<vmem>>[vector<16xi32>, vector<16xi32>], vector<16xf32>,
          }
          %scan3A_722 = arith.constant 8 : i32
          %dma_start3A_723 = arith.constant 0 : i32
          %dma_start3A_724 = arith.constant 2 : i32
          %dma_start3A_725 = arith.constant 256 : i32
          %dma_start3A_726 = arith.constant 0 : i32
          %dma_start3A_727 = tpu.memref_slice %arg8[%dma_start3A_725, %dma_start3A_726] : memref<512x16xf32, #tpu.memory_space<vmem>> -> memref<128x16xf32, #tpu.memory_space<vmem>>
          %dma_start3A_728 = arith.constant 0 : i32
          %dma_start3A_729 = tpu.memref_slice %arg9[%dma_start3A_723, %dma_start3A_724, %dma_start3A_728] : memref<2x4x128xi32, #tpu.memory_space<vmem>> -> memref<1x1x128xi32, #tpu.memory_space<vmem>>
          %dma_start3A_730 = tpu.memref_squeeze %dma_start3A_729 : memref<1x1x128xi32, #tpu.memory_space<vmem>> -> memref<128xi32, #tpu.memory_space<vmem>>
          %dma_start3A_731 = arith.constant 0 : i32
          %dma_start3A_732 = arith.constant 0 : i32
          %dma_start3A_733 = tpu.memref_slice %arg11[%dma_start3A_731, %dma_start3A_732] : memref<100000x16xf32, #tpu.memory_space<vmem_shared>> -> memref<100000x16xf32, #tpu.memory_space<vmem_shared>>
          tpu.enqueue_indirect_dma source(%dma_start3A_727 : memref<128x16xf32, #tpu.memory_space<vmem>>) target(%dma_start3A_733 : memref<100000x16xf32, #tpu.memory_space<vmem_shared>>) offsets(%dma_start3A_730 : memref<128xi32, #tpu.memory_space<vmem>>) semaphore(%arg15 : memref<!tpu.dma_semaphore, #tpu.memory_space<semaphore_mem>>) {add = true}
          %dma_start3A_734 = arith.constant 0 : i32
          %dma_start3A_735 = arith.constant 2 : i32
          %dma_start3A_736 = arith.constant 256 : i32
          %dma_start3A_737 = arith.constant 0 : i32
          %dma_start3A_738 = tpu.memref_slice %arg8[%dma_start3A_736, %dma_start3A_737] : memref<512x16xf32, #tpu.memory_space<vmem>> -> memref<128x16xf32, #tpu.memory_space<vmem>>
          %dma_start3A_739 = arith.constant 0 : i32
          %dma_start3A_740 = tpu.memref_slice %arg10[%dma_start3A_734, %dma_start3A_735, %dma_start3A_739] : memref<2x4x128xi32, #tpu.memory_space<vmem>> -> memref<1x1x128xi32, #tpu.memory_space<vmem>>
          %dma_start3A_741 = tpu.memref_squeeze %dma_start3A_740 : memref<1x1x128xi32, #tpu.memory_space<vmem>> -> memref<128xi32, #tpu.memory_space<vmem>>
          %dma_start3A_742 = arith.constant 0 : i32
          %dma_start3A_743 = arith.constant 0 : i32
          %dma_start3A_744 = tpu.memref_slice %arg11[%dma_start3A_742, %dma_start3A_743] : memref<100000x16xf32, #tpu.memory_space<vmem_shared>> -> memref<100000x16xf32, #tpu.memory_space<vmem_shared>>
          tpu.enqueue_indirect_dma source(%dma_start3A_738 : memref<128x16xf32, #tpu.memory_space<vmem>>) target(%dma_start3A_744 : memref<100000x16xf32, #tpu.memory_space<vmem_shared>>) offsets(%dma_start3A_741 : memref<128xi32, #tpu.memory_space<vmem>>) semaphore(%arg15 : memref<!tpu.dma_semaphore, #tpu.memory_space<semaphore_mem>>) {add = true}
        } else {
        }
        %add3A_707 = arith.constant 3 : i32
        %add3A_708 = arith.addi %add3A_586, %add3A_707 : i32
        %lt3A_709 = arith.constant 25000 : i32
        %lt3A_710 = arith.cmpi slt, %add3A_708, %lt3A_709 : i32
        %convert_element_type3A_711 = arith.extui %lt3A_710 : i1 to i32
        %cond3A_712 = arith.constant 0 : i32
        %cond3A_713 = arith.cmpi ne, %convert_element_type3A_711, %cond3A_712 : i32
        scf.if %cond3A_713 {
          %gt3A = arith.constant 0 : i32
          %gt3A_714 = arith.cmpi sgt, %add3A_583, %gt3A : i32
          %convert_element_type3A_715 = arith.extui %gt3A_714 : i1 to i32
          %cond3A_716 = arith.constant 0 : i32
          %cond3A_717 = arith.cmpi ne, %convert_element_type3A_715, %cond3A_716 : i32
          scf.if %cond3A_717 {
            %dma_wait3A_745 = arith.constant 0 : i32
            %dma_wait3A_746 = arith.constant 0 : i32
            %dma_wait3A_747 = tpu.memref_slice %arg8[%dma_wait3A_745, %dma_wait3A_746] : memref<512x16xf32, #tpu.memory_space<vmem>> -> memref<128x16xf32, #tpu.memory_space<vmem>>
            %dma_wait3A_748 = arith.constant 0 : i32
            %dma_wait3A_749 = arith.constant 0 : i32
            %dma_wait3A_750 = tpu.memref_slice %arg5[%dma_wait3A_748, %dma_wait3A_749] : memref<100000x16xf32, #tpu.memory_space<hbm>> -> memref<128x16xf32, #tpu.memory_space<hbm>>
            %dma_wait3A_751 = arith.constant 0 : i32
            %dma_wait3A_752 = arith.constant 0 : i32
            %dma_wait3A_753 = tpu.memref_slice %arg8[%dma_wait3A_751, %dma_wait3A_752] : memref<512x16xf32, #tpu.memory_space<vmem>> -> memref<128x16xf32, #tpu.memory_space<vmem>>
            %dma_wait3A_754 = arith.constant 0 : i32
            %dma_wait3A_755 = arith.constant 0 : i32
            %dma_wait3A_756 = tpu.memref_slice %arg5[%dma_wait3A_754, %dma_wait3A_755] : memref<100000x16xf32, #tpu.memory_space<hbm>> -> memref<128x16xf32, #tpu.memory_space<hbm>>
            tpu.wait_dma2 semaphore(%arg16 : memref<!tpu.dma_semaphore, #tpu.memory_space<semaphore_mem>>) src(%dma_wait3A_756 : memref<128x16xf32, #tpu.memory_space<hbm>>) dst(%dma_wait3A_753 : memref<128x16xf32, #tpu.memory_space<vmem>>)
            %dma_wait3A_757 = arith.constant 0 : i32
            %dma_wait3A_758 = arith.constant 0 : i32
            %dma_wait3A_759 = tpu.memref_slice %arg8[%dma_wait3A_757, %dma_wait3A_758] : memref<512x16xf32, #tpu.memory_space<vmem>> -> memref<128x16xf32, #tpu.memory_space<vmem>>
            %dma_wait3A_760 = arith.constant 0 : i32
            %dma_wait3A_761 = arith.constant 0 : i32
            %dma_wait3A_762 = tpu.memref_slice %arg5[%dma_wait3A_760, %dma_wait3A_761] : memref<100000x16xf32, #tpu.memory_space<hbm>> -> memref<128x16xf32, #tpu.memory_space<hbm>>
            %dma_wait3A_763 = arith.constant 0 : i32
            %dma_wait3A_764 = arith.constant 0 : i32
            %dma_wait3A_765 = tpu.memref_slice %arg8[%dma_wait3A_763, %dma_wait3A_764] : memref<512x16xf32, #tpu.memory_space<vmem>> -> memref<128x16xf32, #tpu.memory_space<vmem>>
            %dma_wait3A_766 = arith.constant 0 : i32
            %dma_wait3A_767 = arith.constant 0 : i32
            %dma_wait3A_768 = tpu.memref_slice %arg5[%dma_wait3A_766, %dma_wait3A_767] : memref<100000x16xf32, #tpu.memory_space<hbm>> -> memref<128x16xf32, #tpu.memory_space<hbm>>
            tpu.wait_dma2 semaphore(%arg16 : memref<!tpu.dma_semaphore, #tpu.memory_space<semaphore_mem>>) src(%dma_wait3A_768 : memref<128x16xf32, #tpu.memory_space<hbm>>) dst(%dma_wait3A_765 : memref<128x16xf32, #tpu.memory_space<vmem>>)
          } else {
          }
          %scan3A_718 = arith.constant 0 : i32
          %scan3A_719 = arith.constant 8 : i32
          %scan3A_720 = arith.addi %scan3A_718, %scan3A_719 : i32
          %scan3A_721 = arith.constant 1 : i32
          scf.for %scan3A_745 = %scan3A_718 to %scan3A_720 step %scan3A_721  : i32 {
            %mul3A_746 = arith.constant 16 : i32
            %mul3A_747 = arith.muli %scan3A_745, %mul3A_746 : i32
            %add3A_748 = arith.constant 3072 : i32
            %add3A_749 = arith.addi %add3A_748, %mul3A_747 : i32
            %add3A_750 = vector.broadcast %add3A_749 : i32 to vector<16xi32>
            %add3A_751 = arith.addi %add3A_457, %add3A_750 : vector<16xi32>
            %gather3A = tpu.vector_load_idx %arg7[%add3A_751] : memref<16384xf32, #tpu.memory_space<vmem>>[vector<16xi32>], vector<16xf32>,
            %add3A_752 = arith.constant 384 : i32
            %add3A_753 = arith.addi %add3A_752, %mul3A_747 : i32
            %add3A_754 = vector.broadcast %add3A_753 : i32 to vector<16xi32>
            %add3A_755 = arith.addi %select_n3A_81, %add3A_754 : vector<16xi32>
            tpu.vector_store_idx %arg8[%add3A_755, %iota3A], %gather3A : memref<512x16xf32, #tpu.memory_space<vmem>>[vector<16xi32>, vector<16xi32>], vector<16xf32>,
            %add3A_756 = arith.constant 3072 : i32
            %add3A_757 = arith.addi %add3A_756, %mul3A_747 : i32
            %add3A_758 = vector.broadcast %add3A_757 : i32 to vector<16xi32>
            %add3A_759 = arith.addi %add3A_458, %add3A_758 : vector<16xi32>
            %gather3A_760 = tpu.vector_load_idx %arg7[%add3A_759] : memref<16384xf32, #tpu.memory_space<vmem>>[vector<16xi32>], vector<16xf32>,
            %add3A_761 = arith.constant 384 : i32
            %add3A_762 = arith.addi %add3A_761, %mul3A_747 : i32
            %add3A_763 = vector.broadcast %add3A_762 : i32 to vector<16xi32>
            %add3A_764 = arith.addi %select_n3A_106, %add3A_763 : vector<16xi32>
            tpu.vector_store_idx %arg8[%add3A_764, %iota3A], %gather3A_760 : memref<512x16xf32, #tpu.memory_space<vmem>>[vector<16xi32>, vector<16xi32>], vector<16xf32>,
            %add3A_765 = arith.constant 3072 : i32
            %add3A_766 = arith.addi %add3A_765, %mul3A_747 : i32
            %add3A_767 = vector.broadcast %add3A_766 : i32 to vector<16xi32>
            %add3A_768 = arith.addi %add3A_459, %add3A_767 : vector<16xi32>
            %gather3A_769 = tpu.vector_load_idx %arg7[%add3A_768] : memref<16384xf32, #tpu.memory_space<vmem>>[vector<16xi32>], vector<16xf32>,
            %add3A_770 = arith.constant 384 : i32
            %add3A_771 = arith.addi %add3A_770, %mul3A_747 : i32
            %add3A_772 = vector.broadcast %add3A_771 : i32 to vector<16xi32>
            %add3A_773 = arith.addi %select_n3A_131, %add3A_772 : vector<16xi32>
            tpu.vector_store_idx %arg8[%add3A_773, %iota3A], %gather3A_769 : memref<512x16xf32, #tpu.memory_space<vmem>>[vector<16xi32>, vector<16xi32>], vector<16xf32>,
            %add3A_774 = arith.constant 3072 : i32
            %add3A_775 = arith.addi %add3A_774, %mul3A_747 : i32
            %add3A_776 = vector.broadcast %add3A_775 : i32 to vector<16xi32>
            %add3A_777 = arith.addi %add3A_460, %add3A_776 : vector<16xi32>
            %gather3A_778 = tpu.vector_load_idx %arg7[%add3A_777] : memref<16384xf32, #tpu.memory_space<vmem>>[vector<16xi32>], vector<16xf32>,
            %add3A_779 = arith.constant 384 : i32
            %add3A_780 = arith.addi %add3A_779, %mul3A_747 : i32
            %add3A_781 = vector.broadcast %add3A_780 : i32 to vector<16xi32>
            %add3A_782 = arith.addi %select_n3A_156, %add3A_781 : vector<16xi32>
            tpu.vector_store_idx %arg8[%add3A_782, %iota3A], %gather3A_778 : memref<512x16xf32, #tpu.memory_space<vmem>>[vector<16xi32>, vector<16xi32>], vector<16xf32>,
            %add3A_783 = arith.constant 3072 : i32
            %add3A_784 = arith.addi %add3A_783, %mul3A_747 : i32
            %add3A_785 = vector.broadcast %add3A_784 : i32 to vector<16xi32>
            %add3A_786 = arith.addi %add3A_461, %add3A_785 : vector<16xi32>
            %gather3A_787 = tpu.vector_load_idx %arg7[%add3A_786] : memref<16384xf32, #tpu.memory_space<vmem>>[vector<16xi32>], vector<16xf32>,
            %add3A_788 = arith.constant 384 : i32
            %add3A_789 = arith.addi %add3A_788, %mul3A_747 : i32
            %add3A_790 = vector.broadcast %add3A_789 : i32 to vector<16xi32>
            %add3A_791 = arith.addi %select_n3A_181, %add3A_790 : vector<16xi32>
            tpu.vector_store_idx %arg8[%add3A_791, %iota3A], %gather3A_787 : memref<512x16xf32, #tpu.memory_space<vmem>>[vector<16xi32>, vector<16xi32>], vector<16xf32>,
            %add3A_792 = arith.constant 3072 : i32
            %add3A_793 = arith.addi %add3A_792, %mul3A_747 : i32
            %add3A_794 = vector.broadcast %add3A_793 : i32 to vector<16xi32>
            %add3A_795 = arith.addi %add3A_462, %add3A_794 : vector<16xi32>
            %gather3A_796 = tpu.vector_load_idx %arg7[%add3A_795] : memref<16384xf32, #tpu.memory_space<vmem>>[vector<16xi32>], vector<16xf32>,
            %add3A_797 = arith.constant 384 : i32
            %add3A_798 = arith.addi %add3A_797, %mul3A_747 : i32
            %add3A_799 = vector.broadcast %add3A_798 : i32 to vector<16xi32>
            %add3A_800 = arith.addi %select_n3A_206, %add3A_799 : vector<16xi32>
            tpu.vector_store_idx %arg8[%add3A_800, %iota3A], %gather3A_796 : memref<512x16xf32, #tpu.memory_space<vmem>>[vector<16xi32>, vector<16xi32>], vector<16xf32>,
            %add3A_801 = arith.constant 3072 : i32
            %add3A_802 = arith.addi %add3A_801, %mul3A_747 : i32
            %add3A_803 = vector.broadcast %add3A_802 : i32 to vector<16xi32>
            %add3A_804 = arith.addi %add3A_463, %add3A_803 : vector<16xi32>
            %gather3A_805 = tpu.vector_load_idx %arg7[%add3A_804] : memref<16384xf32, #tpu.memory_space<vmem>>[vector<16xi32>], vector<16xf32>,
            %add3A_806 = arith.constant 384 : i32
            %add3A_807 = arith.addi %add3A_806, %mul3A_747 : i32
            %add3A_808 = vector.broadcast %add3A_807 : i32 to vector<16xi32>
            %add3A_809 = arith.addi %select_n3A_231, %add3A_808 : vector<16xi32>
            tpu.vector_store_idx %arg8[%add3A_809, %iota3A], %gather3A_805 : memref<512x16xf32, #tpu.memory_space<vmem>>[vector<16xi32>, vector<16xi32>], vector<16xf32>,
            %add3A_810 = arith.constant 3072 : i32
            %add3A_811 = arith.addi %add3A_810, %mul3A_747 : i32
            %add3A_812 = vector.broadcast %add3A_811 : i32 to vector<16xi32>
            %add3A_813 = arith.addi %add3A_464, %add3A_812 : vector<16xi32>
            %gather3A_814 = tpu.vector_load_idx %arg7[%add3A_813] : memref<16384xf32, #tpu.memory_space<vmem>>[vector<16xi32>], vector<16xf32>,
            %add3A_815 = arith.constant 384 : i32
            %add3A_816 = arith.addi %add3A_815, %mul3A_747 : i32
            %add3A_817 = vector.broadcast %add3A_816 : i32 to vector<16xi32>
            %add3A_818 = arith.addi %select_n3A_256, %add3A_817 : vector<16xi32>
            tpu.vector_store_idx %arg8[%add3A_818, %iota3A], %gather3A_814 : memref<512x16xf32, #tpu.memory_space<vmem>>[vector<16xi32>, vector<16xi32>], vector<16xf32>,
            %add3A_819 = arith.constant 3072 : i32
            %add3A_820 = arith.addi %add3A_819, %mul3A_747 : i32
            %add3A_821 = vector.broadcast %add3A_820 : i32 to vector<16xi32>
            %add3A_822 = arith.addi %add3A_465, %add3A_821 : vector<16xi32>
            %gather3A_823 = tpu.vector_load_idx %arg7[%add3A_822] : memref<16384xf32, #tpu.memory_space<vmem>>[vector<16xi32>], vector<16xf32>,
            %add3A_824 = arith.constant 384 : i32
            %add3A_825 = arith.addi %add3A_824, %mul3A_747 : i32
            %add3A_826 = vector.broadcast %add3A_825 : i32 to vector<16xi32>
            %add3A_827 = arith.addi %select_n3A_281, %add3A_826 : vector<16xi32>
            tpu.vector_store_idx %arg8[%add3A_827, %iota3A], %gather3A_823 : memref<512x16xf32, #tpu.memory_space<vmem>>[vector<16xi32>, vector<16xi32>], vector<16xf32>,
            %add3A_828 = arith.constant 3072 : i32
            %add3A_829 = arith.addi %add3A_828, %mul3A_747 : i32
            %add3A_830 = vector.broadcast %add3A_829 : i32 to vector<16xi32>
            %add3A_831 = arith.addi %add3A_466, %add3A_830 : vector<16xi32>
            %gather3A_832 = tpu.vector_load_idx %arg7[%add3A_831] : memref<16384xf32, #tpu.memory_space<vmem>>[vector<16xi32>], vector<16xf32>,
            %add3A_833 = arith.constant 384 : i32
            %add3A_834 = arith.addi %add3A_833, %mul3A_747 : i32
            %add3A_835 = vector.broadcast %add3A_834 : i32 to vector<16xi32>
            %add3A_836 = arith.addi %select_n3A_306, %add3A_835 : vector<16xi32>
            tpu.vector_store_idx %arg8[%add3A_836, %iota3A], %gather3A_832 : memref<512x16xf32, #tpu.memory_space<vmem>>[vector<16xi32>, vector<16xi32>], vector<16xf32>,
            %add3A_837 = arith.constant 3072 : i32
            %add3A_838 = arith.addi %add3A_837, %mul3A_747 : i32
            %add3A_839 = vector.broadcast %add3A_838 : i32 to vector<16xi32>
            %add3A_840 = arith.addi %add3A_467, %add3A_839 : vector<16xi32>
            %gather3A_841 = tpu.vector_load_idx %arg7[%add3A_840] : memref<16384xf32, #tpu.memory_space<vmem>>[vector<16xi32>], vector<16xf32>,
            %add3A_842 = arith.constant 384 : i32
            %add3A_843 = arith.addi %add3A_842, %mul3A_747 : i32
            %add3A_844 = vector.broadcast %add3A_843 : i32 to vector<16xi32>
            %add3A_845 = arith.addi %select_n3A_331, %add3A_844 : vector<16xi32>
            tpu.vector_store_idx %arg8[%add3A_845, %iota3A], %gather3A_841 : memref<512x16xf32, #tpu.memory_space<vmem>>[vector<16xi32>, vector<16xi32>], vector<16xf32>,
            %add3A_846 = arith.constant 3072 : i32
            %add3A_847 = arith.addi %add3A_846, %mul3A_747 : i32
            %add3A_848 = vector.broadcast %add3A_847 : i32 to vector<16xi32>
            %add3A_849 = arith.addi %add3A_468, %add3A_848 : vector<16xi32>
            %gather3A_850 = tpu.vector_load_idx %arg7[%add3A_849] : memref<16384xf32, #tpu.memory_space<vmem>>[vector<16xi32>], vector<16xf32>,
            %add3A_851 = arith.constant 384 : i32
            %add3A_852 = arith.addi %add3A_851, %mul3A_747 : i32
            %add3A_853 = vector.broadcast %add3A_852 : i32 to vector<16xi32>
            %add3A_854 = arith.addi %select_n3A_356, %add3A_853 : vector<16xi32>
            tpu.vector_store_idx %arg8[%add3A_854, %iota3A], %gather3A_850 : memref<512x16xf32, #tpu.memory_space<vmem>>[vector<16xi32>, vector<16xi32>], vector<16xf32>,
            %add3A_855 = arith.constant 3072 : i32
            %add3A_856 = arith.addi %add3A_855, %mul3A_747 : i32
            %add3A_857 = vector.broadcast %add3A_856 : i32 to vector<16xi32>
            %add3A_858 = arith.addi %add3A_469, %add3A_857 : vector<16xi32>
            %gather3A_859 = tpu.vector_load_idx %arg7[%add3A_858] : memref<16384xf32, #tpu.memory_space<vmem>>[vector<16xi32>], vector<16xf32>,
            %add3A_860 = arith.constant 384 : i32
            %add3A_861 = arith.addi %add3A_860, %mul3A_747 : i32
            %add3A_862 = vector.broadcast %add3A_861 : i32 to vector<16xi32>
            %add3A_863 = arith.addi %select_n3A_381, %add3A_862 : vector<16xi32>
            tpu.vector_store_idx %arg8[%add3A_863, %iota3A], %gather3A_859 : memref<512x16xf32, #tpu.memory_space<vmem>>[vector<16xi32>, vector<16xi32>], vector<16xf32>,
            %add3A_864 = arith.constant 3072 : i32
            %add3A_865 = arith.addi %add3A_864, %mul3A_747 : i32
            %add3A_866 = vector.broadcast %add3A_865 : i32 to vector<16xi32>
            %add3A_867 = arith.addi %add3A_470, %add3A_866 : vector<16xi32>
            %gather3A_868 = tpu.vector_load_idx %arg7[%add3A_867] : memref<16384xf32, #tpu.memory_space<vmem>>[vector<16xi32>], vector<16xf32>,
            %add3A_869 = arith.constant 384 : i32
            %add3A_870 = arith.addi %add3A_869, %mul3A_747 : i32
            %add3A_871 = vector.broadcast %add3A_870 : i32 to vector<16xi32>
            %add3A_872 = arith.addi %select_n3A_406, %add3A_871 : vector<16xi32>
            tpu.vector_store_idx %arg8[%add3A_872, %iota3A], %gather3A_868 : memref<512x16xf32, #tpu.memory_space<vmem>>[vector<16xi32>, vector<16xi32>], vector<16xf32>,
            %add3A_873 = arith.constant 3072 : i32
            %add3A_874 = arith.addi %add3A_873, %mul3A_747 : i32
            %add3A_875 = vector.broadcast %add3A_874 : i32 to vector<16xi32>
            %add3A_876 = arith.addi %add3A_471, %add3A_875 : vector<16xi32>
            %gather3A_877 = tpu.vector_load_idx %arg7[%add3A_876] : memref<16384xf32, #tpu.memory_space<vmem>>[vector<16xi32>], vector<16xf32>,
            %add3A_878 = arith.constant 384 : i32
            %add3A_879 = arith.addi %add3A_878, %mul3A_747 : i32
            %add3A_880 = vector.broadcast %add3A_879 : i32 to vector<16xi32>
            %add3A_881 = arith.addi %select_n3A_431, %add3A_880 : vector<16xi32>
            tpu.vector_store_idx %arg8[%add3A_881, %iota3A], %gather3A_877 : memref<512x16xf32, #tpu.memory_space<vmem>>[vector<16xi32>, vector<16xi32>], vector<16xf32>,
            %add3A_882 = arith.constant 3072 : i32
            %add3A_883 = arith.addi %add3A_882, %mul3A_747 : i32
            %add3A_884 = vector.broadcast %add3A_883 : i32 to vector<16xi32>
            %add3A_885 = arith.addi %add3A_472, %add3A_884 : vector<16xi32>
            %gather3A_886 = tpu.vector_load_idx %arg7[%add3A_885] : memref<16384xf32, #tpu.memory_space<vmem>>[vector<16xi32>], vector<16xf32>,
            %add3A_887 = arith.constant 384 : i32
            %add3A_888 = arith.addi %add3A_887, %mul3A_747 : i32
            %add3A_889 = vector.broadcast %add3A_888 : i32 to vector<16xi32>
            %add3A_890 = arith.addi %select_n3A_456, %add3A_889 : vector<16xi32>
            tpu.vector_store_idx %arg8[%add3A_890, %iota3A], %gather3A_886 : memref<512x16xf32, #tpu.memory_space<vmem>>[vector<16xi32>, vector<16xi32>], vector<16xf32>,
          }
          %scan3A_722 = arith.constant 8 : i32
          %dma_start3A_723 = arith.constant 0 : i32
          %dma_start3A_724 = arith.constant 3 : i32
          %dma_start3A_725 = arith.constant 384 : i32
          %dma_start3A_726 = arith.constant 0 : i32
          %dma_start3A_727 = tpu.memref_slice %arg8[%dma_start3A_725, %dma_start3A_726] : memref<512x16xf32, #tpu.memory_space<vmem>> -> memref<128x16xf32, #tpu.memory_space<vmem>>
          %dma_start3A_728 = arith.constant 0 : i32
          %dma_start3A_729 = tpu.memref_slice %arg9[%dma_start3A_723, %dma_start3A_724, %dma_start3A_728] : memref<2x4x128xi32, #tpu.memory_space<vmem>> -> memref<1x1x128xi32, #tpu.memory_space<vmem>>
          %dma_start3A_730 = tpu.memref_squeeze %dma_start3A_729 : memref<1x1x128xi32, #tpu.memory_space<vmem>> -> memref<128xi32, #tpu.memory_space<vmem>>
          %dma_start3A_731 = arith.constant 0 : i32
          %dma_start3A_732 = arith.constant 0 : i32
          %dma_start3A_733 = tpu.memref_slice %arg11[%dma_start3A_731, %dma_start3A_732] : memref<100000x16xf32, #tpu.memory_space<vmem_shared>> -> memref<100000x16xf32, #tpu.memory_space<vmem_shared>>
          tpu.enqueue_indirect_dma source(%dma_start3A_727 : memref<128x16xf32, #tpu.memory_space<vmem>>) target(%dma_start3A_733 : memref<100000x16xf32, #tpu.memory_space<vmem_shared>>) offsets(%dma_start3A_730 : memref<128xi32, #tpu.memory_space<vmem>>) semaphore(%arg16 : memref<!tpu.dma_semaphore, #tpu.memory_space<semaphore_mem>>) {add = true}
          %dma_start3A_734 = arith.constant 0 : i32
          %dma_start3A_735 = arith.constant 3 : i32
          %dma_start3A_736 = arith.constant 384 : i32
          %dma_start3A_737 = arith.constant 0 : i32
          %dma_start3A_738 = tpu.memref_slice %arg8[%dma_start3A_736, %dma_start3A_737] : memref<512x16xf32, #tpu.memory_space<vmem>> -> memref<128x16xf32, #tpu.memory_space<vmem>>
          %dma_start3A_739 = arith.constant 0 : i32
          %dma_start3A_740 = tpu.memref_slice %arg10[%dma_start3A_734, %dma_start3A_735, %dma_start3A_739] : memref<2x4x128xi32, #tpu.memory_space<vmem>> -> memref<1x1x128xi32, #tpu.memory_space<vmem>>
          %dma_start3A_741 = tpu.memref_squeeze %dma_start3A_740 : memref<1x1x128xi32, #tpu.memory_space<vmem>> -> memref<128xi32, #tpu.memory_space<vmem>>
          %dma_start3A_742 = arith.constant 0 : i32
          %dma_start3A_743 = arith.constant 0 : i32
          %dma_start3A_744 = tpu.memref_slice %arg11[%dma_start3A_742, %dma_start3A_743] : memref<100000x16xf32, #tpu.memory_space<vmem_shared>> -> memref<100000x16xf32, #tpu.memory_space<vmem_shared>>
          tpu.enqueue_indirect_dma source(%dma_start3A_738 : memref<128x16xf32, #tpu.memory_space<vmem>>) target(%dma_start3A_744 : memref<100000x16xf32, #tpu.memory_space<vmem_shared>>) offsets(%dma_start3A_741 : memref<128xi32, #tpu.memory_space<vmem>>) semaphore(%arg16 : memref<!tpu.dma_semaphore, #tpu.memory_space<semaphore_mem>>) {add = true}
        } else {
        }
      } else {
      }
      %mul3A_590 = arith.constant 2 : i32
      %mul3A_591 = arith.muli %mul3A_590, %scan3A_579 : i32
      %add3A_592 = arith.constant 1 : i32
      %add3A_593 = arith.addi %mul3A_591, %add3A_592 : i32
      %mul3A_594 = arith.constant 4 : i32
      %mul3A_595 = arith.muli %add3A_593, %mul3A_594 : i32
      %add3A_596 = arith.addi %mul3A_2, %mul3A_595 : i32
      %lt3A_597 = arith.constant 25000 : i32
      %lt3A_598 = arith.cmpi slt, %add3A_596, %lt3A_597 : i32
      %convert_element_type3A_599 = arith.extui %lt3A_598 : i1 to i32
      %cond3A_600 = arith.constant 0 : i32
      %cond3A_601 = arith.cmpi ne, %convert_element_type3A_599, %cond3A_600 : i32
      scf.if %cond3A_601 {
        %mul3A_602 = arith.constant 4 : i32
        %mul3A_603 = arith.muli %add3A_593, %mul3A_602 : i32
        %add3A_604 = arith.addi %mul3A_2, %mul3A_603 : i32
        %mul3A_605 = arith.constant 1024 : i32
        %mul3A_606 = arith.muli %add3A_604, %mul3A_605 : i32
        %mul3A_607 = arith.constant 1024 : i32
        %mul3A_608 = arith.muli %add3A_604, %mul3A_607 : i32
        %add3A_609 = arith.constant 25600000 : i32
        %add3A_610 = arith.addi %add3A_609, %mul3A_608 : i32
        %dma_start3A = arith.constant 8192 : i32
        %dma_start3A_611 = tpu.memref_slice %arg7[%dma_start3A] : memref<16384xf32, #tpu.memory_space<vmem>> -> memref<4096xf32, #tpu.memory_space<vmem>>
        %dma_start3A_612 = tpu.memref_slice %arg2[%mul3A_606] : memref<51200000xf32, #tpu.memory_space<hbm>> -> memref<4096xf32, #tpu.memory_space<hbm>>
        %dma_start3A_613 = arith.constant 8192 : i32
        %dma_start3A_614 = tpu.memref_slice %arg7[%dma_start3A_613] : memref<16384xf32, #tpu.memory_space<vmem>> -> memref<4096xf32, #tpu.memory_space<vmem>>
        %dma_start3A_615 = tpu.memref_slice %arg2[%mul3A_606] : memref<51200000xf32, #tpu.memory_space<hbm>> -> memref<4096xf32, #tpu.memory_space<hbm>>
        tpu.enqueue_dma source(%dma_start3A_615 : memref<4096xf32, #tpu.memory_space<hbm>>) target(%dma_start3A_614 : memref<4096xf32, #tpu.memory_space<vmem>>) target_semaphore(%arg12 : memref<!tpu.dma_semaphore, #tpu.memory_space<semaphore_mem>>)
        %dma_start3A_616 = arith.constant 12288 : i32
        %dma_start3A_617 = tpu.memref_slice %arg7[%dma_start3A_616] : memref<16384xf32, #tpu.memory_space<vmem>> -> memref<4096xf32, #tpu.memory_space<vmem>>
        %dma_start3A_618 = tpu.memref_slice %arg2[%add3A_610] : memref<51200000xf32, #tpu.memory_space<hbm>> -> memref<4096xf32, #tpu.memory_space<hbm>>
        %dma_start3A_619 = arith.constant 12288 : i32
        %dma_start3A_620 = tpu.memref_slice %arg7[%dma_start3A_619] : memref<16384xf32, #tpu.memory_space<vmem>> -> memref<4096xf32, #tpu.memory_space<vmem>>
        %dma_start3A_621 = tpu.memref_slice %arg2[%add3A_610] : memref<51200000xf32, #tpu.memory_space<hbm>> -> memref<4096xf32, #tpu.memory_space<hbm>>
        tpu.enqueue_dma source(%dma_start3A_621 : memref<4096xf32, #tpu.memory_space<hbm>>) target(%dma_start3A_620 : memref<4096xf32, #tpu.memory_space<vmem>>) target_semaphore(%arg12 : memref<!tpu.dma_semaphore, #tpu.memory_space<semaphore_mem>>)
        %dma_start3A_622 = arith.constant 1 : i32
        %dma_start3A_623 = arith.constant 0 : i32
        %dma_start3A_624 = arith.constant 0 : i32
        %dma_start3A_625 = tpu.memref_slice %arg9[%dma_start3A_622, %dma_start3A_623, %dma_start3A_624] : memref<2x4x128xi32, #tpu.memory_space<vmem>> -> memref<1x4x128xi32, #tpu.memory_space<vmem>>
        %dma_start3A_626 = tpu.memref_squeeze %dma_start3A_625 : memref<1x4x128xi32, #tpu.memory_space<vmem>> -> memref<4x128xi32, #tpu.memory_space<vmem>>
        %dma_start3A_627 = arith.constant 0 : i32
        %dma_start3A_628 = tpu.memref_slice %arg3[%add3A_604, %dma_start3A_627] : memref<25000x128xi32, #tpu.memory_space<hbm>> -> memref<4x128xi32, #tpu.memory_space<hbm>>
        %dma_start3A_629 = arith.constant 0 : i32
        %dma_start3A_630 = arith.constant 0 : i32
        %dma_start3A_631 = tpu.memref_slice %arg9[%dma_start3A_622, %dma_start3A_629, %dma_start3A_630] : memref<2x4x128xi32, #tpu.memory_space<vmem>> -> memref<1x4x128xi32, #tpu.memory_space<vmem>>
        %dma_start3A_632 = tpu.memref_squeeze %dma_start3A_631 : memref<1x4x128xi32, #tpu.memory_space<vmem>> -> memref<4x128xi32, #tpu.memory_space<vmem>>
        %dma_start3A_633 = arith.constant 0 : i32
        %dma_start3A_634 = tpu.memref_slice %arg3[%add3A_604, %dma_start3A_633] : memref<25000x128xi32, #tpu.memory_space<hbm>> -> memref<4x128xi32, #tpu.memory_space<hbm>>
        tpu.enqueue_dma source(%dma_start3A_634 : memref<4x128xi32, #tpu.memory_space<hbm>>) target(%dma_start3A_632 : memref<4x128xi32, #tpu.memory_space<vmem>>) target_semaphore(%arg12 : memref<!tpu.dma_semaphore, #tpu.memory_space<semaphore_mem>>)
        %dma_start3A_635 = arith.constant 1 : i32
        %dma_start3A_636 = arith.constant 0 : i32
        %dma_start3A_637 = arith.constant 0 : i32
        %dma_start3A_638 = tpu.memref_slice %arg10[%dma_start3A_635, %dma_start3A_636, %dma_start3A_637] : memref<2x4x128xi32, #tpu.memory_space<vmem>> -> memref<1x4x128xi32, #tpu.memory_space<vmem>>
        %dma_start3A_639 = tpu.memref_squeeze %dma_start3A_638 : memref<1x4x128xi32, #tpu.memory_space<vmem>> -> memref<4x128xi32, #tpu.memory_space<vmem>>
        %dma_start3A_640 = arith.constant 0 : i32
        %dma_start3A_641 = tpu.memref_slice %arg4[%add3A_604, %dma_start3A_640] : memref<25000x128xi32, #tpu.memory_space<hbm>> -> memref<4x128xi32, #tpu.memory_space<hbm>>
        %dma_start3A_642 = arith.constant 0 : i32
        %dma_start3A_643 = arith.constant 0 : i32
        %dma_start3A_644 = tpu.memref_slice %arg10[%dma_start3A_635, %dma_start3A_642, %dma_start3A_643] : memref<2x4x128xi32, #tpu.memory_space<vmem>> -> memref<1x4x128xi32, #tpu.memory_space<vmem>>
        %dma_start3A_645 = tpu.memref_squeeze %dma_start3A_644 : memref<1x4x128xi32, #tpu.memory_space<vmem>> -> memref<4x128xi32, #tpu.memory_space<vmem>>
        %dma_start3A_646 = arith.constant 0 : i32
        %dma_start3A_647 = tpu.memref_slice %arg4[%add3A_604, %dma_start3A_646] : memref<25000x128xi32, #tpu.memory_space<hbm>> -> memref<4x128xi32, #tpu.memory_space<hbm>>
        tpu.enqueue_dma source(%dma_start3A_647 : memref<4x128xi32, #tpu.memory_space<hbm>>) target(%dma_start3A_645 : memref<4x128xi32, #tpu.memory_space<vmem>>) target_semaphore(%arg12 : memref<!tpu.dma_semaphore, #tpu.memory_space<semaphore_mem>>)
        %dma_wait3A_648 = arith.constant 8192 : i32
        %dma_wait3A_649 = tpu.memref_slice %arg7[%dma_wait3A_648] : memref<16384xf32, #tpu.memory_space<vmem>> -> memref<4096xf32, #tpu.memory_space<vmem>>
        %dma_wait3A_650 = tpu.memref_slice %arg2[%mul3A_606] : memref<51200000xf32, #tpu.memory_space<hbm>> -> memref<4096xf32, #tpu.memory_space<hbm>>
        %dma_wait3A_651 = arith.constant 8192 : i32
        %dma_wait3A_652 = tpu.memref_slice %arg7[%dma_wait3A_651] : memref<16384xf32, #tpu.memory_space<vmem>> -> memref<4096xf32, #tpu.memory_space<vmem>>
        %dma_wait3A_653 = tpu.memref_slice %arg2[%mul3A_606] : memref<51200000xf32, #tpu.memory_space<hbm>> -> memref<4096xf32, #tpu.memory_space<hbm>>
        tpu.wait_dma2 semaphore(%arg12 : memref<!tpu.dma_semaphore, #tpu.memory_space<semaphore_mem>>) src(%dma_wait3A_653 : memref<4096xf32, #tpu.memory_space<hbm>>) dst(%dma_wait3A_652 : memref<4096xf32, #tpu.memory_space<vmem>>)
        %dma_wait3A_654 = arith.constant 12288 : i32
        %dma_wait3A_655 = tpu.memref_slice %arg7[%dma_wait3A_654] : memref<16384xf32, #tpu.memory_space<vmem>> -> memref<4096xf32, #tpu.memory_space<vmem>>
        %dma_wait3A_656 = tpu.memref_slice %arg2[%add3A_610] : memref<51200000xf32, #tpu.memory_space<hbm>> -> memref<4096xf32, #tpu.memory_space<hbm>>
        %dma_wait3A_657 = arith.constant 12288 : i32
        %dma_wait3A_658 = tpu.memref_slice %arg7[%dma_wait3A_657] : memref<16384xf32, #tpu.memory_space<vmem>> -> memref<4096xf32, #tpu.memory_space<vmem>>
        %dma_wait3A_659 = tpu.memref_slice %arg2[%add3A_610] : memref<51200000xf32, #tpu.memory_space<hbm>> -> memref<4096xf32, #tpu.memory_space<hbm>>
        tpu.wait_dma2 semaphore(%arg12 : memref<!tpu.dma_semaphore, #tpu.memory_space<semaphore_mem>>) src(%dma_wait3A_659 : memref<4096xf32, #tpu.memory_space<hbm>>) dst(%dma_wait3A_658 : memref<4096xf32, #tpu.memory_space<vmem>>)
        %dma_wait3A_660 = arith.constant 1 : i32
        %dma_wait3A_661 = arith.constant 0 : i32
        %dma_wait3A_662 = arith.constant 0 : i32
        %dma_wait3A_663 = tpu.memref_slice %arg9[%dma_wait3A_660, %dma_wait3A_661, %dma_wait3A_662] : memref<2x4x128xi32, #tpu.memory_space<vmem>> -> memref<1x4x128xi32, #tpu.memory_space<vmem>>
        %dma_wait3A_664 = tpu.memref_squeeze %dma_wait3A_663 : memref<1x4x128xi32, #tpu.memory_space<vmem>> -> memref<4x128xi32, #tpu.memory_space<vmem>>
        %dma_wait3A_665 = arith.constant 0 : i32
        %dma_wait3A_666 = tpu.memref_slice %arg3[%add3A_604, %dma_wait3A_665] : memref<25000x128xi32, #tpu.memory_space<hbm>> -> memref<4x128xi32, #tpu.memory_space<hbm>>
        %dma_wait3A_667 = arith.constant 0 : i32
        %dma_wait3A_668 = arith.constant 0 : i32
        %dma_wait3A_669 = tpu.memref_slice %arg9[%dma_wait3A_660, %dma_wait3A_667, %dma_wait3A_668] : memref<2x4x128xi32, #tpu.memory_space<vmem>> -> memref<1x4x128xi32, #tpu.memory_space<vmem>>
        %dma_wait3A_670 = tpu.memref_squeeze %dma_wait3A_669 : memref<1x4x128xi32, #tpu.memory_space<vmem>> -> memref<4x128xi32, #tpu.memory_space<vmem>>
        %dma_wait3A_671 = arith.constant 0 : i32
        %dma_wait3A_672 = tpu.memref_slice %arg3[%add3A_604, %dma_wait3A_671] : memref<25000x128xi32, #tpu.memory_space<hbm>> -> memref<4x128xi32, #tpu.memory_space<hbm>>
        tpu.wait_dma2 semaphore(%arg12 : memref<!tpu.dma_semaphore, #tpu.memory_space<semaphore_mem>>) src(%dma_wait3A_672 : memref<4x128xi32, #tpu.memory_space<hbm>>) dst(%dma_wait3A_670 : memref<4x128xi32, #tpu.memory_space<vmem>>)
        %dma_wait3A_673 = arith.constant 1 : i32
        %dma_wait3A_674 = arith.constant 0 : i32
        %dma_wait3A_675 = arith.constant 0 : i32
        %dma_wait3A_676 = tpu.memref_slice %arg10[%dma_wait3A_673, %dma_wait3A_674, %dma_wait3A_675] : memref<2x4x128xi32, #tpu.memory_space<vmem>> -> memref<1x4x128xi32, #tpu.memory_space<vmem>>
        %dma_wait3A_677 = tpu.memref_squeeze %dma_wait3A_676 : memref<1x4x128xi32, #tpu.memory_space<vmem>> -> memref<4x128xi32, #tpu.memory_space<vmem>>
        %dma_wait3A_678 = arith.constant 0 : i32
        %dma_wait3A_679 = tpu.memref_slice %arg4[%add3A_604, %dma_wait3A_678] : memref<25000x128xi32, #tpu.memory_space<hbm>> -> memref<4x128xi32, #tpu.memory_space<hbm>>
        %dma_wait3A_680 = arith.constant 0 : i32
        %dma_wait3A_681 = arith.constant 0 : i32
        %dma_wait3A_682 = tpu.memref_slice %arg10[%dma_wait3A_673, %dma_wait3A_680, %dma_wait3A_681] : memref<2x4x128xi32, #tpu.memory_space<vmem>> -> memref<1x4x128xi32, #tpu.memory_space<vmem>>
        %dma_wait3A_683 = tpu.memref_squeeze %dma_wait3A_682 : memref<1x4x128xi32, #tpu.memory_space<vmem>> -> memref<4x128xi32, #tpu.memory_space<vmem>>
        %dma_wait3A_684 = arith.constant 0 : i32
        %dma_wait3A_685 = tpu.memref_slice %arg4[%add3A_604, %dma_wait3A_684] : memref<25000x128xi32, #tpu.memory_space<hbm>> -> memref<4x128xi32, #tpu.memory_space<hbm>>
        tpu.wait_dma2 semaphore(%arg12 : memref<!tpu.dma_semaphore, #tpu.memory_space<semaphore_mem>>) src(%dma_wait3A_685 : memref<4x128xi32, #tpu.memory_space<hbm>>) dst(%dma_wait3A_683 : memref<4x128xi32, #tpu.memory_space<vmem>>)
        %add3A_686 = arith.constant 0 : i32
        %add3A_687 = arith.addi %add3A_596, %add3A_686 : i32
        %lt3A_688 = arith.constant 25000 : i32
        %lt3A_689 = arith.cmpi slt, %add3A_687, %lt3A_688 : i32
        %convert_element_type3A_690 = arith.extui %lt3A_689 : i1 to i32
        %cond3A_691 = arith.constant 0 : i32
        %cond3A_692 = arith.cmpi ne, %convert_element_type3A_690, %cond3A_691 : i32
        scf.if %cond3A_692 {
          %gt3A = arith.constant 0 : i32
          %gt3A_714 = arith.cmpi sgt, %add3A_593, %gt3A : i32
          %convert_element_type3A_715 = arith.extui %gt3A_714 : i1 to i32
          %cond3A_716 = arith.constant 0 : i32
          %cond3A_717 = arith.cmpi ne, %convert_element_type3A_715, %cond3A_716 : i32
          scf.if %cond3A_717 {
            %dma_wait3A_745 = arith.constant 128 : i32
            %dma_wait3A_746 = arith.constant 0 : i32
            %dma_wait3A_747 = tpu.memref_slice %arg8[%dma_wait3A_745, %dma_wait3A_746] : memref<512x16xf32, #tpu.memory_space<vmem>> -> memref<128x16xf32, #tpu.memory_space<vmem>>
            %dma_wait3A_748 = arith.constant 0 : i32
            %dma_wait3A_749 = arith.constant 0 : i32
            %dma_wait3A_750 = tpu.memref_slice %arg5[%dma_wait3A_748, %dma_wait3A_749] : memref<100000x16xf32, #tpu.memory_space<hbm>> -> memref<128x16xf32, #tpu.memory_space<hbm>>
            %dma_wait3A_751 = arith.constant 128 : i32
            %dma_wait3A_752 = arith.constant 0 : i32
            %dma_wait3A_753 = tpu.memref_slice %arg8[%dma_wait3A_751, %dma_wait3A_752] : memref<512x16xf32, #tpu.memory_space<vmem>> -> memref<128x16xf32, #tpu.memory_space<vmem>>
            %dma_wait3A_754 = arith.constant 0 : i32
            %dma_wait3A_755 = arith.constant 0 : i32
            %dma_wait3A_756 = tpu.memref_slice %arg5[%dma_wait3A_754, %dma_wait3A_755] : memref<100000x16xf32, #tpu.memory_space<hbm>> -> memref<128x16xf32, #tpu.memory_space<hbm>>
            tpu.wait_dma2 semaphore(%arg13 : memref<!tpu.dma_semaphore, #tpu.memory_space<semaphore_mem>>) src(%dma_wait3A_756 : memref<128x16xf32, #tpu.memory_space<hbm>>) dst(%dma_wait3A_753 : memref<128x16xf32, #tpu.memory_space<vmem>>)
            %dma_wait3A_757 = arith.constant 128 : i32
            %dma_wait3A_758 = arith.constant 0 : i32
            %dma_wait3A_759 = tpu.memref_slice %arg8[%dma_wait3A_757, %dma_wait3A_758] : memref<512x16xf32, #tpu.memory_space<vmem>> -> memref<128x16xf32, #tpu.memory_space<vmem>>
            %dma_wait3A_760 = arith.constant 0 : i32
            %dma_wait3A_761 = arith.constant 0 : i32
            %dma_wait3A_762 = tpu.memref_slice %arg5[%dma_wait3A_760, %dma_wait3A_761] : memref<100000x16xf32, #tpu.memory_space<hbm>> -> memref<128x16xf32, #tpu.memory_space<hbm>>
            %dma_wait3A_763 = arith.constant 128 : i32
            %dma_wait3A_764 = arith.constant 0 : i32
            %dma_wait3A_765 = tpu.memref_slice %arg8[%dma_wait3A_763, %dma_wait3A_764] : memref<512x16xf32, #tpu.memory_space<vmem>> -> memref<128x16xf32, #tpu.memory_space<vmem>>
            %dma_wait3A_766 = arith.constant 0 : i32
            %dma_wait3A_767 = arith.constant 0 : i32
            %dma_wait3A_768 = tpu.memref_slice %arg5[%dma_wait3A_766, %dma_wait3A_767] : memref<100000x16xf32, #tpu.memory_space<hbm>> -> memref<128x16xf32, #tpu.memory_space<hbm>>
            tpu.wait_dma2 semaphore(%arg13 : memref<!tpu.dma_semaphore, #tpu.memory_space<semaphore_mem>>) src(%dma_wait3A_768 : memref<128x16xf32, #tpu.memory_space<hbm>>) dst(%dma_wait3A_765 : memref<128x16xf32, #tpu.memory_space<vmem>>)
          } else {
          }
          %scan3A_718 = arith.constant 0 : i32
          %scan3A_719 = arith.constant 8 : i32
          %scan3A_720 = arith.addi %scan3A_718, %scan3A_719 : i32
          %scan3A_721 = arith.constant 1 : i32
          scf.for %scan3A_745 = %scan3A_718 to %scan3A_720 step %scan3A_721  : i32 {
            %mul3A_746 = arith.constant 16 : i32
            %mul3A_747 = arith.muli %scan3A_745, %mul3A_746 : i32
            %add3A_748 = arith.constant 8192 : i32
            %add3A_749 = arith.addi %add3A_748, %mul3A_747 : i32
            %add3A_750 = vector.broadcast %add3A_749 : i32 to vector<16xi32>
            %add3A_751 = arith.addi %add3A_457, %add3A_750 : vector<16xi32>
            %gather3A = tpu.vector_load_idx %arg7[%add3A_751] : memref<16384xf32, #tpu.memory_space<vmem>>[vector<16xi32>], vector<16xf32>,
            %add3A_752 = arith.constant 0 : i32
            %add3A_753 = arith.addi %add3A_752, %mul3A_747 : i32
            %add3A_754 = vector.broadcast %add3A_753 : i32 to vector<16xi32>
            %add3A_755 = arith.addi %select_n3A_81, %add3A_754 : vector<16xi32>
            tpu.vector_store_idx %arg8[%add3A_755, %iota3A], %gather3A : memref<512x16xf32, #tpu.memory_space<vmem>>[vector<16xi32>, vector<16xi32>], vector<16xf32>,
            %add3A_756 = arith.constant 8192 : i32
            %add3A_757 = arith.addi %add3A_756, %mul3A_747 : i32
            %add3A_758 = vector.broadcast %add3A_757 : i32 to vector<16xi32>
            %add3A_759 = arith.addi %add3A_458, %add3A_758 : vector<16xi32>
            %gather3A_760 = tpu.vector_load_idx %arg7[%add3A_759] : memref<16384xf32, #tpu.memory_space<vmem>>[vector<16xi32>], vector<16xf32>,
            %add3A_761 = arith.constant 0 : i32
            %add3A_762 = arith.addi %add3A_761, %mul3A_747 : i32
            %add3A_763 = vector.broadcast %add3A_762 : i32 to vector<16xi32>
            %add3A_764 = arith.addi %select_n3A_106, %add3A_763 : vector<16xi32>
            tpu.vector_store_idx %arg8[%add3A_764, %iota3A], %gather3A_760 : memref<512x16xf32, #tpu.memory_space<vmem>>[vector<16xi32>, vector<16xi32>], vector<16xf32>,
            %add3A_765 = arith.constant 8192 : i32
            %add3A_766 = arith.addi %add3A_765, %mul3A_747 : i32
            %add3A_767 = vector.broadcast %add3A_766 : i32 to vector<16xi32>
            %add3A_768 = arith.addi %add3A_459, %add3A_767 : vector<16xi32>
            %gather3A_769 = tpu.vector_load_idx %arg7[%add3A_768] : memref<16384xf32, #tpu.memory_space<vmem>>[vector<16xi32>], vector<16xf32>,
            %add3A_770 = arith.constant 0 : i32
            %add3A_771 = arith.addi %add3A_770, %mul3A_747 : i32
            %add3A_772 = vector.broadcast %add3A_771 : i32 to vector<16xi32>
            %add3A_773 = arith.addi %select_n3A_131, %add3A_772 : vector<16xi32>
            tpu.vector_store_idx %arg8[%add3A_773, %iota3A], %gather3A_769 : memref<512x16xf32, #tpu.memory_space<vmem>>[vector<16xi32>, vector<16xi32>], vector<16xf32>,
            %add3A_774 = arith.constant 8192 : i32
            %add3A_775 = arith.addi %add3A_774, %mul3A_747 : i32
            %add3A_776 = vector.broadcast %add3A_775 : i32 to vector<16xi32>
            %add3A_777 = arith.addi %add3A_460, %add3A_776 : vector<16xi32>
            %gather3A_778 = tpu.vector_load_idx %arg7[%add3A_777] : memref<16384xf32, #tpu.memory_space<vmem>>[vector<16xi32>], vector<16xf32>,
            %add3A_779 = arith.constant 0 : i32
            %add3A_780 = arith.addi %add3A_779, %mul3A_747 : i32
            %add3A_781 = vector.broadcast %add3A_780 : i32 to vector<16xi32>
            %add3A_782 = arith.addi %select_n3A_156, %add3A_781 : vector<16xi32>
            tpu.vector_store_idx %arg8[%add3A_782, %iota3A], %gather3A_778 : memref<512x16xf32, #tpu.memory_space<vmem>>[vector<16xi32>, vector<16xi32>], vector<16xf32>,
            %add3A_783 = arith.constant 8192 : i32
            %add3A_784 = arith.addi %add3A_783, %mul3A_747 : i32
            %add3A_785 = vector.broadcast %add3A_784 : i32 to vector<16xi32>
            %add3A_786 = arith.addi %add3A_461, %add3A_785 : vector<16xi32>
            %gather3A_787 = tpu.vector_load_idx %arg7[%add3A_786] : memref<16384xf32, #tpu.memory_space<vmem>>[vector<16xi32>], vector<16xf32>,
            %add3A_788 = arith.constant 0 : i32
            %add3A_789 = arith.addi %add3A_788, %mul3A_747 : i32
            %add3A_790 = vector.broadcast %add3A_789 : i32 to vector<16xi32>
            %add3A_791 = arith.addi %select_n3A_181, %add3A_790 : vector<16xi32>
            tpu.vector_store_idx %arg8[%add3A_791, %iota3A], %gather3A_787 : memref<512x16xf32, #tpu.memory_space<vmem>>[vector<16xi32>, vector<16xi32>], vector<16xf32>,
            %add3A_792 = arith.constant 8192 : i32
            %add3A_793 = arith.addi %add3A_792, %mul3A_747 : i32
            %add3A_794 = vector.broadcast %add3A_793 : i32 to vector<16xi32>
            %add3A_795 = arith.addi %add3A_462, %add3A_794 : vector<16xi32>
            %gather3A_796 = tpu.vector_load_idx %arg7[%add3A_795] : memref<16384xf32, #tpu.memory_space<vmem>>[vector<16xi32>], vector<16xf32>,
            %add3A_797 = arith.constant 0 : i32
            %add3A_798 = arith.addi %add3A_797, %mul3A_747 : i32
            %add3A_799 = vector.broadcast %add3A_798 : i32 to vector<16xi32>
            %add3A_800 = arith.addi %select_n3A_206, %add3A_799 : vector<16xi32>
            tpu.vector_store_idx %arg8[%add3A_800, %iota3A], %gather3A_796 : memref<512x16xf32, #tpu.memory_space<vmem>>[vector<16xi32>, vector<16xi32>], vector<16xf32>,
            %add3A_801 = arith.constant 8192 : i32
            %add3A_802 = arith.addi %add3A_801, %mul3A_747 : i32
            %add3A_803 = vector.broadcast %add3A_802 : i32 to vector<16xi32>
            %add3A_804 = arith.addi %add3A_463, %add3A_803 : vector<16xi32>
            %gather3A_805 = tpu.vector_load_idx %arg7[%add3A_804] : memref<16384xf32, #tpu.memory_space<vmem>>[vector<16xi32>], vector<16xf32>,
            %add3A_806 = arith.constant 0 : i32
            %add3A_807 = arith.addi %add3A_806, %mul3A_747 : i32
            %add3A_808 = vector.broadcast %add3A_807 : i32 to vector<16xi32>
            %add3A_809 = arith.addi %select_n3A_231, %add3A_808 : vector<16xi32>
            tpu.vector_store_idx %arg8[%add3A_809, %iota3A], %gather3A_805 : memref<512x16xf32, #tpu.memory_space<vmem>>[vector<16xi32>, vector<16xi32>], vector<16xf32>,
            %add3A_810 = arith.constant 8192 : i32
            %add3A_811 = arith.addi %add3A_810, %mul3A_747 : i32
            %add3A_812 = vector.broadcast %add3A_811 : i32 to vector<16xi32>
            %add3A_813 = arith.addi %add3A_464, %add3A_812 : vector<16xi32>
            %gather3A_814 = tpu.vector_load_idx %arg7[%add3A_813] : memref<16384xf32, #tpu.memory_space<vmem>>[vector<16xi32>], vector<16xf32>,
            %add3A_815 = arith.constant 0 : i32
            %add3A_816 = arith.addi %add3A_815, %mul3A_747 : i32
            %add3A_817 = vector.broadcast %add3A_816 : i32 to vector<16xi32>
            %add3A_818 = arith.addi %select_n3A_256, %add3A_817 : vector<16xi32>
            tpu.vector_store_idx %arg8[%add3A_818, %iota3A], %gather3A_814 : memref<512x16xf32, #tpu.memory_space<vmem>>[vector<16xi32>, vector<16xi32>], vector<16xf32>,
            %add3A_819 = arith.constant 8192 : i32
            %add3A_820 = arith.addi %add3A_819, %mul3A_747 : i32
            %add3A_821 = vector.broadcast %add3A_820 : i32 to vector<16xi32>
            %add3A_822 = arith.addi %add3A_465, %add3A_821 : vector<16xi32>
            %gather3A_823 = tpu.vector_load_idx %arg7[%add3A_822] : memref<16384xf32, #tpu.memory_space<vmem>>[vector<16xi32>], vector<16xf32>,
            %add3A_824 = arith.constant 0 : i32
            %add3A_825 = arith.addi %add3A_824, %mul3A_747 : i32
            %add3A_826 = vector.broadcast %add3A_825 : i32 to vector<16xi32>
            %add3A_827 = arith.addi %select_n3A_281, %add3A_826 : vector<16xi32>
            tpu.vector_store_idx %arg8[%add3A_827, %iota3A], %gather3A_823 : memref<512x16xf32, #tpu.memory_space<vmem>>[vector<16xi32>, vector<16xi32>], vector<16xf32>,
            %add3A_828 = arith.constant 8192 : i32
            %add3A_829 = arith.addi %add3A_828, %mul3A_747 : i32
            %add3A_830 = vector.broadcast %add3A_829 : i32 to vector<16xi32>
            %add3A_831 = arith.addi %add3A_466, %add3A_830 : vector<16xi32>
            %gather3A_832 = tpu.vector_load_idx %arg7[%add3A_831] : memref<16384xf32, #tpu.memory_space<vmem>>[vector<16xi32>], vector<16xf32>,
            %add3A_833 = arith.constant 0 : i32
            %add3A_834 = arith.addi %add3A_833, %mul3A_747 : i32
            %add3A_835 = vector.broadcast %add3A_834 : i32 to vector<16xi32>
            %add3A_836 = arith.addi %select_n3A_306, %add3A_835 : vector<16xi32>
            tpu.vector_store_idx %arg8[%add3A_836, %iota3A], %gather3A_832 : memref<512x16xf32, #tpu.memory_space<vmem>>[vector<16xi32>, vector<16xi32>], vector<16xf32>,
            %add3A_837 = arith.constant 8192 : i32
            %add3A_838 = arith.addi %add3A_837, %mul3A_747 : i32
            %add3A_839 = vector.broadcast %add3A_838 : i32 to vector<16xi32>
            %add3A_840 = arith.addi %add3A_467, %add3A_839 : vector<16xi32>
            %gather3A_841 = tpu.vector_load_idx %arg7[%add3A_840] : memref<16384xf32, #tpu.memory_space<vmem>>[vector<16xi32>], vector<16xf32>,
            %add3A_842 = arith.constant 0 : i32
            %add3A_843 = arith.addi %add3A_842, %mul3A_747 : i32
            %add3A_844 = vector.broadcast %add3A_843 : i32 to vector<16xi32>
            %add3A_845 = arith.addi %select_n3A_331, %add3A_844 : vector<16xi32>
            tpu.vector_store_idx %arg8[%add3A_845, %iota3A], %gather3A_841 : memref<512x16xf32, #tpu.memory_space<vmem>>[vector<16xi32>, vector<16xi32>], vector<16xf32>,
            %add3A_846 = arith.constant 8192 : i32
            %add3A_847 = arith.addi %add3A_846, %mul3A_747 : i32
            %add3A_848 = vector.broadcast %add3A_847 : i32 to vector<16xi32>
            %add3A_849 = arith.addi %add3A_468, %add3A_848 : vector<16xi32>
            %gather3A_850 = tpu.vector_load_idx %arg7[%add3A_849] : memref<16384xf32, #tpu.memory_space<vmem>>[vector<16xi32>], vector<16xf32>,
            %add3A_851 = arith.constant 0 : i32
            %add3A_852 = arith.addi %add3A_851, %mul3A_747 : i32
            %add3A_853 = vector.broadcast %add3A_852 : i32 to vector<16xi32>
            %add3A_854 = arith.addi %select_n3A_356, %add3A_853 : vector<16xi32>
            tpu.vector_store_idx %arg8[%add3A_854, %iota3A], %gather3A_850 : memref<512x16xf32, #tpu.memory_space<vmem>>[vector<16xi32>, vector<16xi32>], vector<16xf32>,
            %add3A_855 = arith.constant 8192 : i32
            %add3A_856 = arith.addi %add3A_855, %mul3A_747 : i32
            %add3A_857 = vector.broadcast %add3A_856 : i32 to vector<16xi32>
            %add3A_858 = arith.addi %add3A_469, %add3A_857 : vector<16xi32>
            %gather3A_859 = tpu.vector_load_idx %arg7[%add3A_858] : memref<16384xf32, #tpu.memory_space<vmem>>[vector<16xi32>], vector<16xf32>,
            %add3A_860 = arith.constant 0 : i32
            %add3A_861 = arith.addi %add3A_860, %mul3A_747 : i32
            %add3A_862 = vector.broadcast %add3A_861 : i32 to vector<16xi32>
            %add3A_863 = arith.addi %select_n3A_381, %add3A_862 : vector<16xi32>
            tpu.vector_store_idx %arg8[%add3A_863, %iota3A], %gather3A_859 : memref<512x16xf32, #tpu.memory_space<vmem>>[vector<16xi32>, vector<16xi32>], vector<16xf32>,
            %add3A_864 = arith.constant 8192 : i32
            %add3A_865 = arith.addi %add3A_864, %mul3A_747 : i32
            %add3A_866 = vector.broadcast %add3A_865 : i32 to vector<16xi32>
            %add3A_867 = arith.addi %add3A_470, %add3A_866 : vector<16xi32>
            %gather3A_868 = tpu.vector_load_idx %arg7[%add3A_867] : memref<16384xf32, #tpu.memory_space<vmem>>[vector<16xi32>], vector<16xf32>,
            %add3A_869 = arith.constant 0 : i32
            %add3A_870 = arith.addi %add3A_869, %mul3A_747 : i32
            %add3A_871 = vector.broadcast %add3A_870 : i32 to vector<16xi32>
            %add3A_872 = arith.addi %select_n3A_406, %add3A_871 : vector<16xi32>
            tpu.vector_store_idx %arg8[%add3A_872, %iota3A], %gather3A_868 : memref<512x16xf32, #tpu.memory_space<vmem>>[vector<16xi32>, vector<16xi32>], vector<16xf32>,
            %add3A_873 = arith.constant 8192 : i32
            %add3A_874 = arith.addi %add3A_873, %mul3A_747 : i32
            %add3A_875 = vector.broadcast %add3A_874 : i32 to vector<16xi32>
            %add3A_876 = arith.addi %add3A_471, %add3A_875 : vector<16xi32>
            %gather3A_877 = tpu.vector_load_idx %arg7[%add3A_876] : memref<16384xf32, #tpu.memory_space<vmem>>[vector<16xi32>], vector<16xf32>,
            %add3A_878 = arith.constant 0 : i32
            %add3A_879 = arith.addi %add3A_878, %mul3A_747 : i32
            %add3A_880 = vector.broadcast %add3A_879 : i32 to vector<16xi32>
            %add3A_881 = arith.addi %select_n3A_431, %add3A_880 : vector<16xi32>
            tpu.vector_store_idx %arg8[%add3A_881, %iota3A], %gather3A_877 : memref<512x16xf32, #tpu.memory_space<vmem>>[vector<16xi32>, vector<16xi32>], vector<16xf32>,
            %add3A_882 = arith.constant 8192 : i32
            %add3A_883 = arith.addi %add3A_882, %mul3A_747 : i32
            %add3A_884 = vector.broadcast %add3A_883 : i32 to vector<16xi32>
            %add3A_885 = arith.addi %add3A_472, %add3A_884 : vector<16xi32>
            %gather3A_886 = tpu.vector_load_idx %arg7[%add3A_885] : memref<16384xf32, #tpu.memory_space<vmem>>[vector<16xi32>], vector<16xf32>,
            %add3A_887 = arith.constant 0 : i32
            %add3A_888 = arith.addi %add3A_887, %mul3A_747 : i32
            %add3A_889 = vector.broadcast %add3A_888 : i32 to vector<16xi32>
            %add3A_890 = arith.addi %select_n3A_456, %add3A_889 : vector<16xi32>
            tpu.vector_store_idx %arg8[%add3A_890, %iota3A], %gather3A_886 : memref<512x16xf32, #tpu.memory_space<vmem>>[vector<16xi32>, vector<16xi32>], vector<16xf32>,
          }
          %scan3A_722 = arith.constant 8 : i32
          %dma_start3A_723 = arith.constant 1 : i32
          %dma_start3A_724 = arith.constant 0 : i32
          %dma_start3A_725 = arith.constant 0 : i32
          %dma_start3A_726 = arith.constant 0 : i32
          %dma_start3A_727 = tpu.memref_slice %arg8[%dma_start3A_725, %dma_start3A_726] : memref<512x16xf32, #tpu.memory_space<vmem>> -> memref<128x16xf32, #tpu.memory_space<vmem>>
          %dma_start3A_728 = arith.constant 0 : i32
          %dma_start3A_729 = tpu.memref_slice %arg9[%dma_start3A_723, %dma_start3A_724, %dma_start3A_728] : memref<2x4x128xi32, #tpu.memory_space<vmem>> -> memref<1x1x128xi32, #tpu.memory_space<vmem>>
          %dma_start3A_730 = tpu.memref_squeeze %dma_start3A_729 : memref<1x1x128xi32, #tpu.memory_space<vmem>> -> memref<128xi32, #tpu.memory_space<vmem>>
          %dma_start3A_731 = arith.constant 0 : i32
          %dma_start3A_732 = arith.constant 0 : i32
          %dma_start3A_733 = tpu.memref_slice %arg11[%dma_start3A_731, %dma_start3A_732] : memref<100000x16xf32, #tpu.memory_space<vmem_shared>> -> memref<100000x16xf32, #tpu.memory_space<vmem_shared>>
          tpu.enqueue_indirect_dma source(%dma_start3A_727 : memref<128x16xf32, #tpu.memory_space<vmem>>) target(%dma_start3A_733 : memref<100000x16xf32, #tpu.memory_space<vmem_shared>>) offsets(%dma_start3A_730 : memref<128xi32, #tpu.memory_space<vmem>>) semaphore(%arg13 : memref<!tpu.dma_semaphore, #tpu.memory_space<semaphore_mem>>) {add = true}
          %dma_start3A_734 = arith.constant 1 : i32
          %dma_start3A_735 = arith.constant 0 : i32
          %dma_start3A_736 = arith.constant 0 : i32
          %dma_start3A_737 = arith.constant 0 : i32
          %dma_start3A_738 = tpu.memref_slice %arg8[%dma_start3A_736, %dma_start3A_737] : memref<512x16xf32, #tpu.memory_space<vmem>> -> memref<128x16xf32, #tpu.memory_space<vmem>>
          %dma_start3A_739 = arith.constant 0 : i32
          %dma_start3A_740 = tpu.memref_slice %arg10[%dma_start3A_734, %dma_start3A_735, %dma_start3A_739] : memref<2x4x128xi32, #tpu.memory_space<vmem>> -> memref<1x1x128xi32, #tpu.memory_space<vmem>>
          %dma_start3A_741 = tpu.memref_squeeze %dma_start3A_740 : memref<1x1x128xi32, #tpu.memory_space<vmem>> -> memref<128xi32, #tpu.memory_space<vmem>>
          %dma_start3A_742 = arith.constant 0 : i32
          %dma_start3A_743 = arith.constant 0 : i32
          %dma_start3A_744 = tpu.memref_slice %arg11[%dma_start3A_742, %dma_start3A_743] : memref<100000x16xf32, #tpu.memory_space<vmem_shared>> -> memref<100000x16xf32, #tpu.memory_space<vmem_shared>>
          tpu.enqueue_indirect_dma source(%dma_start3A_738 : memref<128x16xf32, #tpu.memory_space<vmem>>) target(%dma_start3A_744 : memref<100000x16xf32, #tpu.memory_space<vmem_shared>>) offsets(%dma_start3A_741 : memref<128xi32, #tpu.memory_space<vmem>>) semaphore(%arg13 : memref<!tpu.dma_semaphore, #tpu.memory_space<semaphore_mem>>) {add = true}
        } else {
        }
        %add3A_693 = arith.constant 1 : i32
        %add3A_694 = arith.addi %add3A_596, %add3A_693 : i32
        %lt3A_695 = arith.constant 25000 : i32
        %lt3A_696 = arith.cmpi slt, %add3A_694, %lt3A_695 : i32
        %convert_element_type3A_697 = arith.extui %lt3A_696 : i1 to i32
        %cond3A_698 = arith.constant 0 : i32
        %cond3A_699 = arith.cmpi ne, %convert_element_type3A_697, %cond3A_698 : i32
        scf.if %cond3A_699 {
          %gt3A = arith.constant 0 : i32
          %gt3A_714 = arith.cmpi sgt, %add3A_593, %gt3A : i32
          %convert_element_type3A_715 = arith.extui %gt3A_714 : i1 to i32
          %cond3A_716 = arith.constant 0 : i32
          %cond3A_717 = arith.cmpi ne, %convert_element_type3A_715, %cond3A_716 : i32
          scf.if %cond3A_717 {
            %dma_wait3A_745 = arith.constant 256 : i32
            %dma_wait3A_746 = arith.constant 0 : i32
            %dma_wait3A_747 = tpu.memref_slice %arg8[%dma_wait3A_745, %dma_wait3A_746] : memref<512x16xf32, #tpu.memory_space<vmem>> -> memref<128x16xf32, #tpu.memory_space<vmem>>
            %dma_wait3A_748 = arith.constant 0 : i32
            %dma_wait3A_749 = arith.constant 0 : i32
            %dma_wait3A_750 = tpu.memref_slice %arg5[%dma_wait3A_748, %dma_wait3A_749] : memref<100000x16xf32, #tpu.memory_space<hbm>> -> memref<128x16xf32, #tpu.memory_space<hbm>>
            %dma_wait3A_751 = arith.constant 256 : i32
            %dma_wait3A_752 = arith.constant 0 : i32
            %dma_wait3A_753 = tpu.memref_slice %arg8[%dma_wait3A_751, %dma_wait3A_752] : memref<512x16xf32, #tpu.memory_space<vmem>> -> memref<128x16xf32, #tpu.memory_space<vmem>>
            %dma_wait3A_754 = arith.constant 0 : i32
            %dma_wait3A_755 = arith.constant 0 : i32
            %dma_wait3A_756 = tpu.memref_slice %arg5[%dma_wait3A_754, %dma_wait3A_755] : memref<100000x16xf32, #tpu.memory_space<hbm>> -> memref<128x16xf32, #tpu.memory_space<hbm>>
            tpu.wait_dma2 semaphore(%arg14 : memref<!tpu.dma_semaphore, #tpu.memory_space<semaphore_mem>>) src(%dma_wait3A_756 : memref<128x16xf32, #tpu.memory_space<hbm>>) dst(%dma_wait3A_753 : memref<128x16xf32, #tpu.memory_space<vmem>>)
            %dma_wait3A_757 = arith.constant 256 : i32
            %dma_wait3A_758 = arith.constant 0 : i32
            %dma_wait3A_759 = tpu.memref_slice %arg8[%dma_wait3A_757, %dma_wait3A_758] : memref<512x16xf32, #tpu.memory_space<vmem>> -> memref<128x16xf32, #tpu.memory_space<vmem>>
            %dma_wait3A_760 = arith.constant 0 : i32
            %dma_wait3A_761 = arith.constant 0 : i32
            %dma_wait3A_762 = tpu.memref_slice %arg5[%dma_wait3A_760, %dma_wait3A_761] : memref<100000x16xf32, #tpu.memory_space<hbm>> -> memref<128x16xf32, #tpu.memory_space<hbm>>
            %dma_wait3A_763 = arith.constant 256 : i32
            %dma_wait3A_764 = arith.constant 0 : i32
            %dma_wait3A_765 = tpu.memref_slice %arg8[%dma_wait3A_763, %dma_wait3A_764] : memref<512x16xf32, #tpu.memory_space<vmem>> -> memref<128x16xf32, #tpu.memory_space<vmem>>
            %dma_wait3A_766 = arith.constant 0 : i32
            %dma_wait3A_767 = arith.constant 0 : i32
            %dma_wait3A_768 = tpu.memref_slice %arg5[%dma_wait3A_766, %dma_wait3A_767] : memref<100000x16xf32, #tpu.memory_space<hbm>> -> memref<128x16xf32, #tpu.memory_space<hbm>>
            tpu.wait_dma2 semaphore(%arg14 : memref<!tpu.dma_semaphore, #tpu.memory_space<semaphore_mem>>) src(%dma_wait3A_768 : memref<128x16xf32, #tpu.memory_space<hbm>>) dst(%dma_wait3A_765 : memref<128x16xf32, #tpu.memory_space<vmem>>)
          } else {
          }
          %scan3A_718 = arith.constant 0 : i32
          %scan3A_719 = arith.constant 8 : i32
          %scan3A_720 = arith.addi %scan3A_718, %scan3A_719 : i32
          %scan3A_721 = arith.constant 1 : i32
          scf.for %scan3A_745 = %scan3A_718 to %scan3A_720 step %scan3A_721  : i32 {
            %mul3A_746 = arith.constant 16 : i32
            %mul3A_747 = arith.muli %scan3A_745, %mul3A_746 : i32
            %add3A_748 = arith.constant 9216 : i32
            %add3A_749 = arith.addi %add3A_748, %mul3A_747 : i32
            %add3A_750 = vector.broadcast %add3A_749 : i32 to vector<16xi32>
            %add3A_751 = arith.addi %add3A_457, %add3A_750 : vector<16xi32>
            %gather3A = tpu.vector_load_idx %arg7[%add3A_751] : memref<16384xf32, #tpu.memory_space<vmem>>[vector<16xi32>], vector<16xf32>,
            %add3A_752 = arith.constant 128 : i32
            %add3A_753 = arith.addi %add3A_752, %mul3A_747 : i32
            %add3A_754 = vector.broadcast %add3A_753 : i32 to vector<16xi32>
            %add3A_755 = arith.addi %select_n3A_81, %add3A_754 : vector<16xi32>
            tpu.vector_store_idx %arg8[%add3A_755, %iota3A], %gather3A : memref<512x16xf32, #tpu.memory_space<vmem>>[vector<16xi32>, vector<16xi32>], vector<16xf32>,
            %add3A_756 = arith.constant 9216 : i32
            %add3A_757 = arith.addi %add3A_756, %mul3A_747 : i32
            %add3A_758 = vector.broadcast %add3A_757 : i32 to vector<16xi32>
            %add3A_759 = arith.addi %add3A_458, %add3A_758 : vector<16xi32>
            %gather3A_760 = tpu.vector_load_idx %arg7[%add3A_759] : memref<16384xf32, #tpu.memory_space<vmem>>[vector<16xi32>], vector<16xf32>,
            %add3A_761 = arith.constant 128 : i32
            %add3A_762 = arith.addi %add3A_761, %mul3A_747 : i32
            %add3A_763 = vector.broadcast %add3A_762 : i32 to vector<16xi32>
            %add3A_764 = arith.addi %select_n3A_106, %add3A_763 : vector<16xi32>
            tpu.vector_store_idx %arg8[%add3A_764, %iota3A], %gather3A_760 : memref<512x16xf32, #tpu.memory_space<vmem>>[vector<16xi32>, vector<16xi32>], vector<16xf32>,
            %add3A_765 = arith.constant 9216 : i32
            %add3A_766 = arith.addi %add3A_765, %mul3A_747 : i32
            %add3A_767 = vector.broadcast %add3A_766 : i32 to vector<16xi32>
            %add3A_768 = arith.addi %add3A_459, %add3A_767 : vector<16xi32>
            %gather3A_769 = tpu.vector_load_idx %arg7[%add3A_768] : memref<16384xf32, #tpu.memory_space<vmem>>[vector<16xi32>], vector<16xf32>,
            %add3A_770 = arith.constant 128 : i32
            %add3A_771 = arith.addi %add3A_770, %mul3A_747 : i32
            %add3A_772 = vector.broadcast %add3A_771 : i32 to vector<16xi32>
            %add3A_773 = arith.addi %select_n3A_131, %add3A_772 : vector<16xi32>
            tpu.vector_store_idx %arg8[%add3A_773, %iota3A], %gather3A_769 : memref<512x16xf32, #tpu.memory_space<vmem>>[vector<16xi32>, vector<16xi32>], vector<16xf32>,
            %add3A_774 = arith.constant 9216 : i32
            %add3A_775 = arith.addi %add3A_774, %mul3A_747 : i32
            %add3A_776 = vector.broadcast %add3A_775 : i32 to vector<16xi32>
            %add3A_777 = arith.addi %add3A_460, %add3A_776 : vector<16xi32>
            %gather3A_778 = tpu.vector_load_idx %arg7[%add3A_777] : memref<16384xf32, #tpu.memory_space<vmem>>[vector<16xi32>], vector<16xf32>,
            %add3A_779 = arith.constant 128 : i32
            %add3A_780 = arith.addi %add3A_779, %mul3A_747 : i32
            %add3A_781 = vector.broadcast %add3A_780 : i32 to vector<16xi32>
            %add3A_782 = arith.addi %select_n3A_156, %add3A_781 : vector<16xi32>
            tpu.vector_store_idx %arg8[%add3A_782, %iota3A], %gather3A_778 : memref<512x16xf32, #tpu.memory_space<vmem>>[vector<16xi32>, vector<16xi32>], vector<16xf32>,
            %add3A_783 = arith.constant 9216 : i32
            %add3A_784 = arith.addi %add3A_783, %mul3A_747 : i32
            %add3A_785 = vector.broadcast %add3A_784 : i32 to vector<16xi32>
            %add3A_786 = arith.addi %add3A_461, %add3A_785 : vector<16xi32>
            %gather3A_787 = tpu.vector_load_idx %arg7[%add3A_786] : memref<16384xf32, #tpu.memory_space<vmem>>[vector<16xi32>], vector<16xf32>,
            %add3A_788 = arith.constant 128 : i32
            %add3A_789 = arith.addi %add3A_788, %mul3A_747 : i32
            %add3A_790 = vector.broadcast %add3A_789 : i32 to vector<16xi32>
            %add3A_791 = arith.addi %select_n3A_181, %add3A_790 : vector<16xi32>
            tpu.vector_store_idx %arg8[%add3A_791, %iota3A], %gather3A_787 : memref<512x16xf32, #tpu.memory_space<vmem>>[vector<16xi32>, vector<16xi32>], vector<16xf32>,
            %add3A_792 = arith.constant 9216 : i32
            %add3A_793 = arith.addi %add3A_792, %mul3A_747 : i32
            %add3A_794 = vector.broadcast %add3A_793 : i32 to vector<16xi32>
            %add3A_795 = arith.addi %add3A_462, %add3A_794 : vector<16xi32>
            %gather3A_796 = tpu.vector_load_idx %arg7[%add3A_795] : memref<16384xf32, #tpu.memory_space<vmem>>[vector<16xi32>], vector<16xf32>,
            %add3A_797 = arith.constant 128 : i32
            %add3A_798 = arith.addi %add3A_797, %mul3A_747 : i32
            %add3A_799 = vector.broadcast %add3A_798 : i32 to vector<16xi32>
            %add3A_800 = arith.addi %select_n3A_206, %add3A_799 : vector<16xi32>
            tpu.vector_store_idx %arg8[%add3A_800, %iota3A], %gather3A_796 : memref<512x16xf32, #tpu.memory_space<vmem>>[vector<16xi32>, vector<16xi32>], vector<16xf32>,
            %add3A_801 = arith.constant 9216 : i32
            %add3A_802 = arith.addi %add3A_801, %mul3A_747 : i32
            %add3A_803 = vector.broadcast %add3A_802 : i32 to vector<16xi32>
            %add3A_804 = arith.addi %add3A_463, %add3A_803 : vector<16xi32>
            %gather3A_805 = tpu.vector_load_idx %arg7[%add3A_804] : memref<16384xf32, #tpu.memory_space<vmem>>[vector<16xi32>], vector<16xf32>,
            %add3A_806 = arith.constant 128 : i32
            %add3A_807 = arith.addi %add3A_806, %mul3A_747 : i32
            %add3A_808 = vector.broadcast %add3A_807 : i32 to vector<16xi32>
            %add3A_809 = arith.addi %select_n3A_231, %add3A_808 : vector<16xi32>
            tpu.vector_store_idx %arg8[%add3A_809, %iota3A], %gather3A_805 : memref<512x16xf32, #tpu.memory_space<vmem>>[vector<16xi32>, vector<16xi32>], vector<16xf32>,
            %add3A_810 = arith.constant 9216 : i32
            %add3A_811 = arith.addi %add3A_810, %mul3A_747 : i32
            %add3A_812 = vector.broadcast %add3A_811 : i32 to vector<16xi32>
            %add3A_813 = arith.addi %add3A_464, %add3A_812 : vector<16xi32>
            %gather3A_814 = tpu.vector_load_idx %arg7[%add3A_813] : memref<16384xf32, #tpu.memory_space<vmem>>[vector<16xi32>], vector<16xf32>,
            %add3A_815 = arith.constant 128 : i32
            %add3A_816 = arith.addi %add3A_815, %mul3A_747 : i32
            %add3A_817 = vector.broadcast %add3A_816 : i32 to vector<16xi32>
            %add3A_818 = arith.addi %select_n3A_256, %add3A_817 : vector<16xi32>
            tpu.vector_store_idx %arg8[%add3A_818, %iota3A], %gather3A_814 : memref<512x16xf32, #tpu.memory_space<vmem>>[vector<16xi32>, vector<16xi32>], vector<16xf32>,
            %add3A_819 = arith.constant 9216 : i32
            %add3A_820 = arith.addi %add3A_819, %mul3A_747 : i32
            %add3A_821 = vector.broadcast %add3A_820 : i32 to vector<16xi32>
            %add3A_822 = arith.addi %add3A_465, %add3A_821 : vector<16xi32>
            %gather3A_823 = tpu.vector_load_idx %arg7[%add3A_822] : memref<16384xf32, #tpu.memory_space<vmem>>[vector<16xi32>], vector<16xf32>,
            %add3A_824 = arith.constant 128 : i32
            %add3A_825 = arith.addi %add3A_824, %mul3A_747 : i32
            %add3A_826 = vector.broadcast %add3A_825 : i32 to vector<16xi32>
            %add3A_827 = arith.addi %select_n3A_281, %add3A_826 : vector<16xi32>
            tpu.vector_store_idx %arg8[%add3A_827, %iota3A], %gather3A_823 : memref<512x16xf32, #tpu.memory_space<vmem>>[vector<16xi32>, vector<16xi32>], vector<16xf32>,
            %add3A_828 = arith.constant 9216 : i32
            %add3A_829 = arith.addi %add3A_828, %mul3A_747 : i32
            %add3A_830 = vector.broadcast %add3A_829 : i32 to vector<16xi32>
            %add3A_831 = arith.addi %add3A_466, %add3A_830 : vector<16xi32>
            %gather3A_832 = tpu.vector_load_idx %arg7[%add3A_831] : memref<16384xf32, #tpu.memory_space<vmem>>[vector<16xi32>], vector<16xf32>,
            %add3A_833 = arith.constant 128 : i32
            %add3A_834 = arith.addi %add3A_833, %mul3A_747 : i32
            %add3A_835 = vector.broadcast %add3A_834 : i32 to vector<16xi32>
            %add3A_836 = arith.addi %select_n3A_306, %add3A_835 : vector<16xi32>
            tpu.vector_store_idx %arg8[%add3A_836, %iota3A], %gather3A_832 : memref<512x16xf32, #tpu.memory_space<vmem>>[vector<16xi32>, vector<16xi32>], vector<16xf32>,
            %add3A_837 = arith.constant 9216 : i32
            %add3A_838 = arith.addi %add3A_837, %mul3A_747 : i32
            %add3A_839 = vector.broadcast %add3A_838 : i32 to vector<16xi32>
            %add3A_840 = arith.addi %add3A_467, %add3A_839 : vector<16xi32>
            %gather3A_841 = tpu.vector_load_idx %arg7[%add3A_840] : memref<16384xf32, #tpu.memory_space<vmem>>[vector<16xi32>], vector<16xf32>,
            %add3A_842 = arith.constant 128 : i32
            %add3A_843 = arith.addi %add3A_842, %mul3A_747 : i32
            %add3A_844 = vector.broadcast %add3A_843 : i32 to vector<16xi32>
            %add3A_845 = arith.addi %select_n3A_331, %add3A_844 : vector<16xi32>
            tpu.vector_store_idx %arg8[%add3A_845, %iota3A], %gather3A_841 : memref<512x16xf32, #tpu.memory_space<vmem>>[vector<16xi32>, vector<16xi32>], vector<16xf32>,
            %add3A_846 = arith.constant 9216 : i32
            %add3A_847 = arith.addi %add3A_846, %mul3A_747 : i32
            %add3A_848 = vector.broadcast %add3A_847 : i32 to vector<16xi32>
            %add3A_849 = arith.addi %add3A_468, %add3A_848 : vector<16xi32>
            %gather3A_850 = tpu.vector_load_idx %arg7[%add3A_849] : memref<16384xf32, #tpu.memory_space<vmem>>[vector<16xi32>], vector<16xf32>,
            %add3A_851 = arith.constant 128 : i32
            %add3A_852 = arith.addi %add3A_851, %mul3A_747 : i32
            %add3A_853 = vector.broadcast %add3A_852 : i32 to vector<16xi32>
            %add3A_854 = arith.addi %select_n3A_356, %add3A_853 : vector<16xi32>
            tpu.vector_store_idx %arg8[%add3A_854, %iota3A], %gather3A_850 : memref<512x16xf32, #tpu.memory_space<vmem>>[vector<16xi32>, vector<16xi32>], vector<16xf32>,
            %add3A_855 = arith.constant 9216 : i32
            %add3A_856 = arith.addi %add3A_855, %mul3A_747 : i32
            %add3A_857 = vector.broadcast %add3A_856 : i32 to vector<16xi32>
            %add3A_858 = arith.addi %add3A_469, %add3A_857 : vector<16xi32>
            %gather3A_859 = tpu.vector_load_idx %arg7[%add3A_858] : memref<16384xf32, #tpu.memory_space<vmem>>[vector<16xi32>], vector<16xf32>,
            %add3A_860 = arith.constant 128 : i32
            %add3A_861 = arith.addi %add3A_860, %mul3A_747 : i32
            %add3A_862 = vector.broadcast %add3A_861 : i32 to vector<16xi32>
            %add3A_863 = arith.addi %select_n3A_381, %add3A_862 : vector<16xi32>
            tpu.vector_store_idx %arg8[%add3A_863, %iota3A], %gather3A_859 : memref<512x16xf32, #tpu.memory_space<vmem>>[vector<16xi32>, vector<16xi32>], vector<16xf32>,
            %add3A_864 = arith.constant 9216 : i32
            %add3A_865 = arith.addi %add3A_864, %mul3A_747 : i32
            %add3A_866 = vector.broadcast %add3A_865 : i32 to vector<16xi32>
            %add3A_867 = arith.addi %add3A_470, %add3A_866 : vector<16xi32>
            %gather3A_868 = tpu.vector_load_idx %arg7[%add3A_867] : memref<16384xf32, #tpu.memory_space<vmem>>[vector<16xi32>], vector<16xf32>,
            %add3A_869 = arith.constant 128 : i32
            %add3A_870 = arith.addi %add3A_869, %mul3A_747 : i32
            %add3A_871 = vector.broadcast %add3A_870 : i32 to vector<16xi32>
            %add3A_872 = arith.addi %select_n3A_406, %add3A_871 : vector<16xi32>
            tpu.vector_store_idx %arg8[%add3A_872, %iota3A], %gather3A_868 : memref<512x16xf32, #tpu.memory_space<vmem>>[vector<16xi32>, vector<16xi32>], vector<16xf32>,
            %add3A_873 = arith.constant 9216 : i32
            %add3A_874 = arith.addi %add3A_873, %mul3A_747 : i32
            %add3A_875 = vector.broadcast %add3A_874 : i32 to vector<16xi32>
            %add3A_876 = arith.addi %add3A_471, %add3A_875 : vector<16xi32>
            %gather3A_877 = tpu.vector_load_idx %arg7[%add3A_876] : memref<16384xf32, #tpu.memory_space<vmem>>[vector<16xi32>], vector<16xf32>,
            %add3A_878 = arith.constant 128 : i32
            %add3A_879 = arith.addi %add3A_878, %mul3A_747 : i32
            %add3A_880 = vector.broadcast %add3A_879 : i32 to vector<16xi32>
            %add3A_881 = arith.addi %select_n3A_431, %add3A_880 : vector<16xi32>
            tpu.vector_store_idx %arg8[%add3A_881, %iota3A], %gather3A_877 : memref<512x16xf32, #tpu.memory_space<vmem>>[vector<16xi32>, vector<16xi32>], vector<16xf32>,
            %add3A_882 = arith.constant 9216 : i32
            %add3A_883 = arith.addi %add3A_882, %mul3A_747 : i32
            %add3A_884 = vector.broadcast %add3A_883 : i32 to vector<16xi32>
            %add3A_885 = arith.addi %add3A_472, %add3A_884 : vector<16xi32>
            %gather3A_886 = tpu.vector_load_idx %arg7[%add3A_885] : memref<16384xf32, #tpu.memory_space<vmem>>[vector<16xi32>], vector<16xf32>,
            %add3A_887 = arith.constant 128 : i32
            %add3A_888 = arith.addi %add3A_887, %mul3A_747 : i32
            %add3A_889 = vector.broadcast %add3A_888 : i32 to vector<16xi32>
            %add3A_890 = arith.addi %select_n3A_456, %add3A_889 : vector<16xi32>
            tpu.vector_store_idx %arg8[%add3A_890, %iota3A], %gather3A_886 : memref<512x16xf32, #tpu.memory_space<vmem>>[vector<16xi32>, vector<16xi32>], vector<16xf32>,
          }
          %scan3A_722 = arith.constant 8 : i32
          %dma_start3A_723 = arith.constant 1 : i32
          %dma_start3A_724 = arith.constant 1 : i32
          %dma_start3A_725 = arith.constant 128 : i32
          %dma_start3A_726 = arith.constant 0 : i32
          %dma_start3A_727 = tpu.memref_slice %arg8[%dma_start3A_725, %dma_start3A_726] : memref<512x16xf32, #tpu.memory_space<vmem>> -> memref<128x16xf32, #tpu.memory_space<vmem>>
          %dma_start3A_728 = arith.constant 0 : i32
          %dma_start3A_729 = tpu.memref_slice %arg9[%dma_start3A_723, %dma_start3A_724, %dma_start3A_728] : memref<2x4x128xi32, #tpu.memory_space<vmem>> -> memref<1x1x128xi32, #tpu.memory_space<vmem>>
          %dma_start3A_730 = tpu.memref_squeeze %dma_start3A_729 : memref<1x1x128xi32, #tpu.memory_space<vmem>> -> memref<128xi32, #tpu.memory_space<vmem>>
          %dma_start3A_731 = arith.constant 0 : i32
          %dma_start3A_732 = arith.constant 0 : i32
          %dma_start3A_733 = tpu.memref_slice %arg11[%dma_start3A_731, %dma_start3A_732] : memref<100000x16xf32, #tpu.memory_space<vmem_shared>> -> memref<100000x16xf32, #tpu.memory_space<vmem_shared>>
          tpu.enqueue_indirect_dma source(%dma_start3A_727 : memref<128x16xf32, #tpu.memory_space<vmem>>) target(%dma_start3A_733 : memref<100000x16xf32, #tpu.memory_space<vmem_shared>>) offsets(%dma_start3A_730 : memref<128xi32, #tpu.memory_space<vmem>>) semaphore(%arg14 : memref<!tpu.dma_semaphore, #tpu.memory_space<semaphore_mem>>) {add = true}
          %dma_start3A_734 = arith.constant 1 : i32
          %dma_start3A_735 = arith.constant 1 : i32
          %dma_start3A_736 = arith.constant 128 : i32
          %dma_start3A_737 = arith.constant 0 : i32
          %dma_start3A_738 = tpu.memref_slice %arg8[%dma_start3A_736, %dma_start3A_737] : memref<512x16xf32, #tpu.memory_space<vmem>> -> memref<128x16xf32, #tpu.memory_space<vmem>>
          %dma_start3A_739 = arith.constant 0 : i32
          %dma_start3A_740 = tpu.memref_slice %arg10[%dma_start3A_734, %dma_start3A_735, %dma_start3A_739] : memref<2x4x128xi32, #tpu.memory_space<vmem>> -> memref<1x1x128xi32, #tpu.memory_space<vmem>>
          %dma_start3A_741 = tpu.memref_squeeze %dma_start3A_740 : memref<1x1x128xi32, #tpu.memory_space<vmem>> -> memref<128xi32, #tpu.memory_space<vmem>>
          %dma_start3A_742 = arith.constant 0 : i32
          %dma_start3A_743 = arith.constant 0 : i32
          %dma_start3A_744 = tpu.memref_slice %arg11[%dma_start3A_742, %dma_start3A_743] : memref<100000x16xf32, #tpu.memory_space<vmem_shared>> -> memref<100000x16xf32, #tpu.memory_space<vmem_shared>>
          tpu.enqueue_indirect_dma source(%dma_start3A_738 : memref<128x16xf32, #tpu.memory_space<vmem>>) target(%dma_start3A_744 : memref<100000x16xf32, #tpu.memory_space<vmem_shared>>) offsets(%dma_start3A_741 : memref<128xi32, #tpu.memory_space<vmem>>) semaphore(%arg14 : memref<!tpu.dma_semaphore, #tpu.memory_space<semaphore_mem>>) {add = true}
        } else {
        }
        %add3A_700 = arith.constant 2 : i32
        %add3A_701 = arith.addi %add3A_596, %add3A_700 : i32
        %lt3A_702 = arith.constant 25000 : i32
        %lt3A_703 = arith.cmpi slt, %add3A_701, %lt3A_702 : i32
        %convert_element_type3A_704 = arith.extui %lt3A_703 : i1 to i32
        %cond3A_705 = arith.constant 0 : i32
        %cond3A_706 = arith.cmpi ne, %convert_element_type3A_704, %cond3A_705 : i32
        scf.if %cond3A_706 {
          %gt3A = arith.constant 0 : i32
          %gt3A_714 = arith.cmpi sgt, %add3A_593, %gt3A : i32
          %convert_element_type3A_715 = arith.extui %gt3A_714 : i1 to i32
          %cond3A_716 = arith.constant 0 : i32
          %cond3A_717 = arith.cmpi ne, %convert_element_type3A_715, %cond3A_716 : i32
          scf.if %cond3A_717 {
            %dma_wait3A_745 = arith.constant 384 : i32
            %dma_wait3A_746 = arith.constant 0 : i32
            %dma_wait3A_747 = tpu.memref_slice %arg8[%dma_wait3A_745, %dma_wait3A_746] : memref<512x16xf32, #tpu.memory_space<vmem>> -> memref<128x16xf32, #tpu.memory_space<vmem>>
            %dma_wait3A_748 = arith.constant 0 : i32
            %dma_wait3A_749 = arith.constant 0 : i32
            %dma_wait3A_750 = tpu.memref_slice %arg5[%dma_wait3A_748, %dma_wait3A_749] : memref<100000x16xf32, #tpu.memory_space<hbm>> -> memref<128x16xf32, #tpu.memory_space<hbm>>
            %dma_wait3A_751 = arith.constant 384 : i32
            %dma_wait3A_752 = arith.constant 0 : i32
            %dma_wait3A_753 = tpu.memref_slice %arg8[%dma_wait3A_751, %dma_wait3A_752] : memref<512x16xf32, #tpu.memory_space<vmem>> -> memref<128x16xf32, #tpu.memory_space<vmem>>
            %dma_wait3A_754 = arith.constant 0 : i32
            %dma_wait3A_755 = arith.constant 0 : i32
            %dma_wait3A_756 = tpu.memref_slice %arg5[%dma_wait3A_754, %dma_wait3A_755] : memref<100000x16xf32, #tpu.memory_space<hbm>> -> memref<128x16xf32, #tpu.memory_space<hbm>>
            tpu.wait_dma2 semaphore(%arg15 : memref<!tpu.dma_semaphore, #tpu.memory_space<semaphore_mem>>) src(%dma_wait3A_756 : memref<128x16xf32, #tpu.memory_space<hbm>>) dst(%dma_wait3A_753 : memref<128x16xf32, #tpu.memory_space<vmem>>)
            %dma_wait3A_757 = arith.constant 384 : i32
            %dma_wait3A_758 = arith.constant 0 : i32
            %dma_wait3A_759 = tpu.memref_slice %arg8[%dma_wait3A_757, %dma_wait3A_758] : memref<512x16xf32, #tpu.memory_space<vmem>> -> memref<128x16xf32, #tpu.memory_space<vmem>>
            %dma_wait3A_760 = arith.constant 0 : i32
            %dma_wait3A_761 = arith.constant 0 : i32
            %dma_wait3A_762 = tpu.memref_slice %arg5[%dma_wait3A_760, %dma_wait3A_761] : memref<100000x16xf32, #tpu.memory_space<hbm>> -> memref<128x16xf32, #tpu.memory_space<hbm>>
            %dma_wait3A_763 = arith.constant 384 : i32
            %dma_wait3A_764 = arith.constant 0 : i32
            %dma_wait3A_765 = tpu.memref_slice %arg8[%dma_wait3A_763, %dma_wait3A_764] : memref<512x16xf32, #tpu.memory_space<vmem>> -> memref<128x16xf32, #tpu.memory_space<vmem>>
            %dma_wait3A_766 = arith.constant 0 : i32
            %dma_wait3A_767 = arith.constant 0 : i32
            %dma_wait3A_768 = tpu.memref_slice %arg5[%dma_wait3A_766, %dma_wait3A_767] : memref<100000x16xf32, #tpu.memory_space<hbm>> -> memref<128x16xf32, #tpu.memory_space<hbm>>
            tpu.wait_dma2 semaphore(%arg15 : memref<!tpu.dma_semaphore, #tpu.memory_space<semaphore_mem>>) src(%dma_wait3A_768 : memref<128x16xf32, #tpu.memory_space<hbm>>) dst(%dma_wait3A_765 : memref<128x16xf32, #tpu.memory_space<vmem>>)
          } else {
          }
          %scan3A_718 = arith.constant 0 : i32
          %scan3A_719 = arith.constant 8 : i32
          %scan3A_720 = arith.addi %scan3A_718, %scan3A_719 : i32
          %scan3A_721 = arith.constant 1 : i32
          scf.for %scan3A_745 = %scan3A_718 to %scan3A_720 step %scan3A_721  : i32 {
            %mul3A_746 = arith.constant 16 : i32
            %mul3A_747 = arith.muli %scan3A_745, %mul3A_746 : i32
            %add3A_748 = arith.constant 10240 : i32
            %add3A_749 = arith.addi %add3A_748, %mul3A_747 : i32
            %add3A_750 = vector.broadcast %add3A_749 : i32 to vector<16xi32>
            %add3A_751 = arith.addi %add3A_457, %add3A_750 : vector<16xi32>
            %gather3A = tpu.vector_load_idx %arg7[%add3A_751] : memref<16384xf32, #tpu.memory_space<vmem>>[vector<16xi32>], vector<16xf32>,
            %add3A_752 = arith.constant 256 : i32
            %add3A_753 = arith.addi %add3A_752, %mul3A_747 : i32
            %add3A_754 = vector.broadcast %add3A_753 : i32 to vector<16xi32>
            %add3A_755 = arith.addi %select_n3A_81, %add3A_754 : vector<16xi32>
            tpu.vector_store_idx %arg8[%add3A_755, %iota3A], %gather3A : memref<512x16xf32, #tpu.memory_space<vmem>>[vector<16xi32>, vector<16xi32>], vector<16xf32>,
            %add3A_756 = arith.constant 10240 : i32
            %add3A_757 = arith.addi %add3A_756, %mul3A_747 : i32
            %add3A_758 = vector.broadcast %add3A_757 : i32 to vector<16xi32>
            %add3A_759 = arith.addi %add3A_458, %add3A_758 : vector<16xi32>
            %gather3A_760 = tpu.vector_load_idx %arg7[%add3A_759] : memref<16384xf32, #tpu.memory_space<vmem>>[vector<16xi32>], vector<16xf32>,
            %add3A_761 = arith.constant 256 : i32
            %add3A_762 = arith.addi %add3A_761, %mul3A_747 : i32
            %add3A_763 = vector.broadcast %add3A_762 : i32 to vector<16xi32>
            %add3A_764 = arith.addi %select_n3A_106, %add3A_763 : vector<16xi32>
            tpu.vector_store_idx %arg8[%add3A_764, %iota3A], %gather3A_760 : memref<512x16xf32, #tpu.memory_space<vmem>>[vector<16xi32>, vector<16xi32>], vector<16xf32>,
            %add3A_765 = arith.constant 10240 : i32
            %add3A_766 = arith.addi %add3A_765, %mul3A_747 : i32
            %add3A_767 = vector.broadcast %add3A_766 : i32 to vector<16xi32>
            %add3A_768 = arith.addi %add3A_459, %add3A_767 : vector<16xi32>
            %gather3A_769 = tpu.vector_load_idx %arg7[%add3A_768] : memref<16384xf32, #tpu.memory_space<vmem>>[vector<16xi32>], vector<16xf32>,
            %add3A_770 = arith.constant 256 : i32
            %add3A_771 = arith.addi %add3A_770, %mul3A_747 : i32
            %add3A_772 = vector.broadcast %add3A_771 : i32 to vector<16xi32>
            %add3A_773 = arith.addi %select_n3A_131, %add3A_772 : vector<16xi32>
            tpu.vector_store_idx %arg8[%add3A_773, %iota3A], %gather3A_769 : memref<512x16xf32, #tpu.memory_space<vmem>>[vector<16xi32>, vector<16xi32>], vector<16xf32>,
            %add3A_774 = arith.constant 10240 : i32
            %add3A_775 = arith.addi %add3A_774, %mul3A_747 : i32
            %add3A_776 = vector.broadcast %add3A_775 : i32 to vector<16xi32>
            %add3A_777 = arith.addi %add3A_460, %add3A_776 : vector<16xi32>
            %gather3A_778 = tpu.vector_load_idx %arg7[%add3A_777] : memref<16384xf32, #tpu.memory_space<vmem>>[vector<16xi32>], vector<16xf32>,
            %add3A_779 = arith.constant 256 : i32
            %add3A_780 = arith.addi %add3A_779, %mul3A_747 : i32
            %add3A_781 = vector.broadcast %add3A_780 : i32 to vector<16xi32>
            %add3A_782 = arith.addi %select_n3A_156, %add3A_781 : vector<16xi32>
            tpu.vector_store_idx %arg8[%add3A_782, %iota3A], %gather3A_778 : memref<512x16xf32, #tpu.memory_space<vmem>>[vector<16xi32>, vector<16xi32>], vector<16xf32>,
            %add3A_783 = arith.constant 10240 : i32
            %add3A_784 = arith.addi %add3A_783, %mul3A_747 : i32
            %add3A_785 = vector.broadcast %add3A_784 : i32 to vector<16xi32>
            %add3A_786 = arith.addi %add3A_461, %add3A_785 : vector<16xi32>
            %gather3A_787 = tpu.vector_load_idx %arg7[%add3A_786] : memref<16384xf32, #tpu.memory_space<vmem>>[vector<16xi32>], vector<16xf32>,
            %add3A_788 = arith.constant 256 : i32
            %add3A_789 = arith.addi %add3A_788, %mul3A_747 : i32
            %add3A_790 = vector.broadcast %add3A_789 : i32 to vector<16xi32>
            %add3A_791 = arith.addi %select_n3A_181, %add3A_790 : vector<16xi32>
            tpu.vector_store_idx %arg8[%add3A_791, %iota3A], %gather3A_787 : memref<512x16xf32, #tpu.memory_space<vmem>>[vector<16xi32>, vector<16xi32>], vector<16xf32>,
            %add3A_792 = arith.constant 10240 : i32
            %add3A_793 = arith.addi %add3A_792, %mul3A_747 : i32
            %add3A_794 = vector.broadcast %add3A_793 : i32 to vector<16xi32>
            %add3A_795 = arith.addi %add3A_462, %add3A_794 : vector<16xi32>
            %gather3A_796 = tpu.vector_load_idx %arg7[%add3A_795] : memref<16384xf32, #tpu.memory_space<vmem>>[vector<16xi32>], vector<16xf32>,
            %add3A_797 = arith.constant 256 : i32
            %add3A_798 = arith.addi %add3A_797, %mul3A_747 : i32
            %add3A_799 = vector.broadcast %add3A_798 : i32 to vector<16xi32>
            %add3A_800 = arith.addi %select_n3A_206, %add3A_799 : vector<16xi32>
            tpu.vector_store_idx %arg8[%add3A_800, %iota3A], %gather3A_796 : memref<512x16xf32, #tpu.memory_space<vmem>>[vector<16xi32>, vector<16xi32>], vector<16xf32>,
            %add3A_801 = arith.constant 10240 : i32
            %add3A_802 = arith.addi %add3A_801, %mul3A_747 : i32
            %add3A_803 = vector.broadcast %add3A_802 : i32 to vector<16xi32>
            %add3A_804 = arith.addi %add3A_463, %add3A_803 : vector<16xi32>
            %gather3A_805 = tpu.vector_load_idx %arg7[%add3A_804] : memref<16384xf32, #tpu.memory_space<vmem>>[vector<16xi32>], vector<16xf32>,
            %add3A_806 = arith.constant 256 : i32
            %add3A_807 = arith.addi %add3A_806, %mul3A_747 : i32
            %add3A_808 = vector.broadcast %add3A_807 : i32 to vector<16xi32>
            %add3A_809 = arith.addi %select_n3A_231, %add3A_808 : vector<16xi32>
            tpu.vector_store_idx %arg8[%add3A_809, %iota3A], %gather3A_805 : memref<512x16xf32, #tpu.memory_space<vmem>>[vector<16xi32>, vector<16xi32>], vector<16xf32>,
            %add3A_810 = arith.constant 10240 : i32
            %add3A_811 = arith.addi %add3A_810, %mul3A_747 : i32
            %add3A_812 = vector.broadcast %add3A_811 : i32 to vector<16xi32>
            %add3A_813 = arith.addi %add3A_464, %add3A_812 : vector<16xi32>
            %gather3A_814 = tpu.vector_load_idx %arg7[%add3A_813] : memref<16384xf32, #tpu.memory_space<vmem>>[vector<16xi32>], vector<16xf32>,
            %add3A_815 = arith.constant 256 : i32
            %add3A_816 = arith.addi %add3A_815, %mul3A_747 : i32
            %add3A_817 = vector.broadcast %add3A_816 : i32 to vector<16xi32>
            %add3A_818 = arith.addi %select_n3A_256, %add3A_817 : vector<16xi32>
            tpu.vector_store_idx %arg8[%add3A_818, %iota3A], %gather3A_814 : memref<512x16xf32, #tpu.memory_space<vmem>>[vector<16xi32>, vector<16xi32>], vector<16xf32>,
            %add3A_819 = arith.constant 10240 : i32
            %add3A_820 = arith.addi %add3A_819, %mul3A_747 : i32
            %add3A_821 = vector.broadcast %add3A_820 : i32 to vector<16xi32>
            %add3A_822 = arith.addi %add3A_465, %add3A_821 : vector<16xi32>
            %gather3A_823 = tpu.vector_load_idx %arg7[%add3A_822] : memref<16384xf32, #tpu.memory_space<vmem>>[vector<16xi32>], vector<16xf32>,
            %add3A_824 = arith.constant 256 : i32
            %add3A_825 = arith.addi %add3A_824, %mul3A_747 : i32
            %add3A_826 = vector.broadcast %add3A_825 : i32 to vector<16xi32>
            %add3A_827 = arith.addi %select_n3A_281, %add3A_826 : vector<16xi32>
            tpu.vector_store_idx %arg8[%add3A_827, %iota3A], %gather3A_823 : memref<512x16xf32, #tpu.memory_space<vmem>>[vector<16xi32>, vector<16xi32>], vector<16xf32>,
            %add3A_828 = arith.constant 10240 : i32
            %add3A_829 = arith.addi %add3A_828, %mul3A_747 : i32
            %add3A_830 = vector.broadcast %add3A_829 : i32 to vector<16xi32>
            %add3A_831 = arith.addi %add3A_466, %add3A_830 : vector<16xi32>
            %gather3A_832 = tpu.vector_load_idx %arg7[%add3A_831] : memref<16384xf32, #tpu.memory_space<vmem>>[vector<16xi32>], vector<16xf32>,
            %add3A_833 = arith.constant 256 : i32
            %add3A_834 = arith.addi %add3A_833, %mul3A_747 : i32
            %add3A_835 = vector.broadcast %add3A_834 : i32 to vector<16xi32>
            %add3A_836 = arith.addi %select_n3A_306, %add3A_835 : vector<16xi32>
            tpu.vector_store_idx %arg8[%add3A_836, %iota3A], %gather3A_832 : memref<512x16xf32, #tpu.memory_space<vmem>>[vector<16xi32>, vector<16xi32>], vector<16xf32>,
            %add3A_837 = arith.constant 10240 : i32
            %add3A_838 = arith.addi %add3A_837, %mul3A_747 : i32
            %add3A_839 = vector.broadcast %add3A_838 : i32 to vector<16xi32>
            %add3A_840 = arith.addi %add3A_467, %add3A_839 : vector<16xi32>
            %gather3A_841 = tpu.vector_load_idx %arg7[%add3A_840] : memref<16384xf32, #tpu.memory_space<vmem>>[vector<16xi32>], vector<16xf32>,
            %add3A_842 = arith.constant 256 : i32
            %add3A_843 = arith.addi %add3A_842, %mul3A_747 : i32
            %add3A_844 = vector.broadcast %add3A_843 : i32 to vector<16xi32>
            %add3A_845 = arith.addi %select_n3A_331, %add3A_844 : vector<16xi32>
            tpu.vector_store_idx %arg8[%add3A_845, %iota3A], %gather3A_841 : memref<512x16xf32, #tpu.memory_space<vmem>>[vector<16xi32>, vector<16xi32>], vector<16xf32>,
            %add3A_846 = arith.constant 10240 : i32
            %add3A_847 = arith.addi %add3A_846, %mul3A_747 : i32
            %add3A_848 = vector.broadcast %add3A_847 : i32 to vector<16xi32>
            %add3A_849 = arith.addi %add3A_468, %add3A_848 : vector<16xi32>
            %gather3A_850 = tpu.vector_load_idx %arg7[%add3A_849] : memref<16384xf32, #tpu.memory_space<vmem>>[vector<16xi32>], vector<16xf32>,
            %add3A_851 = arith.constant 256 : i32
            %add3A_852 = arith.addi %add3A_851, %mul3A_747 : i32
            %add3A_853 = vector.broadcast %add3A_852 : i32 to vector<16xi32>
            %add3A_854 = arith.addi %select_n3A_356, %add3A_853 : vector<16xi32>
            tpu.vector_store_idx %arg8[%add3A_854, %iota3A], %gather3A_850 : memref<512x16xf32, #tpu.memory_space<vmem>>[vector<16xi32>, vector<16xi32>], vector<16xf32>,
            %add3A_855 = arith.constant 10240 : i32
            %add3A_856 = arith.addi %add3A_855, %mul3A_747 : i32
            %add3A_857 = vector.broadcast %add3A_856 : i32 to vector<16xi32>
            %add3A_858 = arith.addi %add3A_469, %add3A_857 : vector<16xi32>
            %gather3A_859 = tpu.vector_load_idx %arg7[%add3A_858] : memref<16384xf32, #tpu.memory_space<vmem>>[vector<16xi32>], vector<16xf32>,
            %add3A_860 = arith.constant 256 : i32
            %add3A_861 = arith.addi %add3A_860, %mul3A_747 : i32
            %add3A_862 = vector.broadcast %add3A_861 : i32 to vector<16xi32>
            %add3A_863 = arith.addi %select_n3A_381, %add3A_862 : vector<16xi32>
            tpu.vector_store_idx %arg8[%add3A_863, %iota3A], %gather3A_859 : memref<512x16xf32, #tpu.memory_space<vmem>>[vector<16xi32>, vector<16xi32>], vector<16xf32>,
            %add3A_864 = arith.constant 10240 : i32
            %add3A_865 = arith.addi %add3A_864, %mul3A_747 : i32
            %add3A_866 = vector.broadcast %add3A_865 : i32 to vector<16xi32>
            %add3A_867 = arith.addi %add3A_470, %add3A_866 : vector<16xi32>
            %gather3A_868 = tpu.vector_load_idx %arg7[%add3A_867] : memref<16384xf32, #tpu.memory_space<vmem>>[vector<16xi32>], vector<16xf32>,
            %add3A_869 = arith.constant 256 : i32
            %add3A_870 = arith.addi %add3A_869, %mul3A_747 : i32
            %add3A_871 = vector.broadcast %add3A_870 : i32 to vector<16xi32>
            %add3A_872 = arith.addi %select_n3A_406, %add3A_871 : vector<16xi32>
            tpu.vector_store_idx %arg8[%add3A_872, %iota3A], %gather3A_868 : memref<512x16xf32, #tpu.memory_space<vmem>>[vector<16xi32>, vector<16xi32>], vector<16xf32>,
            %add3A_873 = arith.constant 10240 : i32
            %add3A_874 = arith.addi %add3A_873, %mul3A_747 : i32
            %add3A_875 = vector.broadcast %add3A_874 : i32 to vector<16xi32>
            %add3A_876 = arith.addi %add3A_471, %add3A_875 : vector<16xi32>
            %gather3A_877 = tpu.vector_load_idx %arg7[%add3A_876] : memref<16384xf32, #tpu.memory_space<vmem>>[vector<16xi32>], vector<16xf32>,
            %add3A_878 = arith.constant 256 : i32
            %add3A_879 = arith.addi %add3A_878, %mul3A_747 : i32
            %add3A_880 = vector.broadcast %add3A_879 : i32 to vector<16xi32>
            %add3A_881 = arith.addi %select_n3A_431, %add3A_880 : vector<16xi32>
            tpu.vector_store_idx %arg8[%add3A_881, %iota3A], %gather3A_877 : memref<512x16xf32, #tpu.memory_space<vmem>>[vector<16xi32>, vector<16xi32>], vector<16xf32>,
            %add3A_882 = arith.constant 10240 : i32
            %add3A_883 = arith.addi %add3A_882, %mul3A_747 : i32
            %add3A_884 = vector.broadcast %add3A_883 : i32 to vector<16xi32>
            %add3A_885 = arith.addi %add3A_472, %add3A_884 : vector<16xi32>
            %gather3A_886 = tpu.vector_load_idx %arg7[%add3A_885] : memref<16384xf32, #tpu.memory_space<vmem>>[vector<16xi32>], vector<16xf32>,
            %add3A_887 = arith.constant 256 : i32
            %add3A_888 = arith.addi %add3A_887, %mul3A_747 : i32
            %add3A_889 = vector.broadcast %add3A_888 : i32 to vector<16xi32>
            %add3A_890 = arith.addi %select_n3A_456, %add3A_889 : vector<16xi32>
            tpu.vector_store_idx %arg8[%add3A_890, %iota3A], %gather3A_886 : memref<512x16xf32, #tpu.memory_space<vmem>>[vector<16xi32>, vector<16xi32>], vector<16xf32>,
          }
          %scan3A_722 = arith.constant 8 : i32
          %dma_start3A_723 = arith.constant 1 : i32
          %dma_start3A_724 = arith.constant 2 : i32
          %dma_start3A_725 = arith.constant 256 : i32
          %dma_start3A_726 = arith.constant 0 : i32
          %dma_start3A_727 = tpu.memref_slice %arg8[%dma_start3A_725, %dma_start3A_726] : memref<512x16xf32, #tpu.memory_space<vmem>> -> memref<128x16xf32, #tpu.memory_space<vmem>>
          %dma_start3A_728 = arith.constant 0 : i32
          %dma_start3A_729 = tpu.memref_slice %arg9[%dma_start3A_723, %dma_start3A_724, %dma_start3A_728] : memref<2x4x128xi32, #tpu.memory_space<vmem>> -> memref<1x1x128xi32, #tpu.memory_space<vmem>>
          %dma_start3A_730 = tpu.memref_squeeze %dma_start3A_729 : memref<1x1x128xi32, #tpu.memory_space<vmem>> -> memref<128xi32, #tpu.memory_space<vmem>>
          %dma_start3A_731 = arith.constant 0 : i32
          %dma_start3A_732 = arith.constant 0 : i32
          %dma_start3A_733 = tpu.memref_slice %arg11[%dma_start3A_731, %dma_start3A_732] : memref<100000x16xf32, #tpu.memory_space<vmem_shared>> -> memref<100000x16xf32, #tpu.memory_space<vmem_shared>>
          tpu.enqueue_indirect_dma source(%dma_start3A_727 : memref<128x16xf32, #tpu.memory_space<vmem>>) target(%dma_start3A_733 : memref<100000x16xf32, #tpu.memory_space<vmem_shared>>) offsets(%dma_start3A_730 : memref<128xi32, #tpu.memory_space<vmem>>) semaphore(%arg15 : memref<!tpu.dma_semaphore, #tpu.memory_space<semaphore_mem>>) {add = true}
          %dma_start3A_734 = arith.constant 1 : i32
          %dma_start3A_735 = arith.constant 2 : i32
          %dma_start3A_736 = arith.constant 256 : i32
          %dma_start3A_737 = arith.constant 0 : i32
          %dma_start3A_738 = tpu.memref_slice %arg8[%dma_start3A_736, %dma_start3A_737] : memref<512x16xf32, #tpu.memory_space<vmem>> -> memref<128x16xf32, #tpu.memory_space<vmem>>
          %dma_start3A_739 = arith.constant 0 : i32
          %dma_start3A_740 = tpu.memref_slice %arg10[%dma_start3A_734, %dma_start3A_735, %dma_start3A_739] : memref<2x4x128xi32, #tpu.memory_space<vmem>> -> memref<1x1x128xi32, #tpu.memory_space<vmem>>
          %dma_start3A_741 = tpu.memref_squeeze %dma_start3A_740 : memref<1x1x128xi32, #tpu.memory_space<vmem>> -> memref<128xi32, #tpu.memory_space<vmem>>
          %dma_start3A_742 = arith.constant 0 : i32
          %dma_start3A_743 = arith.constant 0 : i32
          %dma_start3A_744 = tpu.memref_slice %arg11[%dma_start3A_742, %dma_start3A_743] : memref<100000x16xf32, #tpu.memory_space<vmem_shared>> -> memref<100000x16xf32, #tpu.memory_space<vmem_shared>>
          tpu.enqueue_indirect_dma source(%dma_start3A_738 : memref<128x16xf32, #tpu.memory_space<vmem>>) target(%dma_start3A_744 : memref<100000x16xf32, #tpu.memory_space<vmem_shared>>) offsets(%dma_start3A_741 : memref<128xi32, #tpu.memory_space<vmem>>) semaphore(%arg15 : memref<!tpu.dma_semaphore, #tpu.memory_space<semaphore_mem>>) {add = true}
        } else {
        }
        %add3A_707 = arith.constant 3 : i32
        %add3A_708 = arith.addi %add3A_596, %add3A_707 : i32
        %lt3A_709 = arith.constant 25000 : i32
        %lt3A_710 = arith.cmpi slt, %add3A_708, %lt3A_709 : i32
        %convert_element_type3A_711 = arith.extui %lt3A_710 : i1 to i32
        %cond3A_712 = arith.constant 0 : i32
        %cond3A_713 = arith.cmpi ne, %convert_element_type3A_711, %cond3A_712 : i32
        scf.if %cond3A_713 {
          %gt3A = arith.constant 0 : i32
          %gt3A_714 = arith.cmpi sgt, %add3A_593, %gt3A : i32
          %convert_element_type3A_715 = arith.extui %gt3A_714 : i1 to i32
          %cond3A_716 = arith.constant 0 : i32
          %cond3A_717 = arith.cmpi ne, %convert_element_type3A_715, %cond3A_716 : i32
          scf.if %cond3A_717 {
            %dma_wait3A_745 = arith.constant 0 : i32
            %dma_wait3A_746 = arith.constant 0 : i32
            %dma_wait3A_747 = tpu.memref_slice %arg8[%dma_wait3A_745, %dma_wait3A_746] : memref<512x16xf32, #tpu.memory_space<vmem>> -> memref<128x16xf32, #tpu.memory_space<vmem>>
            %dma_wait3A_748 = arith.constant 0 : i32
            %dma_wait3A_749 = arith.constant 0 : i32
            %dma_wait3A_750 = tpu.memref_slice %arg5[%dma_wait3A_748, %dma_wait3A_749] : memref<100000x16xf32, #tpu.memory_space<hbm>> -> memref<128x16xf32, #tpu.memory_space<hbm>>
            %dma_wait3A_751 = arith.constant 0 : i32
            %dma_wait3A_752 = arith.constant 0 : i32
            %dma_wait3A_753 = tpu.memref_slice %arg8[%dma_wait3A_751, %dma_wait3A_752] : memref<512x16xf32, #tpu.memory_space<vmem>> -> memref<128x16xf32, #tpu.memory_space<vmem>>
            %dma_wait3A_754 = arith.constant 0 : i32
            %dma_wait3A_755 = arith.constant 0 : i32
            %dma_wait3A_756 = tpu.memref_slice %arg5[%dma_wait3A_754, %dma_wait3A_755] : memref<100000x16xf32, #tpu.memory_space<hbm>> -> memref<128x16xf32, #tpu.memory_space<hbm>>
            tpu.wait_dma2 semaphore(%arg16 : memref<!tpu.dma_semaphore, #tpu.memory_space<semaphore_mem>>) src(%dma_wait3A_756 : memref<128x16xf32, #tpu.memory_space<hbm>>) dst(%dma_wait3A_753 : memref<128x16xf32, #tpu.memory_space<vmem>>)
            %dma_wait3A_757 = arith.constant 0 : i32
            %dma_wait3A_758 = arith.constant 0 : i32
            %dma_wait3A_759 = tpu.memref_slice %arg8[%dma_wait3A_757, %dma_wait3A_758] : memref<512x16xf32, #tpu.memory_space<vmem>> -> memref<128x16xf32, #tpu.memory_space<vmem>>
            %dma_wait3A_760 = arith.constant 0 : i32
            %dma_wait3A_761 = arith.constant 0 : i32
            %dma_wait3A_762 = tpu.memref_slice %arg5[%dma_wait3A_760, %dma_wait3A_761] : memref<100000x16xf32, #tpu.memory_space<hbm>> -> memref<128x16xf32, #tpu.memory_space<hbm>>
            %dma_wait3A_763 = arith.constant 0 : i32
            %dma_wait3A_764 = arith.constant 0 : i32
            %dma_wait3A_765 = tpu.memref_slice %arg8[%dma_wait3A_763, %dma_wait3A_764] : memref<512x16xf32, #tpu.memory_space<vmem>> -> memref<128x16xf32, #tpu.memory_space<vmem>>
            %dma_wait3A_766 = arith.constant 0 : i32
            %dma_wait3A_767 = arith.constant 0 : i32
            %dma_wait3A_768 = tpu.memref_slice %arg5[%dma_wait3A_766, %dma_wait3A_767] : memref<100000x16xf32, #tpu.memory_space<hbm>> -> memref<128x16xf32, #tpu.memory_space<hbm>>
            tpu.wait_dma2 semaphore(%arg16 : memref<!tpu.dma_semaphore, #tpu.memory_space<semaphore_mem>>) src(%dma_wait3A_768 : memref<128x16xf32, #tpu.memory_space<hbm>>) dst(%dma_wait3A_765 : memref<128x16xf32, #tpu.memory_space<vmem>>)
          } else {
          }
          %scan3A_718 = arith.constant 0 : i32
          %scan3A_719 = arith.constant 8 : i32
          %scan3A_720 = arith.addi %scan3A_718, %scan3A_719 : i32
          %scan3A_721 = arith.constant 1 : i32
          scf.for %scan3A_745 = %scan3A_718 to %scan3A_720 step %scan3A_721  : i32 {
            %mul3A_746 = arith.constant 16 : i32
            %mul3A_747 = arith.muli %scan3A_745, %mul3A_746 : i32
            %add3A_748 = arith.constant 11264 : i32
            %add3A_749 = arith.addi %add3A_748, %mul3A_747 : i32
            %add3A_750 = vector.broadcast %add3A_749 : i32 to vector<16xi32>
            %add3A_751 = arith.addi %add3A_457, %add3A_750 : vector<16xi32>
            %gather3A = tpu.vector_load_idx %arg7[%add3A_751] : memref<16384xf32, #tpu.memory_space<vmem>>[vector<16xi32>], vector<16xf32>,
            %add3A_752 = arith.constant 384 : i32
            %add3A_753 = arith.addi %add3A_752, %mul3A_747 : i32
            %add3A_754 = vector.broadcast %add3A_753 : i32 to vector<16xi32>
            %add3A_755 = arith.addi %select_n3A_81, %add3A_754 : vector<16xi32>
            tpu.vector_store_idx %arg8[%add3A_755, %iota3A], %gather3A : memref<512x16xf32, #tpu.memory_space<vmem>>[vector<16xi32>, vector<16xi32>], vector<16xf32>,
            %add3A_756 = arith.constant 11264 : i32
            %add3A_757 = arith.addi %add3A_756, %mul3A_747 : i32
            %add3A_758 = vector.broadcast %add3A_757 : i32 to vector<16xi32>
            %add3A_759 = arith.addi %add3A_458, %add3A_758 : vector<16xi32>
            %gather3A_760 = tpu.vector_load_idx %arg7[%add3A_759] : memref<16384xf32, #tpu.memory_space<vmem>>[vector<16xi32>], vector<16xf32>,
            %add3A_761 = arith.constant 384 : i32
            %add3A_762 = arith.addi %add3A_761, %mul3A_747 : i32
            %add3A_763 = vector.broadcast %add3A_762 : i32 to vector<16xi32>
            %add3A_764 = arith.addi %select_n3A_106, %add3A_763 : vector<16xi32>
            tpu.vector_store_idx %arg8[%add3A_764, %iota3A], %gather3A_760 : memref<512x16xf32, #tpu.memory_space<vmem>>[vector<16xi32>, vector<16xi32>], vector<16xf32>,
            %add3A_765 = arith.constant 11264 : i32
            %add3A_766 = arith.addi %add3A_765, %mul3A_747 : i32
            %add3A_767 = vector.broadcast %add3A_766 : i32 to vector<16xi32>
            %add3A_768 = arith.addi %add3A_459, %add3A_767 : vector<16xi32>
            %gather3A_769 = tpu.vector_load_idx %arg7[%add3A_768] : memref<16384xf32, #tpu.memory_space<vmem>>[vector<16xi32>], vector<16xf32>,
            %add3A_770 = arith.constant 384 : i32
            %add3A_771 = arith.addi %add3A_770, %mul3A_747 : i32
            %add3A_772 = vector.broadcast %add3A_771 : i32 to vector<16xi32>
            %add3A_773 = arith.addi %select_n3A_131, %add3A_772 : vector<16xi32>
            tpu.vector_store_idx %arg8[%add3A_773, %iota3A], %gather3A_769 : memref<512x16xf32, #tpu.memory_space<vmem>>[vector<16xi32>, vector<16xi32>], vector<16xf32>,
            %add3A_774 = arith.constant 11264 : i32
            %add3A_775 = arith.addi %add3A_774, %mul3A_747 : i32
            %add3A_776 = vector.broadcast %add3A_775 : i32 to vector<16xi32>
            %add3A_777 = arith.addi %add3A_460, %add3A_776 : vector<16xi32>
            %gather3A_778 = tpu.vector_load_idx %arg7[%add3A_777] : memref<16384xf32, #tpu.memory_space<vmem>>[vector<16xi32>], vector<16xf32>,
            %add3A_779 = arith.constant 384 : i32
            %add3A_780 = arith.addi %add3A_779, %mul3A_747 : i32
            %add3A_781 = vector.broadcast %add3A_780 : i32 to vector<16xi32>
            %add3A_782 = arith.addi %select_n3A_156, %add3A_781 : vector<16xi32>
            tpu.vector_store_idx %arg8[%add3A_782, %iota3A], %gather3A_778 : memref<512x16xf32, #tpu.memory_space<vmem>>[vector<16xi32>, vector<16xi32>], vector<16xf32>,
            %add3A_783 = arith.constant 11264 : i32
            %add3A_784 = arith.addi %add3A_783, %mul3A_747 : i32
            %add3A_785 = vector.broadcast %add3A_784 : i32 to vector<16xi32>
            %add3A_786 = arith.addi %add3A_461, %add3A_785 : vector<16xi32>
            %gather3A_787 = tpu.vector_load_idx %arg7[%add3A_786] : memref<16384xf32, #tpu.memory_space<vmem>>[vector<16xi32>], vector<16xf32>,
            %add3A_788 = arith.constant 384 : i32
            %add3A_789 = arith.addi %add3A_788, %mul3A_747 : i32
            %add3A_790 = vector.broadcast %add3A_789 : i32 to vector<16xi32>
            %add3A_791 = arith.addi %select_n3A_181, %add3A_790 : vector<16xi32>
            tpu.vector_store_idx %arg8[%add3A_791, %iota3A], %gather3A_787 : memref<512x16xf32, #tpu.memory_space<vmem>>[vector<16xi32>, vector<16xi32>], vector<16xf32>,
            %add3A_792 = arith.constant 11264 : i32
            %add3A_793 = arith.addi %add3A_792, %mul3A_747 : i32
            %add3A_794 = vector.broadcast %add3A_793 : i32 to vector<16xi32>
            %add3A_795 = arith.addi %add3A_462, %add3A_794 : vector<16xi32>
            %gather3A_796 = tpu.vector_load_idx %arg7[%add3A_795] : memref<16384xf32, #tpu.memory_space<vmem>>[vector<16xi32>], vector<16xf32>,
            %add3A_797 = arith.constant 384 : i32
            %add3A_798 = arith.addi %add3A_797, %mul3A_747 : i32
            %add3A_799 = vector.broadcast %add3A_798 : i32 to vector<16xi32>
            %add3A_800 = arith.addi %select_n3A_206, %add3A_799 : vector<16xi32>
            tpu.vector_store_idx %arg8[%add3A_800, %iota3A], %gather3A_796 : memref<512x16xf32, #tpu.memory_space<vmem>>[vector<16xi32>, vector<16xi32>], vector<16xf32>,
            %add3A_801 = arith.constant 11264 : i32
            %add3A_802 = arith.addi %add3A_801, %mul3A_747 : i32
            %add3A_803 = vector.broadcast %add3A_802 : i32 to vector<16xi32>
            %add3A_804 = arith.addi %add3A_463, %add3A_803 : vector<16xi32>
            %gather3A_805 = tpu.vector_load_idx %arg7[%add3A_804] : memref<16384xf32, #tpu.memory_space<vmem>>[vector<16xi32>], vector<16xf32>,
            %add3A_806 = arith.constant 384 : i32
            %add3A_807 = arith.addi %add3A_806, %mul3A_747 : i32
            %add3A_808 = vector.broadcast %add3A_807 : i32 to vector<16xi32>
            %add3A_809 = arith.addi %select_n3A_231, %add3A_808 : vector<16xi32>
            tpu.vector_store_idx %arg8[%add3A_809, %iota3A], %gather3A_805 : memref<512x16xf32, #tpu.memory_space<vmem>>[vector<16xi32>, vector<16xi32>], vector<16xf32>,
            %add3A_810 = arith.constant 11264 : i32
            %add3A_811 = arith.addi %add3A_810, %mul3A_747 : i32
            %add3A_812 = vector.broadcast %add3A_811 : i32 to vector<16xi32>
            %add3A_813 = arith.addi %add3A_464, %add3A_812 : vector<16xi32>
            %gather3A_814 = tpu.vector_load_idx %arg7[%add3A_813] : memref<16384xf32, #tpu.memory_space<vmem>>[vector<16xi32>], vector<16xf32>,
            %add3A_815 = arith.constant 384 : i32
            %add3A_816 = arith.addi %add3A_815, %mul3A_747 : i32
            %add3A_817 = vector.broadcast %add3A_816 : i32 to vector<16xi32>
            %add3A_818 = arith.addi %select_n3A_256, %add3A_817 : vector<16xi32>
            tpu.vector_store_idx %arg8[%add3A_818, %iota3A], %gather3A_814 : memref<512x16xf32, #tpu.memory_space<vmem>>[vector<16xi32>, vector<16xi32>], vector<16xf32>,
            %add3A_819 = arith.constant 11264 : i32
            %add3A_820 = arith.addi %add3A_819, %mul3A_747 : i32
            %add3A_821 = vector.broadcast %add3A_820 : i32 to vector<16xi32>
            %add3A_822 = arith.addi %add3A_465, %add3A_821 : vector<16xi32>
            %gather3A_823 = tpu.vector_load_idx %arg7[%add3A_822] : memref<16384xf32, #tpu.memory_space<vmem>>[vector<16xi32>], vector<16xf32>,
            %add3A_824 = arith.constant 384 : i32
            %add3A_825 = arith.addi %add3A_824, %mul3A_747 : i32
            %add3A_826 = vector.broadcast %add3A_825 : i32 to vector<16xi32>
            %add3A_827 = arith.addi %select_n3A_281, %add3A_826 : vector<16xi32>
            tpu.vector_store_idx %arg8[%add3A_827, %iota3A], %gather3A_823 : memref<512x16xf32, #tpu.memory_space<vmem>>[vector<16xi32>, vector<16xi32>], vector<16xf32>,
            %add3A_828 = arith.constant 11264 : i32
            %add3A_829 = arith.addi %add3A_828, %mul3A_747 : i32
            %add3A_830 = vector.broadcast %add3A_829 : i32 to vector<16xi32>
            %add3A_831 = arith.addi %add3A_466, %add3A_830 : vector<16xi32>
            %gather3A_832 = tpu.vector_load_idx %arg7[%add3A_831] : memref<16384xf32, #tpu.memory_space<vmem>>[vector<16xi32>], vector<16xf32>,
            %add3A_833 = arith.constant 384 : i32
            %add3A_834 = arith.addi %add3A_833, %mul3A_747 : i32
            %add3A_835 = vector.broadcast %add3A_834 : i32 to vector<16xi32>
            %add3A_836 = arith.addi %select_n3A_306, %add3A_835 : vector<16xi32>
            tpu.vector_store_idx %arg8[%add3A_836, %iota3A], %gather3A_832 : memref<512x16xf32, #tpu.memory_space<vmem>>[vector<16xi32>, vector<16xi32>], vector<16xf32>,
            %add3A_837 = arith.constant 11264 : i32
            %add3A_838 = arith.addi %add3A_837, %mul3A_747 : i32
            %add3A_839 = vector.broadcast %add3A_838 : i32 to vector<16xi32>
            %add3A_840 = arith.addi %add3A_467, %add3A_839 : vector<16xi32>
            %gather3A_841 = tpu.vector_load_idx %arg7[%add3A_840] : memref<16384xf32, #tpu.memory_space<vmem>>[vector<16xi32>], vector<16xf32>,
            %add3A_842 = arith.constant 384 : i32
            %add3A_843 = arith.addi %add3A_842, %mul3A_747 : i32
            %add3A_844 = vector.broadcast %add3A_843 : i32 to vector<16xi32>
            %add3A_845 = arith.addi %select_n3A_331, %add3A_844 : vector<16xi32>
            tpu.vector_store_idx %arg8[%add3A_845, %iota3A], %gather3A_841 : memref<512x16xf32, #tpu.memory_space<vmem>>[vector<16xi32>, vector<16xi32>], vector<16xf32>,
            %add3A_846 = arith.constant 11264 : i32
            %add3A_847 = arith.addi %add3A_846, %mul3A_747 : i32
            %add3A_848 = vector.broadcast %add3A_847 : i32 to vector<16xi32>
            %add3A_849 = arith.addi %add3A_468, %add3A_848 : vector<16xi32>
            %gather3A_850 = tpu.vector_load_idx %arg7[%add3A_849] : memref<16384xf32, #tpu.memory_space<vmem>>[vector<16xi32>], vector<16xf32>,
            %add3A_851 = arith.constant 384 : i32
            %add3A_852 = arith.addi %add3A_851, %mul3A_747 : i32
            %add3A_853 = vector.broadcast %add3A_852 : i32 to vector<16xi32>
            %add3A_854 = arith.addi %select_n3A_356, %add3A_853 : vector<16xi32>
            tpu.vector_store_idx %arg8[%add3A_854, %iota3A], %gather3A_850 : memref<512x16xf32, #tpu.memory_space<vmem>>[vector<16xi32>, vector<16xi32>], vector<16xf32>,
            %add3A_855 = arith.constant 11264 : i32
            %add3A_856 = arith.addi %add3A_855, %mul3A_747 : i32
            %add3A_857 = vector.broadcast %add3A_856 : i32 to vector<16xi32>
            %add3A_858 = arith.addi %add3A_469, %add3A_857 : vector<16xi32>
            %gather3A_859 = tpu.vector_load_idx %arg7[%add3A_858] : memref<16384xf32, #tpu.memory_space<vmem>>[vector<16xi32>], vector<16xf32>,
            %add3A_860 = arith.constant 384 : i32
            %add3A_861 = arith.addi %add3A_860, %mul3A_747 : i32
            %add3A_862 = vector.broadcast %add3A_861 : i32 to vector<16xi32>
            %add3A_863 = arith.addi %select_n3A_381, %add3A_862 : vector<16xi32>
            tpu.vector_store_idx %arg8[%add3A_863, %iota3A], %gather3A_859 : memref<512x16xf32, #tpu.memory_space<vmem>>[vector<16xi32>, vector<16xi32>], vector<16xf32>,
            %add3A_864 = arith.constant 11264 : i32
            %add3A_865 = arith.addi %add3A_864, %mul3A_747 : i32
            %add3A_866 = vector.broadcast %add3A_865 : i32 to vector<16xi32>
            %add3A_867 = arith.addi %add3A_470, %add3A_866 : vector<16xi32>
            %gather3A_868 = tpu.vector_load_idx %arg7[%add3A_867] : memref<16384xf32, #tpu.memory_space<vmem>>[vector<16xi32>], vector<16xf32>,
            %add3A_869 = arith.constant 384 : i32
            %add3A_870 = arith.addi %add3A_869, %mul3A_747 : i32
            %add3A_871 = vector.broadcast %add3A_870 : i32 to vector<16xi32>
            %add3A_872 = arith.addi %select_n3A_406, %add3A_871 : vector<16xi32>
            tpu.vector_store_idx %arg8[%add3A_872, %iota3A], %gather3A_868 : memref<512x16xf32, #tpu.memory_space<vmem>>[vector<16xi32>, vector<16xi32>], vector<16xf32>,
            %add3A_873 = arith.constant 11264 : i32
            %add3A_874 = arith.addi %add3A_873, %mul3A_747 : i32
            %add3A_875 = vector.broadcast %add3A_874 : i32 to vector<16xi32>
            %add3A_876 = arith.addi %add3A_471, %add3A_875 : vector<16xi32>
            %gather3A_877 = tpu.vector_load_idx %arg7[%add3A_876] : memref<16384xf32, #tpu.memory_space<vmem>>[vector<16xi32>], vector<16xf32>,
            %add3A_878 = arith.constant 384 : i32
            %add3A_879 = arith.addi %add3A_878, %mul3A_747 : i32
            %add3A_880 = vector.broadcast %add3A_879 : i32 to vector<16xi32>
            %add3A_881 = arith.addi %select_n3A_431, %add3A_880 : vector<16xi32>
            tpu.vector_store_idx %arg8[%add3A_881, %iota3A], %gather3A_877 : memref<512x16xf32, #tpu.memory_space<vmem>>[vector<16xi32>, vector<16xi32>], vector<16xf32>,
            %add3A_882 = arith.constant 11264 : i32
            %add3A_883 = arith.addi %add3A_882, %mul3A_747 : i32
            %add3A_884 = vector.broadcast %add3A_883 : i32 to vector<16xi32>
            %add3A_885 = arith.addi %add3A_472, %add3A_884 : vector<16xi32>
            %gather3A_886 = tpu.vector_load_idx %arg7[%add3A_885] : memref<16384xf32, #tpu.memory_space<vmem>>[vector<16xi32>], vector<16xf32>,
            %add3A_887 = arith.constant 384 : i32
            %add3A_888 = arith.addi %add3A_887, %mul3A_747 : i32
            %add3A_889 = vector.broadcast %add3A_888 : i32 to vector<16xi32>
            %add3A_890 = arith.addi %select_n3A_456, %add3A_889 : vector<16xi32>
            tpu.vector_store_idx %arg8[%add3A_890, %iota3A], %gather3A_886 : memref<512x16xf32, #tpu.memory_space<vmem>>[vector<16xi32>, vector<16xi32>], vector<16xf32>,
          }
          %scan3A_722 = arith.constant 8 : i32
          %dma_start3A_723 = arith.constant 1 : i32
          %dma_start3A_724 = arith.constant 3 : i32
          %dma_start3A_725 = arith.constant 384 : i32
          %dma_start3A_726 = arith.constant 0 : i32
          %dma_start3A_727 = tpu.memref_slice %arg8[%dma_start3A_725, %dma_start3A_726] : memref<512x16xf32, #tpu.memory_space<vmem>> -> memref<128x16xf32, #tpu.memory_space<vmem>>
          %dma_start3A_728 = arith.constant 0 : i32
          %dma_start3A_729 = tpu.memref_slice %arg9[%dma_start3A_723, %dma_start3A_724, %dma_start3A_728] : memref<2x4x128xi32, #tpu.memory_space<vmem>> -> memref<1x1x128xi32, #tpu.memory_space<vmem>>
          %dma_start3A_730 = tpu.memref_squeeze %dma_start3A_729 : memref<1x1x128xi32, #tpu.memory_space<vmem>> -> memref<128xi32, #tpu.memory_space<vmem>>
          %dma_start3A_731 = arith.constant 0 : i32
          %dma_start3A_732 = arith.constant 0 : i32
          %dma_start3A_733 = tpu.memref_slice %arg11[%dma_start3A_731, %dma_start3A_732] : memref<100000x16xf32, #tpu.memory_space<vmem_shared>> -> memref<100000x16xf32, #tpu.memory_space<vmem_shared>>
          tpu.enqueue_indirect_dma source(%dma_start3A_727 : memref<128x16xf32, #tpu.memory_space<vmem>>) target(%dma_start3A_733 : memref<100000x16xf32, #tpu.memory_space<vmem_shared>>) offsets(%dma_start3A_730 : memref<128xi32, #tpu.memory_space<vmem>>) semaphore(%arg16 : memref<!tpu.dma_semaphore, #tpu.memory_space<semaphore_mem>>) {add = true}
          %dma_start3A_734 = arith.constant 1 : i32
          %dma_start3A_735 = arith.constant 3 : i32
          %dma_start3A_736 = arith.constant 384 : i32
          %dma_start3A_737 = arith.constant 0 : i32
          %dma_start3A_738 = tpu.memref_slice %arg8[%dma_start3A_736, %dma_start3A_737] : memref<512x16xf32, #tpu.memory_space<vmem>> -> memref<128x16xf32, #tpu.memory_space<vmem>>
          %dma_start3A_739 = arith.constant 0 : i32
          %dma_start3A_740 = tpu.memref_slice %arg10[%dma_start3A_734, %dma_start3A_735, %dma_start3A_739] : memref<2x4x128xi32, #tpu.memory_space<vmem>> -> memref<1x1x128xi32, #tpu.memory_space<vmem>>
          %dma_start3A_741 = tpu.memref_squeeze %dma_start3A_740 : memref<1x1x128xi32, #tpu.memory_space<vmem>> -> memref<128xi32, #tpu.memory_space<vmem>>
          %dma_start3A_742 = arith.constant 0 : i32
          %dma_start3A_743 = arith.constant 0 : i32
          %dma_start3A_744 = tpu.memref_slice %arg11[%dma_start3A_742, %dma_start3A_743] : memref<100000x16xf32, #tpu.memory_space<vmem_shared>> -> memref<100000x16xf32, #tpu.memory_space<vmem_shared>>
          tpu.enqueue_indirect_dma source(%dma_start3A_738 : memref<128x16xf32, #tpu.memory_space<vmem>>) target(%dma_start3A_744 : memref<100000x16xf32, #tpu.memory_space<vmem_shared>>) offsets(%dma_start3A_741 : memref<128xi32, #tpu.memory_space<vmem>>) semaphore(%arg16 : memref<!tpu.dma_semaphore, #tpu.memory_space<semaphore_mem>>) {add = true}
        } else {
        }
      } else {
      }
    }
    %scan3A_477 = arith.constant 98 : i32
    %dma_wait3A = arith.constant 128 : i32
    %dma_wait3A_478 = arith.constant 0 : i32
    %dma_wait3A_479 = tpu.memref_slice %arg8[%dma_wait3A, %dma_wait3A_478] : memref<512x16xf32, #tpu.memory_space<vmem>> -> memref<128x16xf32, #tpu.memory_space<vmem>>
    %dma_wait3A_480 = arith.constant 0 : i32
    %dma_wait3A_481 = arith.constant 0 : i32
    %dma_wait3A_482 = tpu.memref_slice %arg5[%dma_wait3A_480, %dma_wait3A_481] : memref<100000x16xf32, #tpu.memory_space<hbm>> -> memref<128x16xf32, #tpu.memory_space<hbm>>
    %dma_wait3A_483 = arith.constant 128 : i32
    %dma_wait3A_484 = arith.constant 0 : i32
    %dma_wait3A_485 = tpu.memref_slice %arg8[%dma_wait3A_483, %dma_wait3A_484] : memref<512x16xf32, #tpu.memory_space<vmem>> -> memref<128x16xf32, #tpu.memory_space<vmem>>
    %dma_wait3A_486 = arith.constant 0 : i32
    %dma_wait3A_487 = arith.constant 0 : i32
    %dma_wait3A_488 = tpu.memref_slice %arg5[%dma_wait3A_486, %dma_wait3A_487] : memref<100000x16xf32, #tpu.memory_space<hbm>> -> memref<128x16xf32, #tpu.memory_space<hbm>>
    tpu.wait_dma2 semaphore(%arg13 : memref<!tpu.dma_semaphore, #tpu.memory_space<semaphore_mem>>) src(%dma_wait3A_488 : memref<128x16xf32, #tpu.memory_space<hbm>>) dst(%dma_wait3A_485 : memref<128x16xf32, #tpu.memory_space<vmem>>)
    %dma_wait3A_489 = arith.constant 128 : i32
    %dma_wait3A_490 = arith.constant 0 : i32
    %dma_wait3A_491 = tpu.memref_slice %arg8[%dma_wait3A_489, %dma_wait3A_490] : memref<512x16xf32, #tpu.memory_space<vmem>> -> memref<128x16xf32, #tpu.memory_space<vmem>>
    %dma_wait3A_492 = arith.constant 0 : i32
    %dma_wait3A_493 = arith.constant 0 : i32
    %dma_wait3A_494 = tpu.memref_slice %arg5[%dma_wait3A_492, %dma_wait3A_493] : memref<100000x16xf32, #tpu.memory_space<hbm>> -> memref<128x16xf32, #tpu.memory_space<hbm>>
    %dma_wait3A_495 = arith.constant 128 : i32
    %dma_wait3A_496 = arith.constant 0 : i32
    %dma_wait3A_497 = tpu.memref_slice %arg8[%dma_wait3A_495, %dma_wait3A_496] : memref<512x16xf32, #tpu.memory_space<vmem>> -> memref<128x16xf32, #tpu.memory_space<vmem>>
    %dma_wait3A_498 = arith.constant 0 : i32
    %dma_wait3A_499 = arith.constant 0 : i32
    %dma_wait3A_500 = tpu.memref_slice %arg5[%dma_wait3A_498, %dma_wait3A_499] : memref<100000x16xf32, #tpu.memory_space<hbm>> -> memref<128x16xf32, #tpu.memory_space<hbm>>
    tpu.wait_dma2 semaphore(%arg13 : memref<!tpu.dma_semaphore, #tpu.memory_space<semaphore_mem>>) src(%dma_wait3A_500 : memref<128x16xf32, #tpu.memory_space<hbm>>) dst(%dma_wait3A_497 : memref<128x16xf32, #tpu.memory_space<vmem>>)
    %dma_wait3A_501 = arith.constant 256 : i32
    %dma_wait3A_502 = arith.constant 0 : i32
    %dma_wait3A_503 = tpu.memref_slice %arg8[%dma_wait3A_501, %dma_wait3A_502] : memref<512x16xf32, #tpu.memory_space<vmem>> -> memref<128x16xf32, #tpu.memory_space<vmem>>
    %dma_wait3A_504 = arith.constant 0 : i32
    %dma_wait3A_505 = arith.constant 0 : i32
    %dma_wait3A_506 = tpu.memref_slice %arg5[%dma_wait3A_504, %dma_wait3A_505] : memref<100000x16xf32, #tpu.memory_space<hbm>> -> memref<128x16xf32, #tpu.memory_space<hbm>>
    %dma_wait3A_507 = arith.constant 256 : i32
    %dma_wait3A_508 = arith.constant 0 : i32
    %dma_wait3A_509 = tpu.memref_slice %arg8[%dma_wait3A_507, %dma_wait3A_508] : memref<512x16xf32, #tpu.memory_space<vmem>> -> memref<128x16xf32, #tpu.memory_space<vmem>>
    %dma_wait3A_510 = arith.constant 0 : i32
    %dma_wait3A_511 = arith.constant 0 : i32
    %dma_wait3A_512 = tpu.memref_slice %arg5[%dma_wait3A_510, %dma_wait3A_511] : memref<100000x16xf32, #tpu.memory_space<hbm>> -> memref<128x16xf32, #tpu.memory_space<hbm>>
    tpu.wait_dma2 semaphore(%arg14 : memref<!tpu.dma_semaphore, #tpu.memory_space<semaphore_mem>>) src(%dma_wait3A_512 : memref<128x16xf32, #tpu.memory_space<hbm>>) dst(%dma_wait3A_509 : memref<128x16xf32, #tpu.memory_space<vmem>>)
    %dma_wait3A_513 = arith.constant 256 : i32
    %dma_wait3A_514 = arith.constant 0 : i32
    %dma_wait3A_515 = tpu.memref_slice %arg8[%dma_wait3A_513, %dma_wait3A_514] : memref<512x16xf32, #tpu.memory_space<vmem>> -> memref<128x16xf32, #tpu.memory_space<vmem>>
    %dma_wait3A_516 = arith.constant 0 : i32
    %dma_wait3A_517 = arith.constant 0 : i32
    %dma_wait3A_518 = tpu.memref_slice %arg5[%dma_wait3A_516, %dma_wait3A_517] : memref<100000x16xf32, #tpu.memory_space<hbm>> -> memref<128x16xf32, #tpu.memory_space<hbm>>
    %dma_wait3A_519 = arith.constant 256 : i32
    %dma_wait3A_520 = arith.constant 0 : i32
    %dma_wait3A_521 = tpu.memref_slice %arg8[%dma_wait3A_519, %dma_wait3A_520] : memref<512x16xf32, #tpu.memory_space<vmem>> -> memref<128x16xf32, #tpu.memory_space<vmem>>
    %dma_wait3A_522 = arith.constant 0 : i32
    %dma_wait3A_523 = arith.constant 0 : i32
    %dma_wait3A_524 = tpu.memref_slice %arg5[%dma_wait3A_522, %dma_wait3A_523] : memref<100000x16xf32, #tpu.memory_space<hbm>> -> memref<128x16xf32, #tpu.memory_space<hbm>>
    tpu.wait_dma2 semaphore(%arg14 : memref<!tpu.dma_semaphore, #tpu.memory_space<semaphore_mem>>) src(%dma_wait3A_524 : memref<128x16xf32, #tpu.memory_space<hbm>>) dst(%dma_wait3A_521 : memref<128x16xf32, #tpu.memory_space<vmem>>)
    %dma_wait3A_525 = arith.constant 384 : i32
    %dma_wait3A_526 = arith.constant 0 : i32
    %dma_wait3A_527 = tpu.memref_slice %arg8[%dma_wait3A_525, %dma_wait3A_526] : memref<512x16xf32, #tpu.memory_space<vmem>> -> memref<128x16xf32, #tpu.memory_space<vmem>>
    %dma_wait3A_528 = arith.constant 0 : i32
    %dma_wait3A_529 = arith.constant 0 : i32
    %dma_wait3A_530 = tpu.memref_slice %arg5[%dma_wait3A_528, %dma_wait3A_529] : memref<100000x16xf32, #tpu.memory_space<hbm>> -> memref<128x16xf32, #tpu.memory_space<hbm>>
    %dma_wait3A_531 = arith.constant 384 : i32
    %dma_wait3A_532 = arith.constant 0 : i32
    %dma_wait3A_533 = tpu.memref_slice %arg8[%dma_wait3A_531, %dma_wait3A_532] : memref<512x16xf32, #tpu.memory_space<vmem>> -> memref<128x16xf32, #tpu.memory_space<vmem>>
    %dma_wait3A_534 = arith.constant 0 : i32
    %dma_wait3A_535 = arith.constant 0 : i32
    %dma_wait3A_536 = tpu.memref_slice %arg5[%dma_wait3A_534, %dma_wait3A_535] : memref<100000x16xf32, #tpu.memory_space<hbm>> -> memref<128x16xf32, #tpu.memory_space<hbm>>
    tpu.wait_dma2 semaphore(%arg15 : memref<!tpu.dma_semaphore, #tpu.memory_space<semaphore_mem>>) src(%dma_wait3A_536 : memref<128x16xf32, #tpu.memory_space<hbm>>) dst(%dma_wait3A_533 : memref<128x16xf32, #tpu.memory_space<vmem>>)
    %dma_wait3A_537 = arith.constant 384 : i32
    %dma_wait3A_538 = arith.constant 0 : i32
    %dma_wait3A_539 = tpu.memref_slice %arg8[%dma_wait3A_537, %dma_wait3A_538] : memref<512x16xf32, #tpu.memory_space<vmem>> -> memref<128x16xf32, #tpu.memory_space<vmem>>
    %dma_wait3A_540 = arith.constant 0 : i32
    %dma_wait3A_541 = arith.constant 0 : i32
    %dma_wait3A_542 = tpu.memref_slice %arg5[%dma_wait3A_540, %dma_wait3A_541] : memref<100000x16xf32, #tpu.memory_space<hbm>> -> memref<128x16xf32, #tpu.memory_space<hbm>>
    %dma_wait3A_543 = arith.constant 384 : i32
    %dma_wait3A_544 = arith.constant 0 : i32
    %dma_wait3A_545 = tpu.memref_slice %arg8[%dma_wait3A_543, %dma_wait3A_544] : memref<512x16xf32, #tpu.memory_space<vmem>> -> memref<128x16xf32, #tpu.memory_space<vmem>>
    %dma_wait3A_546 = arith.constant 0 : i32
    %dma_wait3A_547 = arith.constant 0 : i32
    %dma_wait3A_548 = tpu.memref_slice %arg5[%dma_wait3A_546, %dma_wait3A_547] : memref<100000x16xf32, #tpu.memory_space<hbm>> -> memref<128x16xf32, #tpu.memory_space<hbm>>
    tpu.wait_dma2 semaphore(%arg15 : memref<!tpu.dma_semaphore, #tpu.memory_space<semaphore_mem>>) src(%dma_wait3A_548 : memref<128x16xf32, #tpu.memory_space<hbm>>) dst(%dma_wait3A_545 : memref<128x16xf32, #tpu.memory_space<vmem>>)
    %dma_wait3A_549 = arith.constant 0 : i32
    %dma_wait3A_550 = arith.constant 0 : i32
    %dma_wait3A_551 = tpu.memref_slice %arg8[%dma_wait3A_549, %dma_wait3A_550] : memref<512x16xf32, #tpu.memory_space<vmem>> -> memref<128x16xf32, #tpu.memory_space<vmem>>
    %dma_wait3A_552 = arith.constant 0 : i32
    %dma_wait3A_553 = arith.constant 0 : i32
    %dma_wait3A_554 = tpu.memref_slice %arg5[%dma_wait3A_552, %dma_wait3A_553] : memref<100000x16xf32, #tpu.memory_space<hbm>> -> memref<128x16xf32, #tpu.memory_space<hbm>>
    %dma_wait3A_555 = arith.constant 0 : i32
    %dma_wait3A_556 = arith.constant 0 : i32
    %dma_wait3A_557 = tpu.memref_slice %arg8[%dma_wait3A_555, %dma_wait3A_556] : memref<512x16xf32, #tpu.memory_space<vmem>> -> memref<128x16xf32, #tpu.memory_space<vmem>>
    %dma_wait3A_558 = arith.constant 0 : i32
    %dma_wait3A_559 = arith.constant 0 : i32
    %dma_wait3A_560 = tpu.memref_slice %arg5[%dma_wait3A_558, %dma_wait3A_559] : memref<100000x16xf32, #tpu.memory_space<hbm>> -> memref<128x16xf32, #tpu.memory_space<hbm>>
    tpu.wait_dma2 semaphore(%arg16 : memref<!tpu.dma_semaphore, #tpu.memory_space<semaphore_mem>>) src(%dma_wait3A_560 : memref<128x16xf32, #tpu.memory_space<hbm>>) dst(%dma_wait3A_557 : memref<128x16xf32, #tpu.memory_space<vmem>>)
    %dma_wait3A_561 = arith.constant 0 : i32
    %dma_wait3A_562 = arith.constant 0 : i32
    %dma_wait3A_563 = tpu.memref_slice %arg8[%dma_wait3A_561, %dma_wait3A_562] : memref<512x16xf32, #tpu.memory_space<vmem>> -> memref<128x16xf32, #tpu.memory_space<vmem>>
    %dma_wait3A_564 = arith.constant 0 : i32
    %dma_wait3A_565 = arith.constant 0 : i32
    %dma_wait3A_566 = tpu.memref_slice %arg5[%dma_wait3A_564, %dma_wait3A_565] : memref<100000x16xf32, #tpu.memory_space<hbm>> -> memref<128x16xf32, #tpu.memory_space<hbm>>
    %dma_wait3A_567 = arith.constant 0 : i32
    %dma_wait3A_568 = arith.constant 0 : i32
    %dma_wait3A_569 = tpu.memref_slice %arg8[%dma_wait3A_567, %dma_wait3A_568] : memref<512x16xf32, #tpu.memory_space<vmem>> -> memref<128x16xf32, #tpu.memory_space<vmem>>
    %dma_wait3A_570 = arith.constant 0 : i32
    %dma_wait3A_571 = arith.constant 0 : i32
    %dma_wait3A_572 = tpu.memref_slice %arg5[%dma_wait3A_570, %dma_wait3A_571] : memref<100000x16xf32, #tpu.memory_space<hbm>> -> memref<128x16xf32, #tpu.memory_space<hbm>>
    tpu.wait_dma2 semaphore(%arg16 : memref<!tpu.dma_semaphore, #tpu.memory_space<semaphore_mem>>) src(%dma_wait3A_572 : memref<128x16xf32, #tpu.memory_space<hbm>>) dst(%dma_wait3A_569 : memref<128x16xf32, #tpu.memory_space<vmem>>)
    %barrier3A_573 = arith.constant 0 : index
    tpu.barrier barrier_id(%barrier3A_573)
    %scan3A_574 = arith.constant 0 : i32
    %scan3A_575 = arith.constant 7 : i32
    %scan3A_576 = arith.addi %scan3A_574, %scan3A_575 : i32
    %scan3A_577 = arith.constant 1 : i32
    scf.for %scan3A_579 = %scan3A_574 to %scan3A_576 step %scan3A_577  : i32 {
      %mul3A_580 = arith.constant 16 : i32
      %mul3A_581 = arith.muli %mul3A_580, %scan3A_579 : i32
      %add3A_582 = arith.addi %arg1, %mul3A_581 : i32
      %lt3A_583 = arith.constant 100 : i32
      %lt3A_584 = arith.cmpi slt, %add3A_582, %lt3A_583 : i32
      %convert_element_type3A = arith.extui %lt3A_584 : i1 to i32
      %cond3A = arith.constant 0 : i32
      %cond3A_585 = arith.cmpi ne, %convert_element_type3A, %cond3A : i32
      scf.if %cond3A_585 {
        %mul3A_586 = arith.constant 1000 : i32
        %mul3A_587 = arith.muli %add3A_582, %mul3A_586 : i32
        %mul3A_588 = arith.constant 100000 : i32
        %mul3A_589 = arith.muli %arg0, %mul3A_588 : i32
        %mul3A_590 = arith.constant 1000 : i32
        %mul3A_591 = arith.muli %add3A_582, %mul3A_590 : i32
        %add3A_592 = arith.addi %mul3A_589, %mul3A_591 : i32
        "tpu.region"() ({
          %run_scoped3A = tpu.sem_alloc : memref<!tpu.dma_semaphore, #tpu.memory_space<semaphore_mem>>
          %dma_start3A = arith.constant 0 : i32
          %dma_start3A_593 = tpu.memref_slice %arg6[%add3A_592, %dma_start3A] : memref<200000x16xf32, #tpu.memory_space<hbm>> -> memref<1000x16xf32, #tpu.memory_space<hbm>>
          %dma_start3A_594 = arith.constant 0 : i32
          %dma_start3A_595 = tpu.memref_slice %arg11[%mul3A_587, %dma_start3A_594] : memref<100000x16xf32, #tpu.memory_space<vmem_shared>> -> memref<1000x16xf32, #tpu.memory_space<vmem_shared>>
          tpu.enqueue_dma source(%dma_start3A_595 : memref<1000x16xf32, #tpu.memory_space<vmem_shared>>) target(%dma_start3A_593 : memref<1000x16xf32, #tpu.memory_space<hbm>>) target_semaphore(%run_scoped3A : memref<!tpu.dma_semaphore, #tpu.memory_space<semaphore_mem>>)
          %dma_wait3A_596 = arith.constant 0 : i32
          %dma_wait3A_597 = tpu.memref_slice %arg6[%add3A_592, %dma_wait3A_596] : memref<200000x16xf32, #tpu.memory_space<hbm>> -> memref<1000x16xf32, #tpu.memory_space<hbm>>
          %dma_wait3A_598 = arith.constant 0 : i32
          %dma_wait3A_599 = tpu.memref_slice %arg11[%mul3A_587, %dma_wait3A_598] : memref<100000x16xf32, #tpu.memory_space<vmem_shared>> -> memref<1000x16xf32, #tpu.memory_space<vmem_shared>>
          tpu.wait_dma2 semaphore(%run_scoped3A : memref<!tpu.dma_semaphore, #tpu.memory_space<semaphore_mem>>) src(%dma_wait3A_599 : memref<1000x16xf32, #tpu.memory_space<vmem_shared>>) dst(%dma_wait3A_597 : memref<1000x16xf32, #tpu.memory_space<hbm>>)
          tpu.yield
        }) : () -> ()
      } else {
      }
    }
    %scan3A_578 = arith.constant 7 : i32
    return
  }
}

module attributes {stable_mosaic.version = 14 : i64} {
  func.func @body(%arg0: i32, %arg1: memref<1x12500x128xf32, #tpu.memory_space<vmem>>, %arg2: memref<1x12500x128xf32, #tpu.memory_space<vmem>>, %arg3: memref<12500x128xf32, #tpu.memory_space<vmem>>) attributes {dimension_semantics = [#tpu.dimension_semantics<arbitrary>], iteration_bounds = array<i64: 1>, scalar_prefetch = 0 : i64, scratch_operands = 0 : i64, tpu.core_type = #tpu.core_type<tc>, window_params = [{transform_indices = @transform_0, window_bounds = array<i64: 1, 12500, 128>}, {transform_indices = @transform_1, window_bounds = array<i64: 1, 12500, 128>}, {pipeline_mode = #tpu.pipeline_mode<synchronous>, transform_indices = @transform_2, window_bounds = array<i64: 12500, 128>}]} {
    %get3A = arith.constant 0 : index
    %get3A_0 = arith.constant 0 : index
    %get3A_1 = arith.constant 0 : index
    %get3A_2 = vector.load %arg1[%get3A, %get3A_0, %get3A_1] : memref<1x12500x128xf32, #tpu.memory_space<vmem>>, vector<1x12500x128xf32>
    %get3A_3 = vector.shape_cast %get3A_2 : vector<1x12500x128xf32> to vector<12500x128xf32>
    %get3A_4 = arith.constant 0 : index
    %get3A_5 = arith.constant 0 : index
    %get3A_6 = arith.constant 0 : index
    %get3A_7 = vector.load %arg2[%get3A_4, %get3A_5, %get3A_6] : memref<1x12500x128xf32, #tpu.memory_space<vmem>>, vector<1x12500x128xf32>
    %get3A_8 = vector.shape_cast %get3A_7 : vector<1x12500x128xf32> to vector<12500x128xf32>
    %add3A = arith.addf %get3A_3, %get3A_8 : vector<12500x128xf32>
    %swap3A = arith.constant 0 : index
    %swap3A_9 = arith.constant 0 : index
    %swap3A_10 = vector.load %arg3[%swap3A, %swap3A_9] : memref<12500x128xf32, #tpu.memory_space<vmem>>, vector<12500x128xf32>
    tpu.vector_store %arg3[%swap3A, %swap3A_9], %add3A {strides = array<i32>} : memref<12500x128xf32, #tpu.memory_space<vmem>>, vector<12500x128xf32>,
    return
  }
  func.func @transform_0(%arg0: i32) -> (i32, i32, i32) {
    %c0_i32 = arith.constant 0 : i32
    %c0_i32_0 = arith.constant 0 : i32
    %c0_i32_1 = arith.constant 0 : i32
    %c0_i32_2 = arith.constant 0 : i32
    return %c0_i32, %c0_i32_0, %c0_i32_1 : i32, i32, i32
  }
  func.func @transform_1(%arg0: i32) -> (i32, i32, i32) {
    %c1_i32 = arith.constant 1 : i32
    %c0_i32 = arith.constant 0 : i32
    %c0_i32_0 = arith.constant 0 : i32
    %c0_i32_1 = arith.constant 0 : i32
    return %c1_i32, %c0_i32, %c0_i32_0 : i32, i32, i32
  }
  func.func @transform_2(%arg0: i32) -> (i32, i32) {
    %c0_i32 = arith.constant 0 : i32
    %c0_i32_0 = arith.constant 0 : i32
    %c0_i32_1 = arith.constant 0 : i32
    return %c0_i32, %c0_i32_0 : i32, i32
  }
}

</mosaic_0001>

<sc_bundles>
// kernel: kernel.4.cloned.1.call-start
scs
__scs_entry_jumppad:
0x0: {  	(pc) =	sbr.rel $0x88, $3  }
0x1: {  	(tag) =	ssettag $0x0;
	lr =	simm.s32 $0x1  }
0x2: {  	[smem:$0x3F9E] =	sst lr;
	_ =	strace $0xD0000000  }
0x3: {  	_ = 	snop  }
0x4: {  	_ = 	snop  }
0x5: {  	_ = 	snop  }
0x6: {  	_ = 	snop  }
0x7: {  	_ = 	snop  }
__scs_overlays_trampoline_lowered:
0x8: {  	[smem:$0x3FAD] =	sst s0  }
0x9: {  	[smem:$0x3FAE] =	sst s1  }
0xa: {  	[smem:$0x3FAF] =	sst s2  }
0xb: {  	[smem:$0x3FB0] =	sst s3  }
0xc: {  	[smem:$0x3FB1] =	sst s4  }
0xd: {  	[smem:$0x3FB2] =	sst s5  }
0xe: {  	[smem:$0x3FB3] =	sst s6  }
0xf: {  	[smem:$0x3FB4] =	sst s7  }
0x10: {  	[smem:$0x3FB5] =	sst s8  }
0x11: {  	[smem:$0x3FB6] =	sst s9;
	s0 =	simm.s32 @!p0 $0x0  }
0x12: {  	s1 =	sld [smem:$0x3F9C];
	s0 =	simm.s32 @p0 $0x1  }
0x13: {  	[smem:$0x3FB7] =	sst s0;
	s0 =	simm.s32 @!p1 $0x0  }
0x14: {  	s2 =	sld [smem:$0x3F9B];
	s0 =	simm.s32 @p1 $0x1  }
0x15: {  	[smem:$0x3FB8] =	sst s0;
	s0 =	simm.s32 @!p2 $0x0  }
0x16: {  	s3 =	sld [smem:$0x3FDB];
	s0 =	simm.s32 @p2 $0x1  }
0x17: {  	s4 =	simm.s32 $0x1BF5;
	[smem:$0x3FBA] =	sst s0  }
0x18: {  	s0 =	sld [smem:$0x3F9D];
	_ =	swait.ge [sflag:s4], $0x0  }
0x19: {  	s7 =	sld [smem:$0x3F9E]  }
0x1a: {  	s8 =	sadd.s32 $0xFFFFE003, lr  }
0x1b: {  	s9 =	sadd.s32 $0xFFFFFEF7, lr;
	s5 =	simm.s32 $0xFFFFFFFF;
	p2 =	slt.u32 s8, $0xFFFFF086  }
0x1c: {  	p1 =	slt.u32 s9, $0xF7A;
	s5 =	simm.s32 @!p2 $0x0  }
0x1d: {  	s5 =	simm.s32 @p1 $0x1;
	p0 =	seq.s32 s7, s2  }
0x1e: {  	s7 =	smul.u32 @!p0 $0xF7A, s2;
	p2 =	seq.s32 @!p0 s5, $0x0  }
0x1f: {  	s9 =	smul.u32 $0xF7A, s1;
	s8 =	simm.s32 @!p0 $0x1BF5;
	p2 =	por !p2, p0  }
0x20: {  	[sflag:s8] =	ssyncset.s32 @!p0 $0xFFFFF086;
	s6 =	sadd.s32 @!p0 s3, s7;
	s7 =	simm.s32 @!p0 $0x108  }
0x21: {  	s3 =	sadd.s32 s3, s9;
	s6 =	sadd.s32 @!p0 $0x88, s6;
	s7 =	simm.s32 @p2 $0x1082  }
0x22: {  	[simem:s7], [sflag:s8] =	dma.local @!p0 [hbm:s6], $0xF7A  }
0x23: {  	s9 =	sor.u32 $0xD0000000, s2;
	s6 =	simm.s32 $0x108;
	_ =	swait.ge @!p0 [sflag:s8], $0x0  }
0x24: {  	s3 =	sadd.s32 $0x88, s3;
	s6 =	simm.s32 @!p1 $0x1082;
	[sflag:s4] =	ssyncset.s32 $0xFFFFF086  }
0x25: {  	[simem:s6], [sflag:s4] =	dma.local [hbm:s3], $0xF7A  }
0x26: {  	[smem:$0x3F9E] =	sst s1;
	(tag) =	ssettag s2;
	_ =	strace s9  }
0x27: {  	s1 =	sld [smem:$0x3FAE]  }
0x28: {  	s2 =	sld [smem:$0x3FAF]  }
0x29: {  	s4 =	sld [smem:$0x3FB1]  }
0x2a: {  	p0 =	seq.s32 s5, $0x0;
	s5 =	sld [smem:$0x3FB2]  }
0x2b: {  	s6 =	sld [smem:$0x3FB3]  }
0x2c: {  	s7 =	sld [smem:$0x3FB4]  }
0x2d: {  	s3 =	simm.s32 $0x108;
	s8 =	sld [smem:$0x3FB5]  }
0x2e: {  	s3 =	simm.s32 @!p0 $0x1082;
	s9 =	sld [smem:$0x3FB6]  }
0x2f: {  	lr =	sadd.s32 s0, s3;
	s0 =	sld [smem:$0x3FAD]  }
0x30: {  	s3 =	sld [smem:$0x3FB0]  }
0x31: {  	[smem:$0x3FB9] =	sst s10  }
0x32: {  	s10 =	sld [smem:$0x3FB7];
	_ =	sdelay $0x3  }
0x33: {  	p0 =	seq.s32 s10, $0x1;
	s10 =	sld [smem:$0x3FB9];
	_ =	sdelay $0x3  }
0x34: {  	[smem:$0x3FB9] =	sst s10  }
0x35: {  	s10 =	sld [smem:$0x3FB8];
	_ =	sdelay $0x3  }
0x36: {  	p1 =	seq.s32 s10, $0x1;
	s10 =	sld [smem:$0x3FB9];
	_ =	sdelay $0x3  }
0x37: {  	[smem:$0x3FB9] =	sst s10  }
0x38: {  	s10 =	sld [smem:$0x3FBA]  }
0x39: {  	_ = 	snop;
	(pc) =	sbr.ind lr, $3  }
0x3a: {  	_ = 	snop  }
0x3b: {  	_ = 	snop  }
0x3c: {  	p2 =	seq.s32 s10, $0x1;
	s10 =	sld [smem:$0x3FB9]  }
0x3d: {  	_ =	shalt  }
0x3e: {  	_ =	shalt  }
0x3f: {  	_ =	shalt  }
0x40: {  	_ =	shalt  }
0x41: {  	_ =	shalt  }
0x42: {  	_ =	shalt  }
0x43: {  	_ =	shalt  }
0x44: {  	_ =	shalt  }
0x45: {  	_ =	shalt  }
0x46: {  	_ =	shalt  }
0x47: {  	_ =	shalt  }
0x48: {  	_ =	shalt  }
0x49: {  	_ =	shalt  }
0x4a: {  	_ =	shalt  }
0x4b: {  	_ =	shalt  }
0x4c: {  	_ =	shalt  }
0x4d: {  	_ =	shalt  }
0x4e: {  	_ =	shalt  }
0x4f: {  	_ =	shalt  }
0x50: {  	_ =	shalt  }
0x51: {  	_ =	shalt  }
0x52: {  	_ =	shalt  }
0x53: {  	_ =	shalt  }
0x54: {  	_ =	shalt  }
0x55: {  	_ =	shalt  }
0x56: {  	_ =	shalt  }
0x57: {  	_ =	shalt  }
0x58: {  	_ =	shalt  }
0x59: {  	_ =	shalt  }
0x5a: {  	_ =	shalt  }
0x5b: {  	_ =	shalt  }
0x5c: {  	_ =	shalt  }
0x5d: {  	_ =	shalt  }
0x5e: {  	_ =	shalt  }
0x5f: {  	_ =	shalt  }
0x60: {  	_ =	shalt  }
0x61: {  	_ =	shalt  }
0x62: {  	_ =	shalt  }
0x63: {  	_ =	shalt  }
0x64: {  	_ =	shalt  }
0x65: {  	_ =	shalt  }
0x66: {  	_ =	shalt  }
0x67: {  	_ =	shalt  }
0x68: {  	_ =	shalt  }
0x69: {  	_ =	shalt  }
0x6a: {  	_ =	shalt  }
0x6b: {  	_ =	shalt  }
0x6c: {  	_ =	shalt  }
0x6d: {  	_ =	shalt  }
0x6e: {  	_ =	shalt  }
0x6f: {  	_ =	shalt  }
0x70: {  	_ =	shalt  }
0x71: {  	_ =	shalt  }
0x72: {  	_ =	shalt  }
0x73: {  	_ =	shalt  }
0x74: {  	_ =	shalt  }
0x75: {  	_ =	shalt  }
0x76: {  	_ =	shalt  }
0x77: {  	_ =	shalt  }
0x78: {  	_ =	shalt  }
0x79: {  	_ =	shalt  }
0x7a: {  	_ =	shalt  }
0x7b: {  	_ =	shalt  }
0x7c: {  	_ =	shalt  }
0x7d: {  	_ =	shalt  }
0x7e: {  	_ =	shalt  }
0x7f: {  	_ =	shalt  }
0x80: {  	_ =	shalt  }
0x81: {  	_ =	shalt  }
0x82: {  	_ =	shalt  }
0x83: {  	_ =	shalt  }
0x84: {  	_ =	shalt  }
0x85: {  	_ =	shalt  }
0x86: {  	_ =	shalt  }
0x87: {  	_ =	shalt  }
.Lfunc_end0:
.L_simem_size_0:
called_computation_lowered:
.L_overlay_start_0:
0x88: {  	s2 =	sld [smem:$0x3FD9]  }
0x89: {  	s3 =	sld [smem:$0x3FFE];
	_ =	sdelay $0x1  }
0x8a: {  	s1 =	srdreg.scid  }
0x8b: {  	s0 =	sand.u32 $0x1, s1  }
0x8c: {  	s17 =	sshll.u32 s0, $0xA;
	s2 =	sadd.s32 s3, s2  }
0x8d: {  	s2 =	sadd.s32 s2, s17  }
0x8e: {  	[smem:$0x3FC5] =	sst s2  }
0x8f: {  	_ = 	snop  }
0x90: {  	s2 =	sld [smem:$0x3FC9]  }
0x91: {  	s18 =	sld [smem:$0x3FC8]  }
0x92: {  	s4 =	sld [smem:$0x3FC7]  }
0x93: {  	s5 =	sld [smem:$0x3FD0];
	(tm) =	ssettm $0x1  }
0x94: {  	s6 =	sld [smem:$0x3FFB];
	_ =	sdelay $0x3  }
0x95: {  	_ =	strace s6  }
0x96: {  	s6 =	sld [smem:$0x3FFC];
	_ =	sdelay $0x3  }
0x97: {  	_ =	strace s6  }
0x98: {  	s6 =	sld [smem:$0x3FFD];
	_ =	sdelay $0x3  }
0x99: {  	_ =	strace s6  }
0x9a: {  	_ =	strace $0x8FFFFFFF  }
0x9b: {  	s19 =	sld [smem:$0x3FDB];
	_ =	sdelay $0x1  }
0x9c: {  	s7 =	simm.s32 $_scs_section_size  }
0x9d: {  	s8 =	simm.s32 $_size__tile_overlayer_lowered;
	s9 =	simm.s32 $_tile_overlayer_lowered  }
0x9e: {  	s22 =	simm.s32 $0x1BFF;
	s21 =	sshll.u32 s9, $0x1;
	s6 =	sadd.s32 s7, s19  }
0x9f: {  	s10 =	simm.s32 $0x0;
	s20 =	sshll.u32 s8, $0x1;
	s8 =	sadd.s32 s21, s6  }
0xa0: {  	[timem:s10], [sflag:s22] =	dma.local [hbm:s8], s20  }
0xa1: {  	_ =	swait.ge [sflag:s22], s20  }
0xa2: {  	s7 =	ssub.s32 $0x0, s20;
	[sflag:s22] =	ssyncset.done $0x0  }
0xa3: {  	[sflag:s22] =	ssyncadd.s32 s7;
	_ =	sdelay $0x1  }
0xa4: {  	s23 =	simm.s32 $0x1B8B  }
0xa5: {  	_ =	swait.ge [sflag:s23], $0x1  }
0xa6: {  	[sflag:s23] =	ssyncset.done $0x0  }
0xa7: {  	s25 =	simm.s32 $0x1B8E;
	s24 =	sld [smem:$0x3FFE];
	[sflag:s23] =	ssyncadd.s32 $0xFFFFFFFF  }
0xa8: {  	s26 =	simm.s32 $execute0_lowered;
	[smem:$0x3FD2] =	sst s25  }
0xa9: {  	s8 =	sshll.u32 s26, $0x1;
	_ =	strace $0x80000046;
	[dreg:$0x1] =	wrdreg $0xFFFFFFFF  }
0xaa: {  	s28 =	simm.s32 $_size_execute0_lowered;
	s6 =	sadd.s32 s6, s8;
	[dreg:$0x0] =	wrdreg $0x0  }
0xab: {  	s8 =	sshll.u32 s28, $0x1;
	[dreg:$0x2] =	wrdreg s6  }
0xac: {  	[dreg:$0x3] =	wrdreg s8  }
0xad: {  	[dreg:$0x4] =	wrdreg $0xC0  }
0xae: {  	_ =	task [dreg:s10], $0x5FFFF  }
0xaf: {  	[dreg:$0x1] =	wrdreg $0xFFFFFFFF  }
0xb0: {  	[dreg:$0x0] =	wrdreg $0x60  }
0xb1: {  	[dreg:$0x2] =	wrdreg s2  }
0xb2: {  	[dreg:$0x3] =	wrdreg s18  }
0xb3: {  	[dreg:$0x4] =	wrdreg s4  }
0xb4: {  	[dreg:$0x5] =	wrdreg s5  }
0xb5: {  	[dreg:$0x6] =	wrdreg s24  }
0xb6: {  	[dreg:$0x7] =	wrdreg $0x68000  }
0xb7: {  	[dreg:$0x8] =	wrdreg $0x9  }
0xb8: {  	_ =	task.clear_ibuf [dreg:s10], $0x9FFFF;
	_ =	strace $0x90000046  }
0xb9: {  	s29 =	simm.s32 $0x9;
	_ =	strace $0x80000048  }
0xba: {  	_ =	swait.ge [sflag:s29], $0x1  }
0xbb: {  	[sflag:s29] =	ssyncadd.s32 $0xFFFFFFFF  }
0xbc: {  	_ =	strace $0x90000048  }
0xbd: {  	_ =	sfence  }
0xbe: {  	s30 =	sld [smem:$0x0];
	_ =	sdelay $0x2  }
0xbf: {  	s31 =	sshll.u32 s1, $0xD;
	s1 =	sshrl.u32 s1, $0x2  }
0xc0: {  	s3 =	sand.u32 $0x4000, s31;
	s1 =	sadd.s32 s1, s30  }
0xc1: {  	s0 =	sor.u32 s3, s0;
	s1 =	sshll.u32 s1, $0x11  }
0xc2: {  	s0 =	sor.u32 s1, s0  }
0xc3: {  	s0 =	sadd.s32 $0x8F2B, s0  }
0xc4: {  	[sflag:s0] =	ssyncadd.remote.s32 $0x1  }
0xc5: {  	_ =	sfence.sel $0xFFFF  }
0xc6: {  	[dreg:$0x0] =	wrdreg $0xFFFFFFFF;
	(pc) =	sbr.abs _section_cstart, $3  }
0xc7: {  	[dreg:$0x1] =	wrdreg $0xFFFFFFFF  }
0xc8: {  	_ =	task.clear_ibuf [dreg:s10], $0x2FFFF;
	_ =	strace $0x9FFFFFFF  }
0xc9: {  	(tm) =	ssettm $0x7FFFFFFF  }
tec
execute0_lowered:
.L_overlay_start_1:
0x0: {  	(tag) =	ssettag $0x1  }
0x1: {  	v0 =	vimm.s32 $0x138F  }
0x2: {  	vm14 =	vcmask $0x300;
	vm13 =	vcmask $0x704;
	vm12 =	vcmask $0xB08  }
0x3: {  	vm11 =	vcmask $0xF0C;
	vm10 =	vcmask $0x1310;
	vm9 =	vcmask $0x1714  }
0x4: {  	vm8 =	vcmask $0x1B18;
	vm7 =	vcmask $0x1F1C;
	vm6 =	vcmask $0x2320  }
0x5: {  	vm5 =	vcmask $0x2724;
	vm4 =	vcmask $0x2B28;
	vm3 =	vcmask $0x2F2C  }
0x6: {  	vm2 =	vcmask $0x3330;
	vm1 =	vcmask $0x3734;
	vm0 =	vcmask $0x3B38  }
0x7: {  	v1 =	vimm.s32 $0xA0908070;
	v2 =	vimm.s32 $0x60504030;
	vm15 =	vcmask $0x1F10  }
0x8: {  	v3 =	vimm.s32 $0x80706050;
	v24 =	vimm.s32 $0xF0E0D0C0;
	v25 =	vimm.s32 $0x30201000  }
0x9: {  	v32 =	vimm.s32 $0x138E;
	v0 =	vsel vm14, $0x0, v0;
	v5 =	vunpack.c.0.s8.s32 v1  }
0xa: {  	v1 =	vimm.s32 $0xE0D0C0B0;
	v8 =	vunpack.c.0.s8.s32 v2;
	v2 =	vimm.s32 $0xD0C0B0A0  }
0xb: {  	v15 =	vunpack.c.0.s8.s32 v3;
	v3 =	vimm.s32 $0x40302010;
	v24 =	vunpack.c.0.s8.s32 v24  }
0xc: {  	v25 =	vunpack.c.0.s8.s32 v25;
	v32 =	vsel vm14, $0xF, v32;
	v0 =	vsel vm13, $0x81, v0  }
0xd: {  	v6 =	vunpack.c.0.s8.s32 v1;
	v1 =	vimm.s32 $0x201000F0;
	v12 =	vunpack.c.0.s8.s32 v2  }
0xe: {  	v2 =	vimm.s32 $0x50403020;
	v18 =	vunpack.c.0.s8.s32 v3;
	v32 =	vsel vm13, $0x80, v32  }
0xf: {  	v0 =	vsel vm12, $0x102, v0;
	v7 =	vunpack.c.0.s8.s32 v1;
	v1 =	vimm.s32 $0x90807060  }
0x10: {  	v14 =	vunpack.c.0.s8.s32 v2;
	v2 =	vimm.s32 $0xF0E0D0;
	v28 =	vsel vm15, v25, v24  }
0x11: {  	v30 =	vsel vm15, v5, v8;
	v32 =	vsel vm12, $0x101, v32;
	v0 =	vsel vm11, $0x183, v0  }
0x12: {  	v9 =	vsel vm15, v6, v5;
	v11 =	vunpack.c.0.s8.s32 v1;
	v1 =	vimm.s32 $0x1000F0E0  }
0x13: {  	v17 =	vunpack.c.0.s8.s32 v2;
	v32 =	vsel vm11, $0x182, v32;
	v0 =	vsel vm10, $0x204, v0  }
0x14: {  	v10 =	vsel vm15, v8, v7;
	v13 =	vunpack.c.0.s8.s32 v1;
	v1 =	vimm.s32 $0xC0B0A090  }
0x15: {  	v31 =	vsel vm15, v7, v6;
	v32 =	vsel vm10, $0x203, v32;
	v0 =	vsel vm9, $0x285, v0  }
0x16: {  	v16 =	vunpack.c.0.s8.s32 v1;
	v2 =	vcombine.low v10, v9;
	v19 =	vsel vm15, v12, v11  }
0x17: {  	v22 =	vsel vm15, v18, v17;
	v1 =	vimm.s32 $0x70605040;
	v6 =	vcombine.low v31, v30  }
0x18: {  	v10 =	vcombine.low v9, v10;
	v32 =	vsel vm9, $0x284, v32;
	v0 =	vsel vm8, $0x306, v0  }
0x19: {  	v20 =	vsel vm15, v14, v13;
	v23 =	vunpack.c.0.s8.s32 v1;
	v1 =	vimm.s32 $0xB0A09080  }
0x1a: {  	v14 =	vsel vm15, v11, v14;
	v12 =	vsel vm15, v13, v12;
	v13 =	vsel vm15, v15, v18  }
0x1b: {  	v18 =	vcombine.low v30, v31;
	v30 =	vimm.s32 $0x138C;
	v31 =	vimm.s32 $0x138D  }
0x1c: {  	v32 =	vsel vm8, $0x305, v32;
	v0 =	vsel vm7, $0x387, v0;
	v21 =	vsel vm15, v16, v15  }
0x1d: {  	v3 =	vcombine.low v20, v19;
	v26 =	vunpack.c.0.s8.s32 v1;
	v1 =	vlaneseq.u32  }
0x1e: {  	v2 =	vand.u32 $0xFF, v2;
	v7 =	vcombine.low v12, v14;
	v15 =	vsel vm15, v17, v16  }
0x1f: {  	v6 =	vand.u32 $0xFF, v6;
	v10 =	vand.u32 $0xFF, v10;
	v30 =	vsel vm14, $0xD, v30  }
0x20: {  	v31 =	vsel vm14, $0xE, v31;
	v32 =	vsel vm7, $0x386, v32;
	v0 =	vsel vm6, $0x1008, v0  }
0x21: {  	v4 =	vcombine.low v22, v21;
	v8 =	vcombine.low v15, v13;
	v11 =	vsel vm15, v23, v25  }
0x22: {  	v25 =	vimm.s32 $0x1387;
	v30 =	vsel vm13, $0x8E, v30;
	v31 =	vsel vm13, $0x8F, v31  }
0x23: {  	v32 =	vsel vm6, $0x1007, v32;
	v0 =	vsel vm5, $0x1089, v0;
	v3 =	vand.u32 $0xFF, v3  }
0x24: {  	v27 =	vsel vm15, v26, v23;
	v16 =	vsel vm15, v24, v26;
	v7 =	vand.u32 $0xFF, v7  }
0x25: {  	v23 =	vimm.s32 $0x1385;
	v24 =	vimm.s32 $0x1386;
	v26 =	vimm.s32 $0x1388  }
0x26: {  	v25 =	vsel vm14, $0x8, v25;
	v30 =	vsel vm12, $0x10F, v30;
	v31 =	vsel vm12, $0x100, v31  }
0x27: {  	v32 =	vsel vm5, $0x1088, v32;
	v0 =	vsel vm4, $0x110A, v0;
	v4 =	vand.u32 $0xFF, v4  }
0x28: {  	v29 =	vcombine.low v28, v27;
	v11 =	vcombine.low v16, v11;
	v8 =	vand.u32 $0xFF, v8  }
0x29: {  	v16 =	vcombine.low v21, v22;
	v17 =	vcombine.low v27, v28;
	v21 =	vimm.s32 $0x1383  }
0x2a: {  	v22 =	vimm.s32 $0x1384;
	v23 =	vsel vm14, $0x6, v23;
	v24 =	vsel vm14, $0x7, v24  }
0x2b: {  	v26 =	vsel vm14, $0x9, v26;
	v25 =	vsel vm13, $0x89, v25;
	v27 =	vimm.s32 $0x1389  }
0x2c: {  	v28 =	vimm.s32 $0x138A;
	v30 =	vsel vm11, $0x180, v30;
	v31 =	vsel vm11, $0x181, v31  }
0x2d: {  	v32 =	vsel vm4, $0x1109, v32;
	v0 =	vsel vm3, $0x118B, v0;
	v21 =	vsel vm14, $0x4, v21  }
0x2e: {  	v22 =	vsel vm14, $0x5, v22;
	v23 =	vsel vm13, $0x87, v23;
	v24 =	vsel vm13, $0x88, v24  }
0x2f: {  	v26 =	vsel vm13, $0x8A, v26;
	v25 =	vsel vm12, $0x10A, v25;
	v27 =	vsel vm14, $0xA, v27  }
0x30: {  	v28 =	vsel vm14, $0xB, v28;
	v30 =	vsel vm10, $0x201, v30;
	v31 =	vsel vm10, $0x202, v31  }
0x31: {  	v32 =	vsel vm3, $0x118A, v32;
	v0 =	vsel vm2, $0x120C, v0;
	v5 =	vand.u32 $0xFF, v29  }
0x32: {  	v9 =	vand.u32 $0xFF, v11;
	v11 =	vcombine.low v19, v20;
	v19 =	vcombine.low v14, v12  }
0x33: {  	v20 =	vcombine.low v13, v15;
	v12 =	vand.u32 $0xFF, v16;
	v13 =	vand.u32 $0xFF, v17  }
0x34: {  	v14 =	vand.u32 $0xFF, v18;
	v17 =	vmul.u32 $0x10, v1;
	v18 =	vimm.s32 $0x1380  }
0x35: {  	v21 =	vsel vm13, $0x85, v21;
	v22 =	vsel vm13, $0x86, v22;
	v23 =	vsel vm12, $0x108, v23  }
0x36: {  	v24 =	vsel vm12, $0x109, v24;
	v26 =	vsel vm12, $0x10B, v26;
	v25 =	vsel vm11, $0x18B, v25  }
0x37: {  	v29 =	vimm.s32 $0x138B;
	v27 =	vsel vm13, $0x8B, v27;
	v28 =	vsel vm13, $0x8C, v28  }
0x38: {  	v30 =	vsel vm9, $0x282, v30;
	v31 =	vsel vm9, $0x283, v31;
	v32 =	vsel vm2, $0x120B, v32  }
0x39: {  	v0 =	vsel vm1, $0x128D, v0;
	v18 =	vsel vm14, $0x1, v18;
	v21 =	vsel vm12, $0x106, v21  }
0x3a: {  	v22 =	vsel vm12, $0x107, v22;
	v23 =	vsel vm11, $0x189, v23;
	v24 =	vsel vm11, $0x18A, v24  }
0x3b: {  	v26 =	vsel vm11, $0x18C, v26;
	v25 =	vsel vm10, $0x20C, v25;
	v29 =	vsel vm14, $0xC, v29  }
0x3c: {  	v27 =	vsel vm12, $0x10C, v27;
	v28 =	vsel vm12, $0x10D, v28;
	v30 =	vsel vm8, $0x303, v30  }
0x3d: {  	v31 =	vsel vm8, $0x304, v31;
	v32 =	vsel vm1, $0x128C, v32;
	v0 =	vsel vm0, $0x130E, v0  }
0x3e: {  	v11 =	vand.u32 $0xFF, v11;
	v15 =	vand.u32 $0xFF, v19;
	v16 =	vand.u32 $0xFF, v20  }
0x3f: {  	v19 =	vimm.s32 $0x1381;
	v20 =	vimm.s32 $0x1382;
	v18 =	vsel vm13, $0x82, v18  }
0x40: {  	v21 =	vsel vm11, $0x187, v21;
	v22 =	vsel vm11, $0x188, v22;
	v23 =	vsel vm10, $0x20A, v23  }
0x41: {  	v24 =	vsel vm10, $0x20B, v24;
	v26 =	vsel vm10, $0x20D, v26;
	v25 =	vsel vm9, $0x28D, v25  }
0x42: {  	s0 =	srdreg.scid;
	s24 =	stileid.u32;
	v29 =	vsel vm13, $0x8D, v29;
	v27 =	vsel vm11, $0x18D, v27;
	v28 =	vsel vm11, $0x18E, v28  }
0x43: {  	s14 =	rddreg [dreg:$0x3];
	s7 =	smul.u32 $0x3E80, s24;
	v30 =	vsel vm7, $0x384, v30;
	v31 =	vsel vm7, $0x385, v31;
	v32 =	vsel vm0, $0x130D, v32  }
0x44: {  	s2 =	rddreg [dreg:$0x4];
	s10 =	sand.u32 $0x1, s0;
	s26 =	smul.u32 $0x7D0, s24;
	v19 =	vsel vm14, $0x2, v19;
	v20 =	vsel vm14, $0x3, v20;
	v18 =	vsel vm12, $0x103, v18  }
0x45: {  	s30 =	simm.s32 $0x5800;
	s6 =	sor.u32 $0x10, s24;
	s1 =	smul.u32 $0x30D40, s10;
	v21 =	vsel vm10, $0x208, v21;
	v22 =	vsel vm10, $0x209, v22;
	v23 =	vsel vm9, $0x28B, v23  }
0x46: {  	s28 =	simm.s32 $0x4;
	s3 =	sor.u32 $0x30, s24;
	s8 =	smul.u32 $0x3E80, s6;
	v24 =	vsel vm9, $0x28C, v24;
	v26 =	vsel vm9, $0x28E, v26;
	v25 =	vsel vm8, $0x30E, v25  }
0x47: {  	s29 =	simm.s32 $0x5;
	s4 =	sor.u32 $0x40, s24;
	s13 =	smul.u32 $0x3E80, s3;
	v29 =	vsel vm12, $0x10E, v29;
	v27 =	vsel vm10, $0x20E, v27;
	v28 =	vsel vm10, $0x20F, v28  }
0x48: {  	s0 =	simm.s32 $0x0;
	s5 =	sor.u32 $0x50, s24;
	s15 =	smul.u32 $0x3E80, s4;
	v30 =	vsel vm6, $0x1005, v30;
	v31 =	vsel vm6, $0x1006, v31;
	v19 =	vsel vm13, $0x83, v19  }
0x49: {  	s17 =	ssub.s32 $0x2, s10;
	[smem:$0x7FF] =	sst s0;
	s31 =	smul.u32 $0x7D0, s6;
	v20 =	vsel vm13, $0x84, v20;
	v18 =	vsel vm11, $0x184, v18;
	v21 =	vsel vm9, $0x289, v21  }
0x4a: {  	s10 =	sshll.u32 s10, $0x4;
	s6 =	smul.u32 $0xFA00, s6;
	s18 =	sshrl.u32 s17, $0x1;
	v22 =	vsel vm9, $0x28A, v22;
	v23 =	vsel vm8, $0x30C, v23;
	v24 =	vsel vm8, $0x30D, v24  }
0x4b: {  	s19 =	sshrl.u32 s7, $0x3;
	s12 =	sadd.s32 s1, s2;
	s11 =	ssub.s32 s17, s18;
	v26 =	vsel vm8, $0x30F, v26;
	v25 =	vsel vm7, $0x38F, v25;
	v29 =	vsel vm11, $0x18F, v29  }
0x4c: {  	s2 =	sor.u32 $0x20, s24;
	s1 =	sadd.s32 s14, s19;
	s20 =	sshrl.u32 s8, $0x3;
	v27 =	vsel vm9, $0x28F, v27;
	v28 =	vsel vm9, $0x280, v28;
	v30 =	vsel vm5, $0x1086, v30  }
0x4d: {  	s17 =	smul.u32 $0x3E80, s5;
	s19 =	sshrl.u32 s13, $0x3;
	s22 =	sshrl.u32 s15, $0x3;
	v31 =	vsel vm5, $0x1087, v31;
	v19 =	vsel vm12, $0x104, v19;
	v20 =	vsel vm12, $0x105, v20  }
0x4e: {  	s6 =	sshrl.u32 s6, $0x2;
	[dreg:$0x7] =	wrdreg s1;
	s1 =	sadd.s32 s14, s20;
	v18 =	vsel vm10, $0x205, v18;
	v21 =	vsel vm8, $0x30A, v21;
	v22 =	vsel vm8, $0x30B, v22  }
0x4f: {  	s21 =	sadd.s32 s14, s19;
	s19 =	sor.u32 s24, s10;
	s10 =	rddreg [dreg:$0x0];
	v23 =	vsel vm7, $0x38D, v23;
	v24 =	vsel vm7, $0x38E, v24;
	v26 =	vsel vm7, $0x380, v26  }
0x50: {  	s9 =	smul.u32 $0x3E80, s2;
	s20 =	sadd.s32 $0x400, s12;
	[dreg:$0x8] =	wrdreg s1;
	v25 =	vsel vm6, $0x1000, v25;
	v29 =	vsel vm10, $0x200, v29;
	v27 =	vsel vm8, $0x300, v27  }
0x51: {  	s11 =	smax.u32 s11, $0x1;
	[dreg:$0xa] =	wrdreg s21;
	s21 =	smul.u32 $0x7D0, s2;
	v28 =	vsel vm8, $0x301, v28;
	v30 =	vsel vm4, $0x1107, v30;
	v31 =	vsel vm4, $0x1108, v31  }
0x52: {  	s1 =	sor.u32 $0x60, s24;
	s12 =	sadd.s32 s20, s31;
	s2 =	smul.u32 $0xFA00, s2;
	v19 =	vsel vm11, $0x185, v19;
	v20 =	vsel vm11, $0x186, v20;
	v18 =	vsel vm9, $0x286, v18  }
0x53: {  	s23 =	sshrl.u32 s17, $0x3;
	s18 =	smul.u32 $0x3E80, s1;
	[dreg:$0xf] =	wrdreg s12;
	v21 =	vsel vm7, $0x38B, v21;
	v22 =	vsel vm7, $0x38C, v22;
	v23 =	vsel vm6, $0x100E, v23  }
0x54: {  	s16 =	sshrl.u32 s9, $0x3;
	s12 =	rddreg [dreg:$0x1];
	s31 =	smul.u32 $0x7D0, s1;
	v24 =	vsel vm6, $0x100F, v24;
	v26 =	vsel vm6, $0x1001, v26;
	v25 =	vsel vm5, $0x1081, v25  }
0x55: {  	p0 =	sgt.u32 s1, $0x63;
	s1 =	smul.u32 $0xFA00, s1;
	s16 =	sadd.s32 s14, s16;
	v29 =	vsel vm9, $0x281, v29;
	v27 =	vsel vm7, $0x381, v27;
	v28 =	vsel vm7, $0x382, v28  }
0x56: {  	s21 =	sadd.s32 s20, s21;
	[dreg:$0x9] =	wrdreg s16;
	s16 =	sadd.s32 s14, s22;
	v30 =	vsel vm3, $0x1188, v30;
	v31 =	vsel vm3, $0x1189, v31;
	v19 =	vsel vm10, $0x206, v19  }
0x57: {  	s25 =	sshrl.u32 s18, $0x3;
	s22 =	smul.u32 $0x7D0, s3;
	[dreg:$0x10] =	wrdreg s21;
	v20 =	vsel vm10, $0x207, v20;
	v18 =	vsel vm8, $0x307, v18;
	v21 =	vsel vm6, $0x100C, v21  }
0x58: {  	s3 =	smul.u32 $0xFA00, s3;
	[dreg:$0xb] =	wrdreg s16;
	s16 =	sadd.s32 s14, s23;
	v22 =	vsel vm6, $0x100D, v22;
	v23 =	vsel vm5, $0x108F, v23;
	v24 =	vsel vm5, $0x1080, v24  }
0x59: {  	s14 =	sadd.s32 s14, s25;
	s23 =	smul.u32 $0x7D0, s4;
	[dreg:$0xc] =	wrdreg s16;
	v26 =	vsel vm5, $0x1082, v26;
	v25 =	vsel vm4, $0x1102, v25;
	v29 =	vsel vm8, $0x302, v29  }
0x5a: {  	s2 =	sshrl.u32 s2, $0x2;
	s25 =	smul.u32 $0x7D0, s5;
	[dreg:$0xd] =	wrdreg s14;
	v27 =	vsel vm6, $0x1002, v27;
	v28 =	vsel vm6, $0x1003, v28;
	v30 =	vsel vm2, $0x1209, v30  }
0x5b: {  	s4 =	smul.u32 $0xFA00, s4;
	s14 =	sadd.s32 s20, s26;
	s16 =	rddreg [dreg:$0x5];
	v31 =	vsel vm2, $0x120A, v31;
	v19 =	vsel vm9, $0x287, v19;
	v20 =	vsel vm9, $0x288, v20  }
0x5c: {  	s1 =	sshrl.u32 s1, $0x2;
	s5 =	smul.u32 $0xFA00, s5;
	[dreg:$0xe] =	wrdreg s14;
	v18 =	vsel vm7, $0x388, v18;
	v21 =	vsel vm5, $0x108D, v21;
	v22 =	vsel vm5, $0x108E, v22  }
0x5d: {  	s26 =	sadd.s32 s20, s22;
	s3 =	sshrl.u32 s3, $0x2;
	s14 =	rddreg [dreg:$0x2];
	v23 =	vsel vm4, $0x1100, v23;
	v24 =	vsel vm4, $0x1101, v24;
	v26 =	vsel vm4, $0x1103, v26  }
0x5e: {  	[dreg:$0x11] =	wrdreg s26;
	s23 =	sadd.s32 s20, s23;
	s21 =	sadd.s32 s20, s25;
	v25 =	vsel vm3, $0x1183, v25;
	v29 =	vsel vm7, $0x383, v29;
	v27 =	vsel vm5, $0x1083, v27  }
0x5f: {  	s20 =	sadd.s32 s20, s31;
	s7 =	sadd.s32 s7, s16;
	s25 =	sshll.u32 s24, $0x6;
	v28 =	vsel vm5, $0x1084, v28;
	v30 =	vsel vm1, $0x128A, v30;
	v31 =	vsel vm1, $0x128B, v31  }
0x60: {  	s8 =	sadd.s32 s8, s16;
	s9 =	sadd.s32 s9, s16;
	s26 =	sadd.s32 s13, s16;
	v19 =	vsel vm8, $0x308, v19;
	v20 =	vsel vm8, $0x309, v20;
	v18 =	vsel vm6, $0x1009, v18  }
0x61: {  	s31 =	smul.u32 $0xFA00, s24;
	s15 =	sadd.s32 s15, s16;
	s17 =	sadd.s32 s17, s16;
	v21 =	vsel vm4, $0x110E, v21;
	v22 =	vsel vm4, $0x110F, v22;
	v23 =	vsel vm3, $0x1181, v23  }
0x62: {  	s18 =	sadd.s32 s18, s16;
	s6 =	sadd.s32 s6, s16;
	s2 =	sadd.s32 s2, s16;
	v24 =	vsel vm3, $0x1182, v24;
	v26 =	vsel vm3, $0x1184, v26;
	v25 =	vsel vm2, $0x1204, v25  }
0x63: {  	s3 =	sadd.s32 s3, s16;
	s4 =	sshrl.u32 s4, $0x2;
	[dreg:$0x12] =	wrdreg s23;
	v29 =	vsel vm6, $0x1004, v29;
	v27 =	vsel vm4, $0x1104, v27;
	v28 =	vsel vm4, $0x1105, v28  }
0x64: {  	s5 =	sshrl.u32 s5, $0x2;
	s1 =	sadd.s32 s1, s16;
	[dreg:$0x13] =	wrdreg s21;
	v30 =	vsel vm0, $0x130B, v30;
	v31 =	vsel vm0, $0x130C, v31;
	v19 =	vsel vm7, $0x389, v19  }
0x65: {  	[dreg:$0x14] =	wrdreg s20;
	s21 =	smul.u32 $0x310, s19;
	s23 =	sor.u32 $0x1C06, s25;
	v20 =	vsel vm7, $0x38A, v20;
	v18 =	vsel vm5, $0x108A, v18;
	v21 =	vsel vm3, $0x118F, v21  }
0x66: {  	s7 =	sshrl.u32 s7, $0x3;
	_ =	strace $0x80000047;
	[dreg:$0x15] =	wrdreg s11;
	v22 =	vsel vm3, $0x1180, v22;
	v23 =	vsel vm2, $0x1202, v23;
	v24 =	vsel vm2, $0x1203, v24  }
0x67: {  	s4 =	sadd.s32 s4, s16;
	s8 =	sshrl.u32 s8, $0x3;
	[dreg:$0x16] =	wrdreg s7;
	v26 =	vsel vm2, $0x1205, v26;
	v25 =	vsel vm1, $0x1285, v25;
	v29 =	vsel vm5, $0x1085, v29  }
0x68: {  	s5 =	sadd.s32 s5, s16;
	s9 =	sshrl.u32 s9, $0x3;
	[dreg:$0x17] =	wrdreg s8;
	v27 =	vsel vm3, $0x1185, v27;
	v28 =	vsel vm3, $0x1186, v28;
	v19 =	vsel vm6, $0x100A, v19  }
0x69: {  	s19 =	sshrl.u32 s26, $0x3;
	s20 =	sshrl.u32 s15, $0x3;
	[dreg:$0x18] =	wrdreg s9;
	v20 =	vsel vm6, $0x100B, v20;
	v18 =	vsel vm4, $0x110B, v18;
	v21 =	vsel vm2, $0x1200, v21  }
0x6a: {  	s22 =	sshrl.u32 s17, $0x3;
	s6 =	sshrl.u32 s6, $0x3;
	[dreg:$0x19] =	wrdreg s19;
	v22 =	vsel vm2, $0x1201, v22;
	v23 =	vsel vm1, $0x1283, v23;
	v24 =	vsel vm1, $0x1284, v24  }
0x6b: {  	s2 =	sshrl.u32 s2, $0x3;
	s25 =	sshrl.u32 s3, $0x3;
	[dreg:$0x1a] =	wrdreg s20;
	v26 =	vsel vm1, $0x1286, v26;
	v25 =	vsel vm0, $0x1306, v25;
	v29 =	vsel vm4, $0x1106, v29  }
0x6c: {  	s1 =	sshrl.u32 @!p0 s1, $0x3;
	s15 =	simm.s32 $0x1;
	[dreg:$0x1b] =	wrdreg s22;
	v27 =	vsel vm2, $0x1206, v27;
	v28 =	vsel vm2, $0x1207, v28;
	v19 =	vsel vm5, $0x108B, v19  }
0x6d: {  	s3 =	simm.s32 $0x6600;
	s17 =	simm.s32 $0x0;
	[dreg:$0x1e] =	wrdreg s6;
	v20 =	vsel vm5, $0x108C, v20;
	v18 =	vsel vm3, $0x118C, v18;
	v21 =	vsel vm1, $0x1281, v21  }
0x6e: {  	s13 =	sshrl.u32 s31, $0x2;
	s7 =	sshrl.u32 @!p0 s18, $0x3;
	[dreg:$0x1f] =	wrdreg s2;
	v22 =	vsel vm1, $0x1282, v22;
	v23 =	vsel vm0, $0x1304, v23;
	v24 =	vsel vm0, $0x1305, v24  }
0x6f: {  	[smem:$0x7FA] =	sst s25;
	s26 =	sshrl.u32 s4, $0x3;
	s31 =	sshrl.u32 s5, $0x3;
	v26 =	vsel vm0, $0x1307, v26;
	v29 =	vsel vm3, $0x1187, v29;
	v27 =	vsel vm1, $0x1287, v27  }
0x70: {  	[smem:$0x7FD] =	sst s1;
	s8 =	simm.s32 $0x6;
	s11 =	simm.s32 $0x6000;
	v28 =	vsel vm1, $0x1288, v28;
	v19 =	vsel vm4, $0x110C, v19;
	v20 =	vsel vm4, $0x110D, v20  }
0x71: {  	s18 =	simm.s32 $0x4000;
	s19 =	simm.s32 $0x80;
	s22 =	simm.s32 $0x4800;
	v18 =	vsel vm2, $0x120D, v18;
	v21 =	vsel vm0, $0x1302, v21;
	v22 =	vsel vm0, $0x1303, v22  }
.Ltmp0:
0x72: {  	s2 =	simm.s32 $0x6200;
	s4 =	simm.s32 $0x2;
	v29 =	vsel vm2, $0x1208, v29;
	v27 =	vsel vm0, $0x1308, v27;
	v28 =	vsel vm0, $0x1309, v28;
	(pc) =	sbr.rel .LBB2_1-.Ltmp0, $4  }
0x73: {  	s5 =	simm.s32 $0x3;
	s6 =	simm.s32 $0x6280;
	[dreg:$0x1c] =	wrdreg s7;
	v19 =	vsel vm3, $0x118D, v19;
	v20 =	vsel vm3, $0x118E, v20;
	v18 =	vsel vm1, $0x128E, v18  }
0x74: {  	s25 =	simm.s32 $0x6680;
	s13 =	sadd.s32 s13, s16;
	[smem:$0x7FB] =	sst s26;
	v29 =	vsel vm1, $0x1289, v29;
	v19 =	vsel vm2, $0x120E, v19;
	v20 =	vsel vm2, $0x120F, v20  }
0x75: {  	[smem:$0x7FC] =	sst s31;
	s7 =	sadd.s32 $0x30D400, s10;
	s24 =	sshrl.u32 s13, $0x3;
	v18 =	vsel vm0, $0x130F, v18;
	v19 =	vsel vm1, $0x128F, v19;
	v20 =	vsel vm1, $0x1280, v20  }
0x76: {  	s26 =	simm.s32 $0x5000;
	s13 =	simm.s32 $0x6400;
	[dreg:$0x1d] =	wrdreg s24;
	v29 =	vsel vm0, $0x130A, v29;
	v19 =	vsel vm0, $0x1300, v19;
	v20 =	vsel vm0, $0x1301, v20  }
.LBB2_25:
0x77: {  	_ =	swait.ge [sflag:s4], $0x800  }
0x78: {  	[sflag:s4] =	ssyncset.done $0x0  }
0x79: {  	[sflag:s4] =	ssyncadd.s32 $0xFFFFF800  }
0x7a: {  	_ =	swait.ge [sflag:s4], $0x800  }
0x7b: {  	[sflag:s4] =	ssyncset.done $0x0  }
0x7c: {  	[sflag:s4] =	ssyncadd.s32 $0xFFFFF800  }
0x7d: {  	_ =	swait.ge [sflag:s5], $0x800  }
0x7e: {  	[sflag:s5] =	ssyncset.done $0x0  }
0x7f: {  	[sflag:s5] =	ssyncadd.s32 $0xFFFFF800  }
0x80: {  	_ =	swait.ge [sflag:s5], $0x800  }
0x81: {  	[sflag:s5] =	ssyncset.done $0x0  }
0x82: {  	[sflag:s5] =	ssyncadd.s32 $0xFFFFF800  }
0x83: {  	_ =	swait.ge [sflag:s28], $0x800  }
0x84: {  	[sflag:s28] =	ssyncset.done $0x0  }
0x85: {  	[sflag:s28] =	ssyncadd.s32 $0xFFFFF800  }
0x86: {  	_ =	swait.ge [sflag:s28], $0x800  }
0x87: {  	[sflag:s28] =	ssyncset.done $0x0  }
0x88: {  	[sflag:s28] =	ssyncadd.s32 $0xFFFFF800  }
0x89: {  	_ =	swait.ge [sflag:s29], $0x800  }
0x8a: {  	[sflag:s29] =	ssyncset.done $0x0  }
0x8b: {  	[sflag:s29] =	ssyncadd.s32 $0xFFFFF800  }
0x8c: {  	_ =	swait.ge [sflag:s29], $0x800  }
0x8d: {  	[sflag:s29] =	ssyncset.done $0x0  }
0x8e: {  	[sflag:s29] =	ssyncadd.s32 $0xFFFFF800  }
0x8f: {  	[bflag:$0x0] =	sbarrier.arrive $0xFFFF  }
0x90: {  	s1 =	rddreg [dreg:$0xe]  }
0x91: {  	s9 =	rddreg [dreg:$0x1d]  }
0x92: {  	[hbm:s1], [sflag:s23] =	dma.local [spmem:s9], $0x7D0  }
0x93: {  	_ =	swait.ge [sflag:s8], $0x7D0  }
0x94: {  	[sflag:s8] =	ssyncset.done $0x0;
	s24 =	rddreg [dreg:$0xf]  }
0x95: {  	s31 =	rddreg [dreg:$0x1e];
	[sflag:s8] =	ssyncadd.s32 $0xFFFFF830  }
0x96: {  	[hbm:s24], [sflag:s23] =	dma.local [spmem:s31], $0x7D0  }
0x97: {  	_ =	swait.ge [sflag:s8], $0x7D0  }
0x98: {  	[sflag:s8] =	ssyncset.done $0x0;
	s17 =	rddreg [dreg:$0x10]  }
0x99: {  	s20 =	rddreg [dreg:$0x1f];
	[sflag:s8] =	ssyncadd.s32 $0xFFFFF830  }
0x9a: {  	[hbm:s17], [sflag:s23] =	dma.local [spmem:s20], $0x7D0  }
0x9b: {  	_ =	swait.ge [sflag:s8], $0x7D0  }
0x9c: {  	s31 =	sld [smem:$0x7FA]  }
0x9d: {  	[sflag:s8] =	ssyncset.done $0x0  }
0x9e: {  	s24 =	rddreg [dreg:$0x11];
	[sflag:s8] =	ssyncadd.s32 $0xFFFFF830  }
0x9f: {  	[hbm:s24], [sflag:s23] =	dma.local [spmem:s31], $0x7D0  }
0xa0: {  	_ =	swait.ge [sflag:s8], $0x7D0  }
0xa1: {  	s17 =	sld [smem:$0x7FB]  }
0xa2: {  	[sflag:s8] =	ssyncset.done $0x0  }
0xa3: {  	s9 =	rddreg [dreg:$0x12];
	[sflag:s8] =	ssyncadd.s32 $0xFFFFF830  }
0xa4: {  	[hbm:s9], [sflag:s23] =	dma.local [spmem:s17], $0x7D0  }
0xa5: {  	_ =	swait.ge [sflag:s8], $0x7D0  }
0xa6: {  	s24 =	sld [smem:$0x7FC]  }
0xa7: {  	[sflag:s8] =	ssyncset.done $0x0  }
0xa8: {  	s20 =	rddreg [dreg:$0x13];
	[sflag:s8] =	ssyncadd.s32 $0xFFFFF830  }
0xa9: {  	[hbm:s20], [sflag:s23] =	dma.local [spmem:s24], $0x7D0  }
0xaa: {  	_ =	swait.ge [sflag:s8], $0x7D0  }
0xab: {  	s9 =	sld [smem:$0x7FD]  }
0xac: {  	[sflag:s8] =	ssyncset.done $0x0  }
0xad: {  	s1 =	rddreg [dreg:$0x14];
	[sflag:s8] =	ssyncadd.s32 $0xFFFFF830  }
0xae: {  	[hbm:s1], [sflag:s23] =	dma.local @!p0 [spmem:s9], $0x7D0  }
0xaf: {  	s1 =	simm.s32 @!p0 $0x6  }
0xb0: {  	_ =	swait.ge @!p0 [sflag:s1], $0x7D0  }
0xb1: {  	s17 =	sld [smem:$0x7F9];
	_ =	sdelay $0x2  }
0xb2: {  	s31 =	rddreg [dreg:$0x15];
	s17 =	sadd.s32 $0x1, s17  }
0xb3: {  	p1 =	sne.s32 s17, s31  }
.Ltmp1:
0xb4: {  	_ = 	snop;
	(pc) =	sbr.rel @!p1 .LBB2_26-.Ltmp1, $3  }
0xb5: {  	_ =	sdelay $0x1  }
0xb6: {  	[sflag:s1] =	ssyncset.done @!p0 $0x0  }
0xb7: {  	[sflag:s1] =	ssyncadd.s32 @!p0 $0xFFFFF830  }
.LBB2_1:
0xb8: {  	[smem:$0x7F9] =	sst s17  }
0xb9: {  	s1 =	rddreg [dreg:$0x7]  }
0xba: {  	s9 =	rddreg [dreg:$0x16]  }
0xbb: {  	[spmem:s9], [sflag:s23] =	dma.local [hbm:s1], $0x7D0  }
0xbc: {  	_ =	swait.ge [sflag:s8], $0x7D0  }
0xbd: {  	[sflag:s8] =	ssyncset.done $0x0;
	s20 =	rddreg [dreg:$0x8]  }
0xbe: {  	s24 =	rddreg [dreg:$0x17];
	[sflag:s8] =	ssyncadd.s32 $0xFFFFF830  }
0xbf: {  	[spmem:s24], [sflag:s23] =	dma.local [hbm:s20], $0x7D0  }
0xc0: {  	_ =	swait.ge [sflag:s8], $0x7D0  }
0xc1: {  	[sflag:s8] =	ssyncset.done $0x0;
	s9 =	rddreg [dreg:$0x9]  }
0xc2: {  	s17 =	rddreg [dreg:$0x18];
	[sflag:s8] =	ssyncadd.s32 $0xFFFFF830  }
0xc3: {  	[spmem:s17], [sflag:s23] =	dma.local [hbm:s9], $0x7D0  }
0xc4: {  	_ =	swait.ge [sflag:s8], $0x7D0  }
0xc5: {  	[sflag:s8] =	ssyncset.done $0x0;
	s20 =	rddreg [dreg:$0xa]  }
0xc6: {  	s24 =	rddreg [dreg:$0x19];
	[sflag:s8] =	ssyncadd.s32 $0xFFFFF830  }
0xc7: {  	[spmem:s24], [sflag:s23] =	dma.local [hbm:s20], $0x7D0  }
0xc8: {  	_ =	swait.ge [sflag:s8], $0x7D0  }
0xc9: {  	[sflag:s8] =	ssyncset.done $0x0;
	s9 =	rddreg [dreg:$0xb]  }
0xca: {  	s17 =	rddreg [dreg:$0x1a];
	[sflag:s8] =	ssyncadd.s32 $0xFFFFF830  }
0xcb: {  	[spmem:s17], [sflag:s23] =	dma.local [hbm:s9], $0x7D0  }
0xcc: {  	_ =	swait.ge [sflag:s8], $0x7D0  }
0xcd: {  	[sflag:s8] =	ssyncset.done $0x0;
	s20 =	rddreg [dreg:$0xc]  }
0xce: {  	s24 =	rddreg [dreg:$0x1b];
	[sflag:s8] =	ssyncadd.s32 $0xFFFFF830  }
0xcf: {  	[spmem:s24], [sflag:s23] =	dma.local [hbm:s20], $0x7D0  }
0xd0: {  	_ =	swait.ge [sflag:s8], $0x7D0  }
0xd1: {  	[sflag:s8] =	ssyncset.done $0x0;
	s1 =	rddreg [dreg:$0xd]  }
0xd2: {  	s9 =	rddreg [dreg:$0x1c];
	[sflag:s8] =	ssyncadd.s32 $0xFFFFF830  }
0xd3: {  	[spmem:s9], [sflag:s23] =	dma.local @!p0 [hbm:s1], $0x7D0  }
0xd4: {  	s9 =	simm.s32 @!p0 $0x6  }
.Ltmp2:
0xd5: {  	_ =	swait.ge @!p0 [sflag:s9], $0x7D0;
	(pc) =	sbr.rel .LBB2_2-.Ltmp2, $4  }
0xd6: {  	[sflag:s9] =	ssyncset.done @!p0 $0x0  }
0xd7: {  	[sflag:s9] =	ssyncadd.s32 @!p0 $0xFFFFF830  }
0xd8: {  	[bflag:$0x0] =	sbarrier.arrive $0xFFFF  }
0xd9: {  	s31 =	simm.s32 $0x0  }
.LBB2_24:
0xda: {  	s31 =	sadd.s32 $0x1, s31  }
0xdb: {  	p1 =	sne.s32 s31, $0x62  }
.Ltmp3:
0xdc: {  	_ = 	snop;
	(pc) =	sbr.rel @!p1 .LBB2_25-.Ltmp3, $1  }
0xdd: {  	_ =	sdelay $0x3  }
.LBB2_2:
0xde: {  	s9 =	sshll.u32 s31, $0x3  }
0xdf: {  	s20 =	sadd.s32 s21, s9  }
0xe0: {  	p1 =	sgt.u32 s20, $0x61A7  }
.Ltmp4:
0xe1: {  	_ = 	snop;
	(pc) =	sbr.rel @p1 .LBB2_13-.Ltmp4, $1  }
0xe2: {  	_ =	sdelay $0x3  }
0xe3: {  	s17 =	sshll.u32 s20, $0x7  }
0xe4: {  	s24 =	sadd.s32 s10, s17  }
0xe5: {  	[tilespmem:s0], [sflag:$0x1] =	stream.linear.gather [hbm4b:s24+s0], $0x1000, $0x38;
	[tilespmem:$0x1EEA0] =	vst v63  }
0xe6: {  	s1 =	simm.s32 $0x1000;
	s17 =	sadd.s32 s17, s7  }
0xe7: {  	[tilespmem:s1], [sflag:$0x1] =	stream.linear.gather [hbm4b:s17+s0], $0x1000, $0x38;
	[tilespmem:$0x1EEA0] =	vst v63  }
0xe8: {  	s17 =	sshll.u32 s20, $0x4  }
0xe9: {  	s1 =	sadd.s32 s12, s17  }
0xea: {  	[tilespmem:s11], [sflag:$0x1] =	stream.linear.gather [hbm4b:s1+s0], $0x200, $0x38;
	[tilespmem:$0x1EEA0] =	vst v63  }
0xeb: {  	s17 =	sadd.s32 s14, s17  }
0xec: {  	[tilespmem:s13], [sflag:$0x1] =	stream.linear.gather [hbm4b:s17+s0], $0x200, $0x38;
	[tilespmem:$0x1EEA0] =	vst v63  }
0xed: {  	_ =	swait.ge [sflag:s15], $0x1000  }
0xee: {  	[sflag:s15] =	ssyncset.done $0x0  }
0xef: {  	[sflag:s15] =	ssyncadd.s32 $0xFFFFF000  }
0xf0: {  	_ =	swait.ge [sflag:s15], $0x1000  }
0xf1: {  	[sflag:s15] =	ssyncset.done $0x0  }
0xf2: {  	[sflag:s15] =	ssyncadd.s32 $0xFFFFF000  }
0xf3: {  	_ =	swait.ge [sflag:s15], $0x200  }
0xf4: {  	[sflag:s15] =	ssyncset.done $0x0  }
0xf5: {  	[sflag:s15] =	ssyncadd.s32 $0xFFFFFE00  }
0xf6: {  	_ =	swait.ge [sflag:s15], $0x200  }
0xf7: {  	p1 =	seq.s32 s31, $0x0;
	[sflag:s15] =	ssyncset.done $0x0  }
0xf8: {  	s24 =	simm.s32 @!p1 $0x2;
	[sflag:s15] =	ssyncadd.s32 $0xFFFFFE00  }
0xf9: {  	s1 =	simm.s32 $0x0;
	_ =	swait.ge @!p1 [sflag:s24], $0x800  }
0xfa: {  	v33 =	vor.u32 s1, v0;
	[sflag:s24] =	ssyncset.done @!p1 $0x0  }
0xfb: {  	[sflag:s24] =	ssyncadd.s32 @!p1 $0xFFFFF800  }
0xfc: {  	v34 =	vmov s1;
	_ =	swait.ge @!p1 [sflag:s24], $0x800  }
0xfd: {  	v34 =	vshll.u32 v34, $0x4;
	[sflag:s24] =	ssyncset.done @!p1 $0x0  }
0xfe: {  	v35 =	vor.u32 v17, v34;
	[sflag:s24] =	ssyncadd.s32 @!p1 $0xFFFFF800  }
0xff: {  	v35 =	vor.u32 v1, v35;
	v33 =	vld.idx.msk [tilespmem:v33+s0+$0x0], $0xffff  }
0x100: {  	v36 =	vor.u32 s1, v18;
	_ =	sdelay $0x3  }
0x101: {  	v60 =	vor.u32 v16, v34;
	[tilespmem:v35+s18+$0x0] =	vst.idx.msk $0xffff, v33  }
0x102: {  	v33 =	vor.u32 v1, v60;
	v35 =	vld.idx.msk [tilespmem:v36+s0+$0x0], $0xffff  }
0x103: {  	v61 =	vor.u32 s1, v19;
	_ =	sdelay $0x3  }
0x104: {  	v62 =	vor.u32 v15, v34;
	[tilespmem:v33+s18+$0x0] =	vst.idx.msk $0xffff, v35  }
0x105: {  	v33 =	vor.u32 v1, v62;
	v35 =	vld.idx.msk [tilespmem:v61+s0+$0x0], $0xffff  }
0x106: {  	v63 =	vor.u32 s1, v20;
	_ =	sdelay $0x3  }
0x107: {  	v39 =	vor.u32 v14, v34;
	[tilespmem:v33+s18+$0x0] =	vst.idx.msk $0xffff, v35  }
0x108: {  	v33 =	vor.u32 v1, v39;
	v35 =	vld.idx.msk [tilespmem:v63+s0+$0x0], $0xffff  }
0x109: {  	v40 =	vor.u32 s1, v21;
	_ =	sdelay $0x3  }
0x10a: {  	v41 =	vor.u32 v13, v34;
	[tilespmem:v33+s18+$0x0] =	vst.idx.msk $0xffff, v35  }
0x10b: {  	v33 =	vor.u32 v1, v41;
	v35 =	vld.idx.msk [tilespmem:v40+s0+$0x0], $0xffff  }
0x10c: {  	v42 =	vor.u32 s1, v22;
	_ =	sdelay $0x3  }
0x10d: {  	v43 =	vor.u32 v12, v34;
	[tilespmem:v33+s18+$0x0] =	vst.idx.msk $0xffff, v35  }
0x10e: {  	v33 =	vor.u32 v1, v43;
	v35 =	vld.idx.msk [tilespmem:v42+s0+$0x0], $0xffff  }
0x10f: {  	v44 =	vor.u32 s1, v23;
	_ =	sdelay $0x3  }
0x110: {  	v45 =	vor.u32 v11, v34;
	[tilespmem:v33+s18+$0x0] =	vst.idx.msk $0xffff, v35  }
0x111: {  	v33 =	vor.u32 v1, v45;
	v35 =	vld.idx.msk [tilespmem:v44+s0+$0x0], $0xffff  }
0x112: {  	v46 =	vor.u32 s1, v24;
	_ =	sdelay $0x3  }
0x113: {  	v47 =	vor.u32 v10, v34;
	[tilespmem:v33+s18+$0x0] =	vst.idx.msk $0xffff, v35  }
0x114: {  	v33 =	vor.u32 v1, v47;
	v35 =	vld.idx.msk [tilespmem:v46+s0+$0x0], $0xffff  }
0x115: {  	v48 =	vor.u32 s1, v25;
	_ =	sdelay $0x3  }
0x116: {  	v49 =	vor.u32 v9, v34;
	[tilespmem:v33+s18+$0x0] =	vst.idx.msk $0xffff, v35  }
0x117: {  	v33 =	vor.u32 v1, v49;
	v35 =	vld.idx.msk [tilespmem:v48+s0+$0x0], $0xffff  }
0x118: {  	v50 =	vor.u32 s1, v26;
	_ =	sdelay $0x3  }
0x119: {  	v51 =	vor.u32 v8, v34;
	[tilespmem:v33+s18+$0x0] =	vst.idx.msk $0xffff, v35  }
0x11a: {  	v33 =	vor.u32 v1, v51;
	v35 =	vld.idx.msk [tilespmem:v50+s0+$0x0], $0xffff  }
0x11b: {  	v52 =	vor.u32 s1, v27;
	_ =	sdelay $0x3  }
0x11c: {  	v53 =	vor.u32 v7, v34;
	[tilespmem:v33+s18+$0x0] =	vst.idx.msk $0xffff, v35  }
0x11d: {  	v33 =	vor.u32 v1, v53;
	v35 =	vld.idx.msk [tilespmem:v52+s0+$0x0], $0xffff  }
0x11e: {  	v54 =	vor.u32 s1, v28;
	_ =	sdelay $0x3  }
0x11f: {  	v55 =	vor.u32 v6, v34;
	[tilespmem:v33+s18+$0x0] =	vst.idx.msk $0xffff, v35  }
0x120: {  	v33 =	vor.u32 v1, v55;
	v35 =	vld.idx.msk [tilespmem:v54+s0+$0x0], $0xffff  }
0x121: {  	v56 =	vor.u32 s1, v29;
	_ =	sdelay $0x3  }
0x122: {  	v57 =	vor.u32 v5, v34;
	[tilespmem:v33+s18+$0x0] =	vst.idx.msk $0xffff, v35  }
0x123: {  	v33 =	vor.u32 v1, v57;
	v35 =	vld.idx.msk [tilespmem:v56+s0+$0x0], $0xffff  }
0x124: {  	v58 =	vor.u32 s1, v30;
	_ =	sdelay $0x3  }
0x125: {  	v59 =	vor.u32 v4, v34;
	[tilespmem:v33+s18+$0x0] =	vst.idx.msk $0xffff, v35  }
0x126: {  	v33 =	vor.u32 v1, v59;
	v35 =	vld.idx.msk [tilespmem:v58+s0+$0x0], $0xffff  }
0x127: {  	v60 =	vor.u32 s1, v31;
	_ =	sdelay $0x3  }
0x128: {  	v61 =	vor.u32 v3, v34;
	[tilespmem:v33+s18+$0x0] =	vst.idx.msk $0xffff, v35  }
0x129: {  	v33 =	vor.u32 v1, v61;
	v35 =	vld.idx.msk [tilespmem:v60+s0+$0x0], $0xffff  }
0x12a: {  	v62 =	vor.u32 s1, v32;
	_ =	sdelay $0x3  }
0x12b: {  	v63 =	vor.u32 v2, v34;
	[tilespmem:v33+s18+$0x0] =	vst.idx.msk $0xffff, v35  }
0x12c: {  	s24 =	simm.s32 $0x10;
	v36 =	vor.u32 v1, v63;
	v34 =	vld.idx.msk [tilespmem:v62+s0+$0x0], $0xffff  }
0x12d: {  	s17 =	simm.s32 $0x20;
	v35 =	vor.u32 s24, v0  }
.LBB2_4:
0x12e: {  	p2 =	sne.s32 s17, $0x70;
	_ =	sdelay $0x1  }
0x12f: {  	v33 =	vmov s24  }
0x130: {  	v33 =	vshll.u32 v33, $0x4;
	[tilespmem:v36+s18+$0x0] =	vst.idx.msk $0xffff, v34  }
0x131: {  	v34 =	vld.idx.msk [tilespmem:v35+s0+$0x0], $0xffff;
	v35 =	vor.u32 v17, v33  }
0x132: {  	v35 =	vor.u32 v1, v35  }
0x133: {  	v36 =	vor.u32 s24, v18;
	_ =	sdelay $0x3  }
0x134: {  	[tilespmem:v35+s18+$0x0] =	vst.idx.msk $0xffff, v34  }
0x135: {  	v35 =	vor.u32 v16, v33;
	v34 =	vld.idx.msk [tilespmem:v36+s0+$0x0], $0xffff  }
0x136: {  	v35 =	vor.u32 v1, v35  }
0x137: {  	v36 =	vor.u32 s24, v19;
	_ =	sdelay $0x3  }
0x138: {  	[tilespmem:v35+s18+$0x0] =	vst.idx.msk $0xffff, v34  }
0x139: {  	v35 =	vor.u32 v15, v33;
	v34 =	vld.idx.msk [tilespmem:v36+s0+$0x0], $0xffff  }
0x13a: {  	v35 =	vor.u32 v1, v35  }
0x13b: {  	v36 =	vor.u32 s24, v20;
	_ =	sdelay $0x3  }
0x13c: {  	[tilespmem:v35+s18+$0x0] =	vst.idx.msk $0xffff, v34  }
0x13d: {  	v35 =	vor.u32 v14, v33;
	v34 =	vld.idx.msk [tilespmem:v36+s0+$0x0], $0xffff  }
0x13e: {  	v35 =	vor.u32 v1, v35  }
0x13f: {  	v36 =	vor.u32 s24, v21;
	_ =	sdelay $0x3  }
0x140: {  	[tilespmem:v35+s18+$0x0] =	vst.idx.msk $0xffff, v34  }
0x141: {  	v35 =	vor.u32 v13, v33;
	v34 =	vld.idx.msk [tilespmem:v36+s0+$0x0], $0xffff  }
0x142: {  	v35 =	vor.u32 v1, v35  }
0x143: {  	v36 =	vor.u32 s24, v22;
	_ =	sdelay $0x3  }
0x144: {  	[tilespmem:v35+s18+$0x0] =	vst.idx.msk $0xffff, v34  }
0x145: {  	v35 =	vor.u32 v12, v33;
	v34 =	vld.idx.msk [tilespmem:v36+s0+$0x0], $0xffff  }
0x146: {  	v35 =	vor.u32 v1, v35  }
0x147: {  	v36 =	vor.u32 s24, v23;
	_ =	sdelay $0x3  }
0x148: {  	[tilespmem:v35+s18+$0x0] =	vst.idx.msk $0xffff, v34  }
0x149: {  	v35 =	vor.u32 v11, v33;
	v34 =	vld.idx.msk [tilespmem:v36+s0+$0x0], $0xffff  }
0x14a: {  	v35 =	vor.u32 v1, v35  }
0x14b: {  	v36 =	vor.u32 s24, v24;
	_ =	sdelay $0x3  }
0x14c: {  	[tilespmem:v35+s18+$0x0] =	vst.idx.msk $0xffff, v34  }
0x14d: {  	v35 =	vor.u32 v10, v33;
	v34 =	vld.idx.msk [tilespmem:v36+s0+$0x0], $0xffff  }
0x14e: {  	v35 =	vor.u32 v1, v35  }
0x14f: {  	v36 =	vor.u32 s24, v25;
	_ =	sdelay $0x3  }
0x150: {  	[tilespmem:v35+s18+$0x0] =	vst.idx.msk $0xffff, v34  }
0x151: {  	v35 =	vor.u32 v9, v33;
	v34 =	vld.idx.msk [tilespmem:v36+s0+$0x0], $0xffff  }
0x152: {  	v35 =	vor.u32 v1, v35  }
0x153: {  	v36 =	vor.u32 s24, v26;
	_ =	sdelay $0x3  }
0x154: {  	[tilespmem:v35+s18+$0x0] =	vst.idx.msk $0xffff, v34  }
0x155: {  	v35 =	vor.u32 v8, v33;
	v34 =	vld.idx.msk [tilespmem:v36+s0+$0x0], $0xffff  }
0x156: {  	v35 =	vor.u32 v1, v35  }
0x157: {  	v36 =	vor.u32 s24, v27;
	_ =	sdelay $0x3  }
0x158: {  	[tilespmem:v35+s18+$0x0] =	vst.idx.msk $0xffff, v34  }
0x159: {  	v35 =	vor.u32 v7, v33;
	v34 =	vld.idx.msk [tilespmem:v36+s0+$0x0], $0xffff  }
0x15a: {  	v35 =	vor.u32 v1, v35  }
0x15b: {  	v36 =	vor.u32 s24, v28;
	_ =	sdelay $0x3  }
0x15c: {  	[tilespmem:v35+s18+$0x0] =	vst.idx.msk $0xffff, v34  }
0x15d: {  	v35 =	vor.u32 v6, v33;
	v34 =	vld.idx.msk [tilespmem:v36+s0+$0x0], $0xffff  }
0x15e: {  	v35 =	vor.u32 v1, v35  }
0x15f: {  	v36 =	vor.u32 s24, v29;
	_ =	sdelay $0x3  }
0x160: {  	[tilespmem:v35+s18+$0x0] =	vst.idx.msk $0xffff, v34  }
0x161: {  	v35 =	vor.u32 v5, v33;
	v34 =	vld.idx.msk [tilespmem:v36+s0+$0x0], $0xffff  }
0x162: {  	v35 =	vor.u32 v1, v35  }
0x163: {  	v36 =	vor.u32 s24, v30;
	_ =	sdelay $0x3  }
0x164: {  	[tilespmem:v35+s18+$0x0] =	vst.idx.msk $0xffff, v34  }
0x165: {  	v35 =	vor.u32 v4, v33;
	v34 =	vld.idx.msk [tilespmem:v36+s0+$0x0], $0xffff  }
0x166: {  	v35 =	vor.u32 v1, v35  }
0x167: {  	v36 =	vor.u32 s24, v31;
	_ =	sdelay $0x3  }
0x168: {  	[tilespmem:v35+s18+$0x0] =	vst.idx.msk $0xffff, v34  }
0x169: {  	v35 =	vor.u32 v3, v33;
	v34 =	vld.idx.msk [tilespmem:v36+s0+$0x0], $0xffff  }
0x16a: {  	v35 =	vor.u32 v1, v35  }
0x16b: {  	v36 =	vor.u32 s24, v32;
	s24 =	smov.u32 s17;
	_ =	sdelay $0x2  }
.Ltmp5:
0x16c: {  	(pc) =	sbr.rel @p2 .LBB2_4-.Ltmp5, $4  }
0x16d: {  	[tilespmem:v35+s18+$0x0] =	vst.idx.msk $0xffff, v34  }
0x16e: {  	v33 =	vor.u32 v2, v33;
	v34 =	vld.idx.msk [tilespmem:v36+s0+$0x0], $0xffff  }
0x16f: {  	v36 =	vor.u32 v1, v33  }
0x170: {  	s17 =	sadd.s32 $0x10, s17;
	v35 =	vor.u32 s24, v0  }
0x171: {  	_ =	sdelay $0x1  }
0x172: {  	v33 =	vmov s24  }
0x173: {  	v33 =	vshll.u32 v33, $0x4  }
0x174: {  	[tilespmem:v36+s18+$0x0] =	vst.idx.msk $0xffff, v34;
	v50 =	vor.u32 v17, v33  }
0x175: {  	v35 =	vld.idx.msk [tilespmem:v35+s0+$0x0], $0xffff;
	v34 =	vor.u32 v1, v50  }
0x176: {  	v51 =	vor.u32 s24, v18;
	_ =	sdelay $0x3  }
0x177: {  	v52 =	vor.u32 v16, v33;
	[tilespmem:v34+s18+$0x0] =	vst.idx.msk $0xffff, v35  }
0x178: {  	v34 =	vor.u32 v1, v52;
	v35 =	vld.idx.msk [tilespmem:v51+s0+$0x0], $0xffff  }
0x179: {  	v53 =	vor.u32 s24, v19;
	_ =	sdelay $0x3  }
0x17a: {  	v54 =	vor.u32 v15, v33;
	[tilespmem:v34+s18+$0x0] =	vst.idx.msk $0xffff, v35  }
0x17b: {  	v34 =	vor.u32 v1, v54;
	v35 =	vld.idx.msk [tilespmem:v53+s0+$0x0], $0xffff  }
0x17c: {  	v55 =	vor.u32 s24, v20;
	_ =	sdelay $0x3  }
0x17d: {  	v56 =	vor.u32 v14, v33;
	[tilespmem:v34+s18+$0x0] =	vst.idx.msk $0xffff, v35  }
0x17e: {  	v34 =	vor.u32 v1, v56;
	v35 =	vld.idx.msk [tilespmem:v55+s0+$0x0], $0xffff  }
0x17f: {  	v57 =	vor.u32 s24, v21;
	_ =	sdelay $0x3  }
0x180: {  	v58 =	vor.u32 v13, v33;
	[tilespmem:v34+s18+$0x0] =	vst.idx.msk $0xffff, v35  }
0x181: {  	v34 =	vor.u32 v1, v58;
	v35 =	vld.idx.msk [tilespmem:v57+s0+$0x0], $0xffff  }
0x182: {  	v59 =	vor.u32 s24, v22;
	_ =	sdelay $0x3  }
0x183: {  	v60 =	vor.u32 v12, v33;
	[tilespmem:v34+s18+$0x0] =	vst.idx.msk $0xffff, v35  }
0x184: {  	v34 =	vor.u32 v1, v60;
	v35 =	vld.idx.msk [tilespmem:v59+s0+$0x0], $0xffff  }
0x185: {  	v61 =	vor.u32 s24, v23;
	_ =	sdelay $0x3  }
0x186: {  	v62 =	vor.u32 v11, v33;
	[tilespmem:v34+s18+$0x0] =	vst.idx.msk $0xffff, v35  }
0x187: {  	v34 =	vor.u32 v1, v62;
	v35 =	vld.idx.msk [tilespmem:v61+s0+$0x0], $0xffff  }
0x188: {  	v63 =	vor.u32 s24, v24;
	_ =	sdelay $0x3  }
0x189: {  	v40 =	vor.u32 v10, v33;
	[tilespmem:v34+s18+$0x0] =	vst.idx.msk $0xffff, v35  }
0x18a: {  	v34 =	vor.u32 v1, v40;
	v35 =	vld.idx.msk [tilespmem:v63+s0+$0x0], $0xffff  }
0x18b: {  	v41 =	vor.u32 s24, v25;
	_ =	sdelay $0x3  }
0x18c: {  	v42 =	vor.u32 v9, v33;
	[tilespmem:v34+s18+$0x0] =	vst.idx.msk $0xffff, v35  }
0x18d: {  	v34 =	vor.u32 v1, v42;
	v35 =	vld.idx.msk [tilespmem:v41+s0+$0x0], $0xffff  }
0x18e: {  	v43 =	vor.u32 s24, v26;
	_ =	sdelay $0x3  }
0x18f: {  	v44 =	vor.u32 v8, v33;
	[tilespmem:v34+s18+$0x0] =	vst.idx.msk $0xffff, v35  }
0x190: {  	v34 =	vor.u32 v1, v44;
	v35 =	vld.idx.msk [tilespmem:v43+s0+$0x0], $0xffff  }
0x191: {  	v45 =	vor.u32 s24, v27;
	_ =	sdelay $0x3  }
0x192: {  	v46 =	vor.u32 v7, v33;
	[tilespmem:v34+s18+$0x0] =	vst.idx.msk $0xffff, v35  }
0x193: {  	v34 =	vor.u32 v1, v46;
	v35 =	vld.idx.msk [tilespmem:v45+s0+$0x0], $0xffff  }
0x194: {  	v47 =	vor.u32 s24, v28;
	_ =	sdelay $0x3  }
0x195: {  	v48 =	vor.u32 v6, v33;
	[tilespmem:v34+s18+$0x0] =	vst.idx.msk $0xffff, v35  }
0x196: {  	v34 =	vor.u32 v1, v48;
	v35 =	vld.idx.msk [tilespmem:v47+s0+$0x0], $0xffff  }
0x197: {  	v49 =	vor.u32 s24, v29;
	_ =	sdelay $0x3  }
0x198: {  	v50 =	vor.u32 v5, v33;
	[tilespmem:v34+s18+$0x0] =	vst.idx.msk $0xffff, v35  }
0x199: {  	v34 =	vor.u32 v1, v50;
	v35 =	vld.idx.msk [tilespmem:v49+s0+$0x0], $0xffff  }
0x19a: {  	v51 =	vor.u32 s24, v30;
	_ =	sdelay $0x3  }
0x19b: {  	v52 =	vor.u32 v4, v33;
	[tilespmem:v34+s18+$0x0] =	vst.idx.msk $0xffff, v35  }
0x19c: {  	v34 =	vor.u32 v1, v52;
	v35 =	vld.idx.msk [tilespmem:v51+s0+$0x0], $0xffff  }
0x19d: {  	v53 =	vor.u32 s24, v31;
	_ =	sdelay $0x3  }
0x19e: {  	v54 =	vor.u32 v3, v33;
	[tilespmem:v34+s18+$0x0] =	vst.idx.msk $0xffff, v35  }
0x19f: {  	v34 =	vor.u32 v1, v54;
	v35 =	vld.idx.msk [tilespmem:v53+s0+$0x0], $0xffff  }
0x1a0: {  	v55 =	vor.u32 s24, v32;
	_ =	sdelay $0x3  }
0x1a1: {  	v33 =	vor.u32 v2, v33;
	[tilespmem:v34+s18+$0x0] =	vst.idx.msk $0xffff, v35  }
0x1a2: {  	v33 =	vor.u32 v1, v33;
	v34 =	vld.idx.msk [tilespmem:v55+s0+$0x0], $0xffff;
	_ =	sdelay $0x4  }
0x1a3: {  	[tilespmem:v33+s18+$0x0] =	vst.idx.msk $0xffff, v34  }
0x1a4: {  	[spmem:s16] =	stream.indirect.scatter.add.f32 [tilespmem:s18], [sflag:$0x2], $0x10, s11, s19, $0xb8;
	[tilespmem:$0x1EEA0] =	vst v63  }
0x1a5: {  	s24 =	simm.s32 @!p1 $0x3  }
0x1a6: {  	[spmem:s16] =	stream.indirect.scatter.add.f32 [tilespmem:s18], [sflag:$0x2], $0x10, s13, s19, $0xb8;
	[tilespmem:$0x1EEA0] =	vst v63  }
0x1a7: {  	s17 =	simm.s32 $0x400;
	_ =	swait.ge @!p1 [sflag:s24], $0x800  }
0x1a8: {  	v56 =	vor.u32 s17, v0;
	[sflag:s24] =	ssyncset.done @!p1 $0x0  }
0x1a9: {  	s1 =	simm.s32 $0x80;
	[sflag:s24] =	ssyncadd.s32 @!p1 $0xFFFFF800  }
0x1aa: {  	v57 =	vmov s1;
	_ =	swait.ge @!p1 [sflag:s24], $0x800  }
0x1ab: {  	v34 =	vshll.u32 v57, $0x4;
	[sflag:s24] =	ssyncset.done @!p1 $0x0  }
0x1ac: {  	v58 =	vor.u32 v17, v34;
	[sflag:s24] =	ssyncadd.s32 @!p1 $0xFFFFF800  }
0x1ad: {  	v35 =	vor.u32 v1, v58;
	v33 =	vld.idx.msk [tilespmem:v56+s0+$0x0], $0xffff  }
0x1ae: {  	v59 =	vor.u32 s17, v18;
	_ =	sdelay $0x3  }
0x1af: {  	v60 =	vor.u32 v16, v34;
	[tilespmem:v35+s18+$0x0] =	vst.idx.msk $0xffff, v33  }
0x1b0: {  	v33 =	vor.u32 v1, v60;
	v35 =	vld.idx.msk [tilespmem:v59+s0+$0x0], $0xffff  }
0x1b1: {  	v61 =	vor.u32 s17, v19;
	_ =	sdelay $0x3  }
0x1b2: {  	v62 =	vor.u32 v15, v34;
	[tilespmem:v33+s18+$0x0] =	vst.idx.msk $0xffff, v35  }
0x1b3: {  	v33 =	vor.u32 v1, v62;
	v35 =	vld.idx.msk [tilespmem:v61+s0+$0x0], $0xffff  }
0x1b4: {  	v63 =	vor.u32 s17, v20;
	_ =	sdelay $0x3  }
0x1b5: {  	v39 =	vor.u32 v14, v34;
	[tilespmem:v33+s18+$0x0] =	vst.idx.msk $0xffff, v35  }
0x1b6: {  	v33 =	vor.u32 v1, v39;
	v35 =	vld.idx.msk [tilespmem:v63+s0+$0x0], $0xffff  }
0x1b7: {  	v40 =	vor.u32 s17, v21;
	_ =	sdelay $0x3  }
0x1b8: {  	v41 =	vor.u32 v13, v34;
	[tilespmem:v33+s18+$0x0] =	vst.idx.msk $0xffff, v35  }
0x1b9: {  	v33 =	vor.u32 v1, v41;
	v35 =	vld.idx.msk [tilespmem:v40+s0+$0x0], $0xffff  }
0x1ba: {  	v42 =	vor.u32 s17, v22;
	_ =	sdelay $0x3  }
0x1bb: {  	v43 =	vor.u32 v12, v34;
	[tilespmem:v33+s18+$0x0] =	vst.idx.msk $0xffff, v35  }
0x1bc: {  	v33 =	vor.u32 v1, v43;
	v35 =	vld.idx.msk [tilespmem:v42+s0+$0x0], $0xffff  }
0x1bd: {  	v44 =	vor.u32 s17, v23;
	_ =	sdelay $0x3  }
0x1be: {  	v45 =	vor.u32 v11, v34;
	[tilespmem:v33+s18+$0x0] =	vst.idx.msk $0xffff, v35  }
0x1bf: {  	v33 =	vor.u32 v1, v45;
	v35 =	vld.idx.msk [tilespmem:v44+s0+$0x0], $0xffff  }
0x1c0: {  	v46 =	vor.u32 s17, v24;
	_ =	sdelay $0x3  }
0x1c1: {  	v47 =	vor.u32 v10, v34;
	[tilespmem:v33+s18+$0x0] =	vst.idx.msk $0xffff, v35  }
0x1c2: {  	v33 =	vor.u32 v1, v47;
	v35 =	vld.idx.msk [tilespmem:v46+s0+$0x0], $0xffff  }
0x1c3: {  	v48 =	vor.u32 s17, v25;
	_ =	sdelay $0x3  }
0x1c4: {  	v49 =	vor.u32 v9, v34;
	[tilespmem:v33+s18+$0x0] =	vst.idx.msk $0xffff, v35  }
0x1c5: {  	v33 =	vor.u32 v1, v49;
	v35 =	vld.idx.msk [tilespmem:v48+s0+$0x0], $0xffff  }
0x1c6: {  	v50 =	vor.u32 s17, v26;
	_ =	sdelay $0x3  }
0x1c7: {  	v51 =	vor.u32 v8, v34;
	[tilespmem:v33+s18+$0x0] =	vst.idx.msk $0xffff, v35  }
0x1c8: {  	v33 =	vor.u32 v1, v51;
	v35 =	vld.idx.msk [tilespmem:v50+s0+$0x0], $0xffff  }
0x1c9: {  	v52 =	vor.u32 s17, v27;
	_ =	sdelay $0x3  }
0x1ca: {  	v53 =	vor.u32 v7, v34;
	[tilespmem:v33+s18+$0x0] =	vst.idx.msk $0xffff, v35  }
0x1cb: {  	v33 =	vor.u32 v1, v53;
	v35 =	vld.idx.msk [tilespmem:v52+s0+$0x0], $0xffff  }
0x1cc: {  	v54 =	vor.u32 s17, v28;
	_ =	sdelay $0x3  }
0x1cd: {  	v55 =	vor.u32 v6, v34;
	[tilespmem:v33+s18+$0x0] =	vst.idx.msk $0xffff, v35  }
0x1ce: {  	v33 =	vor.u32 v1, v55;
	v35 =	vld.idx.msk [tilespmem:v54+s0+$0x0], $0xffff  }
0x1cf: {  	v56 =	vor.u32 s17, v29;
	_ =	sdelay $0x3  }
0x1d0: {  	v57 =	vor.u32 v5, v34;
	[tilespmem:v33+s18+$0x0] =	vst.idx.msk $0xffff, v35  }
0x1d1: {  	v33 =	vor.u32 v1, v57;
	v35 =	vld.idx.msk [tilespmem:v56+s0+$0x0], $0xffff  }
0x1d2: {  	v58 =	vor.u32 s17, v30;
	_ =	sdelay $0x3  }
0x1d3: {  	v59 =	vor.u32 v4, v34;
	[tilespmem:v33+s18+$0x0] =	vst.idx.msk $0xffff, v35  }
0x1d4: {  	v33 =	vor.u32 v1, v59;
	v35 =	vld.idx.msk [tilespmem:v58+s0+$0x0], $0xffff  }
0x1d5: {  	v60 =	vor.u32 s17, v31;
	_ =	sdelay $0x3  }
0x1d6: {  	v61 =	vor.u32 v3, v34;
	[tilespmem:v33+s18+$0x0] =	vst.idx.msk $0xffff, v35  }
0x1d7: {  	v33 =	vor.u32 v1, v61;
	v35 =	vld.idx.msk [tilespmem:v60+s0+$0x0], $0xffff  }
0x1d8: {  	v62 =	vor.u32 s17, v32;
	_ =	sdelay $0x3  }
0x1d9: {  	v63 =	vor.u32 v2, v34;
	[tilespmem:v33+s18+$0x0] =	vst.idx.msk $0xffff, v35  }
0x1da: {  	s24 =	simm.s32 $0x410;
	v36 =	vor.u32 v1, v63;
	v34 =	vld.idx.msk [tilespmem:v62+s0+$0x0], $0xffff  }
0x1db: {  	s17 =	simm.s32 $0x420;
	v35 =	vor.u32 s24, v0  }
.LBB2_6:
0x1dc: {  	p2 =	sne.s32 s17, $0x470  }
0x1dd: {  	s1 =	sadd.s32 $0xFFFFFC80, s24  }
0x1de: {  	v33 =	vmov s1  }
0x1df: {  	v33 =	vshll.u32 v33, $0x4;
	[tilespmem:v36+s18+$0x0] =	vst.idx.msk $0xffff, v34  }
0x1e0: {  	v34 =	vld.idx.msk [tilespmem:v35+s0+$0x0], $0xffff;
	v35 =	vor.u32 v17, v33  }
0x1e1: {  	v35 =	vor.u32 v1, v35  }
0x1e2: {  	v36 =	vor.u32 s24, v18;
	_ =	sdelay $0x3  }
0x1e3: {  	[tilespmem:v35+s18+$0x0] =	vst.idx.msk $0xffff, v34  }
0x1e4: {  	v35 =	vor.u32 v16, v33;
	v34 =	vld.idx.msk [tilespmem:v36+s0+$0x0], $0xffff  }
0x1e5: {  	v35 =	vor.u32 v1, v35  }
0x1e6: {  	v36 =	vor.u32 s24, v19;
	_ =	sdelay $0x3  }
0x1e7: {  	[tilespmem:v35+s18+$0x0] =	vst.idx.msk $0xffff, v34  }
0x1e8: {  	v35 =	vor.u32 v15, v33;
	v34 =	vld.idx.msk [tilespmem:v36+s0+$0x0], $0xffff  }
0x1e9: {  	v35 =	vor.u32 v1, v35  }
0x1ea: {  	v36 =	vor.u32 s24, v20;
	_ =	sdelay $0x3  }
0x1eb: {  	[tilespmem:v35+s18+$0x0] =	vst.idx.msk $0xffff, v34  }
0x1ec: {  	v35 =	vor.u32 v14, v33;
	v34 =	vld.idx.msk [tilespmem:v36+s0+$0x0], $0xffff  }
0x1ed: {  	v35 =	vor.u32 v1, v35  }
0x1ee: {  	v36 =	vor.u32 s24, v21;
	_ =	sdelay $0x3  }
0x1ef: {  	[tilespmem:v35+s18+$0x0] =	vst.idx.msk $0xffff, v34  }
0x1f0: {  	v35 =	vor.u32 v13, v33;
	v34 =	vld.idx.msk [tilespmem:v36+s0+$0x0], $0xffff  }
0x1f1: {  	v35 =	vor.u32 v1, v35  }
0x1f2: {  	v36 =	vor.u32 s24, v22;
	_ =	sdelay $0x3  }
0x1f3: {  	[tilespmem:v35+s18+$0x0] =	vst.idx.msk $0xffff, v34  }
0x1f4: {  	v35 =	vor.u32 v12, v33;
	v34 =	vld.idx.msk [tilespmem:v36+s0+$0x0], $0xffff  }
0x1f5: {  	v35 =	vor.u32 v1, v35  }
0x1f6: {  	v36 =	vor.u32 s24, v23;
	_ =	sdelay $0x3  }
0x1f7: {  	[tilespmem:v35+s18+$0x0] =	vst.idx.msk $0xffff, v34  }
0x1f8: {  	v35 =	vor.u32 v11, v33;
	v34 =	vld.idx.msk [tilespmem:v36+s0+$0x0], $0xffff  }
0x1f9: {  	v35 =	vor.u32 v1, v35  }
0x1fa: {  	v36 =	vor.u32 s24, v24;
	_ =	sdelay $0x3  }
0x1fb: {  	[tilespmem:v35+s18+$0x0] =	vst.idx.msk $0xffff, v34  }
0x1fc: {  	v35 =	vor.u32 v10, v33;
	v34 =	vld.idx.msk [tilespmem:v36+s0+$0x0], $0xffff  }
0x1fd: {  	v35 =	vor.u32 v1, v35  }
0x1fe: {  	v36 =	vor.u32 s24, v25;
	_ =	sdelay $0x3  }
0x1ff: {  	[tilespmem:v35+s18+$0x0] =	vst.idx.msk $0xffff, v34  }
0x200: {  	v35 =	vor.u32 v9, v33;
	v34 =	vld.idx.msk [tilespmem:v36+s0+$0x0], $0xffff  }
0x201: {  	v35 =	vor.u32 v1, v35  }
0x202: {  	v36 =	vor.u32 s24, v26;
	_ =	sdelay $0x3  }
0x203: {  	[tilespmem:v35+s18+$0x0] =	vst.idx.msk $0xffff, v34  }
0x204: {  	v35 =	vor.u32 v8, v33;
	v34 =	vld.idx.msk [tilespmem:v36+s0+$0x0], $0xffff  }
0x205: {  	v35 =	vor.u32 v1, v35  }
0x206: {  	v36 =	vor.u32 s24, v27;
	_ =	sdelay $0x3  }
0x207: {  	[tilespmem:v35+s18+$0x0] =	vst.idx.msk $0xffff, v34  }
0x208: {  	v35 =	vor.u32 v7, v33;
	v34 =	vld.idx.msk [tilespmem:v36+s0+$0x0], $0xffff  }
0x209: {  	v35 =	vor.u32 v1, v35  }
0x20a: {  	v36 =	vor.u32 s24, v28;
	_ =	sdelay $0x3  }
0x20b: {  	[tilespmem:v35+s18+$0x0] =	vst.idx.msk $0xffff, v34  }
0x20c: {  	v35 =	vor.u32 v6, v33;
	v34 =	vld.idx.msk [tilespmem:v36+s0+$0x0], $0xffff  }
0x20d: {  	v35 =	vor.u32 v1, v35  }
0x20e: {  	v36 =	vor.u32 s24, v29;
	_ =	sdelay $0x3  }
0x20f: {  	[tilespmem:v35+s18+$0x0] =	vst.idx.msk $0xffff, v34  }
0x210: {  	v35 =	vor.u32 v5, v33;
	v34 =	vld.idx.msk [tilespmem:v36+s0+$0x0], $0xffff  }
0x211: {  	v35 =	vor.u32 v1, v35  }
0x212: {  	v36 =	vor.u32 s24, v30;
	_ =	sdelay $0x3  }
0x213: {  	[tilespmem:v35+s18+$0x0] =	vst.idx.msk $0xffff, v34  }
0x214: {  	v35 =	vor.u32 v4, v33;
	v34 =	vld.idx.msk [tilespmem:v36+s0+$0x0], $0xffff  }
0x215: {  	v35 =	vor.u32 v1, v35  }
0x216: {  	v36 =	vor.u32 s24, v31;
	_ =	sdelay $0x3  }
0x217: {  	[tilespmem:v35+s18+$0x0] =	vst.idx.msk $0xffff, v34  }
0x218: {  	v35 =	vor.u32 v3, v33;
	v34 =	vld.idx.msk [tilespmem:v36+s0+$0x0], $0xffff  }
0x219: {  	v35 =	vor.u32 v1, v35  }
0x21a: {  	v36 =	vor.u32 s24, v32;
	s24 =	smov.u32 s17;
	_ =	sdelay $0x2  }
.Ltmp6:
0x21b: {  	(pc) =	sbr.rel @p2 .LBB2_6-.Ltmp6, $4  }
0x21c: {  	[tilespmem:v35+s18+$0x0] =	vst.idx.msk $0xffff, v34  }
0x21d: {  	v33 =	vor.u32 v2, v33;
	v34 =	vld.idx.msk [tilespmem:v36+s0+$0x0], $0xffff  }
0x21e: {  	v36 =	vor.u32 v1, v33  }
0x21f: {  	s17 =	sadd.s32 $0x10, s17;
	v35 =	vor.u32 s24, v0  }
0x220: {  	_ = 	snop  }
0x221: {  	s1 =	sadd.s32 $0xFFFFFC80, s24  }
0x222: {  	v33 =	vmov s1  }
0x223: {  	v33 =	vshll.u32 v33, $0x4  }
0x224: {  	[tilespmem:v36+s18+$0x0] =	vst.idx.msk $0xffff, v34;
	v58 =	vor.u32 v17, v33  }
0x225: {  	v35 =	vld.idx.msk [tilespmem:v35+s0+$0x0], $0xffff;
	v34 =	vor.u32 v1, v58  }
0x226: {  	v59 =	vor.u32 s24, v18;
	_ =	sdelay $0x3  }
0x227: {  	v60 =	vor.u32 v16, v33;
	[tilespmem:v34+s18+$0x0] =	vst.idx.msk $0xffff, v35  }
0x228: {  	v34 =	vor.u32 v1, v60;
	v35 =	vld.idx.msk [tilespmem:v59+s0+$0x0], $0xffff  }
0x229: {  	v61 =	vor.u32 s24, v19;
	_ =	sdelay $0x3  }
0x22a: {  	v62 =	vor.u32 v15, v33;
	[tilespmem:v34+s18+$0x0] =	vst.idx.msk $0xffff, v35  }
0x22b: {  	v34 =	vor.u32 v1, v62;
	v35 =	vld.idx.msk [tilespmem:v61+s0+$0x0], $0xffff  }
0x22c: {  	v63 =	vor.u32 s24, v20;
	_ =	sdelay $0x3  }
0x22d: {  	v40 =	vor.u32 v14, v33;
	[tilespmem:v34+s18+$0x0] =	vst.idx.msk $0xffff, v35  }
0x22e: {  	v34 =	vor.u32 v1, v40;
	v35 =	vld.idx.msk [tilespmem:v63+s0+$0x0], $0xffff  }
0x22f: {  	v41 =	vor.u32 s24, v21;
	_ =	sdelay $0x3  }
0x230: {  	v42 =	vor.u32 v13, v33;
	[tilespmem:v34+s18+$0x0] =	vst.idx.msk $0xffff, v35  }
0x231: {  	v34 =	vor.u32 v1, v42;
	v35 =	vld.idx.msk [tilespmem:v41+s0+$0x0], $0xffff  }
0x232: {  	v43 =	vor.u32 s24, v22;
	_ =	sdelay $0x3  }
0x233: {  	v44 =	vor.u32 v12, v33;
	[tilespmem:v34+s18+$0x0] =	vst.idx.msk $0xffff, v35  }
0x234: {  	v34 =	vor.u32 v1, v44;
	v35 =	vld.idx.msk [tilespmem:v43+s0+$0x0], $0xffff  }
0x235: {  	v45 =	vor.u32 s24, v23;
	_ =	sdelay $0x3  }
0x236: {  	v46 =	vor.u32 v11, v33;
	[tilespmem:v34+s18+$0x0] =	vst.idx.msk $0xffff, v35  }
0x237: {  	v34 =	vor.u32 v1, v46;
	v35 =	vld.idx.msk [tilespmem:v45+s0+$0x0], $0xffff  }
0x238: {  	v47 =	vor.u32 s24, v24;
	_ =	sdelay $0x3  }
0x239: {  	v48 =	vor.u32 v10, v33;
	[tilespmem:v34+s18+$0x0] =	vst.idx.msk $0xffff, v35  }
0x23a: {  	v34 =	vor.u32 v1, v48;
	v35 =	vld.idx.msk [tilespmem:v47+s0+$0x0], $0xffff  }
0x23b: {  	v49 =	vor.u32 s24, v25;
	_ =	sdelay $0x3  }
0x23c: {  	v50 =	vor.u32 v9, v33;
	[tilespmem:v34+s18+$0x0] =	vst.idx.msk $0xffff, v35  }
0x23d: {  	v34 =	vor.u32 v1, v50;
	v35 =	vld.idx.msk [tilespmem:v49+s0+$0x0], $0xffff  }
0x23e: {  	v51 =	vor.u32 s24, v26;
	_ =	sdelay $0x3  }
0x23f: {  	v52 =	vor.u32 v8, v33;
	[tilespmem:v34+s18+$0x0] =	vst.idx.msk $0xffff, v35  }
0x240: {  	v34 =	vor.u32 v1, v52;
	v35 =	vld.idx.msk [tilespmem:v51+s0+$0x0], $0xffff  }
0x241: {  	v53 =	vor.u32 s24, v27;
	_ =	sdelay $0x3  }
0x242: {  	v54 =	vor.u32 v7, v33;
	[tilespmem:v34+s18+$0x0] =	vst.idx.msk $0xffff, v35  }
0x243: {  	v34 =	vor.u32 v1, v54;
	v35 =	vld.idx.msk [tilespmem:v53+s0+$0x0], $0xffff  }
0x244: {  	v55 =	vor.u32 s24, v28;
	_ =	sdelay $0x3  }
0x245: {  	v56 =	vor.u32 v6, v33;
	[tilespmem:v34+s18+$0x0] =	vst.idx.msk $0xffff, v35  }
0x246: {  	v34 =	vor.u32 v1, v56;
	v35 =	vld.idx.msk [tilespmem:v55+s0+$0x0], $0xffff  }
0x247: {  	v57 =	vor.u32 s24, v29;
	_ =	sdelay $0x3  }
0x248: {  	v58 =	vor.u32 v5, v33;
	[tilespmem:v34+s18+$0x0] =	vst.idx.msk $0xffff, v35  }
0x249: {  	v34 =	vor.u32 v1, v58;
	v35 =	vld.idx.msk [tilespmem:v57+s0+$0x0], $0xffff  }
0x24a: {  	v59 =	vor.u32 s24, v30;
	_ =	sdelay $0x3  }
0x24b: {  	v60 =	vor.u32 v4, v33;
	[tilespmem:v34+s18+$0x0] =	vst.idx.msk $0xffff, v35  }
0x24c: {  	v34 =	vor.u32 v1, v60;
	v35 =	vld.idx.msk [tilespmem:v59+s0+$0x0], $0xffff  }
0x24d: {  	v61 =	vor.u32 s24, v31;
	_ =	sdelay $0x3  }
0x24e: {  	v62 =	vor.u32 v3, v33;
	[tilespmem:v34+s18+$0x0] =	vst.idx.msk $0xffff, v35  }
0x24f: {  	v34 =	vor.u32 v1, v62;
	v35 =	vld.idx.msk [tilespmem:v61+s0+$0x0], $0xffff  }
0x250: {  	v63 =	vor.u32 s24, v32;
	_ =	sdelay $0x3  }
0x251: {  	v33 =	vor.u32 v2, v33;
	[tilespmem:v34+s18+$0x0] =	vst.idx.msk $0xffff, v35  }
0x252: {  	v33 =	vor.u32 v1, v33;
	v34 =	vld.idx.msk [tilespmem:v63+s0+$0x0], $0xffff;
	_ =	sdelay $0x2  }
0x253: {  	p2 =	sgt.u32 s20, $0x61A5  }
.Ltmp7:
0x254: {  	_ = 	snop;
	(pc) =	sbr.rel @p2 .LBB2_13-.Ltmp7, $4  }
0x255: {  	s17 =	simm.s32 $0x6080;
	[tilespmem:v33+s18+$0x0] =	vst.idx.msk $0xffff, v34  }
0x256: {  	[spmem:s16] =	stream.indirect.scatter.add.f32 [tilespmem:s22], [sflag:$0x3], $0x10, s17, s19, $0xb8;
	[tilespmem:$0x1EEA0] =	vst v63  }
0x257: {  	s24 =	simm.s32 $0x6480  }
0x258: {  	[spmem:s16] =	stream.indirect.scatter.add.f32 [tilespmem:s22], [sflag:$0x3], $0x10, s24, s19, $0xb8;
	[tilespmem:$0x1EEA0] =	vst v63  }
0x259: {  	s1 =	simm.s32 @!p1 $0x4  }
0x25a: {  	s17 =	simm.s32 $0x800;
	_ =	swait.ge @!p1 [sflag:s1], $0x800  }
0x25b: {  	v33 =	vor.u32 s17, v0;
	[sflag:s1] =	ssyncset.done @!p1 $0x0  }
0x25c: {  	s20 =	simm.s32 $0x100;
	[sflag:s1] =	ssyncadd.s32 @!p1 $0xFFFFF800  }
0x25d: {  	v34 =	vmov s20;
	_ =	swait.ge @!p1 [sflag:s1], $0x800  }
0x25e: {  	v34 =	vshll.u32 v34, $0x4;
	[sflag:s1] =	ssyncset.done @!p1 $0x0  }
0x25f: {  	v35 =	vor.u32 v17, v34;
	[sflag:s1] =	ssyncadd.s32 @!p1 $0xFFFFF800  }
0x260: {  	v35 =	vor.u32 v1, v35;
	v33 =	vld.idx.msk [tilespmem:v33+s0+$0x0], $0xffff  }
0x261: {  	v36 =	vor.u32 s17, v18;
	_ =	sdelay $0x3  }
0x262: {  	v60 =	vor.u32 v16, v34;
	[tilespmem:v35+s18+$0x0] =	vst.idx.msk $0xffff, v33  }
0x263: {  	v33 =	vor.u32 v1, v60;
	v35 =	vld.idx.msk [tilespmem:v36+s0+$0x0], $0xffff  }
0x264: {  	v61 =	vor.u32 s17, v19;
	_ =	sdelay $0x3  }
0x265: {  	v62 =	vor.u32 v15, v34;
	[tilespmem:v33+s18+$0x0] =	vst.idx.msk $0xffff, v35  }
0x266: {  	v33 =	vor.u32 v1, v62;
	v35 =	vld.idx.msk [tilespmem:v61+s0+$0x0], $0xffff  }
0x267: {  	v63 =	vor.u32 s17, v20;
	_ =	sdelay $0x3  }
0x268: {  	v39 =	vor.u32 v14, v34;
	[tilespmem:v33+s18+$0x0] =	vst.idx.msk $0xffff, v35  }
0x269: {  	v33 =	vor.u32 v1, v39;
	v35 =	vld.idx.msk [tilespmem:v63+s0+$0x0], $0xffff  }
0x26a: {  	v40 =	vor.u32 s17, v21;
	_ =	sdelay $0x3  }
0x26b: {  	v41 =	vor.u32 v13, v34;
	[tilespmem:v33+s18+$0x0] =	vst.idx.msk $0xffff, v35  }
0x26c: {  	v33 =	vor.u32 v1, v41;
	v35 =	vld.idx.msk [tilespmem:v40+s0+$0x0], $0xffff  }
0x26d: {  	v42 =	vor.u32 s17, v22;
	_ =	sdelay $0x3  }
0x26e: {  	v43 =	vor.u32 v12, v34;
	[tilespmem:v33+s18+$0x0] =	vst.idx.msk $0xffff, v35  }
0x26f: {  	v33 =	vor.u32 v1, v43;
	v35 =	vld.idx.msk [tilespmem:v42+s0+$0x0], $0xffff  }
0x270: {  	v44 =	vor.u32 s17, v23;
	_ =	sdelay $0x3  }
0x271: {  	v45 =	vor.u32 v11, v34;
	[tilespmem:v33+s18+$0x0] =	vst.idx.msk $0xffff, v35  }
0x272: {  	v33 =	vor.u32 v1, v45;
	v35 =	vld.idx.msk [tilespmem:v44+s0+$0x0], $0xffff  }
0x273: {  	v46 =	vor.u32 s17, v24;
	_ =	sdelay $0x3  }
0x274: {  	v47 =	vor.u32 v10, v34;
	[tilespmem:v33+s18+$0x0] =	vst.idx.msk $0xffff, v35  }
0x275: {  	v33 =	vor.u32 v1, v47;
	v35 =	vld.idx.msk [tilespmem:v46+s0+$0x0], $0xffff  }
0x276: {  	v48 =	vor.u32 s17, v25;
	_ =	sdelay $0x3  }
0x277: {  	v49 =	vor.u32 v9, v34;
	[tilespmem:v33+s18+$0x0] =	vst.idx.msk $0xffff, v35  }
0x278: {  	v33 =	vor.u32 v1, v49;
	v35 =	vld.idx.msk [tilespmem:v48+s0+$0x0], $0xffff  }
0x279: {  	v50 =	vor.u32 s17, v26;
	_ =	sdelay $0x3  }
0x27a: {  	v51 =	vor.u32 v8, v34;
	[tilespmem:v33+s18+$0x0] =	vst.idx.msk $0xffff, v35  }
0x27b: {  	v33 =	vor.u32 v1, v51;
	v35 =	vld.idx.msk [tilespmem:v50+s0+$0x0], $0xffff  }
0x27c: {  	v52 =	vor.u32 s17, v27;
	_ =	sdelay $0x3  }
0x27d: {  	v53 =	vor.u32 v7, v34;
	[tilespmem:v33+s18+$0x0] =	vst.idx.msk $0xffff, v35  }
0x27e: {  	v33 =	vor.u32 v1, v53;
	v35 =	vld.idx.msk [tilespmem:v52+s0+$0x0], $0xffff  }
0x27f: {  	v54 =	vor.u32 s17, v28;
	_ =	sdelay $0x3  }
0x280: {  	v55 =	vor.u32 v6, v34;
	[tilespmem:v33+s18+$0x0] =	vst.idx.msk $0xffff, v35  }
0x281: {  	v33 =	vor.u32 v1, v55;
	v35 =	vld.idx.msk [tilespmem:v54+s0+$0x0], $0xffff  }
0x282: {  	v56 =	vor.u32 s17, v29;
	_ =	sdelay $0x3  }
0x283: {  	v57 =	vor.u32 v5, v34;
	[tilespmem:v33+s18+$0x0] =	vst.idx.msk $0xffff, v35  }
0x284: {  	v33 =	vor.u32 v1, v57;
	v35 =	vld.idx.msk [tilespmem:v56+s0+$0x0], $0xffff  }
0x285: {  	v58 =	vor.u32 s17, v30;
	_ =	sdelay $0x3  }
0x286: {  	v59 =	vor.u32 v4, v34;
	[tilespmem:v33+s18+$0x0] =	vst.idx.msk $0xffff, v35  }
0x287: {  	v33 =	vor.u32 v1, v59;
	v35 =	vld.idx.msk [tilespmem:v58+s0+$0x0], $0xffff  }
0x288: {  	v60 =	vor.u32 s17, v31;
	_ =	sdelay $0x3  }
0x289: {  	v61 =	vor.u32 v3, v34;
	[tilespmem:v33+s18+$0x0] =	vst.idx.msk $0xffff, v35  }
0x28a: {  	v33 =	vor.u32 v1, v61;
	v35 =	vld.idx.msk [tilespmem:v60+s0+$0x0], $0xffff  }
0x28b: {  	v62 =	vor.u32 s17, v32;
	_ =	sdelay $0x3  }
0x28c: {  	v63 =	vor.u32 v2, v34;
	[tilespmem:v33+s18+$0x0] =	vst.idx.msk $0xffff, v35  }
0x28d: {  	s20 =	simm.s32 $0x810;
	v36 =	vor.u32 v1, v63;
	v34 =	vld.idx.msk [tilespmem:v62+s0+$0x0], $0xffff  }
0x28e: {  	s17 =	simm.s32 $0x820;
	v35 =	vor.u32 s20, v0  }
.LBB2_9:
0x28f: {  	p2 =	sne.s32 s17, $0x870  }
0x290: {  	s1 =	sadd.s32 $0xFFFFF900, s20  }
0x291: {  	v33 =	vmov s1  }
0x292: {  	v33 =	vshll.u32 v33, $0x4;
	[tilespmem:v36+s18+$0x0] =	vst.idx.msk $0xffff, v34  }
0x293: {  	v34 =	vld.idx.msk [tilespmem:v35+s0+$0x0], $0xffff;
	v35 =	vor.u32 v17, v33  }
0x294: {  	v35 =	vor.u32 v1, v35  }
0x295: {  	v36 =	vor.u32 s20, v18;
	_ =	sdelay $0x3  }
0x296: {  	[tilespmem:v35+s18+$0x0] =	vst.idx.msk $0xffff, v34  }
0x297: {  	v35 =	vor.u32 v16, v33;
	v34 =	vld.idx.msk [tilespmem:v36+s0+$0x0], $0xffff  }
0x298: {  	v35 =	vor.u32 v1, v35  }
0x299: {  	v36 =	vor.u32 s20, v19;
	_ =	sdelay $0x3  }
0x29a: {  	[tilespmem:v35+s18+$0x0] =	vst.idx.msk $0xffff, v34  }
0x29b: {  	v35 =	vor.u32 v15, v33;
	v34 =	vld.idx.msk [tilespmem:v36+s0+$0x0], $0xffff  }
0x29c: {  	v35 =	vor.u32 v1, v35  }
0x29d: {  	v36 =	vor.u32 s20, v20;
	_ =	sdelay $0x3  }
0x29e: {  	[tilespmem:v35+s18+$0x0] =	vst.idx.msk $0xffff, v34  }
0x29f: {  	v35 =	vor.u32 v14, v33;
	v34 =	vld.idx.msk [tilespmem:v36+s0+$0x0], $0xffff  }
0x2a0: {  	v35 =	vor.u32 v1, v35  }
0x2a1: {  	v36 =	vor.u32 s20, v21;
	_ =	sdelay $0x3  }
0x2a2: {  	[tilespmem:v35+s18+$0x0] =	vst.idx.msk $0xffff, v34  }
0x2a3: {  	v35 =	vor.u32 v13, v33;
	v34 =	vld.idx.msk [tilespmem:v36+s0+$0x0], $0xffff  }
0x2a4: {  	v35 =	vor.u32 v1, v35  }
0x2a5: {  	v36 =	vor.u32 s20, v22;
	_ =	sdelay $0x3  }
0x2a6: {  	[tilespmem:v35+s18+$0x0] =	vst.idx.msk $0xffff, v34  }
0x2a7: {  	v35 =	vor.u32 v12, v33;
	v34 =	vld.idx.msk [tilespmem:v36+s0+$0x0], $0xffff  }
0x2a8: {  	v35 =	vor.u32 v1, v35  }
0x2a9: {  	v36 =	vor.u32 s20, v23;
	_ =	sdelay $0x3  }
0x2aa: {  	[tilespmem:v35+s18+$0x0] =	vst.idx.msk $0xffff, v34  }
0x2ab: {  	v35 =	vor.u32 v11, v33;
	v34 =	vld.idx.msk [tilespmem:v36+s0+$0x0], $0xffff  }
0x2ac: {  	v35 =	vor.u32 v1, v35  }
0x2ad: {  	v36 =	vor.u32 s20, v24;
	_ =	sdelay $0x3  }
0x2ae: {  	[tilespmem:v35+s18+$0x0] =	vst.idx.msk $0xffff, v34  }
0x2af: {  	v35 =	vor.u32 v10, v33;
	v34 =	vld.idx.msk [tilespmem:v36+s0+$0x0], $0xffff  }
0x2b0: {  	v35 =	vor.u32 v1, v35  }
0x2b1: {  	v36 =	vor.u32 s20, v25;
	_ =	sdelay $0x3  }
0x2b2: {  	[tilespmem:v35+s18+$0x0] =	vst.idx.msk $0xffff, v34  }
0x2b3: {  	v35 =	vor.u32 v9, v33;
	v34 =	vld.idx.msk [tilespmem:v36+s0+$0x0], $0xffff  }
0x2b4: {  	v35 =	vor.u32 v1, v35  }
0x2b5: {  	v36 =	vor.u32 s20, v26;
	_ =	sdelay $0x3  }
0x2b6: {  	[tilespmem:v35+s18+$0x0] =	vst.idx.msk $0xffff, v34  }
0x2b7: {  	v35 =	vor.u32 v8, v33;
	v34 =	vld.idx.msk [tilespmem:v36+s0+$0x0], $0xffff  }
0x2b8: {  	v35 =	vor.u32 v1, v35  }
0x2b9: {  	v36 =	vor.u32 s20, v27;
	_ =	sdelay $0x3  }
0x2ba: {  	[tilespmem:v35+s18+$0x0] =	vst.idx.msk $0xffff, v34  }
0x2bb: {  	v35 =	vor.u32 v7, v33;
	v34 =	vld.idx.msk [tilespmem:v36+s0+$0x0], $0xffff  }
0x2bc: {  	v35 =	vor.u32 v1, v35  }
0x2bd: {  	v36 =	vor.u32 s20, v28;
	_ =	sdelay $0x3  }
0x2be: {  	[tilespmem:v35+s18+$0x0] =	vst.idx.msk $0xffff, v34  }
0x2bf: {  	v35 =	vor.u32 v6, v33;
	v34 =	vld.idx.msk [tilespmem:v36+s0+$0x0], $0xffff  }
0x2c0: {  	v35 =	vor.u32 v1, v35  }
0x2c1: {  	v36 =	vor.u32 s20, v29;
	_ =	sdelay $0x3  }
0x2c2: {  	[tilespmem:v35+s18+$0x0] =	vst.idx.msk $0xffff, v34  }
0x2c3: {  	v35 =	vor.u32 v5, v33;
	v34 =	vld.idx.msk [tilespmem:v36+s0+$0x0], $0xffff  }
0x2c4: {  	v35 =	vor.u32 v1, v35  }
0x2c5: {  	v36 =	vor.u32 s20, v30;
	_ =	sdelay $0x3  }
0x2c6: {  	[tilespmem:v35+s18+$0x0] =	vst.idx.msk $0xffff, v34  }
0x2c7: {  	v35 =	vor.u32 v4, v33;
	v34 =	vld.idx.msk [tilespmem:v36+s0+$0x0], $0xffff  }
0x2c8: {  	v35 =	vor.u32 v1, v35  }
0x2c9: {  	v36 =	vor.u32 s20, v31;
	_ =	sdelay $0x3  }
0x2ca: {  	[tilespmem:v35+s18+$0x0] =	vst.idx.msk $0xffff, v34  }
0x2cb: {  	v35 =	vor.u32 v3, v33;
	v34 =	vld.idx.msk [tilespmem:v36+s0+$0x0], $0xffff  }
0x2cc: {  	v35 =	vor.u32 v1, v35  }
0x2cd: {  	v36 =	vor.u32 s20, v32;
	s20 =	smov.u32 s17;
	_ =	sdelay $0x2  }
.Ltmp8:
0x2ce: {  	(pc) =	sbr.rel @p2 .LBB2_9-.Ltmp8, $4  }
0x2cf: {  	[tilespmem:v35+s18+$0x0] =	vst.idx.msk $0xffff, v34  }
0x2d0: {  	v33 =	vor.u32 v2, v33;
	v34 =	vld.idx.msk [tilespmem:v36+s0+$0x0], $0xffff  }
0x2d1: {  	v36 =	vor.u32 v1, v33  }
0x2d2: {  	s17 =	sadd.s32 $0x10, s17;
	v35 =	vor.u32 s20, v0  }
0x2d3: {  	_ = 	snop  }
0x2d4: {  	s1 =	sadd.s32 $0xFFFFF900, s20  }
0x2d5: {  	v33 =	vmov s1  }
0x2d6: {  	v33 =	vshll.u32 v33, $0x4  }
0x2d7: {  	[tilespmem:v36+s18+$0x0] =	vst.idx.msk $0xffff, v34;
	v50 =	vor.u32 v17, v33  }
0x2d8: {  	v35 =	vld.idx.msk [tilespmem:v35+s0+$0x0], $0xffff;
	v34 =	vor.u32 v1, v50  }
0x2d9: {  	v51 =	vor.u32 s20, v18;
	_ =	sdelay $0x3  }
0x2da: {  	v52 =	vor.u32 v16, v33;
	[tilespmem:v34+s18+$0x0] =	vst.idx.msk $0xffff, v35  }
0x2db: {  	v34 =	vor.u32 v1, v52;
	v35 =	vld.idx.msk [tilespmem:v51+s0+$0x0], $0xffff  }
0x2dc: {  	v53 =	vor.u32 s20, v19;
	_ =	sdelay $0x3  }
0x2dd: {  	v54 =	vor.u32 v15, v33;
	[tilespmem:v34+s18+$0x0] =	vst.idx.msk $0xffff, v35  }
0x2de: {  	v34 =	vor.u32 v1, v54;
	v35 =	vld.idx.msk [tilespmem:v53+s0+$0x0], $0xffff  }
0x2df: {  	v55 =	vor.u32 s20, v20;
	_ =	sdelay $0x3  }
0x2e0: {  	v56 =	vor.u32 v14, v33;
	[tilespmem:v34+s18+$0x0] =	vst.idx.msk $0xffff, v35  }
0x2e1: {  	v34 =	vor.u32 v1, v56;
	v35 =	vld.idx.msk [tilespmem:v55+s0+$0x0], $0xffff  }
0x2e2: {  	v57 =	vor.u32 s20, v21;
	_ =	sdelay $0x3  }
0x2e3: {  	v58 =	vor.u32 v13, v33;
	[tilespmem:v34+s18+$0x0] =	vst.idx.msk $0xffff, v35  }
0x2e4: {  	v34 =	vor.u32 v1, v58;
	v35 =	vld.idx.msk [tilespmem:v57+s0+$0x0], $0xffff  }
0x2e5: {  	v59 =	vor.u32 s20, v22;
	_ =	sdelay $0x3  }
0x2e6: {  	v60 =	vor.u32 v12, v33;
	[tilespmem:v34+s18+$0x0] =	vst.idx.msk $0xffff, v35  }
0x2e7: {  	v34 =	vor.u32 v1, v60;
	v35 =	vld.idx.msk [tilespmem:v59+s0+$0x0], $0xffff  }
0x2e8: {  	v61 =	vor.u32 s20, v23;
	_ =	sdelay $0x3  }
0x2e9: {  	v62 =	vor.u32 v11, v33;
	[tilespmem:v34+s18+$0x0] =	vst.idx.msk $0xffff, v35  }
0x2ea: {  	v34 =	vor.u32 v1, v62;
	v35 =	vld.idx.msk [tilespmem:v61+s0+$0x0], $0xffff  }
0x2eb: {  	v63 =	vor.u32 s20, v24;
	_ =	sdelay $0x3  }
0x2ec: {  	v40 =	vor.u32 v10, v33;
	[tilespmem:v34+s18+$0x0] =	vst.idx.msk $0xffff, v35  }
0x2ed: {  	v34 =	vor.u32 v1, v40;
	v35 =	vld.idx.msk [tilespmem:v63+s0+$0x0], $0xffff  }
0x2ee: {  	v41 =	vor.u32 s20, v25;
	_ =	sdelay $0x3  }
0x2ef: {  	v42 =	vor.u32 v9, v33;
	[tilespmem:v34+s18+$0x0] =	vst.idx.msk $0xffff, v35  }
0x2f0: {  	v34 =	vor.u32 v1, v42;
	v35 =	vld.idx.msk [tilespmem:v41+s0+$0x0], $0xffff  }
0x2f1: {  	v43 =	vor.u32 s20, v26;
	_ =	sdelay $0x3  }
0x2f2: {  	v44 =	vor.u32 v8, v33;
	[tilespmem:v34+s18+$0x0] =	vst.idx.msk $0xffff, v35  }
0x2f3: {  	v34 =	vor.u32 v1, v44;
	v35 =	vld.idx.msk [tilespmem:v43+s0+$0x0], $0xffff  }
0x2f4: {  	v45 =	vor.u32 s20, v27;
	_ =	sdelay $0x3  }
0x2f5: {  	v46 =	vor.u32 v7, v33;
	[tilespmem:v34+s18+$0x0] =	vst.idx.msk $0xffff, v35  }
0x2f6: {  	v34 =	vor.u32 v1, v46;
	v35 =	vld.idx.msk [tilespmem:v45+s0+$0x0], $0xffff  }
0x2f7: {  	v47 =	vor.u32 s20, v28;
	_ =	sdelay $0x3  }
0x2f8: {  	v48 =	vor.u32 v6, v33;
	[tilespmem:v34+s18+$0x0] =	vst.idx.msk $0xffff, v35  }
0x2f9: {  	v34 =	vor.u32 v1, v48;
	v35 =	vld.idx.msk [tilespmem:v47+s0+$0x0], $0xffff  }
0x2fa: {  	v49 =	vor.u32 s20, v29;
	_ =	sdelay $0x3  }
0x2fb: {  	v50 =	vor.u32 v5, v33;
	[tilespmem:v34+s18+$0x0] =	vst.idx.msk $0xffff, v35  }
0x2fc: {  	v34 =	vor.u32 v1, v50;
	v35 =	vld.idx.msk [tilespmem:v49+s0+$0x0], $0xffff  }
0x2fd: {  	v51 =	vor.u32 s20, v30;
	_ =	sdelay $0x3  }
0x2fe: {  	v52 =	vor.u32 v4, v33;
	[tilespmem:v34+s18+$0x0] =	vst.idx.msk $0xffff, v35  }
0x2ff: {  	v34 =	vor.u32 v1, v52;
	v35 =	vld.idx.msk [tilespmem:v51+s0+$0x0], $0xffff  }
0x300: {  	v53 =	vor.u32 s20, v31;
	_ =	sdelay $0x3  }
0x301: {  	v54 =	vor.u32 v3, v33;
	[tilespmem:v34+s18+$0x0] =	vst.idx.msk $0xffff, v35  }
0x302: {  	v34 =	vor.u32 v1, v54;
	v35 =	vld.idx.msk [tilespmem:v53+s0+$0x0], $0xffff  }
0x303: {  	v55 =	vor.u32 s20, v32;
	_ =	sdelay $0x3  }
0x304: {  	v33 =	vor.u32 v2, v33;
	[tilespmem:v34+s18+$0x0] =	vst.idx.msk $0xffff, v35  }
0x305: {  	v33 =	vor.u32 v1, v33;
	v34 =	vld.idx.msk [tilespmem:v55+s0+$0x0], $0xffff;
	_ =	sdelay $0x4  }
0x306: {  	s17 =	simm.s32 $0x6100;
	[tilespmem:v33+s18+$0x0] =	vst.idx.msk $0xffff, v34  }
0x307: {  	[spmem:s16] =	stream.indirect.scatter.add.f32 [tilespmem:s26], [sflag:$0x4], $0x10, s17, s19, $0xb8;
	[tilespmem:$0x1EEA0] =	vst v63  }
0x308: {  	s1 =	simm.s32 @!p1 $0x5;
	s20 =	simm.s32 $0x6500  }
0x309: {  	[spmem:s16] =	stream.indirect.scatter.add.f32 [tilespmem:s26], [sflag:$0x4], $0x10, s20, s19, $0xb8;
	[tilespmem:$0x1EEA0] =	vst v63  }
0x30a: {  	s17 =	simm.s32 $0xC00;
	_ =	swait.ge @!p1 [sflag:s1], $0x800  }
0x30b: {  	v56 =	vor.u32 s17, v0;
	[sflag:s1] =	ssyncset.done @!p1 $0x0  }
0x30c: {  	s24 =	simm.s32 $0x180;
	[sflag:s1] =	ssyncadd.s32 @!p1 $0xFFFFF800  }
0x30d: {  	v57 =	vmov s24;
	_ =	swait.ge @!p1 [sflag:s1], $0x800  }
0x30e: {  	v34 =	vshll.u32 v57, $0x4;
	[sflag:s1] =	ssyncset.done @!p1 $0x0  }
0x30f: {  	v58 =	vor.u32 v17, v34;
	[sflag:s1] =	ssyncadd.s32 @!p1 $0xFFFFF800  }
0x310: {  	v35 =	vor.u32 v1, v58;
	v33 =	vld.idx.msk [tilespmem:v56+s0+$0x0], $0xffff  }
0x311: {  	v59 =	vor.u32 s17, v18;
	_ =	sdelay $0x3  }
0x312: {  	v60 =	vor.u32 v16, v34;
	[tilespmem:v35+s18+$0x0] =	vst.idx.msk $0xffff, v33  }
0x313: {  	v33 =	vor.u32 v1, v60;
	v35 =	vld.idx.msk [tilespmem:v59+s0+$0x0], $0xffff  }
0x314: {  	v61 =	vor.u32 s17, v19;
	_ =	sdelay $0x3  }
0x315: {  	v62 =	vor.u32 v15, v34;
	[tilespmem:v33+s18+$0x0] =	vst.idx.msk $0xffff, v35  }
0x316: {  	v33 =	vor.u32 v1, v62;
	v35 =	vld.idx.msk [tilespmem:v61+s0+$0x0], $0xffff  }
0x317: {  	v63 =	vor.u32 s17, v20;
	_ =	sdelay $0x3  }
0x318: {  	v39 =	vor.u32 v14, v34;
	[tilespmem:v33+s18+$0x0] =	vst.idx.msk $0xffff, v35  }
0x319: {  	v33 =	vor.u32 v1, v39;
	v35 =	vld.idx.msk [tilespmem:v63+s0+$0x0], $0xffff  }
0x31a: {  	v40 =	vor.u32 s17, v21;
	_ =	sdelay $0x3  }
0x31b: {  	v41 =	vor.u32 v13, v34;
	[tilespmem:v33+s18+$0x0] =	vst.idx.msk $0xffff, v35  }
0x31c: {  	v33 =	vor.u32 v1, v41;
	v35 =	vld.idx.msk [tilespmem:v40+s0+$0x0], $0xffff  }
0x31d: {  	v42 =	vor.u32 s17, v22;
	_ =	sdelay $0x3  }
0x31e: {  	v43 =	vor.u32 v12, v34;
	[tilespmem:v33+s18+$0x0] =	vst.idx.msk $0xffff, v35  }
0x31f: {  	v33 =	vor.u32 v1, v43;
	v35 =	vld.idx.msk [tilespmem:v42+s0+$0x0], $0xffff  }
0x320: {  	v44 =	vor.u32 s17, v23;
	_ =	sdelay $0x3  }
0x321: {  	v45 =	vor.u32 v11, v34;
	[tilespmem:v33+s18+$0x0] =	vst.idx.msk $0xffff, v35  }
0x322: {  	v33 =	vor.u32 v1, v45;
	v35 =	vld.idx.msk [tilespmem:v44+s0+$0x0], $0xffff  }
0x323: {  	v46 =	vor.u32 s17, v24;
	_ =	sdelay $0x3  }
0x324: {  	v47 =	vor.u32 v10, v34;
	[tilespmem:v33+s18+$0x0] =	vst.idx.msk $0xffff, v35  }
0x325: {  	v33 =	vor.u32 v1, v47;
	v35 =	vld.idx.msk [tilespmem:v46+s0+$0x0], $0xffff  }
0x326: {  	v48 =	vor.u32 s17, v25;
	_ =	sdelay $0x3  }
0x327: {  	v49 =	vor.u32 v9, v34;
	[tilespmem:v33+s18+$0x0] =	vst.idx.msk $0xffff, v35  }
0x328: {  	v33 =	vor.u32 v1, v49;
	v35 =	vld.idx.msk [tilespmem:v48+s0+$0x0], $0xffff  }
0x329: {  	v50 =	vor.u32 s17, v26;
	_ =	sdelay $0x3  }
0x32a: {  	v51 =	vor.u32 v8, v34;
	[tilespmem:v33+s18+$0x0] =	vst.idx.msk $0xffff, v35  }
0x32b: {  	v33 =	vor.u32 v1, v51;
	v35 =	vld.idx.msk [tilespmem:v50+s0+$0x0], $0xffff  }
0x32c: {  	v52 =	vor.u32 s17, v27;
	_ =	sdelay $0x3  }
0x32d: {  	v53 =	vor.u32 v7, v34;
	[tilespmem:v33+s18+$0x0] =	vst.idx.msk $0xffff, v35  }
0x32e: {  	v33 =	vor.u32 v1, v53;
	v35 =	vld.idx.msk [tilespmem:v52+s0+$0x0], $0xffff  }
0x32f: {  	v54 =	vor.u32 s17, v28;
	_ =	sdelay $0x3  }
0x330: {  	v55 =	vor.u32 v6, v34;
	[tilespmem:v33+s18+$0x0] =	vst.idx.msk $0xffff, v35  }
0x331: {  	v33 =	vor.u32 v1, v55;
	v35 =	vld.idx.msk [tilespmem:v54+s0+$0x0], $0xffff  }
0x332: {  	v56 =	vor.u32 s17, v29;
	_ =	sdelay $0x3  }
0x333: {  	v57 =	vor.u32 v5, v34;
	[tilespmem:v33+s18+$0x0] =	vst.idx.msk $0xffff, v35  }
0x334: {  	v33 =	vor.u32 v1, v57;
	v35 =	vld.idx.msk [tilespmem:v56+s0+$0x0], $0xffff  }
0x335: {  	v58 =	vor.u32 s17, v30;
	_ =	sdelay $0x3  }
0x336: {  	v59 =	vor.u32 v4, v34;
	[tilespmem:v33+s18+$0x0] =	vst.idx.msk $0xffff, v35  }
0x337: {  	v33 =	vor.u32 v1, v59;
	v35 =	vld.idx.msk [tilespmem:v58+s0+$0x0], $0xffff  }
0x338: {  	v60 =	vor.u32 s17, v31;
	_ =	sdelay $0x3  }
0x339: {  	v61 =	vor.u32 v3, v34;
	[tilespmem:v33+s18+$0x0] =	vst.idx.msk $0xffff, v35  }
0x33a: {  	v33 =	vor.u32 v1, v61;
	v35 =	vld.idx.msk [tilespmem:v60+s0+$0x0], $0xffff  }
0x33b: {  	v62 =	vor.u32 s17, v32;
	_ =	sdelay $0x3  }
0x33c: {  	v63 =	vor.u32 v2, v34;
	[tilespmem:v33+s18+$0x0] =	vst.idx.msk $0xffff, v35  }
0x33d: {  	s20 =	simm.s32 $0xC10;
	v36 =	vor.u32 v1, v63;
	v34 =	vld.idx.msk [tilespmem:v62+s0+$0x0], $0xffff  }
0x33e: {  	s17 =	simm.s32 $0xC20;
	v35 =	vor.u32 s20, v0  }
.LBB2_11:
0x33f: {  	p1 =	sne.s32 s17, $0xC70  }
0x340: {  	s1 =	sadd.s32 $0xFFFFF580, s20  }
0x341: {  	v33 =	vmov s1  }
0x342: {  	v33 =	vshll.u32 v33, $0x4;
	[tilespmem:v36+s18+$0x0] =	vst.idx.msk $0xffff, v34  }
0x343: {  	v34 =	vld.idx.msk [tilespmem:v35+s0+$0x0], $0xffff;
	v35 =	vor.u32 v17, v33  }
0x344: {  	v35 =	vor.u32 v1, v35  }
0x345: {  	v36 =	vor.u32 s20, v18;
	_ =	sdelay $0x3  }
0x346: {  	[tilespmem:v35+s18+$0x0] =	vst.idx.msk $0xffff, v34  }
0x347: {  	v35 =	vor.u32 v16, v33;
	v34 =	vld.idx.msk [tilespmem:v36+s0+$0x0], $0xffff  }
0x348: {  	v35 =	vor.u32 v1, v35  }
0x349: {  	v36 =	vor.u32 s20, v19;
	_ =	sdelay $0x3  }
0x34a: {  	[tilespmem:v35+s18+$0x0] =	vst.idx.msk $0xffff, v34  }
0x34b: {  	v35 =	vor.u32 v15, v33;
	v34 =	vld.idx.msk [tilespmem:v36+s0+$0x0], $0xffff  }
0x34c: {  	v35 =	vor.u32 v1, v35  }
0x34d: {  	v36 =	vor.u32 s20, v20;
	_ =	sdelay $0x3  }
0x34e: {  	[tilespmem:v35+s18+$0x0] =	vst.idx.msk $0xffff, v34  }
0x34f: {  	v35 =	vor.u32 v14, v33;
	v34 =	vld.idx.msk [tilespmem:v36+s0+$0x0], $0xffff  }
0x350: {  	v35 =	vor.u32 v1, v35  }
0x351: {  	v36 =	vor.u32 s20, v21;
	_ =	sdelay $0x3  }
0x352: {  	[tilespmem:v35+s18+$0x0] =	vst.idx.msk $0xffff, v34  }
0x353: {  	v35 =	vor.u32 v13, v33;
	v34 =	vld.idx.msk [tilespmem:v36+s0+$0x0], $0xffff  }
0x354: {  	v35 =	vor.u32 v1, v35  }
0x355: {  	v36 =	vor.u32 s20, v22;
	_ =	sdelay $0x3  }
0x356: {  	[tilespmem:v35+s18+$0x0] =	vst.idx.msk $0xffff, v34  }
0x357: {  	v35 =	vor.u32 v12, v33;
	v34 =	vld.idx.msk [tilespmem:v36+s0+$0x0], $0xffff  }
0x358: {  	v35 =	vor.u32 v1, v35  }
0x359: {  	v36 =	vor.u32 s20, v23;
	_ =	sdelay $0x3  }
0x35a: {  	[tilespmem:v35+s18+$0x0] =	vst.idx.msk $0xffff, v34  }
0x35b: {  	v35 =	vor.u32 v11, v33;
	v34 =	vld.idx.msk [tilespmem:v36+s0+$0x0], $0xffff  }
0x35c: {  	v35 =	vor.u32 v1, v35  }
0x35d: {  	v36 =	vor.u32 s20, v24;
	_ =	sdelay $0x3  }
0x35e: {  	[tilespmem:v35+s18+$0x0] =	vst.idx.msk $0xffff, v34  }
0x35f: {  	v35 =	vor.u32 v10, v33;
	v34 =	vld.idx.msk [tilespmem:v36+s0+$0x0], $0xffff  }
0x360: {  	v35 =	vor.u32 v1, v35  }
0x361: {  	v36 =	vor.u32 s20, v25;
	_ =	sdelay $0x3  }
0x362: {  	[tilespmem:v35+s18+$0x0] =	vst.idx.msk $0xffff, v34  }
0x363: {  	v35 =	vor.u32 v9, v33;
	v34 =	vld.idx.msk [tilespmem:v36+s0+$0x0], $0xffff  }
0x364: {  	v35 =	vor.u32 v1, v35  }
0x365: {  	v36 =	vor.u32 s20, v26;
	_ =	sdelay $0x3  }
0x366: {  	[tilespmem:v35+s18+$0x0] =	vst.idx.msk $0xffff, v34  }
0x367: {  	v35 =	vor.u32 v8, v33;
	v34 =	vld.idx.msk [tilespmem:v36+s0+$0x0], $0xffff  }
0x368: {  	v35 =	vor.u32 v1, v35  }
0x369: {  	v36 =	vor.u32 s20, v27;
	_ =	sdelay $0x3  }
0x36a: {  	[tilespmem:v35+s18+$0x0] =	vst.idx.msk $0xffff, v34  }
0x36b: {  	v35 =	vor.u32 v7, v33;
	v34 =	vld.idx.msk [tilespmem:v36+s0+$0x0], $0xffff  }
0x36c: {  	v35 =	vor.u32 v1, v35  }
0x36d: {  	v36 =	vor.u32 s20, v28;
	_ =	sdelay $0x3  }
0x36e: {  	[tilespmem:v35+s18+$0x0] =	vst.idx.msk $0xffff, v34  }
0x36f: {  	v35 =	vor.u32 v6, v33;
	v34 =	vld.idx.msk [tilespmem:v36+s0+$0x0], $0xffff  }
0x370: {  	v35 =	vor.u32 v1, v35  }
0x371: {  	v36 =	vor.u32 s20, v29;
	_ =	sdelay $0x3  }
0x372: {  	[tilespmem:v35+s18+$0x0] =	vst.idx.msk $0xffff, v34  }
0x373: {  	v35 =	vor.u32 v5, v33;
	v34 =	vld.idx.msk [tilespmem:v36+s0+$0x0], $0xffff  }
0x374: {  	v35 =	vor.u32 v1, v35  }
0x375: {  	v36 =	vor.u32 s20, v30;
	_ =	sdelay $0x3  }
0x376: {  	[tilespmem:v35+s18+$0x0] =	vst.idx.msk $0xffff, v34  }
0x377: {  	v35 =	vor.u32 v4, v33;
	v34 =	vld.idx.msk [tilespmem:v36+s0+$0x0], $0xffff  }
0x378: {  	v35 =	vor.u32 v1, v35  }
0x379: {  	v36 =	vor.u32 s20, v31;
	_ =	sdelay $0x3  }
0x37a: {  	[tilespmem:v35+s18+$0x0] =	vst.idx.msk $0xffff, v34  }
0x37b: {  	v35 =	vor.u32 v3, v33;
	v34 =	vld.idx.msk [tilespmem:v36+s0+$0x0], $0xffff  }
0x37c: {  	v35 =	vor.u32 v1, v35  }
0x37d: {  	v36 =	vor.u32 s20, v32;
	s20 =	smov.u32 s17;
	_ =	sdelay $0x2  }
.Ltmp9:
0x37e: {  	(pc) =	sbr.rel @p1 .LBB2_11-.Ltmp9, $4  }
0x37f: {  	[tilespmem:v35+s18+$0x0] =	vst.idx.msk $0xffff, v34  }
0x380: {  	v33 =	vor.u32 v2, v33;
	v34 =	vld.idx.msk [tilespmem:v36+s0+$0x0], $0xffff  }
0x381: {  	v36 =	vor.u32 v1, v33  }
0x382: {  	s17 =	sadd.s32 $0x10, s17;
	v35 =	vor.u32 s20, v0  }
0x383: {  	_ = 	snop  }
0x384: {  	s1 =	sadd.s32 $0xFFFFF580, s20  }
0x385: {  	v33 =	vmov s1  }
0x386: {  	v33 =	vshll.u32 v33, $0x4  }
0x387: {  	[tilespmem:v36+s18+$0x0] =	vst.idx.msk $0xffff, v34;
	v58 =	vor.u32 v17, v33  }
0x388: {  	v35 =	vld.idx.msk [tilespmem:v35+s0+$0x0], $0xffff;
	v34 =	vor.u32 v1, v58  }
0x389: {  	v59 =	vor.u32 s20, v18;
	_ =	sdelay $0x3  }
0x38a: {  	v60 =	vor.u32 v16, v33;
	[tilespmem:v34+s18+$0x0] =	vst.idx.msk $0xffff, v35  }
0x38b: {  	v34 =	vor.u32 v1, v60;
	v35 =	vld.idx.msk [tilespmem:v59+s0+$0x0], $0xffff  }
0x38c: {  	v61 =	vor.u32 s20, v19;
	_ =	sdelay $0x3  }
0x38d: {  	v62 =	vor.u32 v15, v33;
	[tilespmem:v34+s18+$0x0] =	vst.idx.msk $0xffff, v35  }
0x38e: {  	v34 =	vor.u32 v1, v62;
	v35 =	vld.idx.msk [tilespmem:v61+s0+$0x0], $0xffff  }
0x38f: {  	v63 =	vor.u32 s20, v20;
	_ =	sdelay $0x3  }
0x390: {  	v40 =	vor.u32 v14, v33;
	[tilespmem:v34+s18+$0x0] =	vst.idx.msk $0xffff, v35  }
0x391: {  	v34 =	vor.u32 v1, v40;
	v35 =	vld.idx.msk [tilespmem:v63+s0+$0x0], $0xffff  }
0x392: {  	v41 =	vor.u32 s20, v21;
	_ =	sdelay $0x3  }
0x393: {  	v42 =	vor.u32 v13, v33;
	[tilespmem:v34+s18+$0x0] =	vst.idx.msk $0xffff, v35  }
0x394: {  	v34 =	vor.u32 v1, v42;
	v35 =	vld.idx.msk [tilespmem:v41+s0+$0x0], $0xffff  }
0x395: {  	v43 =	vor.u32 s20, v22;
	_ =	sdelay $0x3  }
0x396: {  	v44 =	vor.u32 v12, v33;
	[tilespmem:v34+s18+$0x0] =	vst.idx.msk $0xffff, v35  }
0x397: {  	v34 =	vor.u32 v1, v44;
	v35 =	vld.idx.msk [tilespmem:v43+s0+$0x0], $0xffff  }
0x398: {  	v45 =	vor.u32 s20, v23;
	_ =	sdelay $0x3  }
0x399: {  	v46 =	vor.u32 v11, v33;
	[tilespmem:v34+s18+$0x0] =	vst.idx.msk $0xffff, v35  }
0x39a: {  	v34 =	vor.u32 v1, v46;
	v35 =	vld.idx.msk [tilespmem:v45+s0+$0x0], $0xffff  }
0x39b: {  	v47 =	vor.u32 s20, v24;
	_ =	sdelay $0x3  }
0x39c: {  	v48 =	vor.u32 v10, v33;
	[tilespmem:v34+s18+$0x0] =	vst.idx.msk $0xffff, v35  }
0x39d: {  	v34 =	vor.u32 v1, v48;
	v35 =	vld.idx.msk [tilespmem:v47+s0+$0x0], $0xffff  }
0x39e: {  	v49 =	vor.u32 s20, v25;
	_ =	sdelay $0x3  }
0x39f: {  	v50 =	vor.u32 v9, v33;
	[tilespmem:v34+s18+$0x0] =	vst.idx.msk $0xffff, v35  }
0x3a0: {  	v34 =	vor.u32 v1, v50;
	v35 =	vld.idx.msk [tilespmem:v49+s0+$0x0], $0xffff  }
0x3a1: {  	v51 =	vor.u32 s20, v26;
	_ =	sdelay $0x3  }
0x3a2: {  	v52 =	vor.u32 v8, v33;
	[tilespmem:v34+s18+$0x0] =	vst.idx.msk $0xffff, v35  }
0x3a3: {  	v34 =	vor.u32 v1, v52;
	v35 =	vld.idx.msk [tilespmem:v51+s0+$0x0], $0xffff  }
0x3a4: {  	v53 =	vor.u32 s20, v27;
	_ =	sdelay $0x3  }
0x3a5: {  	v54 =	vor.u32 v7, v33;
	[tilespmem:v34+s18+$0x0] =	vst.idx.msk $0xffff, v35  }
0x3a6: {  	v34 =	vor.u32 v1, v54;
	v35 =	vld.idx.msk [tilespmem:v53+s0+$0x0], $0xffff  }
0x3a7: {  	v55 =	vor.u32 s20, v28;
	_ =	sdelay $0x3  }
0x3a8: {  	v56 =	vor.u32 v6, v33;
	[tilespmem:v34+s18+$0x0] =	vst.idx.msk $0xffff, v35  }
0x3a9: {  	v34 =	vor.u32 v1, v56;
	v35 =	vld.idx.msk [tilespmem:v55+s0+$0x0], $0xffff  }
0x3aa: {  	v57 =	vor.u32 s20, v29;
	_ =	sdelay $0x3  }
0x3ab: {  	v58 =	vor.u32 v5, v33;
	[tilespmem:v34+s18+$0x0] =	vst.idx.msk $0xffff, v35  }
0x3ac: {  	v34 =	vor.u32 v1, v58;
	v35 =	vld.idx.msk [tilespmem:v57+s0+$0x0], $0xffff  }
0x3ad: {  	v59 =	vor.u32 s20, v30;
	_ =	sdelay $0x3  }
0x3ae: {  	v60 =	vor.u32 v4, v33;
	[tilespmem:v34+s18+$0x0] =	vst.idx.msk $0xffff, v35  }
0x3af: {  	v34 =	vor.u32 v1, v60;
	v35 =	vld.idx.msk [tilespmem:v59+s0+$0x0], $0xffff  }
0x3b0: {  	v61 =	vor.u32 s20, v31;
	_ =	sdelay $0x3  }
0x3b1: {  	v62 =	vor.u32 v3, v33;
	[tilespmem:v34+s18+$0x0] =	vst.idx.msk $0xffff, v35  }
0x3b2: {  	v34 =	vor.u32 v1, v62;
	v35 =	vld.idx.msk [tilespmem:v61+s0+$0x0], $0xffff  }
0x3b3: {  	v63 =	vor.u32 s20, v32;
	_ =	sdelay $0x3  }
0x3b4: {  	v33 =	vor.u32 v2, v33;
	[tilespmem:v34+s18+$0x0] =	vst.idx.msk $0xffff, v35  }
0x3b5: {  	v33 =	vor.u32 v1, v33;
	v34 =	vld.idx.msk [tilespmem:v63+s0+$0x0], $0xffff;
	_ =	sdelay $0x4  }
0x3b6: {  	s20 =	simm.s32 $0x6180;
	[tilespmem:v33+s18+$0x0] =	vst.idx.msk $0xffff, v34  }
0x3b7: {  	[spmem:s16] =	stream.indirect.scatter.add.f32 [tilespmem:s30], [sflag:$0x5], $0x10, s20, s19, $0xb8;
	[tilespmem:$0x1EEA0] =	vst v63  }
0x3b8: {  	s24 =	simm.s32 $0x6580  }
0x3b9: {  	[spmem:s16] =	stream.indirect.scatter.add.f32 [tilespmem:s30], [sflag:$0x5], $0x10, s24, s19, $0xb8;
	[tilespmem:$0x1EEA0] =	vst v63  }
.LBB2_13:
0x3ba: {  	s1 =	sadd.s32 s9, s21  }
0x3bb: {  	s9 =	sadd.s32 $0x4, s1  }
0x3bc: {  	p1 =	sgt.u32 s9, $0x61A7  }
.Ltmp10:
0x3bd: {  	_ = 	snop;
	(pc) =	sbr.rel @p1 .LBB2_24-.Ltmp10, $1  }
0x3be: {  	_ =	sdelay $0x3  }
0x3bf: {  	s1 =	sshll.u32 s9, $0x7  }
0x3c0: {  	s20 =	simm.s32 $0x0;
	s24 =	simm.s32 $0x2000;
	s17 =	sadd.s32 s10, s1  }
0x3c1: {  	[tilespmem:s24], [sflag:$0x1] =	stream.linear.gather [hbm4b:s17+s20], $0x1000, $0x38;
	[tilespmem:$0x1EEA0] =	vst v63  }
0x3c2: {  	s1 =	sadd.s32 s1, s7;
	s24 =	simm.s32 $0x3000  }
0x3c3: {  	[tilespmem:s24], [sflag:$0x1] =	stream.linear.gather [hbm4b:s1+s20], $0x1000, $0x38;
	[tilespmem:$0x1EEA0] =	vst v63  }
0x3c4: {  	s1 =	sshll.u32 s9, $0x4  }
0x3c5: {  	s24 =	sadd.s32 s12, s1  }
0x3c6: {  	[tilespmem:s2], [sflag:$0x1] =	stream.linear.gather [hbm4b:s24+s20], $0x200, $0x38;
	[tilespmem:$0x1EEA0] =	vst v63  }
0x3c7: {  	s1 =	sadd.s32 s14, s1  }
0x3c8: {  	[tilespmem:s3], [sflag:$0x1] =	stream.linear.gather [hbm4b:s1+s20], $0x200, $0x38;
	[tilespmem:$0x1EEA0] =	vst v63  }
0x3c9: {  	_ =	swait.ge [sflag:s15], $0x1000  }
0x3ca: {  	[sflag:s15] =	ssyncset.done $0x0  }
0x3cb: {  	[sflag:s15] =	ssyncadd.s32 $0xFFFFF000  }
0x3cc: {  	_ =	swait.ge [sflag:s15], $0x1000  }
0x3cd: {  	[sflag:s15] =	ssyncset.done $0x0  }
0x3ce: {  	[sflag:s15] =	ssyncadd.s32 $0xFFFFF000  }
0x3cf: {  	_ =	swait.ge [sflag:s15], $0x200  }
0x3d0: {  	[sflag:s15] =	ssyncset.done $0x0  }
0x3d1: {  	[sflag:s15] =	ssyncadd.s32 $0xFFFFFE00  }
0x3d2: {  	_ =	swait.ge [sflag:s15], $0x200  }
0x3d3: {  	[sflag:s15] =	ssyncset.done $0x0  }
0x3d4: {  	[sflag:s15] =	ssyncadd.s32 $0xFFFFFE00  }
0x3d5: {  	s24 =	simm.s32 $0x2000;
	_ =	swait.ge [sflag:s4], $0x800  }
0x3d6: {  	v33 =	vor.u32 s24, v0;
	[sflag:s4] =	ssyncset.done $0x0  }
0x3d7: {  	[sflag:s4] =	ssyncadd.s32 $0xFFFFF800  }
0x3d8: {  	v34 =	vmov s20;
	_ =	swait.ge [sflag:s4], $0x800  }
0x3d9: {  	v34 =	vshll.u32 v34, $0x4;
	[sflag:s4] =	ssyncset.done $0x0  }
0x3da: {  	v35 =	vor.u32 v17, v34;
	[sflag:s4] =	ssyncadd.s32 $0xFFFFF800  }
0x3db: {  	v35 =	vor.u32 v1, v35;
	v33 =	vld.idx.msk [tilespmem:v33+s0+$0x0], $0xffff  }
0x3dc: {  	v36 =	vor.u32 s24, v18;
	_ =	sdelay $0x3  }
0x3dd: {  	v60 =	vor.u32 v16, v34;
	[tilespmem:v35+s18+$0x0] =	vst.idx.msk $0xffff, v33  }
0x3de: {  	v33 =	vor.u32 v1, v60;
	v35 =	vld.idx.msk [tilespmem:v36+s0+$0x0], $0xffff  }
0x3df: {  	v61 =	vor.u32 s24, v19;
	_ =	sdelay $0x3  }
0x3e0: {  	v62 =	vor.u32 v15, v34;
	[tilespmem:v33+s18+$0x0] =	vst.idx.msk $0xffff, v35  }
0x3e1: {  	v33 =	vor.u32 v1, v62;
	v35 =	vld.idx.msk [tilespmem:v61+s0+$0x0], $0xffff  }
0x3e2: {  	v63 =	vor.u32 s24, v20;
	_ =	sdelay $0x3  }
0x3e3: {  	v39 =	vor.u32 v14, v34;
	[tilespmem:v33+s18+$0x0] =	vst.idx.msk $0xffff, v35  }
0x3e4: {  	v33 =	vor.u32 v1, v39;
	v35 =	vld.idx.msk [tilespmem:v63+s0+$0x0], $0xffff  }
0x3e5: {  	v40 =	vor.u32 s24, v21;
	_ =	sdelay $0x3  }
0x3e6: {  	v41 =	vor.u32 v13, v34;
	[tilespmem:v33+s18+$0x0] =	vst.idx.msk $0xffff, v35  }
0x3e7: {  	v33 =	vor.u32 v1, v41;
	v35 =	vld.idx.msk [tilespmem:v40+s0+$0x0], $0xffff  }
0x3e8: {  	v42 =	vor.u32 s24, v22;
	_ =	sdelay $0x3  }
0x3e9: {  	v43 =	vor.u32 v12, v34;
	[tilespmem:v33+s18+$0x0] =	vst.idx.msk $0xffff, v35  }
0x3ea: {  	v33 =	vor.u32 v1, v43;
	v35 =	vld.idx.msk [tilespmem:v42+s0+$0x0], $0xffff  }
0x3eb: {  	v44 =	vor.u32 s24, v23;
	_ =	sdelay $0x3  }
0x3ec: {  	v45 =	vor.u32 v11, v34;
	[tilespmem:v33+s18+$0x0] =	vst.idx.msk $0xffff, v35  }
0x3ed: {  	v33 =	vor.u32 v1, v45;
	v35 =	vld.idx.msk [tilespmem:v44+s0+$0x0], $0xffff  }
0x3ee: {  	v46 =	vor.u32 s24, v24;
	_ =	sdelay $0x3  }
0x3ef: {  	v47 =	vor.u32 v10, v34;
	[tilespmem:v33+s18+$0x0] =	vst.idx.msk $0xffff, v35  }
0x3f0: {  	v33 =	vor.u32 v1, v47;
	v35 =	vld.idx.msk [tilespmem:v46+s0+$0x0], $0xffff  }
0x3f1: {  	v48 =	vor.u32 s24, v25;
	_ =	sdelay $0x3  }
0x3f2: {  	v49 =	vor.u32 v9, v34;
	[tilespmem:v33+s18+$0x0] =	vst.idx.msk $0xffff, v35  }
0x3f3: {  	v33 =	vor.u32 v1, v49;
	v35 =	vld.idx.msk [tilespmem:v48+s0+$0x0], $0xffff  }
0x3f4: {  	v50 =	vor.u32 s24, v26;
	_ =	sdelay $0x3  }
0x3f5: {  	v51 =	vor.u32 v8, v34;
	[tilespmem:v33+s18+$0x0] =	vst.idx.msk $0xffff, v35  }
0x3f6: {  	v33 =	vor.u32 v1, v51;
	v35 =	vld.idx.msk [tilespmem:v50+s0+$0x0], $0xffff  }
0x3f7: {  	v52 =	vor.u32 s24, v27;
	_ =	sdelay $0x3  }
0x3f8: {  	v53 =	vor.u32 v7, v34;
	[tilespmem:v33+s18+$0x0] =	vst.idx.msk $0xffff, v35  }
0x3f9: {  	v33 =	vor.u32 v1, v53;
	v35 =	vld.idx.msk [tilespmem:v52+s0+$0x0], $0xffff  }
0x3fa: {  	v54 =	vor.u32 s24, v28;
	_ =	sdelay $0x3  }
0x3fb: {  	v55 =	vor.u32 v6, v34;
	[tilespmem:v33+s18+$0x0] =	vst.idx.msk $0xffff, v35  }
0x3fc: {  	v33 =	vor.u32 v1, v55;
	v35 =	vld.idx.msk [tilespmem:v54+s0+$0x0], $0xffff  }
0x3fd: {  	v56 =	vor.u32 s24, v29;
	_ =	sdelay $0x3  }
0x3fe: {  	v57 =	vor.u32 v5, v34;
	[tilespmem:v33+s18+$0x0] =	vst.idx.msk $0xffff, v35  }
0x3ff: {  	v33 =	vor.u32 v1, v57;
	v35 =	vld.idx.msk [tilespmem:v56+s0+$0x0], $0xffff  }
0x400: {  	v58 =	vor.u32 s24, v30;
	_ =	sdelay $0x3  }
0x401: {  	v59 =	vor.u32 v4, v34;
	[tilespmem:v33+s18+$0x0] =	vst.idx.msk $0xffff, v35  }
0x402: {  	v33 =	vor.u32 v1, v59;
	v35 =	vld.idx.msk [tilespmem:v58+s0+$0x0], $0xffff  }
0x403: {  	v60 =	vor.u32 s24, v31;
	_ =	sdelay $0x3  }
0x404: {  	v61 =	vor.u32 v3, v34;
	[tilespmem:v33+s18+$0x0] =	vst.idx.msk $0xffff, v35  }
0x405: {  	v33 =	vor.u32 v1, v61;
	v35 =	vld.idx.msk [tilespmem:v60+s0+$0x0], $0xffff  }
0x406: {  	v62 =	vor.u32 s24, v32;
	_ =	sdelay $0x3  }
0x407: {  	v63 =	vor.u32 v2, v34;
	[tilespmem:v33+s18+$0x0] =	vst.idx.msk $0xffff, v35  }
0x408: {  	s17 =	simm.s32 $0x20;
	s20 =	simm.s32 $0x2010;
	s24 =	simm.s32 $0x10;
	v35 =	vor.u32 v1, v63;
	v34 =	vld.idx.msk [tilespmem:v62+s0+$0x0], $0xffff  }
.LBB2_15:
0x409: {  	p1 =	sne.s32 s17, $0x70;
	v36 =	vor.u32 s20, v0;
	_ =	sdelay $0x2  }
0x40a: {  	v33 =	vmov s24;
	s24 =	smov.u32 s17  }
0x40b: {  	v33 =	vshll.u32 v33, $0x4;
	[tilespmem:v35+s18+$0x0] =	vst.idx.msk $0xffff, v34  }
0x40c: {  	v35 =	vor.u32 v17, v33;
	v34 =	vld.idx.msk [tilespmem:v36+s0+$0x0], $0xffff  }
0x40d: {  	v35 =	vor.u32 v1, v35  }
0x40e: {  	v36 =	vor.u32 s20, v18;
	_ =	sdelay $0x3  }
0x40f: {  	[tilespmem:v35+s18+$0x0] =	vst.idx.msk $0xffff, v34  }
0x410: {  	v35 =	vor.u32 v16, v33;
	v34 =	vld.idx.msk [tilespmem:v36+s0+$0x0], $0xffff  }
0x411: {  	v35 =	vor.u32 v1, v35  }
0x412: {  	v36 =	vor.u32 s20, v19;
	_ =	sdelay $0x3  }
0x413: {  	[tilespmem:v35+s18+$0x0] =	vst.idx.msk $0xffff, v34  }
0x414: {  	v35 =	vor.u32 v15, v33;
	v34 =	vld.idx.msk [tilespmem:v36+s0+$0x0], $0xffff  }
0x415: {  	v35 =	vor.u32 v1, v35  }
0x416: {  	v36 =	vor.u32 s20, v20;
	_ =	sdelay $0x3  }
0x417: {  	[tilespmem:v35+s18+$0x0] =	vst.idx.msk $0xffff, v34  }
0x418: {  	v35 =	vor.u32 v14, v33;
	v34 =	vld.idx.msk [tilespmem:v36+s0+$0x0], $0xffff  }
0x419: {  	v35 =	vor.u32 v1, v35  }
0x41a: {  	v36 =	vor.u32 s20, v21;
	_ =	sdelay $0x3  }
0x41b: {  	[tilespmem:v35+s18+$0x0] =	vst.idx.msk $0xffff, v34  }
0x41c: {  	v35 =	vor.u32 v13, v33;
	v34 =	vld.idx.msk [tilespmem:v36+s0+$0x0], $0xffff  }
0x41d: {  	v35 =	vor.u32 v1, v35  }
0x41e: {  	v36 =	vor.u32 s20, v22;
	_ =	sdelay $0x3  }
0x41f: {  	[tilespmem:v35+s18+$0x0] =	vst.idx.msk $0xffff, v34  }
0x420: {  	v35 =	vor.u32 v12, v33;
	v34 =	vld.idx.msk [tilespmem:v36+s0+$0x0], $0xffff  }
0x421: {  	v35 =	vor.u32 v1, v35  }
0x422: {  	v36 =	vor.u32 s20, v23;
	_ =	sdelay $0x3  }
0x423: {  	[tilespmem:v35+s18+$0x0] =	vst.idx.msk $0xffff, v34  }
0x424: {  	v35 =	vor.u32 v11, v33;
	v34 =	vld.idx.msk [tilespmem:v36+s0+$0x0], $0xffff  }
0x425: {  	v35 =	vor.u32 v1, v35  }
0x426: {  	v36 =	vor.u32 s20, v24;
	_ =	sdelay $0x3  }
0x427: {  	[tilespmem:v35+s18+$0x0] =	vst.idx.msk $0xffff, v34  }
0x428: {  	v35 =	vor.u32 v10, v33;
	v34 =	vld.idx.msk [tilespmem:v36+s0+$0x0], $0xffff  }
0x429: {  	v35 =	vor.u32 v1, v35  }
0x42a: {  	v36 =	vor.u32 s20, v25;
	_ =	sdelay $0x3  }
0x42b: {  	[tilespmem:v35+s18+$0x0] =	vst.idx.msk $0xffff, v34  }
0x42c: {  	v35 =	vor.u32 v9, v33;
	v34 =	vld.idx.msk [tilespmem:v36+s0+$0x0], $0xffff  }
0x42d: {  	v35 =	vor.u32 v1, v35  }
0x42e: {  	v36 =	vor.u32 s20, v26;
	_ =	sdelay $0x3  }
0x42f: {  	[tilespmem:v35+s18+$0x0] =	vst.idx.msk $0xffff, v34  }
0x430: {  	v35 =	vor.u32 v8, v33;
	v34 =	vld.idx.msk [tilespmem:v36+s0+$0x0], $0xffff  }
0x431: {  	v35 =	vor.u32 v1, v35  }
0x432: {  	v36 =	vor.u32 s20, v27;
	_ =	sdelay $0x3  }
0x433: {  	[tilespmem:v35+s18+$0x0] =	vst.idx.msk $0xffff, v34  }
0x434: {  	v35 =	vor.u32 v7, v33;
	v34 =	vld.idx.msk [tilespmem:v36+s0+$0x0], $0xffff  }
0x435: {  	v35 =	vor.u32 v1, v35  }
0x436: {  	v36 =	vor.u32 s20, v28;
	_ =	sdelay $0x3  }
0x437: {  	[tilespmem:v35+s18+$0x0] =	vst.idx.msk $0xffff, v34  }
0x438: {  	v35 =	vor.u32 v6, v33;
	v34 =	vld.idx.msk [tilespmem:v36+s0+$0x0], $0xffff  }
0x439: {  	v35 =	vor.u32 v1, v35  }
0x43a: {  	v36 =	vor.u32 s20, v29;
	_ =	sdelay $0x3  }
0x43b: {  	[tilespmem:v35+s18+$0x0] =	vst.idx.msk $0xffff, v34  }
0x43c: {  	v35 =	vor.u32 v5, v33;
	v34 =	vld.idx.msk [tilespmem:v36+s0+$0x0], $0xffff  }
0x43d: {  	v35 =	vor.u32 v1, v35  }
0x43e: {  	v36 =	vor.u32 s20, v30;
	_ =	sdelay $0x3  }
0x43f: {  	[tilespmem:v35+s18+$0x0] =	vst.idx.msk $0xffff, v34  }
0x440: {  	v35 =	vor.u32 v4, v33;
	v34 =	vld.idx.msk [tilespmem:v36+s0+$0x0], $0xffff  }
0x441: {  	v35 =	vor.u32 v1, v35  }
0x442: {  	v36 =	vor.u32 s20, v31;
	_ =	sdelay $0x3  }
0x443: {  	[tilespmem:v35+s18+$0x0] =	vst.idx.msk $0xffff, v34  }
0x444: {  	v35 =	vor.u32 v3, v33;
	v34 =	vld.idx.msk [tilespmem:v36+s0+$0x0], $0xffff  }
0x445: {  	v35 =	vor.u32 v1, v35  }
0x446: {  	v36 =	vor.u32 s20, v32;
	_ =	sdelay $0x1  }
.Ltmp11:
0x447: {  	(pc) =	sbr.rel @p1 .LBB2_15-.Ltmp11, $4  }
0x448: {  	_ = 	snop  }
0x449: {  	[tilespmem:v35+s18+$0x0] =	vst.idx.msk $0xffff, v34  }
0x44a: {  	v33 =	vor.u32 v2, v33;
	v34 =	vld.idx.msk [tilespmem:v36+s0+$0x0], $0xffff  }
0x44b: {  	s17 =	sadd.s32 $0x10, s17;
	s20 =	sadd.s32 $0x2000, s24;
	v35 =	vor.u32 v1, v33  }
0x44c: {  	v33 =	vor.u32 s20, v0;
	_ =	sdelay $0x1  }
0x44d: {  	v36 =	vmov s24  }
0x44e: {  	v36 =	vshll.u32 v36, $0x4  }
0x44f: {  	v52 =	vor.u32 v17, v36;
	[tilespmem:v35+s18+$0x0] =	vst.idx.msk $0xffff, v34  }
0x450: {  	v34 =	vor.u32 v1, v52;
	v33 =	vld.idx.msk [tilespmem:v33+s0+$0x0], $0xffff  }
0x451: {  	v53 =	vor.u32 s20, v18;
	_ =	sdelay $0x3  }
0x452: {  	v54 =	vor.u32 v16, v36;
	[tilespmem:v34+s18+$0x0] =	vst.idx.msk $0xffff, v33  }
0x453: {  	v33 =	vor.u32 v1, v54;
	v34 =	vld.idx.msk [tilespmem:v53+s0+$0x0], $0xffff  }
0x454: {  	v55 =	vor.u32 s20, v19;
	_ =	sdelay $0x3  }
0x455: {  	v56 =	vor.u32 v15, v36;
	[tilespmem:v33+s18+$0x0] =	vst.idx.msk $0xffff, v34  }
0x456: {  	v33 =	vor.u32 v1, v56;
	v34 =	vld.idx.msk [tilespmem:v55+s0+$0x0], $0xffff  }
0x457: {  	v57 =	vor.u32 s20, v20;
	_ =	sdelay $0x3  }
0x458: {  	v58 =	vor.u32 v14, v36;
	[tilespmem:v33+s18+$0x0] =	vst.idx.msk $0xffff, v34  }
0x459: {  	v33 =	vor.u32 v1, v58;
	v34 =	vld.idx.msk [tilespmem:v57+s0+$0x0], $0xffff  }
0x45a: {  	v59 =	vor.u32 s20, v21;
	_ =	sdelay $0x3  }
0x45b: {  	v60 =	vor.u32 v13, v36;
	[tilespmem:v33+s18+$0x0] =	vst.idx.msk $0xffff, v34  }
0x45c: {  	v33 =	vor.u32 v1, v60;
	v34 =	vld.idx.msk [tilespmem:v59+s0+$0x0], $0xffff  }
0x45d: {  	v61 =	vor.u32 s20, v22;
	_ =	sdelay $0x3  }
0x45e: {  	v62 =	vor.u32 v12, v36;
	[tilespmem:v33+s18+$0x0] =	vst.idx.msk $0xffff, v34  }
0x45f: {  	v33 =	vor.u32 v1, v62;
	v34 =	vld.idx.msk [tilespmem:v61+s0+$0x0], $0xffff  }
0x460: {  	v63 =	vor.u32 s20, v23;
	_ =	sdelay $0x3  }
0x461: {  	v37 =	vor.u32 v11, v36;
	[tilespmem:v33+s18+$0x0] =	vst.idx.msk $0xffff, v34  }
0x462: {  	v33 =	vor.u32 v1, v37;
	v34 =	vld.idx.msk [tilespmem:v63+s0+$0x0], $0xffff  }
0x463: {  	v38 =	vor.u32 s20, v24;
	_ =	sdelay $0x3  }
0x464: {  	v39 =	vor.u32 v10, v36;
	[tilespmem:v33+s18+$0x0] =	vst.idx.msk $0xffff, v34  }
0x465: {  	v33 =	vor.u32 v1, v39;
	v34 =	vld.idx.msk [tilespmem:v38+s0+$0x0], $0xffff  }
0x466: {  	v40 =	vor.u32 s20, v25;
	_ =	sdelay $0x3  }
0x467: {  	v41 =	vor.u32 v9, v36;
	[tilespmem:v33+s18+$0x0] =	vst.idx.msk $0xffff, v34  }
0x468: {  	v33 =	vor.u32 v1, v41;
	v34 =	vld.idx.msk [tilespmem:v40+s0+$0x0], $0xffff  }
0x469: {  	v42 =	vor.u32 s20, v26;
	_ =	sdelay $0x3  }
0x46a: {  	v43 =	vor.u32 v8, v36;
	[tilespmem:v33+s18+$0x0] =	vst.idx.msk $0xffff, v34  }
0x46b: {  	v33 =	vor.u32 v1, v43;
	v34 =	vld.idx.msk [tilespmem:v42+s0+$0x0], $0xffff  }
0x46c: {  	v44 =	vor.u32 s20, v27;
	_ =	sdelay $0x3  }
0x46d: {  	v45 =	vor.u32 v7, v36;
	[tilespmem:v33+s18+$0x0] =	vst.idx.msk $0xffff, v34  }
0x46e: {  	v33 =	vor.u32 v1, v45;
	v34 =	vld.idx.msk [tilespmem:v44+s0+$0x0], $0xffff  }
0x46f: {  	v46 =	vor.u32 s20, v28;
	_ =	sdelay $0x3  }
0x470: {  	v47 =	vor.u32 v6, v36;
	[tilespmem:v33+s18+$0x0] =	vst.idx.msk $0xffff, v34  }
0x471: {  	v33 =	vor.u32 v1, v47;
	v34 =	vld.idx.msk [tilespmem:v46+s0+$0x0], $0xffff  }
0x472: {  	v48 =	vor.u32 s20, v29;
	_ =	sdelay $0x3  }
0x473: {  	v49 =	vor.u32 v5, v36;
	[tilespmem:v33+s18+$0x0] =	vst.idx.msk $0xffff, v34  }
0x474: {  	v33 =	vor.u32 v1, v49;
	v34 =	vld.idx.msk [tilespmem:v48+s0+$0x0], $0xffff  }
0x475: {  	v50 =	vor.u32 s20, v30;
	_ =	sdelay $0x3  }
0x476: {  	v51 =	vor.u32 v4, v36;
	[tilespmem:v33+s18+$0x0] =	vst.idx.msk $0xffff, v34  }
0x477: {  	v33 =	vor.u32 v1, v51;
	v34 =	vld.idx.msk [tilespmem:v50+s0+$0x0], $0xffff  }
0x478: {  	v52 =	vor.u32 s20, v31;
	_ =	sdelay $0x3  }
0x479: {  	v53 =	vor.u32 v3, v36;
	[tilespmem:v33+s18+$0x0] =	vst.idx.msk $0xffff, v34  }
0x47a: {  	v33 =	vor.u32 v1, v53;
	v34 =	vld.idx.msk [tilespmem:v52+s0+$0x0], $0xffff  }
0x47b: {  	v54 =	vor.u32 s20, v32;
	_ =	sdelay $0x3  }
0x47c: {  	v55 =	vor.u32 v2, v36;
	[tilespmem:v33+s18+$0x0] =	vst.idx.msk $0xffff, v34  }
0x47d: {  	v33 =	vor.u32 v1, v55;
	v34 =	vld.idx.msk [tilespmem:v54+s0+$0x0], $0xffff;
	_ =	sdelay $0x4  }
0x47e: {  	[tilespmem:v33+s18+$0x0] =	vst.idx.msk $0xffff, v34  }
0x47f: {  	[spmem:s16] =	stream.indirect.scatter.add.f32 [tilespmem:s18], [sflag:$0x2], $0x10, s2, s19, $0xb8;
	[tilespmem:$0x1EEA0] =	vst v63  }
0x480: {  	_ = 	snop  }
0x481: {  	[spmem:s16] =	stream.indirect.scatter.add.f32 [tilespmem:s18], [sflag:$0x2], $0x10, s3, s19, $0xb8;
	[tilespmem:$0x1EEA0] =	vst v63  }
0x482: {  	s17 =	simm.s32 $0x2400;
	_ =	swait.ge [sflag:s5], $0x800  }
0x483: {  	v56 =	vor.u32 s17, v0;
	[sflag:s5] =	ssyncset.done $0x0  }
0x484: {  	s1 =	simm.s32 $0x80;
	[sflag:s5] =	ssyncadd.s32 $0xFFFFF800  }
0x485: {  	v57 =	vmov s1;
	_ =	swait.ge [sflag:s5], $0x800  }
0x486: {  	v34 =	vshll.u32 v57, $0x4;
	[sflag:s5] =	ssyncset.done $0x0  }
0x487: {  	v58 =	vor.u32 v17, v34;
	[sflag:s5] =	ssyncadd.s32 $0xFFFFF800  }
0x488: {  	v35 =	vor.u32 v1, v58;
	v33 =	vld.idx.msk [tilespmem:v56+s0+$0x0], $0xffff  }
0x489: {  	v59 =	vor.u32 s17, v18;
	_ =	sdelay $0x3  }
0x48a: {  	v60 =	vor.u32 v16, v34;
	[tilespmem:v35+s18+$0x0] =	vst.idx.msk $0xffff, v33  }
0x48b: {  	v33 =	vor.u32 v1, v60;
	v35 =	vld.idx.msk [tilespmem:v59+s0+$0x0], $0xffff  }
0x48c: {  	v61 =	vor.u32 s17, v19;
	_ =	sdelay $0x3  }
0x48d: {  	v62 =	vor.u32 v15, v34;
	[tilespmem:v33+s18+$0x0] =	vst.idx.msk $0xffff, v35  }
0x48e: {  	v33 =	vor.u32 v1, v62;
	v35 =	vld.idx.msk [tilespmem:v61+s0+$0x0], $0xffff  }
0x48f: {  	v63 =	vor.u32 s17, v20;
	_ =	sdelay $0x3  }
0x490: {  	v39 =	vor.u32 v14, v34;
	[tilespmem:v33+s18+$0x0] =	vst.idx.msk $0xffff, v35  }
0x491: {  	v33 =	vor.u32 v1, v39;
	v35 =	vld.idx.msk [tilespmem:v63+s0+$0x0], $0xffff  }
0x492: {  	v40 =	vor.u32 s17, v21;
	_ =	sdelay $0x3  }
0x493: {  	v41 =	vor.u32 v13, v34;
	[tilespmem:v33+s18+$0x0] =	vst.idx.msk $0xffff, v35  }
0x494: {  	v33 =	vor.u32 v1, v41;
	v35 =	vld.idx.msk [tilespmem:v40+s0+$0x0], $0xffff  }
0x495: {  	v42 =	vor.u32 s17, v22;
	_ =	sdelay $0x3  }
0x496: {  	v43 =	vor.u32 v12, v34;
	[tilespmem:v33+s18+$0x0] =	vst.idx.msk $0xffff, v35  }
0x497: {  	v33 =	vor.u32 v1, v43;
	v35 =	vld.idx.msk [tilespmem:v42+s0+$0x0], $0xffff  }
0x498: {  	v44 =	vor.u32 s17, v23;
	_ =	sdelay $0x3  }
0x499: {  	v45 =	vor.u32 v11, v34;
	[tilespmem:v33+s18+$0x0] =	vst.idx.msk $0xffff, v35  }
0x49a: {  	v33 =	vor.u32 v1, v45;
	v35 =	vld.idx.msk [tilespmem:v44+s0+$0x0], $0xffff  }
0x49b: {  	v46 =	vor.u32 s17, v24;
	_ =	sdelay $0x3  }
0x49c: {  	v47 =	vor.u32 v10, v34;
	[tilespmem:v33+s18+$0x0] =	vst.idx.msk $0xffff, v35  }
0x49d: {  	v33 =	vor.u32 v1, v47;
	v35 =	vld.idx.msk [tilespmem:v46+s0+$0x0], $0xffff  }
0x49e: {  	v48 =	vor.u32 s17, v25;
	_ =	sdelay $0x3  }
0x49f: {  	v49 =	vor.u32 v9, v34;
	[tilespmem:v33+s18+$0x0] =	vst.idx.msk $0xffff, v35  }
0x4a0: {  	v33 =	vor.u32 v1, v49;
	v35 =	vld.idx.msk [tilespmem:v48+s0+$0x0], $0xffff  }
0x4a1: {  	v50 =	vor.u32 s17, v26;
	_ =	sdelay $0x3  }
0x4a2: {  	v51 =	vor.u32 v8, v34;
	[tilespmem:v33+s18+$0x0] =	vst.idx.msk $0xffff, v35  }
0x4a3: {  	v33 =	vor.u32 v1, v51;
	v35 =	vld.idx.msk [tilespmem:v50+s0+$0x0], $0xffff  }
0x4a4: {  	v52 =	vor.u32 s17, v27;
	_ =	sdelay $0x3  }
0x4a5: {  	v53 =	vor.u32 v7, v34;
	[tilespmem:v33+s18+$0x0] =	vst.idx.msk $0xffff, v35  }
0x4a6: {  	v33 =	vor.u32 v1, v53;
	v35 =	vld.idx.msk [tilespmem:v52+s0+$0x0], $0xffff  }
0x4a7: {  	v54 =	vor.u32 s17, v28;
	_ =	sdelay $0x3  }
0x4a8: {  	v55 =	vor.u32 v6, v34;
	[tilespmem:v33+s18+$0x0] =	vst.idx.msk $0xffff, v35  }
0x4a9: {  	v33 =	vor.u32 v1, v55;
	v35 =	vld.idx.msk [tilespmem:v54+s0+$0x0], $0xffff  }
0x4aa: {  	v56 =	vor.u32 s17, v29;
	_ =	sdelay $0x3  }
0x4ab: {  	v57 =	vor.u32 v5, v34;
	[tilespmem:v33+s18+$0x0] =	vst.idx.msk $0xffff, v35  }
0x4ac: {  	v33 =	vor.u32 v1, v57;
	v35 =	vld.idx.msk [tilespmem:v56+s0+$0x0], $0xffff  }
0x4ad: {  	v58 =	vor.u32 s17, v30;
	_ =	sdelay $0x3  }
0x4ae: {  	v59 =	vor.u32 v4, v34;
	[tilespmem:v33+s18+$0x0] =	vst.idx.msk $0xffff, v35  }
0x4af: {  	v33 =	vor.u32 v1, v59;
	v35 =	vld.idx.msk [tilespmem:v58+s0+$0x0], $0xffff  }
0x4b0: {  	v60 =	vor.u32 s17, v31;
	_ =	sdelay $0x3  }
0x4b1: {  	v61 =	vor.u32 v3, v34;
	[tilespmem:v33+s18+$0x0] =	vst.idx.msk $0xffff, v35  }
0x4b2: {  	v33 =	vor.u32 v1, v61;
	v35 =	vld.idx.msk [tilespmem:v60+s0+$0x0], $0xffff  }
0x4b3: {  	v62 =	vor.u32 s17, v32;
	_ =	sdelay $0x3  }
0x4b4: {  	v63 =	vor.u32 v2, v34;
	[tilespmem:v33+s18+$0x0] =	vst.idx.msk $0xffff, v35  }
0x4b5: {  	s20 =	simm.s32 $0x2410;
	v36 =	vor.u32 v1, v63;
	v34 =	vld.idx.msk [tilespmem:v62+s0+$0x0], $0xffff  }
0x4b6: {  	s17 =	simm.s32 $0x2420;
	v35 =	vor.u32 s20, v0  }
.LBB2_17:
0x4b7: {  	p1 =	sne.s32 s17, $0x2470  }
0x4b8: {  	s1 =	sadd.s32 $0xFFFFDC80, s20  }
0x4b9: {  	v33 =	vmov s1  }
0x4ba: {  	v33 =	vshll.u32 v33, $0x4;
	[tilespmem:v36+s18+$0x0] =	vst.idx.msk $0xffff, v34  }
0x4bb: {  	v34 =	vld.idx.msk [tilespmem:v35+s0+$0x0], $0xffff;
	v35 =	vor.u32 v17, v33  }
0x4bc: {  	v35 =	vor.u32 v1, v35  }
0x4bd: {  	v36 =	vor.u32 s20, v18;
	_ =	sdelay $0x3  }
0x4be: {  	[tilespmem:v35+s18+$0x0] =	vst.idx.msk $0xffff, v34  }
0x4bf: {  	v35 =	vor.u32 v16, v33;
	v34 =	vld.idx.msk [tilespmem:v36+s0+$0x0], $0xffff  }
0x4c0: {  	v35 =	vor.u32 v1, v35  }
0x4c1: {  	v36 =	vor.u32 s20, v19;
	_ =	sdelay $0x3  }
0x4c2: {  	[tilespmem:v35+s18+$0x0] =	vst.idx.msk $0xffff, v34  }
0x4c3: {  	v35 =	vor.u32 v15, v33;
	v34 =	vld.idx.msk [tilespmem:v36+s0+$0x0], $0xffff  }
0x4c4: {  	v35 =	vor.u32 v1, v35  }
0x4c5: {  	v36 =	vor.u32 s20, v20;
	_ =	sdelay $0x3  }
0x4c6: {  	[tilespmem:v35+s18+$0x0] =	vst.idx.msk $0xffff, v34  }
0x4c7: {  	v35 =	vor.u32 v14, v33;
	v34 =	vld.idx.msk [tilespmem:v36+s0+$0x0], $0xffff  }
0x4c8: {  	v35 =	vor.u32 v1, v35  }
0x4c9: {  	v36 =	vor.u32 s20, v21;
	_ =	sdelay $0x3  }
0x4ca: {  	[tilespmem:v35+s18+$0x0] =	vst.idx.msk $0xffff, v34  }
0x4cb: {  	v35 =	vor.u32 v13, v33;
	v34 =	vld.idx.msk [tilespmem:v36+s0+$0x0], $0xffff  }
0x4cc: {  	v35 =	vor.u32 v1, v35  }
0x4cd: {  	v36 =	vor.u32 s20, v22;
	_ =	sdelay $0x3  }
0x4ce: {  	[tilespmem:v35+s18+$0x0] =	vst.idx.msk $0xffff, v34  }
0x4cf: {  	v35 =	vor.u32 v12, v33;
	v34 =	vld.idx.msk [tilespmem:v36+s0+$0x0], $0xffff  }
0x4d0: {  	v35 =	vor.u32 v1, v35  }
0x4d1: {  	v36 =	vor.u32 s20, v23;
	_ =	sdelay $0x3  }
0x4d2: {  	[tilespmem:v35+s18+$0x0] =	vst.idx.msk $0xffff, v34  }
0x4d3: {  	v35 =	vor.u32 v11, v33;
	v34 =	vld.idx.msk [tilespmem:v36+s0+$0x0], $0xffff  }
0x4d4: {  	v35 =	vor.u32 v1, v35  }
0x4d5: {  	v36 =	vor.u32 s20, v24;
	_ =	sdelay $0x3  }
0x4d6: {  	[tilespmem:v35+s18+$0x0] =	vst.idx.msk $0xffff, v34  }
0x4d7: {  	v35 =	vor.u32 v10, v33;
	v34 =	vld.idx.msk [tilespmem:v36+s0+$0x0], $0xffff  }
0x4d8: {  	v35 =	vor.u32 v1, v35  }
0x4d9: {  	v36 =	vor.u32 s20, v25;
	_ =	sdelay $0x3  }
0x4da: {  	[tilespmem:v35+s18+$0x0] =	vst.idx.msk $0xffff, v34  }
0x4db: {  	v35 =	vor.u32 v9, v33;
	v34 =	vld.idx.msk [tilespmem:v36+s0+$0x0], $0xffff  }
0x4dc: {  	v35 =	vor.u32 v1, v35  }
0x4dd: {  	v36 =	vor.u32 s20, v26;
	_ =	sdelay $0x3  }
0x4de: {  	[tilespmem:v35+s18+$0x0] =	vst.idx.msk $0xffff, v34  }
0x4df: {  	v35 =	vor.u32 v8, v33;
	v34 =	vld.idx.msk [tilespmem:v36+s0+$0x0], $0xffff  }
0x4e0: {  	v35 =	vor.u32 v1, v35  }
0x4e1: {  	v36 =	vor.u32 s20, v27;
	_ =	sdelay $0x3  }
0x4e2: {  	[tilespmem:v35+s18+$0x0] =	vst.idx.msk $0xffff, v34  }
0x4e3: {  	v35 =	vor.u32 v7, v33;
	v34 =	vld.idx.msk [tilespmem:v36+s0+$0x0], $0xffff  }
0x4e4: {  	v35 =	vor.u32 v1, v35  }
0x4e5: {  	v36 =	vor.u32 s20, v28;
	_ =	sdelay $0x3  }
0x4e6: {  	[tilespmem:v35+s18+$0x0] =	vst.idx.msk $0xffff, v34  }
0x4e7: {  	v35 =	vor.u32 v6, v33;
	v34 =	vld.idx.msk [tilespmem:v36+s0+$0x0], $0xffff  }
0x4e8: {  	v35 =	vor.u32 v1, v35  }
0x4e9: {  	v36 =	vor.u32 s20, v29;
	_ =	sdelay $0x3  }
0x4ea: {  	[tilespmem:v35+s18+$0x0] =	vst.idx.msk $0xffff, v34  }
0x4eb: {  	v35 =	vor.u32 v5, v33;
	v34 =	vld.idx.msk [tilespmem:v36+s0+$0x0], $0xffff  }
0x4ec: {  	v35 =	vor.u32 v1, v35  }
0x4ed: {  	v36 =	vor.u32 s20, v30;
	_ =	sdelay $0x3  }
0x4ee: {  	[tilespmem:v35+s18+$0x0] =	vst.idx.msk $0xffff, v34  }
0x4ef: {  	v35 =	vor.u32 v4, v33;
	v34 =	vld.idx.msk [tilespmem:v36+s0+$0x0], $0xffff  }
0x4f0: {  	v35 =	vor.u32 v1, v35  }
0x4f1: {  	v36 =	vor.u32 s20, v31;
	_ =	sdelay $0x3  }
0x4f2: {  	[tilespmem:v35+s18+$0x0] =	vst.idx.msk $0xffff, v34  }
0x4f3: {  	v35 =	vor.u32 v3, v33;
	v34 =	vld.idx.msk [tilespmem:v36+s0+$0x0], $0xffff  }
0x4f4: {  	v35 =	vor.u32 v1, v35  }
0x4f5: {  	v36 =	vor.u32 s20, v32;
	s20 =	smov.u32 s17;
	_ =	sdelay $0x2  }
.Ltmp12:
0x4f6: {  	(pc) =	sbr.rel @p1 .LBB2_17-.Ltmp12, $4  }
0x4f7: {  	[tilespmem:v35+s18+$0x0] =	vst.idx.msk $0xffff, v34  }
0x4f8: {  	v33 =	vor.u32 v2, v33;
	v34 =	vld.idx.msk [tilespmem:v36+s0+$0x0], $0xffff  }
0x4f9: {  	v36 =	vor.u32 v1, v33  }
0x4fa: {  	s17 =	sadd.s32 $0x10, s17;
	v35 =	vor.u32 s20, v0  }
0x4fb: {  	_ = 	snop  }
0x4fc: {  	s1 =	sadd.s32 $0xFFFFDC80, s20  }
0x4fd: {  	v33 =	vmov s1  }
0x4fe: {  	v33 =	vshll.u32 v33, $0x4  }
0x4ff: {  	[tilespmem:v36+s18+$0x0] =	vst.idx.msk $0xffff, v34;
	v58 =	vor.u32 v17, v33  }
0x500: {  	v35 =	vld.idx.msk [tilespmem:v35+s0+$0x0], $0xffff;
	v34 =	vor.u32 v1, v58  }
0x501: {  	v59 =	vor.u32 s20, v18;
	_ =	sdelay $0x3  }
0x502: {  	v60 =	vor.u32 v16, v33;
	[tilespmem:v34+s18+$0x0] =	vst.idx.msk $0xffff, v35  }
0x503: {  	v34 =	vor.u32 v1, v60;
	v35 =	vld.idx.msk [tilespmem:v59+s0+$0x0], $0xffff  }
0x504: {  	v61 =	vor.u32 s20, v19;
	_ =	sdelay $0x3  }
0x505: {  	v62 =	vor.u32 v15, v33;
	[tilespmem:v34+s18+$0x0] =	vst.idx.msk $0xffff, v35  }
0x506: {  	v34 =	vor.u32 v1, v62;
	v35 =	vld.idx.msk [tilespmem:v61+s0+$0x0], $0xffff  }
0x507: {  	v63 =	vor.u32 s20, v20;
	_ =	sdelay $0x3  }
0x508: {  	v40 =	vor.u32 v14, v33;
	[tilespmem:v34+s18+$0x0] =	vst.idx.msk $0xffff, v35  }
0x509: {  	v34 =	vor.u32 v1, v40;
	v35 =	vld.idx.msk [tilespmem:v63+s0+$0x0], $0xffff  }
0x50a: {  	v41 =	vor.u32 s20, v21;
	_ =	sdelay $0x3  }
0x50b: {  	v42 =	vor.u32 v13, v33;
	[tilespmem:v34+s18+$0x0] =	vst.idx.msk $0xffff, v35  }
0x50c: {  	v34 =	vor.u32 v1, v42;
	v35 =	vld.idx.msk [tilespmem:v41+s0+$0x0], $0xffff  }
0x50d: {  	v43 =	vor.u32 s20, v22;
	_ =	sdelay $0x3  }
0x50e: {  	v44 =	vor.u32 v12, v33;
	[tilespmem:v34+s18+$0x0] =	vst.idx.msk $0xffff, v35  }
0x50f: {  	v34 =	vor.u32 v1, v44;
	v35 =	vld.idx.msk [tilespmem:v43+s0+$0x0], $0xffff  }
0x510: {  	v45 =	vor.u32 s20, v23;
	_ =	sdelay $0x3  }
0x511: {  	v46 =	vor.u32 v11, v33;
	[tilespmem:v34+s18+$0x0] =	vst.idx.msk $0xffff, v35  }
0x512: {  	v34 =	vor.u32 v1, v46;
	v35 =	vld.idx.msk [tilespmem:v45+s0+$0x0], $0xffff  }
0x513: {  	v47 =	vor.u32 s20, v24;
	_ =	sdelay $0x3  }
0x514: {  	v48 =	vor.u32 v10, v33;
	[tilespmem:v34+s18+$0x0] =	vst.idx.msk $0xffff, v35  }
0x515: {  	v34 =	vor.u32 v1, v48;
	v35 =	vld.idx.msk [tilespmem:v47+s0+$0x0], $0xffff  }
0x516: {  	v49 =	vor.u32 s20, v25;
	_ =	sdelay $0x3  }
0x517: {  	v50 =	vor.u32 v9, v33;
	[tilespmem:v34+s18+$0x0] =	vst.idx.msk $0xffff, v35  }
0x518: {  	v34 =	vor.u32 v1, v50;
	v35 =	vld.idx.msk [tilespmem:v49+s0+$0x0], $0xffff  }
0x519: {  	v51 =	vor.u32 s20, v26;
	_ =	sdelay $0x3  }
0x51a: {  	v52 =	vor.u32 v8, v33;
	[tilespmem:v34+s18+$0x0] =	vst.idx.msk $0xffff, v35  }
0x51b: {  	v34 =	vor.u32 v1, v52;
	v35 =	vld.idx.msk [tilespmem:v51+s0+$0x0], $0xffff  }
0x51c: {  	v53 =	vor.u32 s20, v27;
	_ =	sdelay $0x3  }
0x51d: {  	v54 =	vor.u32 v7, v33;
	[tilespmem:v34+s18+$0x0] =	vst.idx.msk $0xffff, v35  }
0x51e: {  	v34 =	vor.u32 v1, v54;
	v35 =	vld.idx.msk [tilespmem:v53+s0+$0x0], $0xffff  }
0x51f: {  	v55 =	vor.u32 s20, v28;
	_ =	sdelay $0x3  }
0x520: {  	v56 =	vor.u32 v6, v33;
	[tilespmem:v34+s18+$0x0] =	vst.idx.msk $0xffff, v35  }
0x521: {  	v34 =	vor.u32 v1, v56;
	v35 =	vld.idx.msk [tilespmem:v55+s0+$0x0], $0xffff  }
0x522: {  	v57 =	vor.u32 s20, v29;
	_ =	sdelay $0x3  }
0x523: {  	v58 =	vor.u32 v5, v33;
	[tilespmem:v34+s18+$0x0] =	vst.idx.msk $0xffff, v35  }
0x524: {  	v34 =	vor.u32 v1, v58;
	v35 =	vld.idx.msk [tilespmem:v57+s0+$0x0], $0xffff  }
0x525: {  	v59 =	vor.u32 s20, v30;
	_ =	sdelay $0x3  }
0x526: {  	v60 =	vor.u32 v4, v33;
	[tilespmem:v34+s18+$0x0] =	vst.idx.msk $0xffff, v35  }
0x527: {  	v34 =	vor.u32 v1, v60;
	v35 =	vld.idx.msk [tilespmem:v59+s0+$0x0], $0xffff  }
0x528: {  	v61 =	vor.u32 s20, v31;
	_ =	sdelay $0x3  }
0x529: {  	v62 =	vor.u32 v3, v33;
	[tilespmem:v34+s18+$0x0] =	vst.idx.msk $0xffff, v35  }
0x52a: {  	v34 =	vor.u32 v1, v62;
	v35 =	vld.idx.msk [tilespmem:v61+s0+$0x0], $0xffff  }
0x52b: {  	v63 =	vor.u32 s20, v32;
	_ =	sdelay $0x3  }
0x52c: {  	v33 =	vor.u32 v2, v33;
	[tilespmem:v34+s18+$0x0] =	vst.idx.msk $0xffff, v35  }
0x52d: {  	v33 =	vor.u32 v1, v33;
	v34 =	vld.idx.msk [tilespmem:v63+s0+$0x0], $0xffff;
	_ =	sdelay $0x2  }
0x52e: {  	p1 =	sgt.u32 s9, $0x61A5  }
.Ltmp13:
0x52f: {  	_ = 	snop;
	(pc) =	sbr.rel @p1 .LBB2_24-.Ltmp13, $4  }
0x530: {  	[tilespmem:v33+s18+$0x0] =	vst.idx.msk $0xffff, v34  }
0x531: {  	[spmem:s16] =	stream.indirect.scatter.add.f32 [tilespmem:s22], [sflag:$0x3], $0x10, s6, s19, $0xb8;
	[tilespmem:$0x1EEA0] =	vst v63  }
0x532: {  	_ = 	snop  }
0x533: {  	[spmem:s16] =	stream.indirect.scatter.add.f32 [tilespmem:s22], [sflag:$0x3], $0x10, s25, s19, $0xb8;
	[tilespmem:$0x1EEA0] =	vst v63  }
0x534: {  	_ =	swait.ge [sflag:s28], $0x800;
	s9 =	simm.s32 $0x2800  }
0x535: {  	[sflag:s28] =	ssyncset.done $0x0;
	v33 =	vor.u32 s9, v0  }
0x536: {  	s1 =	simm.s32 $0x100;
	[sflag:s28] =	ssyncadd.s32 $0xFFFFF800  }
0x537: {  	v34 =	vmov s1;
	_ =	swait.ge [sflag:s28], $0x800  }
0x538: {  	v34 =	vshll.u32 v34, $0x4;
	[sflag:s28] =	ssyncset.done $0x0  }
0x539: {  	v35 =	vor.u32 v17, v34;
	[sflag:s28] =	ssyncadd.s32 $0xFFFFF800  }
0x53a: {  	v35 =	vor.u32 v1, v35;
	v33 =	vld.idx.msk [tilespmem:v33+s0+$0x0], $0xffff  }
0x53b: {  	v36 =	vor.u32 s9, v18;
	_ =	sdelay $0x3  }
0x53c: {  	v60 =	vor.u32 v16, v34;
	[tilespmem:v35+s18+$0x0] =	vst.idx.msk $0xffff, v33  }
0x53d: {  	v33 =	vor.u32 v1, v60;
	v35 =	vld.idx.msk [tilespmem:v36+s0+$0x0], $0xffff  }
0x53e: {  	v61 =	vor.u32 s9, v19;
	_ =	sdelay $0x3  }
0x53f: {  	v62 =	vor.u32 v15, v34;
	[tilespmem:v33+s18+$0x0] =	vst.idx.msk $0xffff, v35  }
0x540: {  	v33 =	vor.u32 v1, v62;
	v35 =	vld.idx.msk [tilespmem:v61+s0+$0x0], $0xffff  }
0x541: {  	v63 =	vor.u32 s9, v20;
	_ =	sdelay $0x3  }
0x542: {  	v39 =	vor.u32 v14, v34;
	[tilespmem:v33+s18+$0x0] =	vst.idx.msk $0xffff, v35  }
0x543: {  	v33 =	vor.u32 v1, v39;
	v35 =	vld.idx.msk [tilespmem:v63+s0+$0x0], $0xffff  }
0x544: {  	v40 =	vor.u32 s9, v21;
	_ =	sdelay $0x3  }
0x545: {  	v41 =	vor.u32 v13, v34;
	[tilespmem:v33+s18+$0x0] =	vst.idx.msk $0xffff, v35  }
0x546: {  	v33 =	vor.u32 v1, v41;
	v35 =	vld.idx.msk [tilespmem:v40+s0+$0x0], $0xffff  }
0x547: {  	v42 =	vor.u32 s9, v22;
	_ =	sdelay $0x3  }
0x548: {  	v43 =	vor.u32 v12, v34;
	[tilespmem:v33+s18+$0x0] =	vst.idx.msk $0xffff, v35  }
0x549: {  	v33 =	vor.u32 v1, v43;
	v35 =	vld.idx.msk [tilespmem:v42+s0+$0x0], $0xffff  }
0x54a: {  	v44 =	vor.u32 s9, v23;
	_ =	sdelay $0x3  }
0x54b: {  	v45 =	vor.u32 v11, v34;
	[tilespmem:v33+s18+$0x0] =	vst.idx.msk $0xffff, v35  }
0x54c: {  	v33 =	vor.u32 v1, v45;
	v35 =	vld.idx.msk [tilespmem:v44+s0+$0x0], $0xffff  }
0x54d: {  	v46 =	vor.u32 s9, v24;
	_ =	sdelay $0x3  }
0x54e: {  	v47 =	vor.u32 v10, v34;
	[tilespmem:v33+s18+$0x0] =	vst.idx.msk $0xffff, v35  }
0x54f: {  	v33 =	vor.u32 v1, v47;
	v35 =	vld.idx.msk [tilespmem:v46+s0+$0x0], $0xffff  }
0x550: {  	v48 =	vor.u32 s9, v25;
	_ =	sdelay $0x3  }
0x551: {  	v49 =	vor.u32 v9, v34;
	[tilespmem:v33+s18+$0x0] =	vst.idx.msk $0xffff, v35  }
0x552: {  	v33 =	vor.u32 v1, v49;
	v35 =	vld.idx.msk [tilespmem:v48+s0+$0x0], $0xffff  }
0x553: {  	v50 =	vor.u32 s9, v26;
	_ =	sdelay $0x3  }
0x554: {  	v51 =	vor.u32 v8, v34;
	[tilespmem:v33+s18+$0x0] =	vst.idx.msk $0xffff, v35  }
0x555: {  	v33 =	vor.u32 v1, v51;
	v35 =	vld.idx.msk [tilespmem:v50+s0+$0x0], $0xffff  }
0x556: {  	v52 =	vor.u32 s9, v27;
	_ =	sdelay $0x3  }
0x557: {  	v53 =	vor.u32 v7, v34;
	[tilespmem:v33+s18+$0x0] =	vst.idx.msk $0xffff, v35  }
0x558: {  	v33 =	vor.u32 v1, v53;
	v35 =	vld.idx.msk [tilespmem:v52+s0+$0x0], $0xffff  }
0x559: {  	v54 =	vor.u32 s9, v28;
	_ =	sdelay $0x3  }
0x55a: {  	v55 =	vor.u32 v6, v34;
	[tilespmem:v33+s18+$0x0] =	vst.idx.msk $0xffff, v35  }
0x55b: {  	v33 =	vor.u32 v1, v55;
	v35 =	vld.idx.msk [tilespmem:v54+s0+$0x0], $0xffff  }
0x55c: {  	v56 =	vor.u32 s9, v29;
	_ =	sdelay $0x3  }
0x55d: {  	v57 =	vor.u32 v5, v34;
	[tilespmem:v33+s18+$0x0] =	vst.idx.msk $0xffff, v35  }
0x55e: {  	v33 =	vor.u32 v1, v57;
	v35 =	vld.idx.msk [tilespmem:v56+s0+$0x0], $0xffff  }
0x55f: {  	v58 =	vor.u32 s9, v30;
	_ =	sdelay $0x3  }
0x560: {  	v59 =	vor.u32 v4, v34;
	[tilespmem:v33+s18+$0x0] =	vst.idx.msk $0xffff, v35  }
0x561: {  	v33 =	vor.u32 v1, v59;
	v35 =	vld.idx.msk [tilespmem:v58+s0+$0x0], $0xffff  }
0x562: {  	v60 =	vor.u32 s9, v31;
	_ =	sdelay $0x3  }
0x563: {  	v61 =	vor.u32 v3, v34;
	[tilespmem:v33+s18+$0x0] =	vst.idx.msk $0xffff, v35  }
0x564: {  	v33 =	vor.u32 v1, v61;
	v35 =	vld.idx.msk [tilespmem:v60+s0+$0x0], $0xffff  }
0x565: {  	v62 =	vor.u32 s9, v32;
	_ =	sdelay $0x3  }
0x566: {  	v63 =	vor.u32 v2, v34;
	[tilespmem:v33+s18+$0x0] =	vst.idx.msk $0xffff, v35  }
0x567: {  	s9 =	simm.s32 $0x2810;
	v36 =	vor.u32 v1, v63;
	v34 =	vld.idx.msk [tilespmem:v62+s0+$0x0], $0xffff  }
0x568: {  	s17 =	simm.s32 $0x2820;
	v35 =	vor.u32 s9, v0  }
.LBB2_20:
0x569: {  	p1 =	sne.s32 s17, $0x2870  }
0x56a: {  	s1 =	sadd.s32 $0xFFFFD900, s9  }
0x56b: {  	v33 =	vmov s1  }
0x56c: {  	v33 =	vshll.u32 v33, $0x4;
	[tilespmem:v36+s18+$0x0] =	vst.idx.msk $0xffff, v34  }
0x56d: {  	v34 =	vld.idx.msk [tilespmem:v35+s0+$0x0], $0xffff;
	v35 =	vor.u32 v17, v33  }
0x56e: {  	v35 =	vor.u32 v1, v35  }
0x56f: {  	v36 =	vor.u32 s9, v18;
	_ =	sdelay $0x3  }
0x570: {  	[tilespmem:v35+s18+$0x0] =	vst.idx.msk $0xffff, v34  }
0x571: {  	v35 =	vor.u32 v16, v33;
	v34 =	vld.idx.msk [tilespmem:v36+s0+$0x0], $0xffff  }
0x572: {  	v35 =	vor.u32 v1, v35  }
0x573: {  	v36 =	vor.u32 s9, v19;
	_ =	sdelay $0x3  }
0x574: {  	[tilespmem:v35+s18+$0x0] =	vst.idx.msk $0xffff, v34  }
0x575: {  	v35 =	vor.u32 v15, v33;
	v34 =	vld.idx.msk [tilespmem:v36+s0+$0x0], $0xffff  }
0x576: {  	v35 =	vor.u32 v1, v35  }
0x577: {  	v36 =	vor.u32 s9, v20;
	_ =	sdelay $0x3  }
0x578: {  	[tilespmem:v35+s18+$0x0] =	vst.idx.msk $0xffff, v34  }
0x579: {  	v35 =	vor.u32 v14, v33;
	v34 =	vld.idx.msk [tilespmem:v36+s0+$0x0], $0xffff  }
0x57a: {  	v35 =	vor.u32 v1, v35  }
0x57b: {  	v36 =	vor.u32 s9, v21;
	_ =	sdelay $0x3  }
0x57c: {  	[tilespmem:v35+s18+$0x0] =	vst.idx.msk $0xffff, v34  }
0x57d: {  	v35 =	vor.u32 v13, v33;
	v34 =	vld.idx.msk [tilespmem:v36+s0+$0x0], $0xffff  }
0x57e: {  	v35 =	vor.u32 v1, v35  }
0x57f: {  	v36 =	vor.u32 s9, v22;
	_ =	sdelay $0x3  }
0x580: {  	[tilespmem:v35+s18+$0x0] =	vst.idx.msk $0xffff, v34  }
0x581: {  	v35 =	vor.u32 v12, v33;
	v34 =	vld.idx.msk [tilespmem:v36+s0+$0x0], $0xffff  }
0x582: {  	v35 =	vor.u32 v1, v35  }
0x583: {  	v36 =	vor.u32 s9, v23;
	_ =	sdelay $0x3  }
0x584: {  	[tilespmem:v35+s18+$0x0] =	vst.idx.msk $0xffff, v34  }
0x585: {  	v35 =	vor.u32 v11, v33;
	v34 =	vld.idx.msk [tilespmem:v36+s0+$0x0], $0xffff  }
0x586: {  	v35 =	vor.u32 v1, v35  }
0x587: {  	v36 =	vor.u32 s9, v24;
	_ =	sdelay $0x3  }
0x588: {  	[tilespmem:v35+s18+$0x0] =	vst.idx.msk $0xffff, v34  }
0x589: {  	v35 =	vor.u32 v10, v33;
	v34 =	vld.idx.msk [tilespmem:v36+s0+$0x0], $0xffff  }
0x58a: {  	v35 =	vor.u32 v1, v35  }
0x58b: {  	v36 =	vor.u32 s9, v25;
	_ =	sdelay $0x3  }
0x58c: {  	[tilespmem:v35+s18+$0x0] =	vst.idx.msk $0xffff, v34  }
0x58d: {  	v35 =	vor.u32 v9, v33;
	v34 =	vld.idx.msk [tilespmem:v36+s0+$0x0], $0xffff  }
0x58e: {  	v35 =	vor.u32 v1, v35  }
0x58f: {  	v36 =	vor.u32 s9, v26;
	_ =	sdelay $0x3  }
0x590: {  	[tilespmem:v35+s18+$0x0] =	vst.idx.msk $0xffff, v34  }
0x591: {  	v35 =	vor.u32 v8, v33;
	v34 =	vld.idx.msk [tilespmem:v36+s0+$0x0], $0xffff  }
0x592: {  	v35 =	vor.u32 v1, v35  }
0x593: {  	v36 =	vor.u32 s9, v27;
	_ =	sdelay $0x3  }
0x594: {  	[tilespmem:v35+s18+$0x0] =	vst.idx.msk $0xffff, v34  }
0x595: {  	v35 =	vor.u32 v7, v33;
	v34 =	vld.idx.msk [tilespmem:v36+s0+$0x0], $0xffff  }
0x596: {  	v35 =	vor.u32 v1, v35  }
0x597: {  	v36 =	vor.u32 s9, v28;
	_ =	sdelay $0x3  }
0x598: {  	[tilespmem:v35+s18+$0x0] =	vst.idx.msk $0xffff, v34  }
0x599: {  	v35 =	vor.u32 v6, v33;
	v34 =	vld.idx.msk [tilespmem:v36+s0+$0x0], $0xffff  }
0x59a: {  	v35 =	vor.u32 v1, v35  }
0x59b: {  	v36 =	vor.u32 s9, v29;
	_ =	sdelay $0x3  }
0x59c: {  	[tilespmem:v35+s18+$0x0] =	vst.idx.msk $0xffff, v34  }
0x59d: {  	v35 =	vor.u32 v5, v33;
	v34 =	vld.idx.msk [tilespmem:v36+s0+$0x0], $0xffff  }
0x59e: {  	v35 =	vor.u32 v1, v35  }
0x59f: {  	v36 =	vor.u32 s9, v30;
	_ =	sdelay $0x3  }
0x5a0: {  	[tilespmem:v35+s18+$0x0] =	vst.idx.msk $0xffff, v34  }
0x5a1: {  	v35 =	vor.u32 v4, v33;
	v34 =	vld.idx.msk [tilespmem:v36+s0+$0x0], $0xffff  }
0x5a2: {  	v35 =	vor.u32 v1, v35  }
0x5a3: {  	v36 =	vor.u32 s9, v31;
	_ =	sdelay $0x3  }
0x5a4: {  	[tilespmem:v35+s18+$0x0] =	vst.idx.msk $0xffff, v34  }
0x5a5: {  	v35 =	vor.u32 v3, v33;
	v34 =	vld.idx.msk [tilespmem:v36+s0+$0x0], $0xffff  }
0x5a6: {  	v35 =	vor.u32 v1, v35  }
0x5a7: {  	v36 =	vor.u32 s9, v32;
	s9 =	smov.u32 s17;
	_ =	sdelay $0x2  }
.Ltmp14:
0x5a8: {  	(pc) =	sbr.rel @p1 .LBB2_20-.Ltmp14, $4  }
0x5a9: {  	[tilespmem:v35+s18+$0x0] =	vst.idx.msk $0xffff, v34  }
0x5aa: {  	v33 =	vor.u32 v2, v33;
	v34 =	vld.idx.msk [tilespmem:v36+s0+$0x0], $0xffff  }
0x5ab: {  	v36 =	vor.u32 v1, v33  }
0x5ac: {  	s17 =	sadd.s32 $0x10, s17;
	v35 =	vor.u32 s9, v0  }
0x5ad: {  	_ = 	snop  }
0x5ae: {  	s1 =	sadd.s32 $0xFFFFD900, s9  }
0x5af: {  	v33 =	vmov s1  }
0x5b0: {  	v33 =	vshll.u32 v33, $0x4  }
0x5b1: {  	[tilespmem:v36+s18+$0x0] =	vst.idx.msk $0xffff, v34;
	v50 =	vor.u32 v17, v33  }
0x5b2: {  	v35 =	vld.idx.msk [tilespmem:v35+s0+$0x0], $0xffff;
	v34 =	vor.u32 v1, v50  }
0x5b3: {  	v51 =	vor.u32 s9, v18;
	_ =	sdelay $0x3  }
0x5b4: {  	v52 =	vor.u32 v16, v33;
	[tilespmem:v34+s18+$0x0] =	vst.idx.msk $0xffff, v35  }
0x5b5: {  	v34 =	vor.u32 v1, v52;
	v35 =	vld.idx.msk [tilespmem:v51+s0+$0x0], $0xffff  }
0x5b6: {  	v53 =	vor.u32 s9, v19;
	_ =	sdelay $0x3  }
0x5b7: {  	v54 =	vor.u32 v15, v33;
	[tilespmem:v34+s18+$0x0] =	vst.idx.msk $0xffff, v35  }
0x5b8: {  	v34 =	vor.u32 v1, v54;
	v35 =	vld.idx.msk [tilespmem:v53+s0+$0x0], $0xffff  }
0x5b9: {  	v55 =	vor.u32 s9, v20;
	_ =	sdelay $0x3  }
0x5ba: {  	v56 =	vor.u32 v14, v33;
	[tilespmem:v34+s18+$0x0] =	vst.idx.msk $0xffff, v35  }
0x5bb: {  	v34 =	vor.u32 v1, v56;
	v35 =	vld.idx.msk [tilespmem:v55+s0+$0x0], $0xffff  }
0x5bc: {  	v57 =	vor.u32 s9, v21;
	_ =	sdelay $0x3  }
0x5bd: {  	v58 =	vor.u32 v13, v33;
	[tilespmem:v34+s18+$0x0] =	vst.idx.msk $0xffff, v35  }
0x5be: {  	v34 =	vor.u32 v1, v58;
	v35 =	vld.idx.msk [tilespmem:v57+s0+$0x0], $0xffff  }
0x5bf: {  	v59 =	vor.u32 s9, v22;
	_ =	sdelay $0x3  }
0x5c0: {  	v60 =	vor.u32 v12, v33;
	[tilespmem:v34+s18+$0x0] =	vst.idx.msk $0xffff, v35  }
0x5c1: {  	v34 =	vor.u32 v1, v60;
	v35 =	vld.idx.msk [tilespmem:v59+s0+$0x0], $0xffff  }
0x5c2: {  	v61 =	vor.u32 s9, v23;
	_ =	sdelay $0x3  }
0x5c3: {  	v62 =	vor.u32 v11, v33;
	[tilespmem:v34+s18+$0x0] =	vst.idx.msk $0xffff, v35  }
0x5c4: {  	v34 =	vor.u32 v1, v62;
	v35 =	vld.idx.msk [tilespmem:v61+s0+$0x0], $0xffff  }
0x5c5: {  	v63 =	vor.u32 s9, v24;
	_ =	sdelay $0x3  }
0x5c6: {  	v40 =	vor.u32 v10, v33;
	[tilespmem:v34+s18+$0x0] =	vst.idx.msk $0xffff, v35  }
0x5c7: {  	v34 =	vor.u32 v1, v40;
	v35 =	vld.idx.msk [tilespmem:v63+s0+$0x0], $0xffff  }
0x5c8: {  	v41 =	vor.u32 s9, v25;
	_ =	sdelay $0x3  }
0x5c9: {  	v42 =	vor.u32 v9, v33;
	[tilespmem:v34+s18+$0x0] =	vst.idx.msk $0xffff, v35  }
0x5ca: {  	v34 =	vor.u32 v1, v42;
	v35 =	vld.idx.msk [tilespmem:v41+s0+$0x0], $0xffff  }
0x5cb: {  	v43 =	vor.u32 s9, v26;
	_ =	sdelay $0x3  }
0x5cc: {  	v44 =	vor.u32 v8, v33;
	[tilespmem:v34+s18+$0x0] =	vst.idx.msk $0xffff, v35  }
0x5cd: {  	v34 =	vor.u32 v1, v44;
	v35 =	vld.idx.msk [tilespmem:v43+s0+$0x0], $0xffff  }
0x5ce: {  	v45 =	vor.u32 s9, v27;
	_ =	sdelay $0x3  }
0x5cf: {  	v46 =	vor.u32 v7, v33;
	[tilespmem:v34+s18+$0x0] =	vst.idx.msk $0xffff, v35  }
0x5d0: {  	v34 =	vor.u32 v1, v46;
	v35 =	vld.idx.msk [tilespmem:v45+s0+$0x0], $0xffff  }
0x5d1: {  	v47 =	vor.u32 s9, v28;
	_ =	sdelay $0x3  }
0x5d2: {  	v48 =	vor.u32 v6, v33;
	[tilespmem:v34+s18+$0x0] =	vst.idx.msk $0xffff, v35  }
0x5d3: {  	v34 =	vor.u32 v1, v48;
	v35 =	vld.idx.msk [tilespmem:v47+s0+$0x0], $0xffff  }
0x5d4: {  	v49 =	vor.u32 s9, v29;
	_ =	sdelay $0x3  }
0x5d5: {  	v50 =	vor.u32 v5, v33;
	[tilespmem:v34+s18+$0x0] =	vst.idx.msk $0xffff, v35  }
0x5d6: {  	v34 =	vor.u32 v1, v50;
	v35 =	vld.idx.msk [tilespmem:v49+s0+$0x0], $0xffff  }
0x5d7: {  	v51 =	vor.u32 s9, v30;
	_ =	sdelay $0x3  }
0x5d8: {  	v52 =	vor.u32 v4, v33;
	[tilespmem:v34+s18+$0x0] =	vst.idx.msk $0xffff, v35  }
0x5d9: {  	v34 =	vor.u32 v1, v52;
	v35 =	vld.idx.msk [tilespmem:v51+s0+$0x0], $0xffff  }
0x5da: {  	v53 =	vor.u32 s9, v31;
	_ =	sdelay $0x3  }
0x5db: {  	v54 =	vor.u32 v3, v33;
	[tilespmem:v34+s18+$0x0] =	vst.idx.msk $0xffff, v35  }
0x5dc: {  	v34 =	vor.u32 v1, v54;
	v35 =	vld.idx.msk [tilespmem:v53+s0+$0x0], $0xffff  }
0x5dd: {  	v55 =	vor.u32 s9, v32;
	_ =	sdelay $0x3  }
0x5de: {  	v33 =	vor.u32 v2, v33;
	[tilespmem:v34+s18+$0x0] =	vst.idx.msk $0xffff, v35  }
0x5df: {  	v33 =	vor.u32 v1, v33;
	v34 =	vld.idx.msk [tilespmem:v55+s0+$0x0], $0xffff;
	_ =	sdelay $0x4  }
0x5e0: {  	s9 =	simm.s32 $0x6300;
	[tilespmem:v33+s18+$0x0] =	vst.idx.msk $0xffff, v34  }
0x5e1: {  	[spmem:s16] =	stream.indirect.scatter.add.f32 [tilespmem:s26], [sflag:$0x4], $0x10, s9, s19, $0xb8;
	[tilespmem:$0x1EEA0] =	vst v63  }
0x5e2: {  	s17 =	simm.s32 $0x6700  }
0x5e3: {  	[spmem:s16] =	stream.indirect.scatter.add.f32 [tilespmem:s26], [sflag:$0x4], $0x10, s17, s19, $0xb8;
	[tilespmem:$0x1EEA0] =	vst v63  }
0x5e4: {  	s20 =	simm.s32 $0x2C00;
	_ =	swait.ge [sflag:s29], $0x800  }
0x5e5: {  	v56 =	vor.u32 s20, v0;
	[sflag:s29] =	ssyncset.done $0x0  }
0x5e6: {  	s24 =	simm.s32 $0x180;
	[sflag:s29] =	ssyncadd.s32 $0xFFFFF800  }
0x5e7: {  	v57 =	vmov s24;
	_ =	swait.ge [sflag:s29], $0x800  }
0x5e8: {  	v34 =	vshll.u32 v57, $0x4;
	[sflag:s29] =	ssyncset.done $0x0  }
0x5e9: {  	v58 =	vor.u32 v17, v34;
	[sflag:s29] =	ssyncadd.s32 $0xFFFFF800  }
0x5ea: {  	v35 =	vor.u32 v1, v58;
	v33 =	vld.idx.msk [tilespmem:v56+s0+$0x0], $0xffff  }
0x5eb: {  	v59 =	vor.u32 s20, v18;
	_ =	sdelay $0x3  }
0x5ec: {  	v60 =	vor.u32 v16, v34;
	[tilespmem:v35+s18+$0x0] =	vst.idx.msk $0xffff, v33  }
0x5ed: {  	v33 =	vor.u32 v1, v60;
	v35 =	vld.idx.msk [tilespmem:v59+s0+$0x0], $0xffff  }
0x5ee: {  	v61 =	vor.u32 s20, v19;
	_ =	sdelay $0x3  }
0x5ef: {  	v62 =	vor.u32 v15, v34;
	[tilespmem:v33+s18+$0x0] =	vst.idx.msk $0xffff, v35  }
0x5f0: {  	v33 =	vor.u32 v1, v62;
	v35 =	vld.idx.msk [tilespmem:v61+s0+$0x0], $0xffff  }
0x5f1: {  	v63 =	vor.u32 s20, v20;
	_ =	sdelay $0x3  }
0x5f2: {  	v39 =	vor.u32 v14, v34;
	[tilespmem:v33+s18+$0x0] =	vst.idx.msk $0xffff, v35  }
0x5f3: {  	v33 =	vor.u32 v1, v39;
	v35 =	vld.idx.msk [tilespmem:v63+s0+$0x0], $0xffff  }
0x5f4: {  	v40 =	vor.u32 s20, v21;
	_ =	sdelay $0x3  }
0x5f5: {  	v41 =	vor.u32 v13, v34;
	[tilespmem:v33+s18+$0x0] =	vst.idx.msk $0xffff, v35  }
0x5f6: {  	v33 =	vor.u32 v1, v41;
	v35 =	vld.idx.msk [tilespmem:v40+s0+$0x0], $0xffff  }
0x5f7: {  	v42 =	vor.u32 s20, v22;
	_ =	sdelay $0x3  }
0x5f8: {  	v43 =	vor.u32 v12, v34;
	[tilespmem:v33+s18+$0x0] =	vst.idx.msk $0xffff, v35  }
0x5f9: {  	v33 =	vor.u32 v1, v43;
	v35 =	vld.idx.msk [tilespmem:v42+s0+$0x0], $0xffff  }
0x5fa: {  	v44 =	vor.u32 s20, v23;
	_ =	sdelay $0x3  }
0x5fb: {  	v45 =	vor.u32 v11, v34;
	[tilespmem:v33+s18+$0x0] =	vst.idx.msk $0xffff, v35  }
0x5fc: {  	v33 =	vor.u32 v1, v45;
	v35 =	vld.idx.msk [tilespmem:v44+s0+$0x0], $0xffff  }
0x5fd: {  	v46 =	vor.u32 s20, v24;
	_ =	sdelay $0x3  }
0x5fe: {  	v47 =	vor.u32 v10, v34;
	[tilespmem:v33+s18+$0x0] =	vst.idx.msk $0xffff, v35  }
0x5ff: {  	v33 =	vor.u32 v1, v47;
	v35 =	vld.idx.msk [tilespmem:v46+s0+$0x0], $0xffff  }
0x600: {  	v48 =	vor.u32 s20, v25;
	_ =	sdelay $0x3  }
0x601: {  	v49 =	vor.u32 v9, v34;
	[tilespmem:v33+s18+$0x0] =	vst.idx.msk $0xffff, v35  }
0x602: {  	v33 =	vor.u32 v1, v49;
	v35 =	vld.idx.msk [tilespmem:v48+s0+$0x0], $0xffff  }
0x603: {  	v50 =	vor.u32 s20, v26;
	_ =	sdelay $0x3  }
0x604: {  	v51 =	vor.u32 v8, v34;
	[tilespmem:v33+s18+$0x0] =	vst.idx.msk $0xffff, v35  }
0x605: {  	v33 =	vor.u32 v1, v51;
	v35 =	vld.idx.msk [tilespmem:v50+s0+$0x0], $0xffff  }
0x606: {  	v52 =	vor.u32 s20, v27;
	_ =	sdelay $0x3  }
0x607: {  	v53 =	vor.u32 v7, v34;
	[tilespmem:v33+s18+$0x0] =	vst.idx.msk $0xffff, v35  }
0x608: {  	v33 =	vor.u32 v1, v53;
	v35 =	vld.idx.msk [tilespmem:v52+s0+$0x0], $0xffff  }
0x609: {  	v54 =	vor.u32 s20, v28;
	_ =	sdelay $0x3  }
0x60a: {  	v55 =	vor.u32 v6, v34;
	[tilespmem:v33+s18+$0x0] =	vst.idx.msk $0xffff, v35  }
0x60b: {  	v33 =	vor.u32 v1, v55;
	v35 =	vld.idx.msk [tilespmem:v54+s0+$0x0], $0xffff  }
0x60c: {  	v56 =	vor.u32 s20, v29;
	_ =	sdelay $0x3  }
0x60d: {  	v57 =	vor.u32 v5, v34;
	[tilespmem:v33+s18+$0x0] =	vst.idx.msk $0xffff, v35  }
0x60e: {  	v33 =	vor.u32 v1, v57;
	v35 =	vld.idx.msk [tilespmem:v56+s0+$0x0], $0xffff  }
0x60f: {  	v58 =	vor.u32 s20, v30;
	_ =	sdelay $0x3  }
0x610: {  	v59 =	vor.u32 v4, v34;
	[tilespmem:v33+s18+$0x0] =	vst.idx.msk $0xffff, v35  }
0x611: {  	v33 =	vor.u32 v1, v59;
	v35 =	vld.idx.msk [tilespmem:v58+s0+$0x0], $0xffff  }
0x612: {  	v60 =	vor.u32 s20, v31;
	_ =	sdelay $0x3  }
0x613: {  	v61 =	vor.u32 v3, v34;
	[tilespmem:v33+s18+$0x0] =	vst.idx.msk $0xffff, v35  }
0x614: {  	v33 =	vor.u32 v1, v61;
	v35 =	vld.idx.msk [tilespmem:v60+s0+$0x0], $0xffff  }
0x615: {  	v62 =	vor.u32 s20, v32;
	_ =	sdelay $0x3  }
0x616: {  	v63 =	vor.u32 v2, v34;
	[tilespmem:v33+s18+$0x0] =	vst.idx.msk $0xffff, v35  }
0x617: {  	s9 =	simm.s32 $0x2C10;
	v36 =	vor.u32 v1, v63;
	v34 =	vld.idx.msk [tilespmem:v62+s0+$0x0], $0xffff  }
0x618: {  	s17 =	simm.s32 $0x2C20;
	v35 =	vor.u32 s9, v0  }
.LBB2_22:
0x619: {  	p1 =	sne.s32 s17, $0x2C70  }
0x61a: {  	s1 =	sadd.s32 $0xFFFFD580, s9  }
0x61b: {  	v33 =	vmov s1  }
0x61c: {  	v33 =	vshll.u32 v33, $0x4;
	[tilespmem:v36+s18+$0x0] =	vst.idx.msk $0xffff, v34  }
0x61d: {  	v34 =	vld.idx.msk [tilespmem:v35+s0+$0x0], $0xffff;
	v35 =	vor.u32 v17, v33  }
0x61e: {  	v35 =	vor.u32 v1, v35  }
0x61f: {  	v36 =	vor.u32 s9, v18;
	_ =	sdelay $0x3  }
0x620: {  	[tilespmem:v35+s18+$0x0] =	vst.idx.msk $0xffff, v34  }
0x621: {  	v35 =	vor.u32 v16, v33;
	v34 =	vld.idx.msk [tilespmem:v36+s0+$0x0], $0xffff  }
0x622: {  	v35 =	vor.u32 v1, v35  }
0x623: {  	v36 =	vor.u32 s9, v19;
	_ =	sdelay $0x3  }
0x624: {  	[tilespmem:v35+s18+$0x0] =	vst.idx.msk $0xffff, v34  }
0x625: {  	v35 =	vor.u32 v15, v33;
	v34 =	vld.idx.msk [tilespmem:v36+s0+$0x0], $0xffff  }
0x626: {  	v35 =	vor.u32 v1, v35  }
0x627: {  	v36 =	vor.u32 s9, v20;
	_ =	sdelay $0x3  }
0x628: {  	[tilespmem:v35+s18+$0x0] =	vst.idx.msk $0xffff, v34  }
0x629: {  	v35 =	vor.u32 v14, v33;
	v34 =	vld.idx.msk [tilespmem:v36+s0+$0x0], $0xffff  }
0x62a: {  	v35 =	vor.u32 v1, v35  }
0x62b: {  	v36 =	vor.u32 s9, v21;
	_ =	sdelay $0x3  }
0x62c: {  	[tilespmem:v35+s18+$0x0] =	vst.idx.msk $0xffff, v34  }
0x62d: {  	v35 =	vor.u32 v13, v33;
	v34 =	vld.idx.msk [tilespmem:v36+s0+$0x0], $0xffff  }
0x62e: {  	v35 =	vor.u32 v1, v35  }
0x62f: {  	v36 =	vor.u32 s9, v22;
	_ =	sdelay $0x3  }
0x630: {  	[tilespmem:v35+s18+$0x0] =	vst.idx.msk $0xffff, v34  }
0x631: {  	v35 =	vor.u32 v12, v33;
	v34 =	vld.idx.msk [tilespmem:v36+s0+$0x0], $0xffff  }
0x632: {  	v35 =	vor.u32 v1, v35  }
0x633: {  	v36 =	vor.u32 s9, v23;
	_ =	sdelay $0x3  }
0x634: {  	[tilespmem:v35+s18+$0x0] =	vst.idx.msk $0xffff, v34  }
0x635: {  	v35 =	vor.u32 v11, v33;
	v34 =	vld.idx.msk [tilespmem:v36+s0+$0x0], $0xffff  }
0x636: {  	v35 =	vor.u32 v1, v35  }
0x637: {  	v36 =	vor.u32 s9, v24;
	_ =	sdelay $0x3  }
0x638: {  	[tilespmem:v35+s18+$0x0] =	vst.idx.msk $0xffff, v34  }
0x639: {  	v35 =	vor.u32 v10, v33;
	v34 =	vld.idx.msk [tilespmem:v36+s0+$0x0], $0xffff  }
0x63a: {  	v35 =	vor.u32 v1, v35  }
0x63b: {  	v36 =	vor.u32 s9, v25;
	_ =	sdelay $0x3  }
0x63c: {  	[tilespmem:v35+s18+$0x0] =	vst.idx.msk $0xffff, v34  }
0x63d: {  	v35 =	vor.u32 v9, v33;
	v34 =	vld.idx.msk [tilespmem:v36+s0+$0x0], $0xffff  }
0x63e: {  	v35 =	vor.u32 v1, v35  }
0x63f: {  	v36 =	vor.u32 s9, v26;
	_ =	sdelay $0x3  }
0x640: {  	[tilespmem:v35+s18+$0x0] =	vst.idx.msk $0xffff, v34  }
0x641: {  	v35 =	vor.u32 v8, v33;
	v34 =	vld.idx.msk [tilespmem:v36+s0+$0x0], $0xffff  }
0x642: {  	v35 =	vor.u32 v1, v35  }
0x643: {  	v36 =	vor.u32 s9, v27;
	_ =	sdelay $0x3  }
0x644: {  	[tilespmem:v35+s18+$0x0] =	vst.idx.msk $0xffff, v34  }
0x645: {  	v35 =	vor.u32 v7, v33;
	v34 =	vld.idx.msk [tilespmem:v36+s0+$0x0], $0xffff  }
0x646: {  	v35 =	vor.u32 v1, v35  }
0x647: {  	v36 =	vor.u32 s9, v28;
	_ =	sdelay $0x3  }
0x648: {  	[tilespmem:v35+s18+$0x0] =	vst.idx.msk $0xffff, v34  }
0x649: {  	v35 =	vor.u32 v6, v33;
	v34 =	vld.idx.msk [tilespmem:v36+s0+$0x0], $0xffff  }
0x64a: {  	v35 =	vor.u32 v1, v35  }
0x64b: {  	v36 =	vor.u32 s9, v29;
	_ =	sdelay $0x3  }
0x64c: {  	[tilespmem:v35+s18+$0x0] =	vst.idx.msk $0xffff, v34  }
0x64d: {  	v35 =	vor.u32 v5, v33;
	v34 =	vld.idx.msk [tilespmem:v36+s0+$0x0], $0xffff  }
0x64e: {  	v35 =	vor.u32 v1, v35  }
0x64f: {  	v36 =	vor.u32 s9, v30;
	_ =	sdelay $0x3  }
0x650: {  	[tilespmem:v35+s18+$0x0] =	vst.idx.msk $0xffff, v34  }
0x651: {  	v35 =	vor.u32 v4, v33;
	v34 =	vld.idx.msk [tilespmem:v36+s0+$0x0], $0xffff  }
0x652: {  	v35 =	vor.u32 v1, v35  }
0x653: {  	v36 =	vor.u32 s9, v31;
	_ =	sdelay $0x3  }
0x654: {  	[tilespmem:v35+s18+$0x0] =	vst.idx.msk $0xffff, v34  }
0x655: {  	v35 =	vor.u32 v3, v33;
	v34 =	vld.idx.msk [tilespmem:v36+s0+$0x0], $0xffff  }
0x656: {  	v35 =	vor.u32 v1, v35  }
0x657: {  	v36 =	vor.u32 s9, v32;
	s9 =	smov.u32 s17;
	_ =	sdelay $0x2  }
.Ltmp15:
0x658: {  	(pc) =	sbr.rel @p1 .LBB2_22-.Ltmp15, $4  }
0x659: {  	[tilespmem:v35+s18+$0x0] =	vst.idx.msk $0xffff, v34  }
0x65a: {  	v33 =	vor.u32 v2, v33;
	v34 =	vld.idx.msk [tilespmem:v36+s0+$0x0], $0xffff  }
0x65b: {  	v36 =	vor.u32 v1, v33  }
0x65c: {  	s17 =	sadd.s32 $0x10, s17;
	v35 =	vor.u32 s9, v0  }
0x65d: {  	_ = 	snop  }
0x65e: {  	s1 =	sadd.s32 $0xFFFFD580, s9  }
0x65f: {  	v33 =	vmov s1  }
0x660: {  	v33 =	vshll.u32 v33, $0x4  }
0x661: {  	[tilespmem:v36+s18+$0x0] =	vst.idx.msk $0xffff, v34;
	v58 =	vor.u32 v17, v33  }
0x662: {  	v35 =	vld.idx.msk [tilespmem:v35+s0+$0x0], $0xffff;
	v34 =	vor.u32 v1, v58  }
0x663: {  	v59 =	vor.u32 s9, v18;
	_ =	sdelay $0x3  }
0x664: {  	v60 =	vor.u32 v16, v33;
	[tilespmem:v34+s18+$0x0] =	vst.idx.msk $0xffff, v35  }
0x665: {  	v34 =	vor.u32 v1, v60;
	v35 =	vld.idx.msk [tilespmem:v59+s0+$0x0], $0xffff  }
0x666: {  	v61 =	vor.u32 s9, v19;
	_ =	sdelay $0x3  }
0x667: {  	v62 =	vor.u32 v15, v33;
	[tilespmem:v34+s18+$0x0] =	vst.idx.msk $0xffff, v35  }
0x668: {  	v34 =	vor.u32 v1, v62;
	v35 =	vld.idx.msk [tilespmem:v61+s0+$0x0], $0xffff  }
0x669: {  	v63 =	vor.u32 s9, v20;
	_ =	sdelay $0x3  }
0x66a: {  	v40 =	vor.u32 v14, v33;
	[tilespmem:v34+s18+$0x0] =	vst.idx.msk $0xffff, v35  }
0x66b: {  	v34 =	vor.u32 v1, v40;
	v35 =	vld.idx.msk [tilespmem:v63+s0+$0x0], $0xffff  }
0x66c: {  	v41 =	vor.u32 s9, v21;
	_ =	sdelay $0x3  }
0x66d: {  	v42 =	vor.u32 v13, v33;
	[tilespmem:v34+s18+$0x0] =	vst.idx.msk $0xffff, v35  }
0x66e: {  	v34 =	vor.u32 v1, v42;
	v35 =	vld.idx.msk [tilespmem:v41+s0+$0x0], $0xffff  }
0x66f: {  	v43 =	vor.u32 s9, v22;
	_ =	sdelay $0x3  }
0x670: {  	v44 =	vor.u32 v12, v33;
	[tilespmem:v34+s18+$0x0] =	vst.idx.msk $0xffff, v35  }
0x671: {  	v34 =	vor.u32 v1, v44;
	v35 =	vld.idx.msk [tilespmem:v43+s0+$0x0], $0xffff  }
0x672: {  	v45 =	vor.u32 s9, v23;
	_ =	sdelay $0x3  }
0x673: {  	v46 =	vor.u32 v11, v33;
	[tilespmem:v34+s18+$0x0] =	vst.idx.msk $0xffff, v35  }
0x674: {  	v34 =	vor.u32 v1, v46;
	v35 =	vld.idx.msk [tilespmem:v45+s0+$0x0], $0xffff  }
0x675: {  	v47 =	vor.u32 s9, v24;
	_ =	sdelay $0x3  }
0x676: {  	v48 =	vor.u32 v10, v33;
	[tilespmem:v34+s18+$0x0] =	vst.idx.msk $0xffff, v35  }
0x677: {  	v34 =	vor.u32 v1, v48;
	v35 =	vld.idx.msk [tilespmem:v47+s0+$0x0], $0xffff  }
0x678: {  	v49 =	vor.u32 s9, v25;
	_ =	sdelay $0x3  }
0x679: {  	v50 =	vor.u32 v9, v33;
	[tilespmem:v34+s18+$0x0] =	vst.idx.msk $0xffff, v35  }
0x67a: {  	v34 =	vor.u32 v1, v50;
	v35 =	vld.idx.msk [tilespmem:v49+s0+$0x0], $0xffff  }
0x67b: {  	v51 =	vor.u32 s9, v26;
	_ =	sdelay $0x3  }
0x67c: {  	v52 =	vor.u32 v8, v33;
	[tilespmem:v34+s18+$0x0] =	vst.idx.msk $0xffff, v35  }
0x67d: {  	v34 =	vor.u32 v1, v52;
	v35 =	vld.idx.msk [tilespmem:v51+s0+$0x0], $0xffff  }
0x67e: {  	v53 =	vor.u32 s9, v27;
	_ =	sdelay $0x3  }
0x67f: {  	v54 =	vor.u32 v7, v33;
	[tilespmem:v34+s18+$0x0] =	vst.idx.msk $0xffff, v35  }
0x680: {  	v34 =	vor.u32 v1, v54;
	v35 =	vld.idx.msk [tilespmem:v53+s0+$0x0], $0xffff  }
0x681: {  	v55 =	vor.u32 s9, v28;
	_ =	sdelay $0x3  }
0x682: {  	v56 =	vor.u32 v6, v33;
	[tilespmem:v34+s18+$0x0] =	vst.idx.msk $0xffff, v35  }
0x683: {  	v34 =	vor.u32 v1, v56;
	v35 =	vld.idx.msk [tilespmem:v55+s0+$0x0], $0xffff  }
0x684: {  	v57 =	vor.u32 s9, v29;
	_ =	sdelay $0x3  }
0x685: {  	v58 =	vor.u32 v5, v33;
	[tilespmem:v34+s18+$0x0] =	vst.idx.msk $0xffff, v35  }
0x686: {  	v34 =	vor.u32 v1, v58;
	v35 =	vld.idx.msk [tilespmem:v57+s0+$0x0], $0xffff  }
0x687: {  	v59 =	vor.u32 s9, v30;
	_ =	sdelay $0x3  }
0x688: {  	v60 =	vor.u32 v4, v33;
	[tilespmem:v34+s18+$0x0] =	vst.idx.msk $0xffff, v35  }
0x689: {  	v34 =	vor.u32 v1, v60;
	v35 =	vld.idx.msk [tilespmem:v59+s0+$0x0], $0xffff  }
0x68a: {  	v61 =	vor.u32 s9, v31;
	_ =	sdelay $0x3  }
0x68b: {  	v62 =	vor.u32 v3, v33;
	[tilespmem:v34+s18+$0x0] =	vst.idx.msk $0xffff, v35  }
0x68c: {  	v34 =	vor.u32 v1, v62;
	v35 =	vld.idx.msk [tilespmem:v61+s0+$0x0], $0xffff  }
0x68d: {  	v63 =	vor.u32 s9, v32;
	_ =	sdelay $0x3  }
0x68e: {  	v33 =	vor.u32 v2, v33;
	[tilespmem:v34+s18+$0x0] =	vst.idx.msk $0xffff, v35  }
0x68f: {  	v33 =	vor.u32 v1, v33;
	v34 =	vld.idx.msk [tilespmem:v63+s0+$0x0], $0xffff;
	_ =	sdelay $0x3  }
.Ltmp16:
0x690: {  	_ = 	snop;
	(pc) =	sbr.rel .LBB2_24-.Ltmp16, $4  }
0x691: {  	s20 =	simm.s32 $0x6380;
	[tilespmem:v33+s18+$0x0] =	vst.idx.msk $0xffff, v34  }
0x692: {  	[spmem:s16] =	stream.indirect.scatter.add.f32 [tilespmem:s30], [sflag:$0x5], $0x10, s20, s19, $0xb8;
	[tilespmem:$0x1EEA0] =	vst v63  }
0x693: {  	s24 =	simm.s32 $0x6780  }
0x694: {  	[spmem:s16] =	stream.indirect.scatter.add.f32 [tilespmem:s30], [sflag:$0x5], $0x10, s24, s19, $0xb8;
	[tilespmem:$0x1EEA0] =	vst v63  }
.LBB2_26:
0x695: {  	_ =	sfence.sel $0x180000  }
0x696: {  	[bflag:$0x0] =	sbarrier.arrive $0xFFFF  }
0x697: {  	_ =	strace $0x90000047  }
0x698: {  	s0 =	stileid.u32;
	[bflag:$0x2] =	sbarrier.arrive $0xFFFF  }
0x699: {  	p0 =	sne.s32 s0, $0x0;
	s0 =	rddreg [dreg:$0x6]  }
0x69a: {  	s0 =	sadd.s32 @!p0 $0x100000, s0  }
0x69b: {  	[sflag:s0] =	ssyncadd.tile.s32 @!p0 $0x1;
	_ =	shalt  }
.Lfunc_end2:
_tile_overlayer_lowered:
.L_overlay_start_2:
0x69c: {  	(tag) =	ssettag $0x2  }
0x69d: {  	s0 =	rddreg [dreg:$0x0];
	s2 =	stileid.u32  }
0x69e: {  	s1 =	rddreg [dreg:$0x1];
	p0 =	sne.s32 s2, $0x0  }
0x69f: {  	s3 =	rddreg [dreg:$0x2];
	[bflag:$0x3] =	sbarrier.arrive $0xFFFF;
	s2 =	simm.s32 @!p0 $0x1C06  }
0x6a0: {  	[timem:s3], [sflag:s2] =	dma.local @!p0 [hbm:s0], s1  }
0x6a1: {  	s0 =	simm.s32 @!p0 $0x6  }
0x6a2: {  	_ =	swait.ge @!p0 [sflag:s0], s1  }
0x6a3: {  	s1 =	ssub.s32 @!p0 $0x0, s1;
	[sflag:s0] =	ssyncset.done @!p0 $0x0  }
0x6a4: {  	[sflag:s0] =	ssyncadd.s32 @!p0 s1  }
0x6a5: {  	[bflag:$0x3] =	sbarrier.arrive $0xFFFF  }
0x6a6: {  	_ =	shalt  }

</sc_bundles>
